<compile_context>
chip_gen: v7x
topology: tpu7x:2x2x1
jax: 0.10.2.dev20260603
libtpu: 0.0.44.dev20260713+nightly
codegen_flags: <defaults>
</compile_context>

<pallas_src>
import functools

import jax
import jax.numpy as jnp
from jax import lax
from jax.experimental import pallas as pl
from jax.experimental.pallas import tpu as pltpu
from jax.experimental.pallas import tpu_sc as plsc

_IT = False

TILE = 128
MTL = 16
NSLOTL = MTL * TILE
NF = 4
FT = 1024
F32 = jnp.float32
BF16 = jnp.bfloat16


def _ln(x, g, b, eps=1e-5):
    m = jnp.mean(x, axis=-1, keepdims=True)
    v = jnp.mean((x - m) ** 2, axis=-1, keepdims=True)
    return (x - m) / jnp.sqrt(v + eps) * g + b


def _route(logits):
    n = logits.shape[0]
    i8 = lax.broadcasted_iota(jnp.int32, (n, 8), 1)
    m1 = jnp.max(logits, axis=-1, keepdims=True)
    a1 = jnp.min(jnp.where(logits == m1, i8, 999), axis=-1, keepdims=True)
    oh1 = (i8 == a1).astype(F32)
    l2 = jnp.where(oh1 > 0, -jnp.inf, logits)
    m2 = jnp.max(l2, axis=-1, keepdims=True)
    a2 = jnp.min(jnp.where(l2 == m2, i8, 999), axis=-1, keepdims=True)
    oh2 = (i8 == a2).astype(F32)
    mask = oh1 + oh2
    e = jnp.exp(logits - m1) * mask
    gate = e / jnp.sum(e, axis=-1, keepdims=True)
    return oh1, oh2, gate


def _slotize(oha, ohb, gate, Lt, SU, iota16):
    dot = functools.partial(jnp.dot, preferred_element_type=F32)
    M = oha + ohb
    ranks = dot(Lt, M)
    counts = jnp.sum(M, axis=0, keepdims=True)
    pc = jnp.floor((counts + (TILE - 1)) / TILE) * TILE
    offs = dot(pc, SU)
    ends = offs + pc
    total = jnp.sum(pc, axis=-1, keepdims=True)
    posm = offs + ranks
    posA = jnp.sum(oha * posm, axis=-1, keepdims=True)
    posB = jnp.sum(ohb * posm, axis=-1, keepdims=True)
    gateA = jnp.sum(oha * gate, axis=-1, keepdims=True)
    gateB = jnp.sum(ohb * gate, axis=-1, keepdims=True)
    pk = posA + 2048.0 * posB
    gcat = jnp.concatenate([gateA, gateB], axis=0)
    sT = 128.0 * iota16
    raw = jnp.sum((sT >= ends).astype(F32), axis=-1, keepdims=True)
    glast = jnp.sum(((total - 128.0) >= ends).astype(F32), axis=-1,
                    keepdims=True)
    validT = sT < total
    tgrp = jnp.where(validT, raw, glast)
    txs = jnp.where(validT, iota16, total / 128.0 - 1.0)
    return (pk.astype(jnp.int32), gcat, tgrp.astype(jnp.int32),
            txs.astype(jnp.int32), validT.astype(jnp.int32))


def _stage_a_body(patches, Wp, bp, Wq, Wk, Wv, Wo, bo, pos, g1, b1, g2, b2,
                  g3, b3, Wg1, bg1, Wg2, bg2,
                  xn2_o, xn3_o, pk1_o, gc1_o, tg1_o, tx1_o, tv1_o,
                  pk2_o, gc2_o, tg2_o, tx2_o, tv2_o):
    dot = functools.partial(jnp.dot, preferred_element_type=F32)
    t = dot(patches[...], Wp[...]) + bp[...]
    xn1 = _ln(t, g1[...], b1[...])
    q = dot(xn1, Wq[...])
    k = dot(xn1, Wk[...])
    v = dot(xn1, Wv[...])
    S, hd = 64, 128
    scale = hd ** -0.5
    msk = (lax.broadcasted_iota(jnp.int32, (S, S), 0)
           >= lax.broadcasted_iota(jnp.int32, (S, S), 1))
    brows = []
    for bb in range(8):
        hcols = []
        for hh in range(8):
            qs = q[bb * S:(bb + 1) * S, hh * hd:(hh + 1) * hd]
            ks = k[bb * S:(bb + 1) * S, hh * hd:(hh + 1) * hd]
            vs = v[bb * S:(bb + 1) * S, hh * hd:(hh + 1) * hd]
            s = lax.dot_general(qs, ks, (((1,), (1,)), ((), ())),
                                preferred_element_type=F32) * scale
            s = jnp.where(msk, s, -jnp.inf)
            p = jnp.exp(s - jnp.max(s, axis=-1, keepdims=True))
            p = p / jnp.sum(p, axis=-1, keepdims=True)
            hcols.append(dot(p, vs))
        brows.append(jnp.concatenate(hcols, axis=1))
    ao = jnp.concatenate(brows, axis=0)
    t = t + dot(ao, Wo[...]) + bo[...]
    t = t + pos[...]
    xn2 = _ln(t, g2[...], b2[...])
    xn3 = _ln(t, g3[...], b3[...])
    lg1 = dot(xn2, Wg1[...]) + bg1[...]
    lg2 = dot(xn3, Wg2[...]) + bg2[...]

    Lt = (lax.broadcasted_iota(jnp.int32, (512, 512), 0)
          > lax.broadcasted_iota(jnp.int32, (512, 512), 1)).astype(F32)
    SU = (lax.broadcasted_iota(jnp.int32, (8, 8), 0)
          < lax.broadcasted_iota(jnp.int32, (8, 8), 1)).astype(F32)
    iota16 = lax.broadcasted_iota(jnp.int32, (MTL, 1), 0).astype(F32)

    oh1a, oh1b, gt1 = _route(lg1)
    pk1, gc1, tg1, tx1, tv1 = _slotize(oh1a, oh1b, gt1, Lt, SU, iota16)
    oh2a, oh2b, gt2 = _route(lg2)
    pk2, gc2, tg2, tx2, tv2 = _slotize(oh2a, oh2b, gt2, Lt, SU, iota16)

    xn2_o[...] = xn2
    xn3_o[...] = xn3
    pk1_o[...] = pk1; gc1_o[...] = gc1
    tg1_o[...] = tg1; tx1_o[...] = tx1; tv1_o[...] = tv1
    pk2_o[...] = pk2; gc2_o[...] = gc2
    tg2_o[...] = tg2; tx2_o[...] = tx2; tv2_o[...] = tv2


def _stage_a(patches, Wp, bp, Wq, Wk, Wv, Wo, bo, pos, g1, b1, g2, b2, g3, b3,
             Wg1, bg1, Wg2, bg2):
    i32c = lambda n: jax.ShapeDtypeStruct((n, 1), jnp.int32)
    f32c = lambda n: jax.ShapeDtypeStruct((n, 1), F32)
    outs = [
        jax.ShapeDtypeStruct((512, 1024), F32),
        jax.ShapeDtypeStruct((512, 1024), F32),
        i32c(512), f32c(1024), i32c(MTL), i32c(MTL), i32c(MTL),
        i32c(512), f32c(1024), i32c(MTL), i32c(MTL), i32c(MTL),
    ]
    return pl.pallas_call(_stage_a_body, out_shape=outs, interpret=_IT)(
        patches, Wp, bp, Wq, Wk, Wv, Wo, bo, pos, g1, b1, g2, b2, g3, b3,
        Wg1, bg1, Wg2, bg2)


_SC_MESH = plsc.VectorSubcoreMesh(core_axis_name="c", subcore_axis_name="s")
_SC_PARAMS = pltpu.CompilerParams(needs_layout_passes=False)


def _ffn_body(txs_s, tgrp_s, tval_s, pa_r, pb_r, ga_r, gb_r, xn_r,
              w1_r, b1_r, w2_r, b2_r, ys_r, xg_r, gs_r, acc_r):
    t = pl.program_id(0)
    f = pl.program_id(1)

    @pl.when(tval_s[t] == 1)
    def _():
        @pl.when(f == 0)
        def _():
            si = t * TILE + lax.broadcasted_iota(jnp.int32, (TILE, 1), 0)
            ohA = (pa_r[...] == si).astype(F32)
            ohB = (pb_r[...] == si).astype(F32)
            xg_r[...] = jnp.dot(ohA + ohB, xn_r[...],
                                preferred_element_type=F32)
            gs_r[...] = (jnp.dot(ohA, ga_r[...], preferred_element_type=F32)
                         + jnp.dot(ohB, gb_r[...],
                                   preferred_element_type=F32))

        xb = xg_r[...].astype(BF16)
        h = jnp.maximum(
            jnp.dot(xb, w1_r[0].astype(BF16),
                    preferred_element_type=F32) + b1_r[0], 0.0)
        ctr = jnp.dot(h.astype(BF16), w2_r[0].astype(BF16),
                      preferred_element_type=F32)

        @pl.when(f == 0)
        def _():
            acc_r[...] = ctr + b2_r[0]

        @pl.when(f > 0)
        def _():
            acc_r[...] = acc_r[...] + ctr

        @pl.when(f == NF - 1)
        def _():
            ys_r[...] = acc_r[...] * gs_r[...]


def _ffn_grouped(xn, paR, pbR, gaC, gbC, txs, tgrp, tval, W1, b1, W2, b2):
    grid_spec = pltpu.PrefetchScalarGridSpec(
        num_scalar_prefetch=3,
        grid=(MTL, NF),
        in_specs=[
            pl.BlockSpec((1, 512), lambda t, f, txs, tgrp, tval: (0, 0)),
            pl.BlockSpec((1, 512), lambda t, f, txs, tgrp, tval: (0, 0)),
            pl.BlockSpec((512, 1), lambda t, f, txs, tgrp, tval: (0, 0)),
            pl.BlockSpec((512, 1), lambda t, f, txs, tgrp, tval: (0, 0)),
            pl.BlockSpec((512, 1024), lambda t, f, txs, tgrp, tval: (0, 0)),
            pl.BlockSpec((1, 1024, FT), lambda t, f, txs, tgrp, tval: (tgrp[t], 0, f * tval[t])),
            pl.BlockSpec((1, 1, FT), lambda t, f, txs, tgrp, tval: (tgrp[t] * NF + f * tval[t], 0, 0)),
            pl.BlockSpec((1, FT, 1024), lambda t, f, txs, tgrp, tval: (tgrp[t], f * tval[t], 0)),
            pl.BlockSpec((1, 1, 1024), lambda t, f, txs, tgrp, tval: (tgrp[t], 0, 0)),
        ],
        out_specs=pl.BlockSpec((TILE, 1024), lambda t, f, txs, tgrp, tval: (txs[t], 0)),
        scratch_shapes=[pltpu.VMEM((TILE, 1024), F32),
                        pltpu.VMEM((TILE, 1), F32),
                        pltpu.VMEM((TILE, 1024), F32)],
    )
    return pl.pallas_call(
        _ffn_body,
        grid_spec=grid_spec,
        out_shape=jax.ShapeDtypeStruct((NSLOTL, 1024), F32),
        interpret=_IT,
    )(txs, tgrp, tval, paR, pbR, gaC, gbC, xn, W1,
      b1.reshape(8 * NF, 1, FT), W2, b2.reshape(8, 1, 1024))


def _combine_body(ys, pk, out, pk_v, pa_v, pb_v, rA_v, rB_v, sem, sem2):
    wid = lax.axis_index("s") * 2 + lax.axis_index("c")
    r0 = wid * 16
    pltpu.sync_copy(pk.at[pl.ds(r0, 16)], pk_v)
    pkv = pk_v[...]
    pa_v[...] = lax.bitwise_and(pkv, 2047)
    pb_v[...] = lax.shift_right_logical(pkv, 11)
    ca = pltpu.async_copy(ys.at[pa_v], rA_v, sem)
    cb = pltpu.async_copy(ys.at[pb_v], rB_v, sem2)
    ca.wait()
    cb.wait()

    def addrow(j, carry):
        for kk in range(64):
            sl = pl.ds(kk * 16, 16)
            rA_v[j, sl] = rA_v[j, sl] + rB_v[j, sl]
        return carry
    lax.fori_loop(0, 16, addrow, 0)
    pltpu.sync_copy(rA_v, out.at[pl.ds(r0, 16)])


def _combine_sc(ys, pk):
    out_type = jax.ShapeDtypeStruct((512, 1024), F32)
    scratch = [
        pltpu.VMEM((16,), jnp.int32),
        pltpu.VMEM((16,), jnp.int32),
        pltpu.VMEM((16,), jnp.int32),
        pltpu.VMEM((16, 1024), F32),
        pltpu.VMEM((16, 1024), F32),
        pltpu.SemaphoreType.DMA,
        pltpu.SemaphoreType.DMA,
    ]
    fn = pl.kernel(_combine_body, out_type=out_type, mesh=_SC_MESH,
                   scratch_types=scratch, compiler_params=_SC_PARAMS)
    return fn(ys, pk)


def _head_body(sec_r, Wc_r, bc_r, feat_o, cls_o):
    rows = [jnp.mean(sec_r[bb * 64:(bb + 1) * 64, :], axis=0, keepdims=True)
            for bb in range(8)]
    feat = jnp.concatenate(rows, axis=0)
    feat_o[...] = feat
    cls_o[...] = jnp.dot(feat, Wc_r[...], preferred_element_type=F32) + bc_r[...]


def _head(second_rows, Wc, bc):
    outs = [jax.ShapeDtypeStruct((8, 1024), F32),
            jax.ShapeDtypeStruct((8, 10), F32)]
    return pl.pallas_call(_head_body, out_shape=outs, interpret=_IT)(
        second_rows, Wc, bc)


def kernel(x, W_patch, b_patch, Wq, Wk, Wv, Wo, bo, pos_emb, ln1_g, ln1_b,
           ln2_g, ln2_b, ln3_g, ln3_b, m1_Wg, m1_bg, m1_W1, m1_b1, m1_W2,
           m1_b2, m2_Wg, m2_bg, m2_W1, m2_b1, m2_W2, m2_b2, Wc, bc):
    b, c, h, w = x.shape
    P = 4
    hp, wp = h // P, w // P
    t = x.reshape(b, c, hp, P, wp, P).transpose(0, 1, 2, 4, 3, 5)
    t = t.reshape(b, c, hp * wp, P * P).transpose(0, 2, 1, 3)
    patches = t.reshape(b * hp * wp, c * P * P)
    pos512 = jnp.tile(pos_emb[0], (b, 1))
    row = lambda a: a.reshape(1, -1)

    (xn2b, xn3b, pk1, gc1, tg1, tx1, tv1,
     pk2, gc2, tg2, tx2, tv2) = _stage_a(
        patches, W_patch, row(b_patch), Wq, Wk, Wv, Wo, row(bo), pos512,
        row(ln1_g), row(ln1_b), row(ln2_g), row(ln2_b), row(ln3_g),
        row(ln3_b), m1_Wg, row(m1_bg), m2_Wg, row(m2_bg))

    pk1 = pk1.reshape(512)
    pk2 = pk2.reshape(512)
    pa1 = (pk1 & 2047).reshape(1, 512)
    pb1 = (pk1 >> 11).reshape(1, 512)
    pa2 = (pk2 & 2047).reshape(1, 512)
    pb2 = (pk2 >> 11).reshape(1, 512)
    ga1, gb1 = gc1[:512], gc1[512:]
    ga2, gb2 = gc2[:512], gc2[512:]

    ys1 = _ffn_grouped(xn2b, pa1, pb1, ga1, gb1, tx1.reshape(MTL),
                       tg1.reshape(MTL), tv1.reshape(MTL),
                       m1_W1, m1_b1, m1_W2, m1_b2)
    ys2 = _ffn_grouped(xn3b, pa2, pb2, ga2, gb2, tx2.reshape(MTL),
                       tg2.reshape(MTL), tv2.reshape(MTL),
                       m2_W1, m2_b1, m2_W2, m2_b2)

    out1 = _combine_sc(ys1, pk1)
    out2 = _combine_sc(ys2, pk2)
    first = out1.reshape(b, 64, 1024)
    second = out2.reshape(b, 64, 1024)
    feat, cls = _head(out2, Wc, row(bc))
    return first, second, feat, cls

# --- scband reference (transcript-rebuilt; emitter-appended) ---
"""Pipeline reference for scband-image-mo-e-56118042689566 (READ-ONLY COPY).

The authoritative reference and input builder live on the scoring server;
editing this copy changes nothing except your own understanding.
"""

import jax, jax.numpy as jnp
import numpy as np

def _ln(x, g, b, eps=1e-5):
    m = x.mean(-1, keepdims=True)
    v = x.var(-1, keepdims=True)
    return (x - m) / jnp.sqrt(v + eps) * g + b

def _attn(x, Wq, Wk, Wv, Wo, bo, H=8):
    B, S, D = x.shape
    hd = D // H
    def sp(t):
        return t.reshape(B, S, H, hd).transpose(0, 2, 1, 3)
    q, k, v = sp(x @ Wq), sp(x @ Wk), sp(x @ Wv)
    att = (q @ k.transpose(0, 1, 3, 2)) * (hd ** -0.5)
    m = jnp.tril(jnp.ones((S, S), dtype=bool))
    att = jnp.where(m, att, -jnp.inf)
    att = jax.nn.softmax(att, axis=-1)
    o = (att @ v).transpose(0, 2, 1, 3).reshape(B, S, D)
    return o @ Wo + bo

def _moe(x, Wg, bg, W1, b1, W2, b2, top_k=2):
    logits = x @ Wg + bg
    _, idx = jax.lax.top_k(logits, top_k)
    mask = jax.nn.one_hot(idx, logits.shape[-1], dtype=jnp.float32).sum(-2) > 0
    gate = jax.nn.softmax(jnp.where(mask, logits, -jnp.inf), axis=-1)
    h = jax.nn.relu(jnp.einsum('bsd,edf->bsef', x, W1) + b1)
    y = jnp.einsum('bsef,efd->bsed', h, W2) + b2
    return jnp.einsum('bse,bsed->bsd', gate, y)

def _forward(x, W_patch, b_patch, Wq, Wk, Wv, Wo, bo, pos_emb, ln1_g, ln1_b, ln2_g, ln2_b, ln3_g, ln3_b, m1_Wg, m1_bg, m1_W1, m1_b1, m1_W2, m1_b2, m2_Wg, m2_bg, m2_W1, m2_b1, m2_W2, m2_b2, Wc, bc):
    b, c, h, w = x.shape
    P = 4
    hp, wp = h // P, w // P
    t = x.reshape(b, c, hp, P, wp, P).transpose(0, 1, 2, 4, 3, 5)
    t = t.reshape(b, c, hp * wp, P * P).transpose(0, 2, 1, 3).reshape(b, hp * wp, c * P * P)
    t = t @ W_patch + b_patch
    t = t + _attn(_ln(t, ln1_g, ln1_b), Wq, Wk, Wv, Wo, bo)
    t = t + pos_emb
    first = _moe(_ln(t, ln2_g, ln2_b), m1_Wg, m1_bg, m1_W1, m1_b1, m1_W2, m1_b2)
    second = _moe(_ln(t, ln3_g, ln3_b), m2_Wg, m2_bg, m2_W1, m2_b1, m2_W2, m2_b2)
    feat = second.mean(axis=1)
    cls = feat @ Wc + bc
    return first, second, feat, cls

def setup_inputs(seed=0):
    key = jax.random.key(seed)
    ks = jax.random.split(key, 20)
    B, D, E, F, Pd, S = 8, 1024, 8, 4096, 48, 64
    def n(k, shape, s=0.02):
        return jax.random.normal(k, shape, dtype=jnp.float32) * s
    z = lambda *s: jnp.zeros(s, jnp.float32)
    o = lambda *s: jnp.ones(s, jnp.float32)
    return {
        'x': jax.random.normal(ks[0], (B, 3, 32, 32), dtype=jnp.float32),
        'W_patch': n(ks[1], (Pd, D)), 'b_patch': z(D),
        'Wq': n(ks[2], (D, D)), 'Wk': n(ks[3], (D, D)), 'Wv': n(ks[4], (D, D)),
        'Wo': n(ks[5], (D, D)), 'bo': z(D),
        'pos_emb': jax.random.normal(ks[6], (1, S, D), dtype=jnp.float32),
        'ln1_g': o(D), 'ln1_b': z(D), 'ln2_g': o(D), 'ln2_b': z(D), 'ln3_g': o(D), 'ln3_b': z(D),
        'm1_Wg': n(ks[7], (D, E)), 'm1_bg': z(E),
        'm1_W1': n(ks[8], (E, D, F)), 'm1_b1': z(E, F),
        'm1_W2': n(ks[9], (E, F, D)), 'm1_b2': z(E, D),
        'm2_Wg': n(ks[10], (D, E)), 'm2_bg': z(E),
        'm2_W1': n(ks[11], (E, D, F)), 'm2_b1': z(E, F),
        'm2_W2': n(ks[12], (E, F, D)), 'm2_b2': z(E, D),
        'Wc': n(ks[13], (D, 10)), 'bc': z(10),
    }

def reference(x, W_patch, b_patch, Wq, Wk, Wv, Wo, bo, pos_emb, ln1_g, ln1_b, ln2_g, ln2_b, ln3_g, ln3_b, m1_Wg, m1_bg, m1_W1, m1_b1, m1_W2, m1_b2, m2_Wg, m2_bg, m2_W1, m2_b1, m2_W2, m2_b2, Wc, bc):
    return _forward(x, W_patch, b_patch, Wq, Wk, Wv, Wo, bo, pos_emb, ln1_g, ln1_b, ln2_g, ln2_b, ln3_g, ln3_b, m1_Wg, m1_bg, m1_W1, m1_b1, m1_W2, m1_b2, m2_Wg, m2_bg, m2_W1, m2_b1, m2_W2, m2_b2, Wc, bc)

if __name__ == "__main__":
    import jax
    _d = setup_inputs()
    print(jax.jit(kernel)(*tuple(_d.values())))

</pallas_src>

<mosaic_0001>
#map = affine_map<(d0, d1) -> (0, 0)>
#map1 = affine_map<(d0, d1) -> (0)>
module attributes {stable_mosaic.version = 14 : i64} {
  func.func @_combine_body(%arg0: i32, %arg1: i32, %arg2: memref<2048x1024xf32, #tpu.memory_space<hbm>>, %arg3: memref<512xi32, #tpu.memory_space<hbm>>, %arg4: memref<512x1024xf32, #tpu.memory_space<hbm>>, %arg5: memref<16xi32, #tpu.memory_space<vmem>>, %arg6: memref<16xi32, #tpu.memory_space<vmem>>, %arg7: memref<16xi32, #tpu.memory_space<vmem>>, %arg8: memref<16x1024xf32, #tpu.memory_space<vmem>>, %arg9: memref<16x1024xf32, #tpu.memory_space<vmem>>, %arg10: memref<!tpu.dma_semaphore, #tpu.memory_space<semaphore_mem>>, %arg11: memref<!tpu.dma_semaphore, #tpu.memory_space<semaphore_mem>>) attributes {dimension_semantics = [#tpu.dimension_semantics<core_parallel>, #tpu.dimension_semantics<subcore_parallel>], iteration_bounds = array<i64: 2, 16>, scalar_prefetch = 0 : i64, scratch_operands = 7 : i64, tpu.core_type = #tpu.core_type<sc_vector_subcore>, window_params = [{transform_indices = #map}, {transform_indices = #map1}, {transform_indices = #map}]} {
    %mul3A = arith.constant 2 : i32
    %mul3A_0 = arith.muli %arg1, %mul3A : i32
    %add3A = arith.addi %mul3A_0, %arg0 : i32
    %mul3A_1 = arith.constant 16 : i32
    %mul3A_2 = arith.muli %add3A, %mul3A_1 : i32
    "tpu.region"() ({
      %run_scoped3A = tpu.sem_alloc : memref<!tpu.dma_semaphore, #tpu.memory_space<semaphore_mem>>
      %dma_start3A_26 = tpu.memref_slice %arg3[%mul3A_2] : memref<512xi32, #tpu.memory_space<hbm>> -> memref<16xi32, #tpu.memory_space<hbm>>
      %dma_start3A_27 = tpu.memref_slice %arg3[%mul3A_2] : memref<512xi32, #tpu.memory_space<hbm>> -> memref<16xi32, #tpu.memory_space<hbm>>
      tpu.enqueue_dma source(%dma_start3A_27 : memref<16xi32, #tpu.memory_space<hbm>>) target(%arg5 : memref<16xi32, #tpu.memory_space<vmem>>) target_semaphore(%run_scoped3A : memref<!tpu.dma_semaphore, #tpu.memory_space<semaphore_mem>>)
      %dma_wait3A_28 = tpu.memref_slice %arg3[%mul3A_2] : memref<512xi32, #tpu.memory_space<hbm>> -> memref<16xi32, #tpu.memory_space<hbm>>
      %dma_wait3A_29 = tpu.memref_slice %arg3[%mul3A_2] : memref<512xi32, #tpu.memory_space<hbm>> -> memref<16xi32, #tpu.memory_space<hbm>>
      tpu.wait_dma2 semaphore(%run_scoped3A : memref<!tpu.dma_semaphore, #tpu.memory_space<semaphore_mem>>) src(%dma_wait3A_29 : memref<16xi32, #tpu.memory_space<hbm>>) dst(%arg5 : memref<16xi32, #tpu.memory_space<vmem>>)
      tpu.yield
    }) : () -> ()
    %get3A = arith.constant 0 : index
    %get3A_3 = tpu.vector_load %arg5[%get3A] {strides = array<i32>} : memref<16xi32, #tpu.memory_space<vmem>>, vector<16xi32>,
    %and3A = arith.constant 2047 : i32
    %and3A_4 = vector.broadcast %and3A : i32 to vector<16xi32>
    %and3A_5 = arith.andi %get3A_3, %and3A_4 : vector<16xi32>
    %swap3A = arith.constant 0 : index
    %swap3A_6 = tpu.vector_load %arg6[%swap3A] {strides = array<i32>} : memref<16xi32, #tpu.memory_space<vmem>>, vector<16xi32>,
    tpu.vector_store %arg6[%swap3A], %and3A_5 {strides = array<i32>} : memref<16xi32, #tpu.memory_space<vmem>>, vector<16xi32>,
    %shift_right_logical3A = arith.constant 11 : i32
    %shift_right_logical3A_7 = vector.broadcast %shift_right_logical3A : i32 to vector<16xi32>
    %shift_right_logical3A_8 = arith.shrui %get3A_3, %shift_right_logical3A_7 : vector<16xi32>
    %swap3A_9 = arith.constant 0 : index
    %swap3A_10 = tpu.vector_load %arg7[%swap3A_9] {strides = array<i32>} : memref<16xi32, #tpu.memory_space<vmem>>, vector<16xi32>,
    tpu.vector_store %arg7[%swap3A_9], %shift_right_logical3A_8 {strides = array<i32>} : memref<16xi32, #tpu.memory_space<vmem>>, vector<16xi32>,
    %dma_start3A = arith.constant 0 : i32
    %dma_start3A_11 = arith.constant 0 : i32
    %dma_start3A_12 = tpu.memref_slice %arg2[%dma_start3A, %dma_start3A_11] : memref<2048x1024xf32, #tpu.memory_space<hbm>> -> memref<2048x1024xf32, #tpu.memory_space<hbm>>
    tpu.enqueue_indirect_dma source(%dma_start3A_12 : memref<2048x1024xf32, #tpu.memory_space<hbm>>) target(%arg8 : memref<16x1024xf32, #tpu.memory_space<vmem>>) offsets(%arg6 : memref<16xi32, #tpu.memory_space<vmem>>) semaphore(%arg10 : memref<!tpu.dma_semaphore, #tpu.memory_space<semaphore_mem>>)
    %dma_start3A_13 = arith.constant 0 : i32
    %dma_start3A_14 = arith.constant 0 : i32
    %dma_start3A_15 = tpu.memref_slice %arg2[%dma_start3A_13, %dma_start3A_14] : memref<2048x1024xf32, #tpu.memory_space<hbm>> -> memref<2048x1024xf32, #tpu.memory_space<hbm>>
    tpu.enqueue_indirect_dma source(%dma_start3A_15 : memref<2048x1024xf32, #tpu.memory_space<hbm>>) target(%arg9 : memref<16x1024xf32, #tpu.memory_space<vmem>>) offsets(%arg7 : memref<16xi32, #tpu.memory_space<vmem>>) semaphore(%arg11 : memref<!tpu.dma_semaphore, #tpu.memory_space<semaphore_mem>>)
    %dma_wait3A = arith.constant 0 : i32
    %dma_wait3A_16 = arith.constant 0 : i32
    %dma_wait3A_17 = tpu.memref_slice %arg2[%dma_wait3A, %dma_wait3A_16] : memref<2048x1024xf32, #tpu.memory_space<hbm>> -> memref<2048x1024xf32, #tpu.memory_space<hbm>>
    tpu.wait_indirect_dma semaphore(%arg10 : memref<!tpu.dma_semaphore, #tpu.memory_space<semaphore_mem>>) src(%dma_wait3A_17 : memref<2048x1024xf32, #tpu.memory_space<hbm>>) dst(%arg8 : memref<16x1024xf32, #tpu.memory_space<vmem>>)
    %dma_wait3A_18 = arith.constant 0 : i32
    %dma_wait3A_19 = arith.constant 0 : i32
    %dma_wait3A_20 = tpu.memref_slice %arg2[%dma_wait3A_18, %dma_wait3A_19] : memref<2048x1024xf32, #tpu.memory_space<hbm>> -> memref<2048x1024xf32, #tpu.memory_space<hbm>>
    tpu.wait_indirect_dma semaphore(%arg11 : memref<!tpu.dma_semaphore, #tpu.memory_space<semaphore_mem>>) src(%dma_wait3A_20 : memref<2048x1024xf32, #tpu.memory_space<hbm>>) dst(%arg9 : memref<16x1024xf32, #tpu.memory_space<vmem>>)
    %scan3A = arith.constant 0 : i32
    %scan3A_21 = arith.constant 0 : i32
    %scan3A_22 = arith.constant 16 : i32
    %scan3A_23 = arith.addi %scan3A_21, %scan3A_22 : i32
    %scan3A_24 = arith.constant 1 : i32
    scf.for %scan3A_26 = %scan3A_21 to %scan3A_23 step %scan3A_24  : i32 {
      %get3A_27 = arith.index_cast %scan3A_26 : i32 to index
      %get3A_28 = arith.constant 0 : index
      %get3A_29 = tpu.vector_load %arg8[%get3A_27, %get3A_28] {strides = array<i32>} : memref<16x1024xf32, #tpu.memory_space<vmem>>, vector<16xf32>,
      %get3A_30 = arith.index_cast %scan3A_26 : i32 to index
      %get3A_31 = arith.constant 0 : index
      %get3A_32 = tpu.vector_load %arg9[%get3A_30, %get3A_31] {strides = array<i32>} : memref<16x1024xf32, #tpu.memory_space<vmem>>, vector<16xf32>,
      %add3A_33 = arith.addf %get3A_29, %get3A_32 : vector<16xf32>
      %swap3A_34 = arith.index_cast %scan3A_26 : i32 to index
      %swap3A_35 = arith.constant 0 : index
      %swap3A_36 = tpu.vector_load %arg8[%swap3A_34, %swap3A_35] {strides = array<i32>} : memref<16x1024xf32, #tpu.memory_space<vmem>>, vector<16xf32>,
      tpu.vector_store %arg8[%swap3A_34, %swap3A_35], %add3A_33 {strides = array<i32>} : memref<16x1024xf32, #tpu.memory_space<vmem>>, vector<16xf32>,
      %get3A_37 = arith.index_cast %scan3A_26 : i32 to index
      %get3A_38 = arith.constant 16 : index
      %get3A_39 = tpu.vector_load %arg8[%get3A_37, %get3A_38] {strides = array<i32>} : memref<16x1024xf32, #tpu.memory_space<vmem>>, vector<16xf32>,
      %get3A_40 = arith.index_cast %scan3A_26 : i32 to index
      %get3A_41 = arith.constant 16 : index
      %get3A_42 = tpu.vector_load %arg9[%get3A_40, %get3A_41] {strides = array<i32>} : memref<16x1024xf32, #tpu.memory_space<vmem>>, vector<16xf32>,
      %add3A_43 = arith.addf %get3A_39, %get3A_42 : vector<16xf32>
      %swap3A_44 = arith.index_cast %scan3A_26 : i32 to index
      %swap3A_45 = arith.constant 16 : index
      %swap3A_46 = tpu.vector_load %arg8[%swap3A_44, %swap3A_45] {strides = array<i32>} : memref<16x1024xf32, #tpu.memory_space<vmem>>, vector<16xf32>,
      tpu.vector_store %arg8[%swap3A_44, %swap3A_45], %add3A_43 {strides = array<i32>} : memref<16x1024xf32, #tpu.memory_space<vmem>>, vector<16xf32>,
      %get3A_47 = arith.index_cast %scan3A_26 : i32 to index
      %get3A_48 = arith.constant 32 : index
      %get3A_49 = tpu.vector_load %arg8[%get3A_47, %get3A_48] {strides = array<i32>} : memref<16x1024xf32, #tpu.memory_space<vmem>>, vector<16xf32>,
      %get3A_50 = arith.index_cast %scan3A_26 : i32 to index
      %get3A_51 = arith.constant 32 : index
      %get3A_52 = tpu.vector_load %arg9[%get3A_50, %get3A_51] {strides = array<i32>} : memref<16x1024xf32, #tpu.memory_space<vmem>>, vector<16xf32>,
      %add3A_53 = arith.addf %get3A_49, %get3A_52 : vector<16xf32>
      %swap3A_54 = arith.index_cast %scan3A_26 : i32 to index
      %swap3A_55 = arith.constant 32 : index
      %swap3A_56 = tpu.vector_load %arg8[%swap3A_54, %swap3A_55] {strides = array<i32>} : memref<16x1024xf32, #tpu.memory_space<vmem>>, vector<16xf32>,
      tpu.vector_store %arg8[%swap3A_54, %swap3A_55], %add3A_53 {strides = array<i32>} : memref<16x1024xf32, #tpu.memory_space<vmem>>, vector<16xf32>,
      %get3A_57 = arith.index_cast %scan3A_26 : i32 to index
      %get3A_58 = arith.constant 48 : index
      %get3A_59 = tpu.vector_load %arg8[%get3A_57, %get3A_58] {strides = array<i32>} : memref<16x1024xf32, #tpu.memory_space<vmem>>, vector<16xf32>,
      %get3A_60 = arith.index_cast %scan3A_26 : i32 to index
      %get3A_61 = arith.constant 48 : index
      %get3A_62 = tpu.vector_load %arg9[%get3A_60, %get3A_61] {strides = array<i32>} : memref<16x1024xf32, #tpu.memory_space<vmem>>, vector<16xf32>,
      %add3A_63 = arith.addf %get3A_59, %get3A_62 : vector<16xf32>
      %swap3A_64 = arith.index_cast %scan3A_26 : i32 to index
      %swap3A_65 = arith.constant 48 : index
      %swap3A_66 = tpu.vector_load %arg8[%swap3A_64, %swap3A_65] {strides = array<i32>} : memref<16x1024xf32, #tpu.memory_space<vmem>>, vector<16xf32>,
      tpu.vector_store %arg8[%swap3A_64, %swap3A_65], %add3A_63 {strides = array<i32>} : memref<16x1024xf32, #tpu.memory_space<vmem>>, vector<16xf32>,
      %get3A_67 = arith.index_cast %scan3A_26 : i32 to index
      %get3A_68 = arith.constant 64 : index
      %get3A_69 = tpu.vector_load %arg8[%get3A_67, %get3A_68] {strides = array<i32>} : memref<16x1024xf32, #tpu.memory_space<vmem>>, vector<16xf32>,
      %get3A_70 = arith.index_cast %scan3A_26 : i32 to index
      %get3A_71 = arith.constant 64 : index
      %get3A_72 = tpu.vector_load %arg9[%get3A_70, %get3A_71] {strides = array<i32>} : memref<16x1024xf32, #tpu.memory_space<vmem>>, vector<16xf32>,
      %add3A_73 = arith.addf %get3A_69, %get3A_72 : vector<16xf32>
      %swap3A_74 = arith.index_cast %scan3A_26 : i32 to index
      %swap3A_75 = arith.constant 64 : index
      %swap3A_76 = tpu.vector_load %arg8[%swap3A_74, %swap3A_75] {strides = array<i32>} : memref<16x1024xf32, #tpu.memory_space<vmem>>, vector<16xf32>,
      tpu.vector_store %arg8[%swap3A_74, %swap3A_75], %add3A_73 {strides = array<i32>} : memref<16x1024xf32, #tpu.memory_space<vmem>>, vector<16xf32>,
      %get3A_77 = arith.index_cast %scan3A_26 : i32 to index
      %get3A_78 = arith.constant 80 : index
      %get3A_79 = tpu.vector_load %arg8[%get3A_77, %get3A_78] {strides = array<i32>} : memref<16x1024xf32, #tpu.memory_space<vmem>>, vector<16xf32>,
      %get3A_80 = arith.index_cast %scan3A_26 : i32 to index
      %get3A_81 = arith.constant 80 : index
      %get3A_82 = tpu.vector_load %arg9[%get3A_80, %get3A_81] {strides = array<i32>} : memref<16x1024xf32, #tpu.memory_space<vmem>>, vector<16xf32>,
      %add3A_83 = arith.addf %get3A_79, %get3A_82 : vector<16xf32>
      %swap3A_84 = arith.index_cast %scan3A_26 : i32 to index
      %swap3A_85 = arith.constant 80 : index
      %swap3A_86 = tpu.vector_load %arg8[%swap3A_84, %swap3A_85] {strides = array<i32>} : memref<16x1024xf32, #tpu.memory_space<vmem>>, vector<16xf32>,
      tpu.vector_store %arg8[%swap3A_84, %swap3A_85], %add3A_83 {strides = array<i32>} : memref<16x1024xf32, #tpu.memory_space<vmem>>, vector<16xf32>,
      %get3A_87 = arith.index_cast %scan3A_26 : i32 to index
      %get3A_88 = arith.constant 96 : index
      %get3A_89 = tpu.vector_load %arg8[%get3A_87, %get3A_88] {strides = array<i32>} : memref<16x1024xf32, #tpu.memory_space<vmem>>, vector<16xf32>,
      %get3A_90 = arith.index_cast %scan3A_26 : i32 to index
      %get3A_91 = arith.constant 96 : index
      %get3A_92 = tpu.vector_load %arg9[%get3A_90, %get3A_91] {strides = array<i32>} : memref<16x1024xf32, #tpu.memory_space<vmem>>, vector<16xf32>,
      %add3A_93 = arith.addf %get3A_89, %get3A_92 : vector<16xf32>
      %swap3A_94 = arith.index_cast %scan3A_26 : i32 to index
      %swap3A_95 = arith.constant 96 : index
      %swap3A_96 = tpu.vector_load %arg8[%swap3A_94, %swap3A_95] {strides = array<i32>} : memref<16x1024xf32, #tpu.memory_space<vmem>>, vector<16xf32>,
      tpu.vector_store %arg8[%swap3A_94, %swap3A_95], %add3A_93 {strides = array<i32>} : memref<16x1024xf32, #tpu.memory_space<vmem>>, vector<16xf32>,
      %get3A_97 = arith.index_cast %scan3A_26 : i32 to index
      %get3A_98 = arith.constant 112 : index
      %get3A_99 = tpu.vector_load %arg8[%get3A_97, %get3A_98] {strides = array<i32>} : memref<16x1024xf32, #tpu.memory_space<vmem>>, vector<16xf32>,
      %get3A_100 = arith.index_cast %scan3A_26 : i32 to index
      %get3A_101 = arith.constant 112 : index
      %get3A_102 = tpu.vector_load %arg9[%get3A_100, %get3A_101] {strides = array<i32>} : memref<16x1024xf32, #tpu.memory_space<vmem>>, vector<16xf32>,
      %add3A_103 = arith.addf %get3A_99, %get3A_102 : vector<16xf32>
      %swap3A_104 = arith.index_cast %scan3A_26 : i32 to index
      %swap3A_105 = arith.constant 112 : index
      %swap3A_106 = tpu.vector_load %arg8[%swap3A_104, %swap3A_105] {strides = array<i32>} : memref<16x1024xf32, #tpu.memory_space<vmem>>, vector<16xf32>,
      tpu.vector_store %arg8[%swap3A_104, %swap3A_105], %add3A_103 {strides = array<i32>} : memref<16x1024xf32, #tpu.memory_space<vmem>>, vector<16xf32>,
      %get3A_107 = arith.index_cast %scan3A_26 : i32 to index
      %get3A_108 = arith.constant 128 : index
      %get3A_109 = tpu.vector_load %arg8[%get3A_107, %get3A_108] {strides = array<i32>} : memref<16x1024xf32, #tpu.memory_space<vmem>>, vector<16xf32>,
      %get3A_110 = arith.index_cast %scan3A_26 : i32 to index
      %get3A_111 = arith.constant 128 : index
      %get3A_112 = tpu.vector_load %arg9[%get3A_110, %get3A_111] {strides = array<i32>} : memref<16x1024xf32, #tpu.memory_space<vmem>>, vector<16xf32>,
      %add3A_113 = arith.addf %get3A_109, %get3A_112 : vector<16xf32>
      %swap3A_114 = arith.index_cast %scan3A_26 : i32 to index
      %swap3A_115 = arith.constant 128 : index
      %swap3A_116 = tpu.vector_load %arg8[%swap3A_114, %swap3A_115] {strides = array<i32>} : memref<16x1024xf32, #tpu.memory_space<vmem>>, vector<16xf32>,
      tpu.vector_store %arg8[%swap3A_114, %swap3A_115], %add3A_113 {strides = array<i32>} : memref<16x1024xf32, #tpu.memory_space<vmem>>, vector<16xf32>,
      %get3A_117 = arith.index_cast %scan3A_26 : i32 to index
      %get3A_118 = arith.constant 144 : index
      %get3A_119 = tpu.vector_load %arg8[%get3A_117, %get3A_118] {strides = array<i32>} : memref<16x1024xf32, #tpu.memory_space<vmem>>, vector<16xf32>,
      %get3A_120 = arith.index_cast %scan3A_26 : i32 to index
      %get3A_121 = arith.constant 144 : index
      %get3A_122 = tpu.vector_load %arg9[%get3A_120, %get3A_121] {strides = array<i32>} : memref<16x1024xf32, #tpu.memory_space<vmem>>, vector<16xf32>,
      %add3A_123 = arith.addf %get3A_119, %get3A_122 : vector<16xf32>
      %swap3A_124 = arith.index_cast %scan3A_26 : i32 to index
      %swap3A_125 = arith.constant 144 : index
      %swap3A_126 = tpu.vector_load %arg8[%swap3A_124, %swap3A_125] {strides = array<i32>} : memref<16x1024xf32, #tpu.memory_space<vmem>>, vector<16xf32>,
      tpu.vector_store %arg8[%swap3A_124, %swap3A_125], %add3A_123 {strides = array<i32>} : memref<16x1024xf32, #tpu.memory_space<vmem>>, vector<16xf32>,
      %get3A_127 = arith.index_cast %scan3A_26 : i32 to index
      %get3A_128 = arith.constant 160 : index
      %get3A_129 = tpu.vector_load %arg8[%get3A_127, %get3A_128] {strides = array<i32>} : memref<16x1024xf32, #tpu.memory_space<vmem>>, vector<16xf32>,
      %get3A_130 = arith.index_cast %scan3A_26 : i32 to index
      %get3A_131 = arith.constant 160 : index
      %get3A_132 = tpu.vector_load %arg9[%get3A_130, %get3A_131] {strides = array<i32>} : memref<16x1024xf32, #tpu.memory_space<vmem>>, vector<16xf32>,
      %add3A_133 = arith.addf %get3A_129, %get3A_132 : vector<16xf32>
      %swap3A_134 = arith.index_cast %scan3A_26 : i32 to index
      %swap3A_135 = arith.constant 160 : index
      %swap3A_136 = tpu.vector_load %arg8[%swap3A_134, %swap3A_135] {strides = array<i32>} : memref<16x1024xf32, #tpu.memory_space<vmem>>, vector<16xf32>,
      tpu.vector_store %arg8[%swap3A_134, %swap3A_135], %add3A_133 {strides = array<i32>} : memref<16x1024xf32, #tpu.memory_space<vmem>>, vector<16xf32>,
      %get3A_137 = arith.index_cast %scan3A_26 : i32 to index
      %get3A_138 = arith.constant 176 : index
      %get3A_139 = tpu.vector_load %arg8[%get3A_137, %get3A_138] {strides = array<i32>} : memref<16x1024xf32, #tpu.memory_space<vmem>>, vector<16xf32>,
      %get3A_140 = arith.index_cast %scan3A_26 : i32 to index
      %get3A_141 = arith.constant 176 : index
      %get3A_142 = tpu.vector_load %arg9[%get3A_140, %get3A_141] {strides = array<i32>} : memref<16x1024xf32, #tpu.memory_space<vmem>>, vector<16xf32>,
      %add3A_143 = arith.addf %get3A_139, %get3A_142 : vector<16xf32>
      %swap3A_144 = arith.index_cast %scan3A_26 : i32 to index
      %swap3A_145 = arith.constant 176 : index
      %swap3A_146 = tpu.vector_load %arg8[%swap3A_144, %swap3A_145] {strides = array<i32>} : memref<16x1024xf32, #tpu.memory_space<vmem>>, vector<16xf32>,
      tpu.vector_store %arg8[%swap3A_144, %swap3A_145], %add3A_143 {strides = array<i32>} : memref<16x1024xf32, #tpu.memory_space<vmem>>, vector<16xf32>,
      %get3A_147 = arith.index_cast %scan3A_26 : i32 to index
      %get3A_148 = arith.constant 192 : index
      %get3A_149 = tpu.vector_load %arg8[%get3A_147, %get3A_148] {strides = array<i32>} : memref<16x1024xf32, #tpu.memory_space<vmem>>, vector<16xf32>,
      %get3A_150 = arith.index_cast %scan3A_26 : i32 to index
      %get3A_151 = arith.constant 192 : index
      %get3A_152 = tpu.vector_load %arg9[%get3A_150, %get3A_151] {strides = array<i32>} : memref<16x1024xf32, #tpu.memory_space<vmem>>, vector<16xf32>,
      %add3A_153 = arith.addf %get3A_149, %get3A_152 : vector<16xf32>
      %swap3A_154 = arith.index_cast %scan3A_26 : i32 to index
      %swap3A_155 = arith.constant 192 : index
      %swap3A_156 = tpu.vector_load %arg8[%swap3A_154, %swap3A_155] {strides = array<i32>} : memref<16x1024xf32, #tpu.memory_space<vmem>>, vector<16xf32>,
      tpu.vector_store %arg8[%swap3A_154, %swap3A_155], %add3A_153 {strides = array<i32>} : memref<16x1024xf32, #tpu.memory_space<vmem>>, vector<16xf32>,
      %get3A_157 = arith.index_cast %scan3A_26 : i32 to index
      %get3A_158 = arith.constant 208 : index
      %get3A_159 = tpu.vector_load %arg8[%get3A_157, %get3A_158] {strides = array<i32>} : memref<16x1024xf32, #tpu.memory_space<vmem>>, vector<16xf32>,
      %get3A_160 = arith.index_cast %scan3A_26 : i32 to index
      %get3A_161 = arith.constant 208 : index
      %get3A_162 = tpu.vector_load %arg9[%get3A_160, %get3A_161] {strides = array<i32>} : memref<16x1024xf32, #tpu.memory_space<vmem>>, vector<16xf32>,
      %add3A_163 = arith.addf %get3A_159, %get3A_162 : vector<16xf32>
      %swap3A_164 = arith.index_cast %scan3A_26 : i32 to index
      %swap3A_165 = arith.constant 208 : index
      %swap3A_166 = tpu.vector_load %arg8[%swap3A_164, %swap3A_165] {strides = array<i32>} : memref<16x1024xf32, #tpu.memory_space<vmem>>, vector<16xf32>,
      tpu.vector_store %arg8[%swap3A_164, %swap3A_165], %add3A_163 {strides = array<i32>} : memref<16x1024xf32, #tpu.memory_space<vmem>>, vector<16xf32>,
      %get3A_167 = arith.index_cast %scan3A_26 : i32 to index
      %get3A_168 = arith.constant 224 : index
      %get3A_169 = tpu.vector_load %arg8[%get3A_167, %get3A_168] {strides = array<i32>} : memref<16x1024xf32, #tpu.memory_space<vmem>>, vector<16xf32>,
      %get3A_170 = arith.index_cast %scan3A_26 : i32 to index
      %get3A_171 = arith.constant 224 : index
      %get3A_172 = tpu.vector_load %arg9[%get3A_170, %get3A_171] {strides = array<i32>} : memref<16x1024xf32, #tpu.memory_space<vmem>>, vector<16xf32>,
      %add3A_173 = arith.addf %get3A_169, %get3A_172 : vector<16xf32>
      %swap3A_174 = arith.index_cast %scan3A_26 : i32 to index
      %swap3A_175 = arith.constant 224 : index
      %swap3A_176 = tpu.vector_load %arg8[%swap3A_174, %swap3A_175] {strides = array<i32>} : memref<16x1024xf32, #tpu.memory_space<vmem>>, vector<16xf32>,
      tpu.vector_store %arg8[%swap3A_174, %swap3A_175], %add3A_173 {strides = array<i32>} : memref<16x1024xf32, #tpu.memory_space<vmem>>, vector<16xf32>,
      %get3A_177 = arith.index_cast %scan3A_26 : i32 to index
      %get3A_178 = arith.constant 240 : index
      %get3A_179 = tpu.vector_load %arg8[%get3A_177, %get3A_178] {strides = array<i32>} : memref<16x1024xf32, #tpu.memory_space<vmem>>, vector<16xf32>,
      %get3A_180 = arith.index_cast %scan3A_26 : i32 to index
      %get3A_181 = arith.constant 240 : index
      %get3A_182 = tpu.vector_load %arg9[%get3A_180, %get3A_181] {strides = array<i32>} : memref<16x1024xf32, #tpu.memory_space<vmem>>, vector<16xf32>,
      %add3A_183 = arith.addf %get3A_179, %get3A_182 : vector<16xf32>
      %swap3A_184 = arith.index_cast %scan3A_26 : i32 to index
      %swap3A_185 = arith.constant 240 : index
      %swap3A_186 = tpu.vector_load %arg8[%swap3A_184, %swap3A_185] {strides = array<i32>} : memref<16x1024xf32, #tpu.memory_space<vmem>>, vector<16xf32>,
      tpu.vector_store %arg8[%swap3A_184, %swap3A_185], %add3A_183 {strides = array<i32>} : memref<16x1024xf32, #tpu.memory_space<vmem>>, vector<16xf32>,
      %get3A_187 = arith.index_cast %scan3A_26 : i32 to index
      %get3A_188 = arith.constant 256 : index
      %get3A_189 = tpu.vector_load %arg8[%get3A_187, %get3A_188] {strides = array<i32>} : memref<16x1024xf32, #tpu.memory_space<vmem>>, vector<16xf32>,
      %get3A_190 = arith.index_cast %scan3A_26 : i32 to index
      %get3A_191 = arith.constant 256 : index
      %get3A_192 = tpu.vector_load %arg9[%get3A_190, %get3A_191] {strides = array<i32>} : memref<16x1024xf32, #tpu.memory_space<vmem>>, vector<16xf32>,
      %add3A_193 = arith.addf %get3A_189, %get3A_192 : vector<16xf32>
      %swap3A_194 = arith.index_cast %scan3A_26 : i32 to index
      %swap3A_195 = arith.constant 256 : index
      %swap3A_196 = tpu.vector_load %arg8[%swap3A_194, %swap3A_195] {strides = array<i32>} : memref<16x1024xf32, #tpu.memory_space<vmem>>, vector<16xf32>,
      tpu.vector_store %arg8[%swap3A_194, %swap3A_195], %add3A_193 {strides = array<i32>} : memref<16x1024xf32, #tpu.memory_space<vmem>>, vector<16xf32>,
      %get3A_197 = arith.index_cast %scan3A_26 : i32 to index
      %get3A_198 = arith.constant 272 : index
      %get3A_199 = tpu.vector_load %arg8[%get3A_197, %get3A_198] {strides = array<i32>} : memref<16x1024xf32, #tpu.memory_space<vmem>>, vector<16xf32>,
      %get3A_200 = arith.index_cast %scan3A_26 : i32 to index
      %get3A_201 = arith.constant 272 : index
      %get3A_202 = tpu.vector_load %arg9[%get3A_200, %get3A_201] {strides = array<i32>} : memref<16x1024xf32, #tpu.memory_space<vmem>>, vector<16xf32>,
      %add3A_203 = arith.addf %get3A_199, %get3A_202 : vector<16xf32>
      %swap3A_204 = arith.index_cast %scan3A_26 : i32 to index
      %swap3A_205 = arith.constant 272 : index
      %swap3A_206 = tpu.vector_load %arg8[%swap3A_204, %swap3A_205] {strides = array<i32>} : memref<16x1024xf32, #tpu.memory_space<vmem>>, vector<16xf32>,
      tpu.vector_store %arg8[%swap3A_204, %swap3A_205], %add3A_203 {strides = array<i32>} : memref<16x1024xf32, #tpu.memory_space<vmem>>, vector<16xf32>,
      %get3A_207 = arith.index_cast %scan3A_26 : i32 to index
      %get3A_208 = arith.constant 288 : index
      %get3A_209 = tpu.vector_load %arg8[%get3A_207, %get3A_208] {strides = array<i32>} : memref<16x1024xf32, #tpu.memory_space<vmem>>, vector<16xf32>,
      %get3A_210 = arith.index_cast %scan3A_26 : i32 to index
      %get3A_211 = arith.constant 288 : index
      %get3A_212 = tpu.vector_load %arg9[%get3A_210, %get3A_211] {strides = array<i32>} : memref<16x1024xf32, #tpu.memory_space<vmem>>, vector<16xf32>,
      %add3A_213 = arith.addf %get3A_209, %get3A_212 : vector<16xf32>
      %swap3A_214 = arith.index_cast %scan3A_26 : i32 to index
      %swap3A_215 = arith.constant 288 : index
      %swap3A_216 = tpu.vector_load %arg8[%swap3A_214, %swap3A_215] {strides = array<i32>} : memref<16x1024xf32, #tpu.memory_space<vmem>>, vector<16xf32>,
      tpu.vector_store %arg8[%swap3A_214, %swap3A_215], %add3A_213 {strides = array<i32>} : memref<16x1024xf32, #tpu.memory_space<vmem>>, vector<16xf32>,
      %get3A_217 = arith.index_cast %scan3A_26 : i32 to index
      %get3A_218 = arith.constant 304 : index
      %get3A_219 = tpu.vector_load %arg8[%get3A_217, %get3A_218] {strides = array<i32>} : memref<16x1024xf32, #tpu.memory_space<vmem>>, vector<16xf32>,
      %get3A_220 = arith.index_cast %scan3A_26 : i32 to index
      %get3A_221 = arith.constant 304 : index
      %get3A_222 = tpu.vector_load %arg9[%get3A_220, %get3A_221] {strides = array<i32>} : memref<16x1024xf32, #tpu.memory_space<vmem>>, vector<16xf32>,
      %add3A_223 = arith.addf %get3A_219, %get3A_222 : vector<16xf32>
      %swap3A_224 = arith.index_cast %scan3A_26 : i32 to index
      %swap3A_225 = arith.constant 304 : index
      %swap3A_226 = tpu.vector_load %arg8[%swap3A_224, %swap3A_225] {strides = array<i32>} : memref<16x1024xf32, #tpu.memory_space<vmem>>, vector<16xf32>,
      tpu.vector_store %arg8[%swap3A_224, %swap3A_225], %add3A_223 {strides = array<i32>} : memref<16x1024xf32, #tpu.memory_space<vmem>>, vector<16xf32>,
      %get3A_227 = arith.index_cast %scan3A_26 : i32 to index
      %get3A_228 = arith.constant 320 : index
      %get3A_229 = tpu.vector_load %arg8[%get3A_227, %get3A_228] {strides = array<i32>} : memref<16x1024xf32, #tpu.memory_space<vmem>>, vector<16xf32>,
      %get3A_230 = arith.index_cast %scan3A_26 : i32 to index
      %get3A_231 = arith.constant 320 : index
      %get3A_232 = tpu.vector_load %arg9[%get3A_230, %get3A_231] {strides = array<i32>} : memref<16x1024xf32, #tpu.memory_space<vmem>>, vector<16xf32>,
      %add3A_233 = arith.addf %get3A_229, %get3A_232 : vector<16xf32>
      %swap3A_234 = arith.index_cast %scan3A_26 : i32 to index
      %swap3A_235 = arith.constant 320 : index
      %swap3A_236 = tpu.vector_load %arg8[%swap3A_234, %swap3A_235] {strides = array<i32>} : memref<16x1024xf32, #tpu.memory_space<vmem>>, vector<16xf32>,
      tpu.vector_store %arg8[%swap3A_234, %swap3A_235], %add3A_233 {strides = array<i32>} : memref<16x1024xf32, #tpu.memory_space<vmem>>, vector<16xf32>,
      %get3A_237 = arith.index_cast %scan3A_26 : i32 to index
      %get3A_238 = arith.constant 336 : index
      %get3A_239 = tpu.vector_load %arg8[%get3A_237, %get3A_238] {strides = array<i32>} : memref<16x1024xf32, #tpu.memory_space<vmem>>, vector<16xf32>,
      %get3A_240 = arith.index_cast %scan3A_26 : i32 to index
      %get3A_241 = arith.constant 336 : index
      %get3A_242 = tpu.vector_load %arg9[%get3A_240, %get3A_241] {strides = array<i32>} : memref<16x1024xf32, #tpu.memory_space<vmem>>, vector<16xf32>,
      %add3A_243 = arith.addf %get3A_239, %get3A_242 : vector<16xf32>
      %swap3A_244 = arith.index_cast %scan3A_26 : i32 to index
      %swap3A_245 = arith.constant 336 : index
      %swap3A_246 = tpu.vector_load %arg8[%swap3A_244, %swap3A_245] {strides = array<i32>} : memref<16x1024xf32, #tpu.memory_space<vmem>>, vector<16xf32>,
      tpu.vector_store %arg8[%swap3A_244, %swap3A_245], %add3A_243 {strides = array<i32>} : memref<16x1024xf32, #tpu.memory_space<vmem>>, vector<16xf32>,
      %get3A_247 = arith.index_cast %scan3A_26 : i32 to index
      %get3A_248 = arith.constant 352 : index
      %get3A_249 = tpu.vector_load %arg8[%get3A_247, %get3A_248] {strides = array<i32>} : memref<16x1024xf32, #tpu.memory_space<vmem>>, vector<16xf32>,
      %get3A_250 = arith.index_cast %scan3A_26 : i32 to index
      %get3A_251 = arith.constant 352 : index
      %get3A_252 = tpu.vector_load %arg9[%get3A_250, %get3A_251] {strides = array<i32>} : memref<16x1024xf32, #tpu.memory_space<vmem>>, vector<16xf32>,
      %add3A_253 = arith.addf %get3A_249, %get3A_252 : vector<16xf32>
      %swap3A_254 = arith.index_cast %scan3A_26 : i32 to index
      %swap3A_255 = arith.constant 352 : index
      %swap3A_256 = tpu.vector_load %arg8[%swap3A_254, %swap3A_255] {strides = array<i32>} : memref<16x1024xf32, #tpu.memory_space<vmem>>, vector<16xf32>,
      tpu.vector_store %arg8[%swap3A_254, %swap3A_255], %add3A_253 {strides = array<i32>} : memref<16x1024xf32, #tpu.memory_space<vmem>>, vector<16xf32>,
      %get3A_257 = arith.index_cast %scan3A_26 : i32 to index
      %get3A_258 = arith.constant 368 : index
      %get3A_259 = tpu.vector_load %arg8[%get3A_257, %get3A_258] {strides = array<i32>} : memref<16x1024xf32, #tpu.memory_space<vmem>>, vector<16xf32>,
      %get3A_260 = arith.index_cast %scan3A_26 : i32 to index
      %get3A_261 = arith.constant 368 : index
      %get3A_262 = tpu.vector_load %arg9[%get3A_260, %get3A_261] {strides = array<i32>} : memref<16x1024xf32, #tpu.memory_space<vmem>>, vector<16xf32>,
      %add3A_263 = arith.addf %get3A_259, %get3A_262 : vector<16xf32>
      %swap3A_264 = arith.index_cast %scan3A_26 : i32 to index
      %swap3A_265 = arith.constant 368 : index
      %swap3A_266 = tpu.vector_load %arg8[%swap3A_264, %swap3A_265] {strides = array<i32>} : memref<16x1024xf32, #tpu.memory_space<vmem>>, vector<16xf32>,
      tpu.vector_store %arg8[%swap3A_264, %swap3A_265], %add3A_263 {strides = array<i32>} : memref<16x1024xf32, #tpu.memory_space<vmem>>, vector<16xf32>,
      %get3A_267 = arith.index_cast %scan3A_26 : i32 to index
      %get3A_268 = arith.constant 384 : index
      %get3A_269 = tpu.vector_load %arg8[%get3A_267, %get3A_268] {strides = array<i32>} : memref<16x1024xf32, #tpu.memory_space<vmem>>, vector<16xf32>,
      %get3A_270 = arith.index_cast %scan3A_26 : i32 to index
      %get3A_271 = arith.constant 384 : index
      %get3A_272 = tpu.vector_load %arg9[%get3A_270, %get3A_271] {strides = array<i32>} : memref<16x1024xf32, #tpu.memory_space<vmem>>, vector<16xf32>,
      %add3A_273 = arith.addf %get3A_269, %get3A_272 : vector<16xf32>
      %swap3A_274 = arith.index_cast %scan3A_26 : i32 to index
      %swap3A_275 = arith.constant 384 : index
      %swap3A_276 = tpu.vector_load %arg8[%swap3A_274, %swap3A_275] {strides = array<i32>} : memref<16x1024xf32, #tpu.memory_space<vmem>>, vector<16xf32>,
      tpu.vector_store %arg8[%swap3A_274, %swap3A_275], %add3A_273 {strides = array<i32>} : memref<16x1024xf32, #tpu.memory_space<vmem>>, vector<16xf32>,
      %get3A_277 = arith.index_cast %scan3A_26 : i32 to index
      %get3A_278 = arith.constant 400 : index
      %get3A_279 = tpu.vector_load %arg8[%get3A_277, %get3A_278] {strides = array<i32>} : memref<16x1024xf32, #tpu.memory_space<vmem>>, vector<16xf32>,
      %get3A_280 = arith.index_cast %scan3A_26 : i32 to index
      %get3A_281 = arith.constant 400 : index
      %get3A_282 = tpu.vector_load %arg9[%get3A_280, %get3A_281] {strides = array<i32>} : memref<16x1024xf32, #tpu.memory_space<vmem>>, vector<16xf32>,
      %add3A_283 = arith.addf %get3A_279, %get3A_282 : vector<16xf32>
      %swap3A_284 = arith.index_cast %scan3A_26 : i32 to index
      %swap3A_285 = arith.constant 400 : index
      %swap3A_286 = tpu.vector_load %arg8[%swap3A_284, %swap3A_285] {strides = array<i32>} : memref<16x1024xf32, #tpu.memory_space<vmem>>, vector<16xf32>,
      tpu.vector_store %arg8[%swap3A_284, %swap3A_285], %add3A_283 {strides = array<i32>} : memref<16x1024xf32, #tpu.memory_space<vmem>>, vector<16xf32>,
      %get3A_287 = arith.index_cast %scan3A_26 : i32 to index
      %get3A_288 = arith.constant 416 : index
      %get3A_289 = tpu.vector_load %arg8[%get3A_287, %get3A_288] {strides = array<i32>} : memref<16x1024xf32, #tpu.memory_space<vmem>>, vector<16xf32>,
      %get3A_290 = arith.index_cast %scan3A_26 : i32 to index
      %get3A_291 = arith.constant 416 : index
      %get3A_292 = tpu.vector_load %arg9[%get3A_290, %get3A_291] {strides = array<i32>} : memref<16x1024xf32, #tpu.memory_space<vmem>>, vector<16xf32>,
      %add3A_293 = arith.addf %get3A_289, %get3A_292 : vector<16xf32>
      %swap3A_294 = arith.index_cast %scan3A_26 : i32 to index
      %swap3A_295 = arith.constant 416 : index
      %swap3A_296 = tpu.vector_load %arg8[%swap3A_294, %swap3A_295] {strides = array<i32>} : memref<16x1024xf32, #tpu.memory_space<vmem>>, vector<16xf32>,
      tpu.vector_store %arg8[%swap3A_294, %swap3A_295], %add3A_293 {strides = array<i32>} : memref<16x1024xf32, #tpu.memory_space<vmem>>, vector<16xf32>,
      %get3A_297 = arith.index_cast %scan3A_26 : i32 to index
      %get3A_298 = arith.constant 432 : index
      %get3A_299 = tpu.vector_load %arg8[%get3A_297, %get3A_298] {strides = array<i32>} : memref<16x1024xf32, #tpu.memory_space<vmem>>, vector<16xf32>,
      %get3A_300 = arith.index_cast %scan3A_26 : i32 to index
      %get3A_301 = arith.constant 432 : index
      %get3A_302 = tpu.vector_load %arg9[%get3A_300, %get3A_301] {strides = array<i32>} : memref<16x1024xf32, #tpu.memory_space<vmem>>, vector<16xf32>,
      %add3A_303 = arith.addf %get3A_299, %get3A_302 : vector<16xf32>
      %swap3A_304 = arith.index_cast %scan3A_26 : i32 to index
      %swap3A_305 = arith.constant 432 : index
      %swap3A_306 = tpu.vector_load %arg8[%swap3A_304, %swap3A_305] {strides = array<i32>} : memref<16x1024xf32, #tpu.memory_space<vmem>>, vector<16xf32>,
      tpu.vector_store %arg8[%swap3A_304, %swap3A_305], %add3A_303 {strides = array<i32>} : memref<16x1024xf32, #tpu.memory_space<vmem>>, vector<16xf32>,
      %get3A_307 = arith.index_cast %scan3A_26 : i32 to index
      %get3A_308 = arith.constant 448 : index
      %get3A_309 = tpu.vector_load %arg8[%get3A_307, %get3A_308] {strides = array<i32>} : memref<16x1024xf32, #tpu.memory_space<vmem>>, vector<16xf32>,
      %get3A_310 = arith.index_cast %scan3A_26 : i32 to index
      %get3A_311 = arith.constant 448 : index
      %get3A_312 = tpu.vector_load %arg9[%get3A_310, %get3A_311] {strides = array<i32>} : memref<16x1024xf32, #tpu.memory_space<vmem>>, vector<16xf32>,
      %add3A_313 = arith.addf %get3A_309, %get3A_312 : vector<16xf32>
      %swap3A_314 = arith.index_cast %scan3A_26 : i32 to index
      %swap3A_315 = arith.constant 448 : index
      %swap3A_316 = tpu.vector_load %arg8[%swap3A_314, %swap3A_315] {strides = array<i32>} : memref<16x1024xf32, #tpu.memory_space<vmem>>, vector<16xf32>,
      tpu.vector_store %arg8[%swap3A_314, %swap3A_315], %add3A_313 {strides = array<i32>} : memref<16x1024xf32, #tpu.memory_space<vmem>>, vector<16xf32>,
      %get3A_317 = arith.index_cast %scan3A_26 : i32 to index
      %get3A_318 = arith.constant 464 : index
      %get3A_319 = tpu.vector_load %arg8[%get3A_317, %get3A_318] {strides = array<i32>} : memref<16x1024xf32, #tpu.memory_space<vmem>>, vector<16xf32>,
      %get3A_320 = arith.index_cast %scan3A_26 : i32 to index
      %get3A_321 = arith.constant 464 : index
      %get3A_322 = tpu.vector_load %arg9[%get3A_320, %get3A_321] {strides = array<i32>} : memref<16x1024xf32, #tpu.memory_space<vmem>>, vector<16xf32>,
      %add3A_323 = arith.addf %get3A_319, %get3A_322 : vector<16xf32>
      %swap3A_324 = arith.index_cast %scan3A_26 : i32 to index
      %swap3A_325 = arith.constant 464 : index
      %swap3A_326 = tpu.vector_load %arg8[%swap3A_324, %swap3A_325] {strides = array<i32>} : memref<16x1024xf32, #tpu.memory_space<vmem>>, vector<16xf32>,
      tpu.vector_store %arg8[%swap3A_324, %swap3A_325], %add3A_323 {strides = array<i32>} : memref<16x1024xf32, #tpu.memory_space<vmem>>, vector<16xf32>,
      %get3A_327 = arith.index_cast %scan3A_26 : i32 to index
      %get3A_328 = arith.constant 480 : index
      %get3A_329 = tpu.vector_load %arg8[%get3A_327, %get3A_328] {strides = array<i32>} : memref<16x1024xf32, #tpu.memory_space<vmem>>, vector<16xf32>,
      %get3A_330 = arith.index_cast %scan3A_26 : i32 to index
      %get3A_331 = arith.constant 480 : index
      %get3A_332 = tpu.vector_load %arg9[%get3A_330, %get3A_331] {strides = array<i32>} : memref<16x1024xf32, #tpu.memory_space<vmem>>, vector<16xf32>,
      %add3A_333 = arith.addf %get3A_329, %get3A_332 : vector<16xf32>
      %swap3A_334 = arith.index_cast %scan3A_26 : i32 to index
      %swap3A_335 = arith.constant 480 : index
      %swap3A_336 = tpu.vector_load %arg8[%swap3A_334, %swap3A_335] {strides = array<i32>} : memref<16x1024xf32, #tpu.memory_space<vmem>>, vector<16xf32>,
      tpu.vector_store %arg8[%swap3A_334, %swap3A_335], %add3A_333 {strides = array<i32>} : memref<16x1024xf32, #tpu.memory_space<vmem>>, vector<16xf32>,
      %get3A_337 = arith.index_cast %scan3A_26 : i32 to index
      %get3A_338 = arith.constant 496 : index
      %get3A_339 = tpu.vector_load %arg8[%get3A_337, %get3A_338] {strides = array<i32>} : memref<16x1024xf32, #tpu.memory_space<vmem>>, vector<16xf32>,
      %get3A_340 = arith.index_cast %scan3A_26 : i32 to index
      %get3A_341 = arith.constant 496 : index
      %get3A_342 = tpu.vector_load %arg9[%get3A_340, %get3A_341] {strides = array<i32>} : memref<16x1024xf32, #tpu.memory_space<vmem>>, vector<16xf32>,
      %add3A_343 = arith.addf %get3A_339, %get3A_342 : vector<16xf32>
      %swap3A_344 = arith.index_cast %scan3A_26 : i32 to index
      %swap3A_345 = arith.constant 496 : index
      %swap3A_346 = tpu.vector_load %arg8[%swap3A_344, %swap3A_345] {strides = array<i32>} : memref<16x1024xf32, #tpu.memory_space<vmem>>, vector<16xf32>,
      tpu.vector_store %arg8[%swap3A_344, %swap3A_345], %add3A_343 {strides = array<i32>} : memref<16x1024xf32, #tpu.memory_space<vmem>>, vector<16xf32>,
      %get3A_347 = arith.index_cast %scan3A_26 : i32 to index
      %get3A_348 = arith.constant 512 : index
      %get3A_349 = tpu.vector_load %arg8[%get3A_347, %get3A_348] {strides = array<i32>} : memref<16x1024xf32, #tpu.memory_space<vmem>>, vector<16xf32>,
      %get3A_350 = arith.index_cast %scan3A_26 : i32 to index
      %get3A_351 = arith.constant 512 : index
      %get3A_352 = tpu.vector_load %arg9[%get3A_350, %get3A_351] {strides = array<i32>} : memref<16x1024xf32, #tpu.memory_space<vmem>>, vector<16xf32>,
      %add3A_353 = arith.addf %get3A_349, %get3A_352 : vector<16xf32>
      %swap3A_354 = arith.index_cast %scan3A_26 : i32 to index
      %swap3A_355 = arith.constant 512 : index
      %swap3A_356 = tpu.vector_load %arg8[%swap3A_354, %swap3A_355] {strides = array<i32>} : memref<16x1024xf32, #tpu.memory_space<vmem>>, vector<16xf32>,
      tpu.vector_store %arg8[%swap3A_354, %swap3A_355], %add3A_353 {strides = array<i32>} : memref<16x1024xf32, #tpu.memory_space<vmem>>, vector<16xf32>,
      %get3A_357 = arith.index_cast %scan3A_26 : i32 to index
      %get3A_358 = arith.constant 528 : index
      %get3A_359 = tpu.vector_load %arg8[%get3A_357, %get3A_358] {strides = array<i32>} : memref<16x1024xf32, #tpu.memory_space<vmem>>, vector<16xf32>,
      %get3A_360 = arith.index_cast %scan3A_26 : i32 to index
      %get3A_361 = arith.constant 528 : index
      %get3A_362 = tpu.vector_load %arg9[%get3A_360, %get3A_361] {strides = array<i32>} : memref<16x1024xf32, #tpu.memory_space<vmem>>, vector<16xf32>,
      %add3A_363 = arith.addf %get3A_359, %get3A_362 : vector<16xf32>
      %swap3A_364 = arith.index_cast %scan3A_26 : i32 to index
      %swap3A_365 = arith.constant 528 : index
      %swap3A_366 = tpu.vector_load %arg8[%swap3A_364, %swap3A_365] {strides = array<i32>} : memref<16x1024xf32, #tpu.memory_space<vmem>>, vector<16xf32>,
      tpu.vector_store %arg8[%swap3A_364, %swap3A_365], %add3A_363 {strides = array<i32>} : memref<16x1024xf32, #tpu.memory_space<vmem>>, vector<16xf32>,
      %get3A_367 = arith.index_cast %scan3A_26 : i32 to index
      %get3A_368 = arith.constant 544 : index
      %get3A_369 = tpu.vector_load %arg8[%get3A_367, %get3A_368] {strides = array<i32>} : memref<16x1024xf32, #tpu.memory_space<vmem>>, vector<16xf32>,
      %get3A_370 = arith.index_cast %scan3A_26 : i32 to index
      %get3A_371 = arith.constant 544 : index
      %get3A_372 = tpu.vector_load %arg9[%get3A_370, %get3A_371] {strides = array<i32>} : memref<16x1024xf32, #tpu.memory_space<vmem>>, vector<16xf32>,
      %add3A_373 = arith.addf %get3A_369, %get3A_372 : vector<16xf32>
      %swap3A_374 = arith.index_cast %scan3A_26 : i32 to index
      %swap3A_375 = arith.constant 544 : index
      %swap3A_376 = tpu.vector_load %arg8[%swap3A_374, %swap3A_375] {strides = array<i32>} : memref<16x1024xf32, #tpu.memory_space<vmem>>, vector<16xf32>,
      tpu.vector_store %arg8[%swap3A_374, %swap3A_375], %add3A_373 {strides = array<i32>} : memref<16x1024xf32, #tpu.memory_space<vmem>>, vector<16xf32>,
      %get3A_377 = arith.index_cast %scan3A_26 : i32 to index
      %get3A_378 = arith.constant 560 : index
      %get3A_379 = tpu.vector_load %arg8[%get3A_377, %get3A_378] {strides = array<i32>} : memref<16x1024xf32, #tpu.memory_space<vmem>>, vector<16xf32>,
      %get3A_380 = arith.index_cast %scan3A_26 : i32 to index
      %get3A_381 = arith.constant 560 : index
      %get3A_382 = tpu.vector_load %arg9[%get3A_380, %get3A_381] {strides = array<i32>} : memref<16x1024xf32, #tpu.memory_space<vmem>>, vector<16xf32>,
      %add3A_383 = arith.addf %get3A_379, %get3A_382 : vector<16xf32>
      %swap3A_384 = arith.index_cast %scan3A_26 : i32 to index
      %swap3A_385 = arith.constant 560 : index
      %swap3A_386 = tpu.vector_load %arg8[%swap3A_384, %swap3A_385] {strides = array<i32>} : memref<16x1024xf32, #tpu.memory_space<vmem>>, vector<16xf32>,
      tpu.vector_store %arg8[%swap3A_384, %swap3A_385], %add3A_383 {strides = array<i32>} : memref<16x1024xf32, #tpu.memory_space<vmem>>, vector<16xf32>,
      %get3A_387 = arith.index_cast %scan3A_26 : i32 to index
      %get3A_388 = arith.constant 576 : index
      %get3A_389 = tpu.vector_load %arg8[%get3A_387, %get3A_388] {strides = array<i32>} : memref<16x1024xf32, #tpu.memory_space<vmem>>, vector<16xf32>,
      %get3A_390 = arith.index_cast %scan3A_26 : i32 to index
      %get3A_391 = arith.constant 576 : index
      %get3A_392 = tpu.vector_load %arg9[%get3A_390, %get3A_391] {strides = array<i32>} : memref<16x1024xf32, #tpu.memory_space<vmem>>, vector<16xf32>,
      %add3A_393 = arith.addf %get3A_389, %get3A_392 : vector<16xf32>
      %swap3A_394 = arith.index_cast %scan3A_26 : i32 to index
      %swap3A_395 = arith.constant 576 : index
      %swap3A_396 = tpu.vector_load %arg8[%swap3A_394, %swap3A_395] {strides = array<i32>} : memref<16x1024xf32, #tpu.memory_space<vmem>>, vector<16xf32>,
      tpu.vector_store %arg8[%swap3A_394, %swap3A_395], %add3A_393 {strides = array<i32>} : memref<16x1024xf32, #tpu.memory_space<vmem>>, vector<16xf32>,
      %get3A_397 = arith.index_cast %scan3A_26 : i32 to index
      %get3A_398 = arith.constant 592 : index
      %get3A_399 = tpu.vector_load %arg8[%get3A_397, %get3A_398] {strides = array<i32>} : memref<16x1024xf32, #tpu.memory_space<vmem>>, vector<16xf32>,
      %get3A_400 = arith.index_cast %scan3A_26 : i32 to index
      %get3A_401 = arith.constant 592 : index
      %get3A_402 = tpu.vector_load %arg9[%get3A_400, %get3A_401] {strides = array<i32>} : memref<16x1024xf32, #tpu.memory_space<vmem>>, vector<16xf32>,
      %add3A_403 = arith.addf %get3A_399, %get3A_402 : vector<16xf32>
      %swap3A_404 = arith.index_cast %scan3A_26 : i32 to index
      %swap3A_405 = arith.constant 592 : index
      %swap3A_406 = tpu.vector_load %arg8[%swap3A_404, %swap3A_405] {strides = array<i32>} : memref<16x1024xf32, #tpu.memory_space<vmem>>, vector<16xf32>,
      tpu.vector_store %arg8[%swap3A_404, %swap3A_405], %add3A_403 {strides = array<i32>} : memref<16x1024xf32, #tpu.memory_space<vmem>>, vector<16xf32>,
      %get3A_407 = arith.index_cast %scan3A_26 : i32 to index
      %get3A_408 = arith.constant 608 : index
      %get3A_409 = tpu.vector_load %arg8[%get3A_407, %get3A_408] {strides = array<i32>} : memref<16x1024xf32, #tpu.memory_space<vmem>>, vector<16xf32>,
      %get3A_410 = arith.index_cast %scan3A_26 : i32 to index
      %get3A_411 = arith.constant 608 : index
      %get3A_412 = tpu.vector_load %arg9[%get3A_410, %get3A_411] {strides = array<i32>} : memref<16x1024xf32, #tpu.memory_space<vmem>>, vector<16xf32>,
      %add3A_413 = arith.addf %get3A_409, %get3A_412 : vector<16xf32>
      %swap3A_414 = arith.index_cast %scan3A_26 : i32 to index
      %swap3A_415 = arith.constant 608 : index
      %swap3A_416 = tpu.vector_load %arg8[%swap3A_414, %swap3A_415] {strides = array<i32>} : memref<16x1024xf32, #tpu.memory_space<vmem>>, vector<16xf32>,
      tpu.vector_store %arg8[%swap3A_414, %swap3A_415], %add3A_413 {strides = array<i32>} : memref<16x1024xf32, #tpu.memory_space<vmem>>, vector<16xf32>,
      %get3A_417 = arith.index_cast %scan3A_26 : i32 to index
      %get3A_418 = arith.constant 624 : index
      %get3A_419 = tpu.vector_load %arg8[%get3A_417, %get3A_418] {strides = array<i32>} : memref<16x1024xf32, #tpu.memory_space<vmem>>, vector<16xf32>,
      %get3A_420 = arith.index_cast %scan3A_26 : i32 to index
      %get3A_421 = arith.constant 624 : index
      %get3A_422 = tpu.vector_load %arg9[%get3A_420, %get3A_421] {strides = array<i32>} : memref<16x1024xf32, #tpu.memory_space<vmem>>, vector<16xf32>,
      %add3A_423 = arith.addf %get3A_419, %get3A_422 : vector<16xf32>
      %swap3A_424 = arith.index_cast %scan3A_26 : i32 to index
      %swap3A_425 = arith.constant 624 : index
      %swap3A_426 = tpu.vector_load %arg8[%swap3A_424, %swap3A_425] {strides = array<i32>} : memref<16x1024xf32, #tpu.memory_space<vmem>>, vector<16xf32>,
      tpu.vector_store %arg8[%swap3A_424, %swap3A_425], %add3A_423 {strides = array<i32>} : memref<16x1024xf32, #tpu.memory_space<vmem>>, vector<16xf32>,
      %get3A_427 = arith.index_cast %scan3A_26 : i32 to index
      %get3A_428 = arith.constant 640 : index
      %get3A_429 = tpu.vector_load %arg8[%get3A_427, %get3A_428] {strides = array<i32>} : memref<16x1024xf32, #tpu.memory_space<vmem>>, vector<16xf32>,
      %get3A_430 = arith.index_cast %scan3A_26 : i32 to index
      %get3A_431 = arith.constant 640 : index
      %get3A_432 = tpu.vector_load %arg9[%get3A_430, %get3A_431] {strides = array<i32>} : memref<16x1024xf32, #tpu.memory_space<vmem>>, vector<16xf32>,
      %add3A_433 = arith.addf %get3A_429, %get3A_432 : vector<16xf32>
      %swap3A_434 = arith.index_cast %scan3A_26 : i32 to index
      %swap3A_435 = arith.constant 640 : index
      %swap3A_436 = tpu.vector_load %arg8[%swap3A_434, %swap3A_435] {strides = array<i32>} : memref<16x1024xf32, #tpu.memory_space<vmem>>, vector<16xf32>,
      tpu.vector_store %arg8[%swap3A_434, %swap3A_435], %add3A_433 {strides = array<i32>} : memref<16x1024xf32, #tpu.memory_space<vmem>>, vector<16xf32>,
      %get3A_437 = arith.index_cast %scan3A_26 : i32 to index
      %get3A_438 = arith.constant 656 : index
      %get3A_439 = tpu.vector_load %arg8[%get3A_437, %get3A_438] {strides = array<i32>} : memref<16x1024xf32, #tpu.memory_space<vmem>>, vector<16xf32>,
      %get3A_440 = arith.index_cast %scan3A_26 : i32 to index
      %get3A_441 = arith.constant 656 : index
      %get3A_442 = tpu.vector_load %arg9[%get3A_440, %get3A_441] {strides = array<i32>} : memref<16x1024xf32, #tpu.memory_space<vmem>>, vector<16xf32>,
      %add3A_443 = arith.addf %get3A_439, %get3A_442 : vector<16xf32>
      %swap3A_444 = arith.index_cast %scan3A_26 : i32 to index
      %swap3A_445 = arith.constant 656 : index
      %swap3A_446 = tpu.vector_load %arg8[%swap3A_444, %swap3A_445] {strides = array<i32>} : memref<16x1024xf32, #tpu.memory_space<vmem>>, vector<16xf32>,
      tpu.vector_store %arg8[%swap3A_444, %swap3A_445], %add3A_443 {strides = array<i32>} : memref<16x1024xf32, #tpu.memory_space<vmem>>, vector<16xf32>,
      %get3A_447 = arith.index_cast %scan3A_26 : i32 to index
      %get3A_448 = arith.constant 672 : index
      %get3A_449 = tpu.vector_load %arg8[%get3A_447, %get3A_448] {strides = array<i32>} : memref<16x1024xf32, #tpu.memory_space<vmem>>, vector<16xf32>,
      %get3A_450 = arith.index_cast %scan3A_26 : i32 to index
      %get3A_451 = arith.constant 672 : index
      %get3A_452 = tpu.vector_load %arg9[%get3A_450, %get3A_451] {strides = array<i32>} : memref<16x1024xf32, #tpu.memory_space<vmem>>, vector<16xf32>,
      %add3A_453 = arith.addf %get3A_449, %get3A_452 : vector<16xf32>
      %swap3A_454 = arith.index_cast %scan3A_26 : i32 to index
      %swap3A_455 = arith.constant 672 : index
      %swap3A_456 = tpu.vector_load %arg8[%swap3A_454, %swap3A_455] {strides = array<i32>} : memref<16x1024xf32, #tpu.memory_space<vmem>>, vector<16xf32>,
      tpu.vector_store %arg8[%swap3A_454, %swap3A_455], %add3A_453 {strides = array<i32>} : memref<16x1024xf32, #tpu.memory_space<vmem>>, vector<16xf32>,
      %get3A_457 = arith.index_cast %scan3A_26 : i32 to index
      %get3A_458 = arith.constant 688 : index
      %get3A_459 = tpu.vector_load %arg8[%get3A_457, %get3A_458] {strides = array<i32>} : memref<16x1024xf32, #tpu.memory_space<vmem>>, vector<16xf32>,
      %get3A_460 = arith.index_cast %scan3A_26 : i32 to index
      %get3A_461 = arith.constant 688 : index
      %get3A_462 = tpu.vector_load %arg9[%get3A_460, %get3A_461] {strides = array<i32>} : memref<16x1024xf32, #tpu.memory_space<vmem>>, vector<16xf32>,
      %add3A_463 = arith.addf %get3A_459, %get3A_462 : vector<16xf32>
      %swap3A_464 = arith.index_cast %scan3A_26 : i32 to index
      %swap3A_465 = arith.constant 688 : index
      %swap3A_466 = tpu.vector_load %arg8[%swap3A_464, %swap3A_465] {strides = array<i32>} : memref<16x1024xf32, #tpu.memory_space<vmem>>, vector<16xf32>,
      tpu.vector_store %arg8[%swap3A_464, %swap3A_465], %add3A_463 {strides = array<i32>} : memref<16x1024xf32, #tpu.memory_space<vmem>>, vector<16xf32>,
      %get3A_467 = arith.index_cast %scan3A_26 : i32 to index
      %get3A_468 = arith.constant 704 : index
      %get3A_469 = tpu.vector_load %arg8[%get3A_467, %get3A_468] {strides = array<i32>} : memref<16x1024xf32, #tpu.memory_space<vmem>>, vector<16xf32>,
      %get3A_470 = arith.index_cast %scan3A_26 : i32 to index
      %get3A_471 = arith.constant 704 : index
      %get3A_472 = tpu.vector_load %arg9[%get3A_470, %get3A_471] {strides = array<i32>} : memref<16x1024xf32, #tpu.memory_space<vmem>>, vector<16xf32>,
      %add3A_473 = arith.addf %get3A_469, %get3A_472 : vector<16xf32>
      %swap3A_474 = arith.index_cast %scan3A_26 : i32 to index
      %swap3A_475 = arith.constant 704 : index
      %swap3A_476 = tpu.vector_load %arg8[%swap3A_474, %swap3A_475] {strides = array<i32>} : memref<16x1024xf32, #tpu.memory_space<vmem>>, vector<16xf32>,
      tpu.vector_store %arg8[%swap3A_474, %swap3A_475], %add3A_473 {strides = array<i32>} : memref<16x1024xf32, #tpu.memory_space<vmem>>, vector<16xf32>,
      %get3A_477 = arith.index_cast %scan3A_26 : i32 to index
      %get3A_478 = arith.constant 720 : index
      %get3A_479 = tpu.vector_load %arg8[%get3A_477, %get3A_478] {strides = array<i32>} : memref<16x1024xf32, #tpu.memory_space<vmem>>, vector<16xf32>,
      %get3A_480 = arith.index_cast %scan3A_26 : i32 to index
      %get3A_481 = arith.constant 720 : index
      %get3A_482 = tpu.vector_load %arg9[%get3A_480, %get3A_481] {strides = array<i32>} : memref<16x1024xf32, #tpu.memory_space<vmem>>, vector<16xf32>,
      %add3A_483 = arith.addf %get3A_479, %get3A_482 : vector<16xf32>
      %swap3A_484 = arith.index_cast %scan3A_26 : i32 to index
      %swap3A_485 = arith.constant 720 : index
      %swap3A_486 = tpu.vector_load %arg8[%swap3A_484, %swap3A_485] {strides = array<i32>} : memref<16x1024xf32, #tpu.memory_space<vmem>>, vector<16xf32>,
      tpu.vector_store %arg8[%swap3A_484, %swap3A_485], %add3A_483 {strides = array<i32>} : memref<16x1024xf32, #tpu.memory_space<vmem>>, vector<16xf32>,
      %get3A_487 = arith.index_cast %scan3A_26 : i32 to index
      %get3A_488 = arith.constant 736 : index
      %get3A_489 = tpu.vector_load %arg8[%get3A_487, %get3A_488] {strides = array<i32>} : memref<16x1024xf32, #tpu.memory_space<vmem>>, vector<16xf32>,
      %get3A_490 = arith.index_cast %scan3A_26 : i32 to index
      %get3A_491 = arith.constant 736 : index
      %get3A_492 = tpu.vector_load %arg9[%get3A_490, %get3A_491] {strides = array<i32>} : memref<16x1024xf32, #tpu.memory_space<vmem>>, vector<16xf32>,
      %add3A_493 = arith.addf %get3A_489, %get3A_492 : vector<16xf32>
      %swap3A_494 = arith.index_cast %scan3A_26 : i32 to index
      %swap3A_495 = arith.constant 736 : index
      %swap3A_496 = tpu.vector_load %arg8[%swap3A_494, %swap3A_495] {strides = array<i32>} : memref<16x1024xf32, #tpu.memory_space<vmem>>, vector<16xf32>,
      tpu.vector_store %arg8[%swap3A_494, %swap3A_495], %add3A_493 {strides = array<i32>} : memref<16x1024xf32, #tpu.memory_space<vmem>>, vector<16xf32>,
      %get3A_497 = arith.index_cast %scan3A_26 : i32 to index
      %get3A_498 = arith.constant 752 : index
      %get3A_499 = tpu.vector_load %arg8[%get3A_497, %get3A_498] {strides = array<i32>} : memref<16x1024xf32, #tpu.memory_space<vmem>>, vector<16xf32>,
      %get3A_500 = arith.index_cast %scan3A_26 : i32 to index
      %get3A_501 = arith.constant 752 : index
      %get3A_502 = tpu.vector_load %arg9[%get3A_500, %get3A_501] {strides = array<i32>} : memref<16x1024xf32, #tpu.memory_space<vmem>>, vector<16xf32>,
      %add3A_503 = arith.addf %get3A_499, %get3A_502 : vector<16xf32>
      %swap3A_504 = arith.index_cast %scan3A_26 : i32 to index
      %swap3A_505 = arith.constant 752 : index
      %swap3A_506 = tpu.vector_load %arg8[%swap3A_504, %swap3A_505] {strides = array<i32>} : memref<16x1024xf32, #tpu.memory_space<vmem>>, vector<16xf32>,
      tpu.vector_store %arg8[%swap3A_504, %swap3A_505], %add3A_503 {strides = array<i32>} : memref<16x1024xf32, #tpu.memory_space<vmem>>, vector<16xf32>,
      %get3A_507 = arith.index_cast %scan3A_26 : i32 to index
      %get3A_508 = arith.constant 768 : index
      %get3A_509 = tpu.vector_load %arg8[%get3A_507, %get3A_508] {strides = array<i32>} : memref<16x1024xf32, #tpu.memory_space<vmem>>, vector<16xf32>,
      %get3A_510 = arith.index_cast %scan3A_26 : i32 to index
      %get3A_511 = arith.constant 768 : index
      %get3A_512 = tpu.vector_load %arg9[%get3A_510, %get3A_511] {strides = array<i32>} : memref<16x1024xf32, #tpu.memory_space<vmem>>, vector<16xf32>,
      %add3A_513 = arith.addf %get3A_509, %get3A_512 : vector<16xf32>
      %swap3A_514 = arith.index_cast %scan3A_26 : i32 to index
      %swap3A_515 = arith.constant 768 : index
      %swap3A_516 = tpu.vector_load %arg8[%swap3A_514, %swap3A_515] {strides = array<i32>} : memref<16x1024xf32, #tpu.memory_space<vmem>>, vector<16xf32>,
      tpu.vector_store %arg8[%swap3A_514, %swap3A_515], %add3A_513 {strides = array<i32>} : memref<16x1024xf32, #tpu.memory_space<vmem>>, vector<16xf32>,
      %get3A_517 = arith.index_cast %scan3A_26 : i32 to index
      %get3A_518 = arith.constant 784 : index
      %get3A_519 = tpu.vector_load %arg8[%get3A_517, %get3A_518] {strides = array<i32>} : memref<16x1024xf32, #tpu.memory_space<vmem>>, vector<16xf32>,
      %get3A_520 = arith.index_cast %scan3A_26 : i32 to index
      %get3A_521 = arith.constant 784 : index
      %get3A_522 = tpu.vector_load %arg9[%get3A_520, %get3A_521] {strides = array<i32>} : memref<16x1024xf32, #tpu.memory_space<vmem>>, vector<16xf32>,
      %add3A_523 = arith.addf %get3A_519, %get3A_522 : vector<16xf32>
      %swap3A_524 = arith.index_cast %scan3A_26 : i32 to index
      %swap3A_525 = arith.constant 784 : index
      %swap3A_526 = tpu.vector_load %arg8[%swap3A_524, %swap3A_525] {strides = array<i32>} : memref<16x1024xf32, #tpu.memory_space<vmem>>, vector<16xf32>,
      tpu.vector_store %arg8[%swap3A_524, %swap3A_525], %add3A_523 {strides = array<i32>} : memref<16x1024xf32, #tpu.memory_space<vmem>>, vector<16xf32>,
      %get3A_527 = arith.index_cast %scan3A_26 : i32 to index
      %get3A_528 = arith.constant 800 : index
      %get3A_529 = tpu.vector_load %arg8[%get3A_527, %get3A_528] {strides = array<i32>} : memref<16x1024xf32, #tpu.memory_space<vmem>>, vector<16xf32>,
      %get3A_530 = arith.index_cast %scan3A_26 : i32 to index
      %get3A_531 = arith.constant 800 : index
      %get3A_532 = tpu.vector_load %arg9[%get3A_530, %get3A_531] {strides = array<i32>} : memref<16x1024xf32, #tpu.memory_space<vmem>>, vector<16xf32>,
      %add3A_533 = arith.addf %get3A_529, %get3A_532 : vector<16xf32>
      %swap3A_534 = arith.index_cast %scan3A_26 : i32 to index
      %swap3A_535 = arith.constant 800 : index
      %swap3A_536 = tpu.vector_load %arg8[%swap3A_534, %swap3A_535] {strides = array<i32>} : memref<16x1024xf32, #tpu.memory_space<vmem>>, vector<16xf32>,
      tpu.vector_store %arg8[%swap3A_534, %swap3A_535], %add3A_533 {strides = array<i32>} : memref<16x1024xf32, #tpu.memory_space<vmem>>, vector<16xf32>,
      %get3A_537 = arith.index_cast %scan3A_26 : i32 to index
      %get3A_538 = arith.constant 816 : index
      %get3A_539 = tpu.vector_load %arg8[%get3A_537, %get3A_538] {strides = array<i32>} : memref<16x1024xf32, #tpu.memory_space<vmem>>, vector<16xf32>,
      %get3A_540 = arith.index_cast %scan3A_26 : i32 to index
      %get3A_541 = arith.constant 816 : index
      %get3A_542 = tpu.vector_load %arg9[%get3A_540, %get3A_541] {strides = array<i32>} : memref<16x1024xf32, #tpu.memory_space<vmem>>, vector<16xf32>,
      %add3A_543 = arith.addf %get3A_539, %get3A_542 : vector<16xf32>
      %swap3A_544 = arith.index_cast %scan3A_26 : i32 to index
      %swap3A_545 = arith.constant 816 : index
      %swap3A_546 = tpu.vector_load %arg8[%swap3A_544, %swap3A_545] {strides = array<i32>} : memref<16x1024xf32, #tpu.memory_space<vmem>>, vector<16xf32>,
      tpu.vector_store %arg8[%swap3A_544, %swap3A_545], %add3A_543 {strides = array<i32>} : memref<16x1024xf32, #tpu.memory_space<vmem>>, vector<16xf32>,
      %get3A_547 = arith.index_cast %scan3A_26 : i32 to index
      %get3A_548 = arith.constant 832 : index
      %get3A_549 = tpu.vector_load %arg8[%get3A_547, %get3A_548] {strides = array<i32>} : memref<16x1024xf32, #tpu.memory_space<vmem>>, vector<16xf32>,
      %get3A_550 = arith.index_cast %scan3A_26 : i32 to index
      %get3A_551 = arith.constant 832 : index
      %get3A_552 = tpu.vector_load %arg9[%get3A_550, %get3A_551] {strides = array<i32>} : memref<16x1024xf32, #tpu.memory_space<vmem>>, vector<16xf32>,
      %add3A_553 = arith.addf %get3A_549, %get3A_552 : vector<16xf32>
      %swap3A_554 = arith.index_cast %scan3A_26 : i32 to index
      %swap3A_555 = arith.constant 832 : index
      %swap3A_556 = tpu.vector_load %arg8[%swap3A_554, %swap3A_555] {strides = array<i32>} : memref<16x1024xf32, #tpu.memory_space<vmem>>, vector<16xf32>,
      tpu.vector_store %arg8[%swap3A_554, %swap3A_555], %add3A_553 {strides = array<i32>} : memref<16x1024xf32, #tpu.memory_space<vmem>>, vector<16xf32>,
      %get3A_557 = arith.index_cast %scan3A_26 : i32 to index
      %get3A_558 = arith.constant 848 : index
      %get3A_559 = tpu.vector_load %arg8[%get3A_557, %get3A_558] {strides = array<i32>} : memref<16x1024xf32, #tpu.memory_space<vmem>>, vector<16xf32>,
      %get3A_560 = arith.index_cast %scan3A_26 : i32 to index
      %get3A_561 = arith.constant 848 : index
      %get3A_562 = tpu.vector_load %arg9[%get3A_560, %get3A_561] {strides = array<i32>} : memref<16x1024xf32, #tpu.memory_space<vmem>>, vector<16xf32>,
      %add3A_563 = arith.addf %get3A_559, %get3A_562 : vector<16xf32>
      %swap3A_564 = arith.index_cast %scan3A_26 : i32 to index
      %swap3A_565 = arith.constant 848 : index
      %swap3A_566 = tpu.vector_load %arg8[%swap3A_564, %swap3A_565] {strides = array<i32>} : memref<16x1024xf32, #tpu.memory_space<vmem>>, vector<16xf32>,
      tpu.vector_store %arg8[%swap3A_564, %swap3A_565], %add3A_563 {strides = array<i32>} : memref<16x1024xf32, #tpu.memory_space<vmem>>, vector<16xf32>,
      %get3A_567 = arith.index_cast %scan3A_26 : i32 to index
      %get3A_568 = arith.constant 864 : index
      %get3A_569 = tpu.vector_load %arg8[%get3A_567, %get3A_568] {strides = array<i32>} : memref<16x1024xf32, #tpu.memory_space<vmem>>, vector<16xf32>,
      %get3A_570 = arith.index_cast %scan3A_26 : i32 to index
      %get3A_571 = arith.constant 864 : index
      %get3A_572 = tpu.vector_load %arg9[%get3A_570, %get3A_571] {strides = array<i32>} : memref<16x1024xf32, #tpu.memory_space<vmem>>, vector<16xf32>,
      %add3A_573 = arith.addf %get3A_569, %get3A_572 : vector<16xf32>
      %swap3A_574 = arith.index_cast %scan3A_26 : i32 to index
      %swap3A_575 = arith.constant 864 : index
      %swap3A_576 = tpu.vector_load %arg8[%swap3A_574, %swap3A_575] {strides = array<i32>} : memref<16x1024xf32, #tpu.memory_space<vmem>>, vector<16xf32>,
      tpu.vector_store %arg8[%swap3A_574, %swap3A_575], %add3A_573 {strides = array<i32>} : memref<16x1024xf32, #tpu.memory_space<vmem>>, vector<16xf32>,
      %get3A_577 = arith.index_cast %scan3A_26 : i32 to index
      %get3A_578 = arith.constant 880 : index
      %get3A_579 = tpu.vector_load %arg8[%get3A_577, %get3A_578] {strides = array<i32>} : memref<16x1024xf32, #tpu.memory_space<vmem>>, vector<16xf32>,
      %get3A_580 = arith.index_cast %scan3A_26 : i32 to index
      %get3A_581 = arith.constant 880 : index
      %get3A_582 = tpu.vector_load %arg9[%get3A_580, %get3A_581] {strides = array<i32>} : memref<16x1024xf32, #tpu.memory_space<vmem>>, vector<16xf32>,
      %add3A_583 = arith.addf %get3A_579, %get3A_582 : vector<16xf32>
      %swap3A_584 = arith.index_cast %scan3A_26 : i32 to index
      %swap3A_585 = arith.constant 880 : index
      %swap3A_586 = tpu.vector_load %arg8[%swap3A_584, %swap3A_585] {strides = array<i32>} : memref<16x1024xf32, #tpu.memory_space<vmem>>, vector<16xf32>,
      tpu.vector_store %arg8[%swap3A_584, %swap3A_585], %add3A_583 {strides = array<i32>} : memref<16x1024xf32, #tpu.memory_space<vmem>>, vector<16xf32>,
      %get3A_587 = arith.index_cast %scan3A_26 : i32 to index
      %get3A_588 = arith.constant 896 : index
      %get3A_589 = tpu.vector_load %arg8[%get3A_587, %get3A_588] {strides = array<i32>} : memref<16x1024xf32, #tpu.memory_space<vmem>>, vector<16xf32>,
      %get3A_590 = arith.index_cast %scan3A_26 : i32 to index
      %get3A_591 = arith.constant 896 : index
      %get3A_592 = tpu.vector_load %arg9[%get3A_590, %get3A_591] {strides = array<i32>} : memref<16x1024xf32, #tpu.memory_space<vmem>>, vector<16xf32>,
      %add3A_593 = arith.addf %get3A_589, %get3A_592 : vector<16xf32>
      %swap3A_594 = arith.index_cast %scan3A_26 : i32 to index
      %swap3A_595 = arith.constant 896 : index
      %swap3A_596 = tpu.vector_load %arg8[%swap3A_594, %swap3A_595] {strides = array<i32>} : memref<16x1024xf32, #tpu.memory_space<vmem>>, vector<16xf32>,
      tpu.vector_store %arg8[%swap3A_594, %swap3A_595], %add3A_593 {strides = array<i32>} : memref<16x1024xf32, #tpu.memory_space<vmem>>, vector<16xf32>,
      %get3A_597 = arith.index_cast %scan3A_26 : i32 to index
      %get3A_598 = arith.constant 912 : index
      %get3A_599 = tpu.vector_load %arg8[%get3A_597, %get3A_598] {strides = array<i32>} : memref<16x1024xf32, #tpu.memory_space<vmem>>, vector<16xf32>,
      %get3A_600 = arith.index_cast %scan3A_26 : i32 to index
      %get3A_601 = arith.constant 912 : index
      %get3A_602 = tpu.vector_load %arg9[%get3A_600, %get3A_601] {strides = array<i32>} : memref<16x1024xf32, #tpu.memory_space<vmem>>, vector<16xf32>,
      %add3A_603 = arith.addf %get3A_599, %get3A_602 : vector<16xf32>
      %swap3A_604 = arith.index_cast %scan3A_26 : i32 to index
      %swap3A_605 = arith.constant 912 : index
      %swap3A_606 = tpu.vector_load %arg8[%swap3A_604, %swap3A_605] {strides = array<i32>} : memref<16x1024xf32, #tpu.memory_space<vmem>>, vector<16xf32>,
      tpu.vector_store %arg8[%swap3A_604, %swap3A_605], %add3A_603 {strides = array<i32>} : memref<16x1024xf32, #tpu.memory_space<vmem>>, vector<16xf32>,
      %get3A_607 = arith.index_cast %scan3A_26 : i32 to index
      %get3A_608 = arith.constant 928 : index
      %get3A_609 = tpu.vector_load %arg8[%get3A_607, %get3A_608] {strides = array<i32>} : memref<16x1024xf32, #tpu.memory_space<vmem>>, vector<16xf32>,
      %get3A_610 = arith.index_cast %scan3A_26 : i32 to index
      %get3A_611 = arith.constant 928 : index
      %get3A_612 = tpu.vector_load %arg9[%get3A_610, %get3A_611] {strides = array<i32>} : memref<16x1024xf32, #tpu.memory_space<vmem>>, vector<16xf32>,
      %add3A_613 = arith.addf %get3A_609, %get3A_612 : vector<16xf32>
      %swap3A_614 = arith.index_cast %scan3A_26 : i32 to index
      %swap3A_615 = arith.constant 928 : index
      %swap3A_616 = tpu.vector_load %arg8[%swap3A_614, %swap3A_615] {strides = array<i32>} : memref<16x1024xf32, #tpu.memory_space<vmem>>, vector<16xf32>,
      tpu.vector_store %arg8[%swap3A_614, %swap3A_615], %add3A_613 {strides = array<i32>} : memref<16x1024xf32, #tpu.memory_space<vmem>>, vector<16xf32>,
      %get3A_617 = arith.index_cast %scan3A_26 : i32 to index
      %get3A_618 = arith.constant 944 : index
      %get3A_619 = tpu.vector_load %arg8[%get3A_617, %get3A_618] {strides = array<i32>} : memref<16x1024xf32, #tpu.memory_space<vmem>>, vector<16xf32>,
      %get3A_620 = arith.index_cast %scan3A_26 : i32 to index
      %get3A_621 = arith.constant 944 : index
      %get3A_622 = tpu.vector_load %arg9[%get3A_620, %get3A_621] {strides = array<i32>} : memref<16x1024xf32, #tpu.memory_space<vmem>>, vector<16xf32>,
      %add3A_623 = arith.addf %get3A_619, %get3A_622 : vector<16xf32>
      %swap3A_624 = arith.index_cast %scan3A_26 : i32 to index
      %swap3A_625 = arith.constant 944 : index
      %swap3A_626 = tpu.vector_load %arg8[%swap3A_624, %swap3A_625] {strides = array<i32>} : memref<16x1024xf32, #tpu.memory_space<vmem>>, vector<16xf32>,
      tpu.vector_store %arg8[%swap3A_624, %swap3A_625], %add3A_623 {strides = array<i32>} : memref<16x1024xf32, #tpu.memory_space<vmem>>, vector<16xf32>,
      %get3A_627 = arith.index_cast %scan3A_26 : i32 to index
      %get3A_628 = arith.constant 960 : index
      %get3A_629 = tpu.vector_load %arg8[%get3A_627, %get3A_628] {strides = array<i32>} : memref<16x1024xf32, #tpu.memory_space<vmem>>, vector<16xf32>,
      %get3A_630 = arith.index_cast %scan3A_26 : i32 to index
      %get3A_631 = arith.constant 960 : index
      %get3A_632 = tpu.vector_load %arg9[%get3A_630, %get3A_631] {strides = array<i32>} : memref<16x1024xf32, #tpu.memory_space<vmem>>, vector<16xf32>,
      %add3A_633 = arith.addf %get3A_629, %get3A_632 : vector<16xf32>
      %swap3A_634 = arith.index_cast %scan3A_26 : i32 to index
      %swap3A_635 = arith.constant 960 : index
      %swap3A_636 = tpu.vector_load %arg8[%swap3A_634, %swap3A_635] {strides = array<i32>} : memref<16x1024xf32, #tpu.memory_space<vmem>>, vector<16xf32>,
      tpu.vector_store %arg8[%swap3A_634, %swap3A_635], %add3A_633 {strides = array<i32>} : memref<16x1024xf32, #tpu.memory_space<vmem>>, vector<16xf32>,
      %get3A_637 = arith.index_cast %scan3A_26 : i32 to index
      %get3A_638 = arith.constant 976 : index
      %get3A_639 = tpu.vector_load %arg8[%get3A_637, %get3A_638] {strides = array<i32>} : memref<16x1024xf32, #tpu.memory_space<vmem>>, vector<16xf32>,
      %get3A_640 = arith.index_cast %scan3A_26 : i32 to index
      %get3A_641 = arith.constant 976 : index
      %get3A_642 = tpu.vector_load %arg9[%get3A_640, %get3A_641] {strides = array<i32>} : memref<16x1024xf32, #tpu.memory_space<vmem>>, vector<16xf32>,
      %add3A_643 = arith.addf %get3A_639, %get3A_642 : vector<16xf32>
      %swap3A_644 = arith.index_cast %scan3A_26 : i32 to index
      %swap3A_645 = arith.constant 976 : index
      %swap3A_646 = tpu.vector_load %arg8[%swap3A_644, %swap3A_645] {strides = array<i32>} : memref<16x1024xf32, #tpu.memory_space<vmem>>, vector<16xf32>,
      tpu.vector_store %arg8[%swap3A_644, %swap3A_645], %add3A_643 {strides = array<i32>} : memref<16x1024xf32, #tpu.memory_space<vmem>>, vector<16xf32>,
      %get3A_647 = arith.index_cast %scan3A_26 : i32 to index
      %get3A_648 = arith.constant 992 : index
      %get3A_649 = tpu.vector_load %arg8[%get3A_647, %get3A_648] {strides = array<i32>} : memref<16x1024xf32, #tpu.memory_space<vmem>>, vector<16xf32>,
      %get3A_650 = arith.index_cast %scan3A_26 : i32 to index
      %get3A_651 = arith.constant 992 : index
      %get3A_652 = tpu.vector_load %arg9[%get3A_650, %get3A_651] {strides = array<i32>} : memref<16x1024xf32, #tpu.memory_space<vmem>>, vector<16xf32>,
      %add3A_653 = arith.addf %get3A_649, %get3A_652 : vector<16xf32>
      %swap3A_654 = arith.index_cast %scan3A_26 : i32 to index
      %swap3A_655 = arith.constant 992 : index
      %swap3A_656 = tpu.vector_load %arg8[%swap3A_654, %swap3A_655] {strides = array<i32>} : memref<16x1024xf32, #tpu.memory_space<vmem>>, vector<16xf32>,
      tpu.vector_store %arg8[%swap3A_654, %swap3A_655], %add3A_653 {strides = array<i32>} : memref<16x1024xf32, #tpu.memory_space<vmem>>, vector<16xf32>,
      %get3A_657 = arith.index_cast %scan3A_26 : i32 to index
      %get3A_658 = arith.constant 1008 : index
      %get3A_659 = tpu.vector_load %arg8[%get3A_657, %get3A_658] {strides = array<i32>} : memref<16x1024xf32, #tpu.memory_space<vmem>>, vector<16xf32>,
      %get3A_660 = arith.index_cast %scan3A_26 : i32 to index
      %get3A_661 = arith.constant 1008 : index
      %get3A_662 = tpu.vector_load %arg9[%get3A_660, %get3A_661] {strides = array<i32>} : memref<16x1024xf32, #tpu.memory_space<vmem>>, vector<16xf32>,
      %add3A_663 = arith.addf %get3A_659, %get3A_662 : vector<16xf32>
      %swap3A_664 = arith.index_cast %scan3A_26 : i32 to index
      %swap3A_665 = arith.constant 1008 : index
      %swap3A_666 = tpu.vector_load %arg8[%swap3A_664, %swap3A_665] {strides = array<i32>} : memref<16x1024xf32, #tpu.memory_space<vmem>>, vector<16xf32>,
      tpu.vector_store %arg8[%swap3A_664, %swap3A_665], %add3A_663 {strides = array<i32>} : memref<16x1024xf32, #tpu.memory_space<vmem>>, vector<16xf32>,
    }
    %scan3A_25 = arith.constant 16 : i32
    "tpu.region"() ({
      %run_scoped3A = tpu.sem_alloc : memref<!tpu.dma_semaphore, #tpu.memory_space<semaphore_mem>>
      %dma_start3A_26 = arith.constant 0 : i32
      %dma_start3A_27 = tpu.memref_slice %arg4[%mul3A_2, %dma_start3A_26] : memref<512x1024xf32, #tpu.memory_space<hbm>> -> memref<16x1024xf32, #tpu.memory_space<hbm>>
      %dma_start3A_28 = arith.constant 0 : i32
      %dma_start3A_29 = tpu.memref_slice %arg4[%mul3A_2, %dma_start3A_28] : memref<512x1024xf32, #tpu.memory_space<hbm>> -> memref<16x1024xf32, #tpu.memory_space<hbm>>
      tpu.enqueue_dma source(%arg8 : memref<16x1024xf32, #tpu.memory_space<vmem>>) target(%dma_start3A_29 : memref<16x1024xf32, #tpu.memory_space<hbm>>) target_semaphore(%run_scoped3A : memref<!tpu.dma_semaphore, #tpu.memory_space<semaphore_mem>>)
      %dma_wait3A_30 = arith.constant 0 : i32
      %dma_wait3A_31 = tpu.memref_slice %arg4[%mul3A_2, %dma_wait3A_30] : memref<512x1024xf32, #tpu.memory_space<hbm>> -> memref<16x1024xf32, #tpu.memory_space<hbm>>
      %dma_wait3A_32 = arith.constant 0 : i32
      %dma_wait3A_33 = tpu.memref_slice %arg4[%mul3A_2, %dma_wait3A_32] : memref<512x1024xf32, #tpu.memory_space<hbm>> -> memref<16x1024xf32, #tpu.memory_space<hbm>>
      tpu.wait_dma2 semaphore(%run_scoped3A : memref<!tpu.dma_semaphore, #tpu.memory_space<semaphore_mem>>) src(%arg8 : memref<16x1024xf32, #tpu.memory_space<vmem>>) dst(%dma_wait3A_33 : memref<16x1024xf32, #tpu.memory_space<hbm>>)
      tpu.yield
    }) : () -> ()
    return
  }
}

#map = affine_map<(d0, d1) -> (0, 0)>
#map1 = affine_map<(d0, d1) -> (0)>
module attributes {stable_mosaic.version = 14 : i64} {
  func.func @_combine_body(%arg0: i32, %arg1: i32, %arg2: memref<2048x1024xf32, #tpu.memory_space<hbm>>, %arg3: memref<512xi32, #tpu.memory_space<hbm>>, %arg4: memref<512x1024xf32, #tpu.memory_space<hbm>>, %arg5: memref<16xi32, #tpu.memory_space<vmem>>, %arg6: memref<16xi32, #tpu.memory_space<vmem>>, %arg7: memref<16xi32, #tpu.memory_space<vmem>>, %arg8: memref<16x1024xf32, #tpu.memory_space<vmem>>, %arg9: memref<16x1024xf32, #tpu.memory_space<vmem>>, %arg10: memref<!tpu.dma_semaphore, #tpu.memory_space<semaphore_mem>>, %arg11: memref<!tpu.dma_semaphore, #tpu.memory_space<semaphore_mem>>) attributes {dimension_semantics = [#tpu.dimension_semantics<core_parallel>, #tpu.dimension_semantics<subcore_parallel>], iteration_bounds = array<i64: 2, 16>, scalar_prefetch = 0 : i64, scratch_operands = 7 : i64, tpu.core_type = #tpu.core_type<sc_vector_subcore>, window_params = [{transform_indices = #map}, {transform_indices = #map1}, {transform_indices = #map}]} {
    %mul3A = arith.constant 2 : i32
    %mul3A_0 = arith.muli %arg1, %mul3A : i32
    %add3A = arith.addi %mul3A_0, %arg0 : i32
    %mul3A_1 = arith.constant 16 : i32
    %mul3A_2 = arith.muli %add3A, %mul3A_1 : i32
    "tpu.region"() ({
      %run_scoped3A = tpu.sem_alloc : memref<!tpu.dma_semaphore, #tpu.memory_space<semaphore_mem>>
      %dma_start3A_26 = tpu.memref_slice %arg3[%mul3A_2] : memref<512xi32, #tpu.memory_space<hbm>> -> memref<16xi32, #tpu.memory_space<hbm>>
      %dma_start3A_27 = tpu.memref_slice %arg3[%mul3A_2] : memref<512xi32, #tpu.memory_space<hbm>> -> memref<16xi32, #tpu.memory_space<hbm>>
      tpu.enqueue_dma source(%dma_start3A_27 : memref<16xi32, #tpu.memory_space<hbm>>) target(%arg5 : memref<16xi32, #tpu.memory_space<vmem>>) target_semaphore(%run_scoped3A : memref<!tpu.dma_semaphore, #tpu.memory_space<semaphore_mem>>)
      %dma_wait3A_28 = tpu.memref_slice %arg3[%mul3A_2] : memref<512xi32, #tpu.memory_space<hbm>> -> memref<16xi32, #tpu.memory_space<hbm>>
      %dma_wait3A_29 = tpu.memref_slice %arg3[%mul3A_2] : memref<512xi32, #tpu.memory_space<hbm>> -> memref<16xi32, #tpu.memory_space<hbm>>
      tpu.wait_dma2 semaphore(%run_scoped3A : memref<!tpu.dma_semaphore, #tpu.memory_space<semaphore_mem>>) src(%dma_wait3A_29 : memref<16xi32, #tpu.memory_space<hbm>>) dst(%arg5 : memref<16xi32, #tpu.memory_space<vmem>>)
      tpu.yield
    }) : () -> ()
    %get3A = arith.constant 0 : index
    %get3A_3 = tpu.vector_load %arg5[%get3A] {strides = array<i32>} : memref<16xi32, #tpu.memory_space<vmem>>, vector<16xi32>,
    %and3A = arith.constant 2047 : i32
    %and3A_4 = vector.broadcast %and3A : i32 to vector<16xi32>
    %and3A_5 = arith.andi %get3A_3, %and3A_4 : vector<16xi32>
    %swap3A = arith.constant 0 : index
    %swap3A_6 = tpu.vector_load %arg6[%swap3A] {strides = array<i32>} : memref<16xi32, #tpu.memory_space<vmem>>, vector<16xi32>,
    tpu.vector_store %arg6[%swap3A], %and3A_5 {strides = array<i32>} : memref<16xi32, #tpu.memory_space<vmem>>, vector<16xi32>,
    %shift_right_logical3A = arith.constant 11 : i32
    %shift_right_logical3A_7 = vector.broadcast %shift_right_logical3A : i32 to vector<16xi32>
    %shift_right_logical3A_8 = arith.shrui %get3A_3, %shift_right_logical3A_7 : vector<16xi32>
    %swap3A_9 = arith.constant 0 : index
    %swap3A_10 = tpu.vector_load %arg7[%swap3A_9] {strides = array<i32>} : memref<16xi32, #tpu.memory_space<vmem>>, vector<16xi32>,
    tpu.vector_store %arg7[%swap3A_9], %shift_right_logical3A_8 {strides = array<i32>} : memref<16xi32, #tpu.memory_space<vmem>>, vector<16xi32>,
    %dma_start3A = arith.constant 0 : i32
    %dma_start3A_11 = arith.constant 0 : i32
    %dma_start3A_12 = tpu.memref_slice %arg2[%dma_start3A, %dma_start3A_11] : memref<2048x1024xf32, #tpu.memory_space<hbm>> -> memref<2048x1024xf32, #tpu.memory_space<hbm>>
    tpu.enqueue_indirect_dma source(%dma_start3A_12 : memref<2048x1024xf32, #tpu.memory_space<hbm>>) target(%arg8 : memref<16x1024xf32, #tpu.memory_space<vmem>>) offsets(%arg6 : memref<16xi32, #tpu.memory_space<vmem>>) semaphore(%arg10 : memref<!tpu.dma_semaphore, #tpu.memory_space<semaphore_mem>>)
    %dma_start3A_13 = arith.constant 0 : i32
    %dma_start3A_14 = arith.constant 0 : i32
    %dma_start3A_15 = tpu.memref_slice %arg2[%dma_start3A_13, %dma_start3A_14] : memref<2048x1024xf32, #tpu.memory_space<hbm>> -> memref<2048x1024xf32, #tpu.memory_space<hbm>>
    tpu.enqueue_indirect_dma source(%dma_start3A_15 : memref<2048x1024xf32, #tpu.memory_space<hbm>>) target(%arg9 : memref<16x1024xf32, #tpu.memory_space<vmem>>) offsets(%arg7 : memref<16xi32, #tpu.memory_space<vmem>>) semaphore(%arg11 : memref<!tpu.dma_semaphore, #tpu.memory_space<semaphore_mem>>)
    %dma_wait3A = arith.constant 0 : i32
    %dma_wait3A_16 = arith.constant 0 : i32
    %dma_wait3A_17 = tpu.memref_slice %arg2[%dma_wait3A, %dma_wait3A_16] : memref<2048x1024xf32, #tpu.memory_space<hbm>> -> memref<2048x1024xf32, #tpu.memory_space<hbm>>
    tpu.wait_indirect_dma semaphore(%arg10 : memref<!tpu.dma_semaphore, #tpu.memory_space<semaphore_mem>>) src(%dma_wait3A_17 : memref<2048x1024xf32, #tpu.memory_space<hbm>>) dst(%arg8 : memref<16x1024xf32, #tpu.memory_space<vmem>>)
    %dma_wait3A_18 = arith.constant 0 : i32
    %dma_wait3A_19 = arith.constant 0 : i32
    %dma_wait3A_20 = tpu.memref_slice %arg2[%dma_wait3A_18, %dma_wait3A_19] : memref<2048x1024xf32, #tpu.memory_space<hbm>> -> memref<2048x1024xf32, #tpu.memory_space<hbm>>
    tpu.wait_indirect_dma semaphore(%arg11 : memref<!tpu.dma_semaphore, #tpu.memory_space<semaphore_mem>>) src(%dma_wait3A_20 : memref<2048x1024xf32, #tpu.memory_space<hbm>>) dst(%arg9 : memref<16x1024xf32, #tpu.memory_space<vmem>>)
    %scan3A = arith.constant 0 : i32
    %scan3A_21 = arith.constant 0 : i32
    %scan3A_22 = arith.constant 16 : i32
    %scan3A_23 = arith.addi %scan3A_21, %scan3A_22 : i32
    %scan3A_24 = arith.constant 1 : i32
    scf.for %scan3A_26 = %scan3A_21 to %scan3A_23 step %scan3A_24  : i32 {
      %get3A_27 = arith.index_cast %scan3A_26 : i32 to index
      %get3A_28 = arith.constant 0 : index
      %get3A_29 = tpu.vector_load %arg8[%get3A_27, %get3A_28] {strides = array<i32>} : memref<16x1024xf32, #tpu.memory_space<vmem>>, vector<16xf32>,
      %get3A_30 = arith.index_cast %scan3A_26 : i32 to index
      %get3A_31 = arith.constant 0 : index
      %get3A_32 = tpu.vector_load %arg9[%get3A_30, %get3A_31] {strides = array<i32>} : memref<16x1024xf32, #tpu.memory_space<vmem>>, vector<16xf32>,
      %add3A_33 = arith.addf %get3A_29, %get3A_32 : vector<16xf32>
      %swap3A_34 = arith.index_cast %scan3A_26 : i32 to index
      %swap3A_35 = arith.constant 0 : index
      %swap3A_36 = tpu.vector_load %arg8[%swap3A_34, %swap3A_35] {strides = array<i32>} : memref<16x1024xf32, #tpu.memory_space<vmem>>, vector<16xf32>,
      tpu.vector_store %arg8[%swap3A_34, %swap3A_35], %add3A_33 {strides = array<i32>} : memref<16x1024xf32, #tpu.memory_space<vmem>>, vector<16xf32>,
      %get3A_37 = arith.index_cast %scan3A_26 : i32 to index
      %get3A_38 = arith.constant 16 : index
      %get3A_39 = tpu.vector_load %arg8[%get3A_37, %get3A_38] {strides = array<i32>} : memref<16x1024xf32, #tpu.memory_space<vmem>>, vector<16xf32>,
      %get3A_40 = arith.index_cast %scan3A_26 : i32 to index
      %get3A_41 = arith.constant 16 : index
      %get3A_42 = tpu.vector_load %arg9[%get3A_40, %get3A_41] {strides = array<i32>} : memref<16x1024xf32, #tpu.memory_space<vmem>>, vector<16xf32>,
      %add3A_43 = arith.addf %get3A_39, %get3A_42 : vector<16xf32>
      %swap3A_44 = arith.index_cast %scan3A_26 : i32 to index
      %swap3A_45 = arith.constant 16 : index
      %swap3A_46 = tpu.vector_load %arg8[%swap3A_44, %swap3A_45] {strides = array<i32>} : memref<16x1024xf32, #tpu.memory_space<vmem>>, vector<16xf32>,
      tpu.vector_store %arg8[%swap3A_44, %swap3A_45], %add3A_43 {strides = array<i32>} : memref<16x1024xf32, #tpu.memory_space<vmem>>, vector<16xf32>,
      %get3A_47 = arith.index_cast %scan3A_26 : i32 to index
      %get3A_48 = arith.constant 32 : index
      %get3A_49 = tpu.vector_load %arg8[%get3A_47, %get3A_48] {strides = array<i32>} : memref<16x1024xf32, #tpu.memory_space<vmem>>, vector<16xf32>,
      %get3A_50 = arith.index_cast %scan3A_26 : i32 to index
      %get3A_51 = arith.constant 32 : index
      %get3A_52 = tpu.vector_load %arg9[%get3A_50, %get3A_51] {strides = array<i32>} : memref<16x1024xf32, #tpu.memory_space<vmem>>, vector<16xf32>,
      %add3A_53 = arith.addf %get3A_49, %get3A_52 : vector<16xf32>
      %swap3A_54 = arith.index_cast %scan3A_26 : i32 to index
      %swap3A_55 = arith.constant 32 : index
      %swap3A_56 = tpu.vector_load %arg8[%swap3A_54, %swap3A_55] {strides = array<i32>} : memref<16x1024xf32, #tpu.memory_space<vmem>>, vector<16xf32>,
      tpu.vector_store %arg8[%swap3A_54, %swap3A_55], %add3A_53 {strides = array<i32>} : memref<16x1024xf32, #tpu.memory_space<vmem>>, vector<16xf32>,
      %get3A_57 = arith.index_cast %scan3A_26 : i32 to index
      %get3A_58 = arith.constant 48 : index
      %get3A_59 = tpu.vector_load %arg8[%get3A_57, %get3A_58] {strides = array<i32>} : memref<16x1024xf32, #tpu.memory_space<vmem>>, vector<16xf32>,
      %get3A_60 = arith.index_cast %scan3A_26 : i32 to index
      %get3A_61 = arith.constant 48 : index
      %get3A_62 = tpu.vector_load %arg9[%get3A_60, %get3A_61] {strides = array<i32>} : memref<16x1024xf32, #tpu.memory_space<vmem>>, vector<16xf32>,
      %add3A_63 = arith.addf %get3A_59, %get3A_62 : vector<16xf32>
      %swap3A_64 = arith.index_cast %scan3A_26 : i32 to index
      %swap3A_65 = arith.constant 48 : index
      %swap3A_66 = tpu.vector_load %arg8[%swap3A_64, %swap3A_65] {strides = array<i32>} : memref<16x1024xf32, #tpu.memory_space<vmem>>, vector<16xf32>,
      tpu.vector_store %arg8[%swap3A_64, %swap3A_65], %add3A_63 {strides = array<i32>} : memref<16x1024xf32, #tpu.memory_space<vmem>>, vector<16xf32>,
      %get3A_67 = arith.index_cast %scan3A_26 : i32 to index
      %get3A_68 = arith.constant 64 : index
      %get3A_69 = tpu.vector_load %arg8[%get3A_67, %get3A_68] {strides = array<i32>} : memref<16x1024xf32, #tpu.memory_space<vmem>>, vector<16xf32>,
      %get3A_70 = arith.index_cast %scan3A_26 : i32 to index
      %get3A_71 = arith.constant 64 : index
      %get3A_72 = tpu.vector_load %arg9[%get3A_70, %get3A_71] {strides = array<i32>} : memref<16x1024xf32, #tpu.memory_space<vmem>>, vector<16xf32>,
      %add3A_73 = arith.addf %get3A_69, %get3A_72 : vector<16xf32>
      %swap3A_74 = arith.index_cast %scan3A_26 : i32 to index
      %swap3A_75 = arith.constant 64 : index
      %swap3A_76 = tpu.vector_load %arg8[%swap3A_74, %swap3A_75] {strides = array<i32>} : memref<16x1024xf32, #tpu.memory_space<vmem>>, vector<16xf32>,
      tpu.vector_store %arg8[%swap3A_74, %swap3A_75], %add3A_73 {strides = array<i32>} : memref<16x1024xf32, #tpu.memory_space<vmem>>, vector<16xf32>,
      %get3A_77 = arith.index_cast %scan3A_26 : i32 to index
      %get3A_78 = arith.constant 80 : index
      %get3A_79 = tpu.vector_load %arg8[%get3A_77, %get3A_78] {strides = array<i32>} : memref<16x1024xf32, #tpu.memory_space<vmem>>, vector<16xf32>,
      %get3A_80 = arith.index_cast %scan3A_26 : i32 to index
      %get3A_81 = arith.constant 80 : index
      %get3A_82 = tpu.vector_load %arg9[%get3A_80, %get3A_81] {strides = array<i32>} : memref<16x1024xf32, #tpu.memory_space<vmem>>, vector<16xf32>,
      %add3A_83 = arith.addf %get3A_79, %get3A_82 : vector<16xf32>
      %swap3A_84 = arith.index_cast %scan3A_26 : i32 to index
      %swap3A_85 = arith.constant 80 : index
      %swap3A_86 = tpu.vector_load %arg8[%swap3A_84, %swap3A_85] {strides = array<i32>} : memref<16x1024xf32, #tpu.memory_space<vmem>>, vector<16xf32>,
      tpu.vector_store %arg8[%swap3A_84, %swap3A_85], %add3A_83 {strides = array<i32>} : memref<16x1024xf32, #tpu.memory_space<vmem>>, vector<16xf32>,
      %get3A_87 = arith.index_cast %scan3A_26 : i32 to index
      %get3A_88 = arith.constant 96 : index
      %get3A_89 = tpu.vector_load %arg8[%get3A_87, %get3A_88] {strides = array<i32>} : memref<16x1024xf32, #tpu.memory_space<vmem>>, vector<16xf32>,
      %get3A_90 = arith.index_cast %scan3A_26 : i32 to index
      %get3A_91 = arith.constant 96 : index
      %get3A_92 = tpu.vector_load %arg9[%get3A_90, %get3A_91] {strides = array<i32>} : memref<16x1024xf32, #tpu.memory_space<vmem>>, vector<16xf32>,
      %add3A_93 = arith.addf %get3A_89, %get3A_92 : vector<16xf32>
      %swap3A_94 = arith.index_cast %scan3A_26 : i32 to index
      %swap3A_95 = arith.constant 96 : index
      %swap3A_96 = tpu.vector_load %arg8[%swap3A_94, %swap3A_95] {strides = array<i32>} : memref<16x1024xf32, #tpu.memory_space<vmem>>, vector<16xf32>,
      tpu.vector_store %arg8[%swap3A_94, %swap3A_95], %add3A_93 {strides = array<i32>} : memref<16x1024xf32, #tpu.memory_space<vmem>>, vector<16xf32>,
      %get3A_97 = arith.index_cast %scan3A_26 : i32 to index
      %get3A_98 = arith.constant 112 : index
      %get3A_99 = tpu.vector_load %arg8[%get3A_97, %get3A_98] {strides = array<i32>} : memref<16x1024xf32, #tpu.memory_space<vmem>>, vector<16xf32>,
      %get3A_100 = arith.index_cast %scan3A_26 : i32 to index
      %get3A_101 = arith.constant 112 : index
      %get3A_102 = tpu.vector_load %arg9[%get3A_100, %get3A_101] {strides = array<i32>} : memref<16x1024xf32, #tpu.memory_space<vmem>>, vector<16xf32>,
      %add3A_103 = arith.addf %get3A_99, %get3A_102 : vector<16xf32>
      %swap3A_104 = arith.index_cast %scan3A_26 : i32 to index
      %swap3A_105 = arith.constant 112 : index
      %swap3A_106 = tpu.vector_load %arg8[%swap3A_104, %swap3A_105] {strides = array<i32>} : memref<16x1024xf32, #tpu.memory_space<vmem>>, vector<16xf32>,
      tpu.vector_store %arg8[%swap3A_104, %swap3A_105], %add3A_103 {strides = array<i32>} : memref<16x1024xf32, #tpu.memory_space<vmem>>, vector<16xf32>,
      %get3A_107 = arith.index_cast %scan3A_26 : i32 to index
      %get3A_108 = arith.constant 128 : index
      %get3A_109 = tpu.vector_load %arg8[%get3A_107, %get3A_108] {strides = array<i32>} : memref<16x1024xf32, #tpu.memory_space<vmem>>, vector<16xf32>,
      %get3A_110 = arith.index_cast %scan3A_26 : i32 to index
      %get3A_111 = arith.constant 128 : index
      %get3A_112 = tpu.vector_load %arg9[%get3A_110, %get3A_111] {strides = array<i32>} : memref<16x1024xf32, #tpu.memory_space<vmem>>, vector<16xf32>,
      %add3A_113 = arith.addf %get3A_109, %get3A_112 : vector<16xf32>
      %swap3A_114 = arith.index_cast %scan3A_26 : i32 to index
      %swap3A_115 = arith.constant 128 : index
      %swap3A_116 = tpu.vector_load %arg8[%swap3A_114, %swap3A_115] {strides = array<i32>} : memref<16x1024xf32, #tpu.memory_space<vmem>>, vector<16xf32>,
      tpu.vector_store %arg8[%swap3A_114, %swap3A_115], %add3A_113 {strides = array<i32>} : memref<16x1024xf32, #tpu.memory_space<vmem>>, vector<16xf32>,
      %get3A_117 = arith.index_cast %scan3A_26 : i32 to index
      %get3A_118 = arith.constant 144 : index
      %get3A_119 = tpu.vector_load %arg8[%get3A_117, %get3A_118] {strides = array<i32>} : memref<16x1024xf32, #tpu.memory_space<vmem>>, vector<16xf32>,
      %get3A_120 = arith.index_cast %scan3A_26 : i32 to index
      %get3A_121 = arith.constant 144 : index
      %get3A_122 = tpu.vector_load %arg9[%get3A_120, %get3A_121] {strides = array<i32>} : memref<16x1024xf32, #tpu.memory_space<vmem>>, vector<16xf32>,
      %add3A_123 = arith.addf %get3A_119, %get3A_122 : vector<16xf32>
      %swap3A_124 = arith.index_cast %scan3A_26 : i32 to index
      %swap3A_125 = arith.constant 144 : index
      %swap3A_126 = tpu.vector_load %arg8[%swap3A_124, %swap3A_125] {strides = array<i32>} : memref<16x1024xf32, #tpu.memory_space<vmem>>, vector<16xf32>,
      tpu.vector_store %arg8[%swap3A_124, %swap3A_125], %add3A_123 {strides = array<i32>} : memref<16x1024xf32, #tpu.memory_space<vmem>>, vector<16xf32>,
      %get3A_127 = arith.index_cast %scan3A_26 : i32 to index
      %get3A_128 = arith.constant 160 : index
      %get3A_129 = tpu.vector_load %arg8[%get3A_127, %get3A_128] {strides = array<i32>} : memref<16x1024xf32, #tpu.memory_space<vmem>>, vector<16xf32>,
      %get3A_130 = arith.index_cast %scan3A_26 : i32 to index
      %get3A_131 = arith.constant 160 : index
      %get3A_132 = tpu.vector_load %arg9[%get3A_130, %get3A_131] {strides = array<i32>} : memref<16x1024xf32, #tpu.memory_space<vmem>>, vector<16xf32>,
      %add3A_133 = arith.addf %get3A_129, %get3A_132 : vector<16xf32>
      %swap3A_134 = arith.index_cast %scan3A_26 : i32 to index
      %swap3A_135 = arith.constant 160 : index
      %swap3A_136 = tpu.vector_load %arg8[%swap3A_134, %swap3A_135] {strides = array<i32>} : memref<16x1024xf32, #tpu.memory_space<vmem>>, vector<16xf32>,
      tpu.vector_store %arg8[%swap3A_134, %swap3A_135], %add3A_133 {strides = array<i32>} : memref<16x1024xf32, #tpu.memory_space<vmem>>, vector<16xf32>,
      %get3A_137 = arith.index_cast %scan3A_26 : i32 to index
      %get3A_138 = arith.constant 176 : index
      %get3A_139 = tpu.vector_load %arg8[%get3A_137, %get3A_138] {strides = array<i32>} : memref<16x1024xf32, #tpu.memory_space<vmem>>, vector<16xf32>,
      %get3A_140 = arith.index_cast %scan3A_26 : i32 to index
      %get3A_141 = arith.constant 176 : index
      %get3A_142 = tpu.vector_load %arg9[%get3A_140, %get3A_141] {strides = array<i32>} : memref<16x1024xf32, #tpu.memory_space<vmem>>, vector<16xf32>,
      %add3A_143 = arith.addf %get3A_139, %get3A_142 : vector<16xf32>
      %swap3A_144 = arith.index_cast %scan3A_26 : i32 to index
      %swap3A_145 = arith.constant 176 : index
      %swap3A_146 = tpu.vector_load %arg8[%swap3A_144, %swap3A_145] {strides = array<i32>} : memref<16x1024xf32, #tpu.memory_space<vmem>>, vector<16xf32>,
      tpu.vector_store %arg8[%swap3A_144, %swap3A_145], %add3A_143 {strides = array<i32>} : memref<16x1024xf32, #tpu.memory_space<vmem>>, vector<16xf32>,
      %get3A_147 = arith.index_cast %scan3A_26 : i32 to index
      %get3A_148 = arith.constant 192 : index
      %get3A_149 = tpu.vector_load %arg8[%get3A_147, %get3A_148] {strides = array<i32>} : memref<16x1024xf32, #tpu.memory_space<vmem>>, vector<16xf32>,
      %get3A_150 = arith.index_cast %scan3A_26 : i32 to index
      %get3A_151 = arith.constant 192 : index
      %get3A_152 = tpu.vector_load %arg9[%get3A_150, %get3A_151] {strides = array<i32>} : memref<16x1024xf32, #tpu.memory_space<vmem>>, vector<16xf32>,
      %add3A_153 = arith.addf %get3A_149, %get3A_152 : vector<16xf32>
      %swap3A_154 = arith.index_cast %scan3A_26 : i32 to index
      %swap3A_155 = arith.constant 192 : index
      %swap3A_156 = tpu.vector_load %arg8[%swap3A_154, %swap3A_155] {strides = array<i32>} : memref<16x1024xf32, #tpu.memory_space<vmem>>, vector<16xf32>,
      tpu.vector_store %arg8[%swap3A_154, %swap3A_155], %add3A_153 {strides = array<i32>} : memref<16x1024xf32, #tpu.memory_space<vmem>>, vector<16xf32>,
      %get3A_157 = arith.index_cast %scan3A_26 : i32 to index
      %get3A_158 = arith.constant 208 : index
      %get3A_159 = tpu.vector_load %arg8[%get3A_157, %get3A_158] {strides = array<i32>} : memref<16x1024xf32, #tpu.memory_space<vmem>>, vector<16xf32>,
      %get3A_160 = arith.index_cast %scan3A_26 : i32 to index
      %get3A_161 = arith.constant 208 : index
      %get3A_162 = tpu.vector_load %arg9[%get3A_160, %get3A_161] {strides = array<i32>} : memref<16x1024xf32, #tpu.memory_space<vmem>>, vector<16xf32>,
      %add3A_163 = arith.addf %get3A_159, %get3A_162 : vector<16xf32>
      %swap3A_164 = arith.index_cast %scan3A_26 : i32 to index
      %swap3A_165 = arith.constant 208 : index
      %swap3A_166 = tpu.vector_load %arg8[%swap3A_164, %swap3A_165] {strides = array<i32>} : memref<16x1024xf32, #tpu.memory_space<vmem>>, vector<16xf32>,
      tpu.vector_store %arg8[%swap3A_164, %swap3A_165], %add3A_163 {strides = array<i32>} : memref<16x1024xf32, #tpu.memory_space<vmem>>, vector<16xf32>,
      %get3A_167 = arith.index_cast %scan3A_26 : i32 to index
      %get3A_168 = arith.constant 224 : index
      %get3A_169 = tpu.vector_load %arg8[%get3A_167, %get3A_168] {strides = array<i32>} : memref<16x1024xf32, #tpu.memory_space<vmem>>, vector<16xf32>,
      %get3A_170 = arith.index_cast %scan3A_26 : i32 to index
      %get3A_171 = arith.constant 224 : index
      %get3A_172 = tpu.vector_load %arg9[%get3A_170, %get3A_171] {strides = array<i32>} : memref<16x1024xf32, #tpu.memory_space<vmem>>, vector<16xf32>,
      %add3A_173 = arith.addf %get3A_169, %get3A_172 : vector<16xf32>
      %swap3A_174 = arith.index_cast %scan3A_26 : i32 to index
      %swap3A_175 = arith.constant 224 : index
      %swap3A_176 = tpu.vector_load %arg8[%swap3A_174, %swap3A_175] {strides = array<i32>} : memref<16x1024xf32, #tpu.memory_space<vmem>>, vector<16xf32>,
      tpu.vector_store %arg8[%swap3A_174, %swap3A_175], %add3A_173 {strides = array<i32>} : memref<16x1024xf32, #tpu.memory_space<vmem>>, vector<16xf32>,
      %get3A_177 = arith.index_cast %scan3A_26 : i32 to index
      %get3A_178 = arith.constant 240 : index
      %get3A_179 = tpu.vector_load %arg8[%get3A_177, %get3A_178] {strides = array<i32>} : memref<16x1024xf32, #tpu.memory_space<vmem>>, vector<16xf32>,
      %get3A_180 = arith.index_cast %scan3A_26 : i32 to index
      %get3A_181 = arith.constant 240 : index
      %get3A_182 = tpu.vector_load %arg9[%get3A_180, %get3A_181] {strides = array<i32>} : memref<16x1024xf32, #tpu.memory_space<vmem>>, vector<16xf32>,
      %add3A_183 = arith.addf %get3A_179, %get3A_182 : vector<16xf32>
      %swap3A_184 = arith.index_cast %scan3A_26 : i32 to index
      %swap3A_185 = arith.constant 240 : index
      %swap3A_186 = tpu.vector_load %arg8[%swap3A_184, %swap3A_185] {strides = array<i32>} : memref<16x1024xf32, #tpu.memory_space<vmem>>, vector<16xf32>,
      tpu.vector_store %arg8[%swap3A_184, %swap3A_185], %add3A_183 {strides = array<i32>} : memref<16x1024xf32, #tpu.memory_space<vmem>>, vector<16xf32>,
      %get3A_187 = arith.index_cast %scan3A_26 : i32 to index
      %get3A_188 = arith.constant 256 : index
      %get3A_189 = tpu.vector_load %arg8[%get3A_187, %get3A_188] {strides = array<i32>} : memref<16x1024xf32, #tpu.memory_space<vmem>>, vector<16xf32>,
      %get3A_190 = arith.index_cast %scan3A_26 : i32 to index
      %get3A_191 = arith.constant 256 : index
      %get3A_192 = tpu.vector_load %arg9[%get3A_190, %get3A_191] {strides = array<i32>} : memref<16x1024xf32, #tpu.memory_space<vmem>>, vector<16xf32>,
      %add3A_193 = arith.addf %get3A_189, %get3A_192 : vector<16xf32>
      %swap3A_194 = arith.index_cast %scan3A_26 : i32 to index
      %swap3A_195 = arith.constant 256 : index
      %swap3A_196 = tpu.vector_load %arg8[%swap3A_194, %swap3A_195] {strides = array<i32>} : memref<16x1024xf32, #tpu.memory_space<vmem>>, vector<16xf32>,
      tpu.vector_store %arg8[%swap3A_194, %swap3A_195], %add3A_193 {strides = array<i32>} : memref<16x1024xf32, #tpu.memory_space<vmem>>, vector<16xf32>,
      %get3A_197 = arith.index_cast %scan3A_26 : i32 to index
      %get3A_198 = arith.constant 272 : index
      %get3A_199 = tpu.vector_load %arg8[%get3A_197, %get3A_198] {strides = array<i32>} : memref<16x1024xf32, #tpu.memory_space<vmem>>, vector<16xf32>,
      %get3A_200 = arith.index_cast %scan3A_26 : i32 to index
      %get3A_201 = arith.constant 272 : index
      %get3A_202 = tpu.vector_load %arg9[%get3A_200, %get3A_201] {strides = array<i32>} : memref<16x1024xf32, #tpu.memory_space<vmem>>, vector<16xf32>,
      %add3A_203 = arith.addf %get3A_199, %get3A_202 : vector<16xf32>
      %swap3A_204 = arith.index_cast %scan3A_26 : i32 to index
      %swap3A_205 = arith.constant 272 : index
      %swap3A_206 = tpu.vector_load %arg8[%swap3A_204, %swap3A_205] {strides = array<i32>} : memref<16x1024xf32, #tpu.memory_space<vmem>>, vector<16xf32>,
      tpu.vector_store %arg8[%swap3A_204, %swap3A_205], %add3A_203 {strides = array<i32>} : memref<16x1024xf32, #tpu.memory_space<vmem>>, vector<16xf32>,
      %get3A_207 = arith.index_cast %scan3A_26 : i32 to index
      %get3A_208 = arith.constant 288 : index
      %get3A_209 = tpu.vector_load %arg8[%get3A_207, %get3A_208] {strides = array<i32>} : memref<16x1024xf32, #tpu.memory_space<vmem>>, vector<16xf32>,
      %get3A_210 = arith.index_cast %scan3A_26 : i32 to index
      %get3A_211 = arith.constant 288 : index
      %get3A_212 = tpu.vector_load %arg9[%get3A_210, %get3A_211] {strides = array<i32>} : memref<16x1024xf32, #tpu.memory_space<vmem>>, vector<16xf32>,
      %add3A_213 = arith.addf %get3A_209, %get3A_212 : vector<16xf32>
      %swap3A_214 = arith.index_cast %scan3A_26 : i32 to index
      %swap3A_215 = arith.constant 288 : index
      %swap3A_216 = tpu.vector_load %arg8[%swap3A_214, %swap3A_215] {strides = array<i32>} : memref<16x1024xf32, #tpu.memory_space<vmem>>, vector<16xf32>,
      tpu.vector_store %arg8[%swap3A_214, %swap3A_215], %add3A_213 {strides = array<i32>} : memref<16x1024xf32, #tpu.memory_space<vmem>>, vector<16xf32>,
      %get3A_217 = arith.index_cast %scan3A_26 : i32 to index
      %get3A_218 = arith.constant 304 : index
      %get3A_219 = tpu.vector_load %arg8[%get3A_217, %get3A_218] {strides = array<i32>} : memref<16x1024xf32, #tpu.memory_space<vmem>>, vector<16xf32>,
      %get3A_220 = arith.index_cast %scan3A_26 : i32 to index
      %get3A_221 = arith.constant 304 : index
      %get3A_222 = tpu.vector_load %arg9[%get3A_220, %get3A_221] {strides = array<i32>} : memref<16x1024xf32, #tpu.memory_space<vmem>>, vector<16xf32>,
      %add3A_223 = arith.addf %get3A_219, %get3A_222 : vector<16xf32>
      %swap3A_224 = arith.index_cast %scan3A_26 : i32 to index
      %swap3A_225 = arith.constant 304 : index
      %swap3A_226 = tpu.vector_load %arg8[%swap3A_224, %swap3A_225] {strides = array<i32>} : memref<16x1024xf32, #tpu.memory_space<vmem>>, vector<16xf32>,
      tpu.vector_store %arg8[%swap3A_224, %swap3A_225], %add3A_223 {strides = array<i32>} : memref<16x1024xf32, #tpu.memory_space<vmem>>, vector<16xf32>,
      %get3A_227 = arith.index_cast %scan3A_26 : i32 to index
      %get3A_228 = arith.constant 320 : index
      %get3A_229 = tpu.vector_load %arg8[%get3A_227, %get3A_228] {strides = array<i32>} : memref<16x1024xf32, #tpu.memory_space<vmem>>, vector<16xf32>,
      %get3A_230 = arith.index_cast %scan3A_26 : i32 to index
      %get3A_231 = arith.constant 320 : index
      %get3A_232 = tpu.vector_load %arg9[%get3A_230, %get3A_231] {strides = array<i32>} : memref<16x1024xf32, #tpu.memory_space<vmem>>, vector<16xf32>,
      %add3A_233 = arith.addf %get3A_229, %get3A_232 : vector<16xf32>
      %swap3A_234 = arith.index_cast %scan3A_26 : i32 to index
      %swap3A_235 = arith.constant 320 : index
      %swap3A_236 = tpu.vector_load %arg8[%swap3A_234, %swap3A_235] {strides = array<i32>} : memref<16x1024xf32, #tpu.memory_space<vmem>>, vector<16xf32>,
      tpu.vector_store %arg8[%swap3A_234, %swap3A_235], %add3A_233 {strides = array<i32>} : memref<16x1024xf32, #tpu.memory_space<vmem>>, vector<16xf32>,
      %get3A_237 = arith.index_cast %scan3A_26 : i32 to index
      %get3A_238 = arith.constant 336 : index
      %get3A_239 = tpu.vector_load %arg8[%get3A_237, %get3A_238] {strides = array<i32>} : memref<16x1024xf32, #tpu.memory_space<vmem>>, vector<16xf32>,
      %get3A_240 = arith.index_cast %scan3A_26 : i32 to index
      %get3A_241 = arith.constant 336 : index
      %get3A_242 = tpu.vector_load %arg9[%get3A_240, %get3A_241] {strides = array<i32>} : memref<16x1024xf32, #tpu.memory_space<vmem>>, vector<16xf32>,
      %add3A_243 = arith.addf %get3A_239, %get3A_242 : vector<16xf32>
      %swap3A_244 = arith.index_cast %scan3A_26 : i32 to index
      %swap3A_245 = arith.constant 336 : index
      %swap3A_246 = tpu.vector_load %arg8[%swap3A_244, %swap3A_245] {strides = array<i32>} : memref<16x1024xf32, #tpu.memory_space<vmem>>, vector<16xf32>,
      tpu.vector_store %arg8[%swap3A_244, %swap3A_245], %add3A_243 {strides = array<i32>} : memref<16x1024xf32, #tpu.memory_space<vmem>>, vector<16xf32>,
      %get3A_247 = arith.index_cast %scan3A_26 : i32 to index
      %get3A_248 = arith.constant 352 : index
      %get3A_249 = tpu.vector_load %arg8[%get3A_247, %get3A_248] {strides = array<i32>} : memref<16x1024xf32, #tpu.memory_space<vmem>>, vector<16xf32>,
      %get3A_250 = arith.index_cast %scan3A_26 : i32 to index
      %get3A_251 = arith.constant 352 : index
      %get3A_252 = tpu.vector_load %arg9[%get3A_250, %get3A_251] {strides = array<i32>} : memref<16x1024xf32, #tpu.memory_space<vmem>>, vector<16xf32>,
      %add3A_253 = arith.addf %get3A_249, %get3A_252 : vector<16xf32>
      %swap3A_254 = arith.index_cast %scan3A_26 : i32 to index
      %swap3A_255 = arith.constant 352 : index
      %swap3A_256 = tpu.vector_load %arg8[%swap3A_254, %swap3A_255] {strides = array<i32>} : memref<16x1024xf32, #tpu.memory_space<vmem>>, vector<16xf32>,
      tpu.vector_store %arg8[%swap3A_254, %swap3A_255], %add3A_253 {strides = array<i32>} : memref<16x1024xf32, #tpu.memory_space<vmem>>, vector<16xf32>,
      %get3A_257 = arith.index_cast %scan3A_26 : i32 to index
      %get3A_258 = arith.constant 368 : index
      %get3A_259 = tpu.vector_load %arg8[%get3A_257, %get3A_258] {strides = array<i32>} : memref<16x1024xf32, #tpu.memory_space<vmem>>, vector<16xf32>,
      %get3A_260 = arith.index_cast %scan3A_26 : i32 to index
      %get3A_261 = arith.constant 368 : index
      %get3A_262 = tpu.vector_load %arg9[%get3A_260, %get3A_261] {strides = array<i32>} : memref<16x1024xf32, #tpu.memory_space<vmem>>, vector<16xf32>,
      %add3A_263 = arith.addf %get3A_259, %get3A_262 : vector<16xf32>
      %swap3A_264 = arith.index_cast %scan3A_26 : i32 to index
      %swap3A_265 = arith.constant 368 : index
      %swap3A_266 = tpu.vector_load %arg8[%swap3A_264, %swap3A_265] {strides = array<i32>} : memref<16x1024xf32, #tpu.memory_space<vmem>>, vector<16xf32>,
      tpu.vector_store %arg8[%swap3A_264, %swap3A_265], %add3A_263 {strides = array<i32>} : memref<16x1024xf32, #tpu.memory_space<vmem>>, vector<16xf32>,
      %get3A_267 = arith.index_cast %scan3A_26 : i32 to index
      %get3A_268 = arith.constant 384 : index
      %get3A_269 = tpu.vector_load %arg8[%get3A_267, %get3A_268] {strides = array<i32>} : memref<16x1024xf32, #tpu.memory_space<vmem>>, vector<16xf32>,
      %get3A_270 = arith.index_cast %scan3A_26 : i32 to index
      %get3A_271 = arith.constant 384 : index
      %get3A_272 = tpu.vector_load %arg9[%get3A_270, %get3A_271] {strides = array<i32>} : memref<16x1024xf32, #tpu.memory_space<vmem>>, vector<16xf32>,
      %add3A_273 = arith.addf %get3A_269, %get3A_272 : vector<16xf32>
      %swap3A_274 = arith.index_cast %scan3A_26 : i32 to index
      %swap3A_275 = arith.constant 384 : index
      %swap3A_276 = tpu.vector_load %arg8[%swap3A_274, %swap3A_275] {strides = array<i32>} : memref<16x1024xf32, #tpu.memory_space<vmem>>, vector<16xf32>,
      tpu.vector_store %arg8[%swap3A_274, %swap3A_275], %add3A_273 {strides = array<i32>} : memref<16x1024xf32, #tpu.memory_space<vmem>>, vector<16xf32>,
      %get3A_277 = arith.index_cast %scan3A_26 : i32 to index
      %get3A_278 = arith.constant 400 : index
      %get3A_279 = tpu.vector_load %arg8[%get3A_277, %get3A_278] {strides = array<i32>} : memref<16x1024xf32, #tpu.memory_space<vmem>>, vector<16xf32>,
      %get3A_280 = arith.index_cast %scan3A_26 : i32 to index
      %get3A_281 = arith.constant 400 : index
      %get3A_282 = tpu.vector_load %arg9[%get3A_280, %get3A_281] {strides = array<i32>} : memref<16x1024xf32, #tpu.memory_space<vmem>>, vector<16xf32>,
      %add3A_283 = arith.addf %get3A_279, %get3A_282 : vector<16xf32>
      %swap3A_284 = arith.index_cast %scan3A_26 : i32 to index
      %swap3A_285 = arith.constant 400 : index
      %swap3A_286 = tpu.vector_load %arg8[%swap3A_284, %swap3A_285] {strides = array<i32>} : memref<16x1024xf32, #tpu.memory_space<vmem>>, vector<16xf32>,
      tpu.vector_store %arg8[%swap3A_284, %swap3A_285], %add3A_283 {strides = array<i32>} : memref<16x1024xf32, #tpu.memory_space<vmem>>, vector<16xf32>,
      %get3A_287 = arith.index_cast %scan3A_26 : i32 to index
      %get3A_288 = arith.constant 416 : index
      %get3A_289 = tpu.vector_load %arg8[%get3A_287, %get3A_288] {strides = array<i32>} : memref<16x1024xf32, #tpu.memory_space<vmem>>, vector<16xf32>,
      %get3A_290 = arith.index_cast %scan3A_26 : i32 to index
      %get3A_291 = arith.constant 416 : index
      %get3A_292 = tpu.vector_load %arg9[%get3A_290, %get3A_291] {strides = array<i32>} : memref<16x1024xf32, #tpu.memory_space<vmem>>, vector<16xf32>,
      %add3A_293 = arith.addf %get3A_289, %get3A_292 : vector<16xf32>
      %swap3A_294 = arith.index_cast %scan3A_26 : i32 to index
      %swap3A_295 = arith.constant 416 : index
      %swap3A_296 = tpu.vector_load %arg8[%swap3A_294, %swap3A_295] {strides = array<i32>} : memref<16x1024xf32, #tpu.memory_space<vmem>>, vector<16xf32>,
      tpu.vector_store %arg8[%swap3A_294, %swap3A_295], %add3A_293 {strides = array<i32>} : memref<16x1024xf32, #tpu.memory_space<vmem>>, vector<16xf32>,
      %get3A_297 = arith.index_cast %scan3A_26 : i32 to index
      %get3A_298 = arith.constant 432 : index
      %get3A_299 = tpu.vector_load %arg8[%get3A_297, %get3A_298] {strides = array<i32>} : memref<16x1024xf32, #tpu.memory_space<vmem>>, vector<16xf32>,
      %get3A_300 = arith.index_cast %scan3A_26 : i32 to index
      %get3A_301 = arith.constant 432 : index
      %get3A_302 = tpu.vector_load %arg9[%get3A_300, %get3A_301] {strides = array<i32>} : memref<16x1024xf32, #tpu.memory_space<vmem>>, vector<16xf32>,
      %add3A_303 = arith.addf %get3A_299, %get3A_302 : vector<16xf32>
      %swap3A_304 = arith.index_cast %scan3A_26 : i32 to index
      %swap3A_305 = arith.constant 432 : index
      %swap3A_306 = tpu.vector_load %arg8[%swap3A_304, %swap3A_305] {strides = array<i32>} : memref<16x1024xf32, #tpu.memory_space<vmem>>, vector<16xf32>,
      tpu.vector_store %arg8[%swap3A_304, %swap3A_305], %add3A_303 {strides = array<i32>} : memref<16x1024xf32, #tpu.memory_space<vmem>>, vector<16xf32>,
      %get3A_307 = arith.index_cast %scan3A_26 : i32 to index
      %get3A_308 = arith.constant 448 : index
      %get3A_309 = tpu.vector_load %arg8[%get3A_307, %get3A_308] {strides = array<i32>} : memref<16x1024xf32, #tpu.memory_space<vmem>>, vector<16xf32>,
      %get3A_310 = arith.index_cast %scan3A_26 : i32 to index
      %get3A_311 = arith.constant 448 : index
      %get3A_312 = tpu.vector_load %arg9[%get3A_310, %get3A_311] {strides = array<i32>} : memref<16x1024xf32, #tpu.memory_space<vmem>>, vector<16xf32>,
      %add3A_313 = arith.addf %get3A_309, %get3A_312 : vector<16xf32>
      %swap3A_314 = arith.index_cast %scan3A_26 : i32 to index
      %swap3A_315 = arith.constant 448 : index
      %swap3A_316 = tpu.vector_load %arg8[%swap3A_314, %swap3A_315] {strides = array<i32>} : memref<16x1024xf32, #tpu.memory_space<vmem>>, vector<16xf32>,
      tpu.vector_store %arg8[%swap3A_314, %swap3A_315], %add3A_313 {strides = array<i32>} : memref<16x1024xf32, #tpu.memory_space<vmem>>, vector<16xf32>,
      %get3A_317 = arith.index_cast %scan3A_26 : i32 to index
      %get3A_318 = arith.constant 464 : index
      %get3A_319 = tpu.vector_load %arg8[%get3A_317, %get3A_318] {strides = array<i32>} : memref<16x1024xf32, #tpu.memory_space<vmem>>, vector<16xf32>,
      %get3A_320 = arith.index_cast %scan3A_26 : i32 to index
      %get3A_321 = arith.constant 464 : index
      %get3A_322 = tpu.vector_load %arg9[%get3A_320, %get3A_321] {strides = array<i32>} : memref<16x1024xf32, #tpu.memory_space<vmem>>, vector<16xf32>,
      %add3A_323 = arith.addf %get3A_319, %get3A_322 : vector<16xf32>
      %swap3A_324 = arith.index_cast %scan3A_26 : i32 to index
      %swap3A_325 = arith.constant 464 : index
      %swap3A_326 = tpu.vector_load %arg8[%swap3A_324, %swap3A_325] {strides = array<i32>} : memref<16x1024xf32, #tpu.memory_space<vmem>>, vector<16xf32>,
      tpu.vector_store %arg8[%swap3A_324, %swap3A_325], %add3A_323 {strides = array<i32>} : memref<16x1024xf32, #tpu.memory_space<vmem>>, vector<16xf32>,
      %get3A_327 = arith.index_cast %scan3A_26 : i32 to index
      %get3A_328 = arith.constant 480 : index
      %get3A_329 = tpu.vector_load %arg8[%get3A_327, %get3A_328] {strides = array<i32>} : memref<16x1024xf32, #tpu.memory_space<vmem>>, vector<16xf32>,
      %get3A_330 = arith.index_cast %scan3A_26 : i32 to index
      %get3A_331 = arith.constant 480 : index
      %get3A_332 = tpu.vector_load %arg9[%get3A_330, %get3A_331] {strides = array<i32>} : memref<16x1024xf32, #tpu.memory_space<vmem>>, vector<16xf32>,
      %add3A_333 = arith.addf %get3A_329, %get3A_332 : vector<16xf32>
      %swap3A_334 = arith.index_cast %scan3A_26 : i32 to index
      %swap3A_335 = arith.constant 480 : index
      %swap3A_336 = tpu.vector_load %arg8[%swap3A_334, %swap3A_335] {strides = array<i32>} : memref<16x1024xf32, #tpu.memory_space<vmem>>, vector<16xf32>,
      tpu.vector_store %arg8[%swap3A_334, %swap3A_335], %add3A_333 {strides = array<i32>} : memref<16x1024xf32, #tpu.memory_space<vmem>>, vector<16xf32>,
      %get3A_337 = arith.index_cast %scan3A_26 : i32 to index
      %get3A_338 = arith.constant 496 : index
      %get3A_339 = tpu.vector_load %arg8[%get3A_337, %get3A_338] {strides = array<i32>} : memref<16x1024xf32, #tpu.memory_space<vmem>>, vector<16xf32>,
      %get3A_340 = arith.index_cast %scan3A_26 : i32 to index
      %get3A_341 = arith.constant 496 : index
      %get3A_342 = tpu.vector_load %arg9[%get3A_340, %get3A_341] {strides = array<i32>} : memref<16x1024xf32, #tpu.memory_space<vmem>>, vector<16xf32>,
      %add3A_343 = arith.addf %get3A_339, %get3A_342 : vector<16xf32>
      %swap3A_344 = arith.index_cast %scan3A_26 : i32 to index
      %swap3A_345 = arith.constant 496 : index
      %swap3A_346 = tpu.vector_load %arg8[%swap3A_344, %swap3A_345] {strides = array<i32>} : memref<16x1024xf32, #tpu.memory_space<vmem>>, vector<16xf32>,
      tpu.vector_store %arg8[%swap3A_344, %swap3A_345], %add3A_343 {strides = array<i32>} : memref<16x1024xf32, #tpu.memory_space<vmem>>, vector<16xf32>,
      %get3A_347 = arith.index_cast %scan3A_26 : i32 to index
      %get3A_348 = arith.constant 512 : index
      %get3A_349 = tpu.vector_load %arg8[%get3A_347, %get3A_348] {strides = array<i32>} : memref<16x1024xf32, #tpu.memory_space<vmem>>, vector<16xf32>,
      %get3A_350 = arith.index_cast %scan3A_26 : i32 to index
      %get3A_351 = arith.constant 512 : index
      %get3A_352 = tpu.vector_load %arg9[%get3A_350, %get3A_351] {strides = array<i32>} : memref<16x1024xf32, #tpu.memory_space<vmem>>, vector<16xf32>,
      %add3A_353 = arith.addf %get3A_349, %get3A_352 : vector<16xf32>
      %swap3A_354 = arith.index_cast %scan3A_26 : i32 to index
      %swap3A_355 = arith.constant 512 : index
      %swap3A_356 = tpu.vector_load %arg8[%swap3A_354, %swap3A_355] {strides = array<i32>} : memref<16x1024xf32, #tpu.memory_space<vmem>>, vector<16xf32>,
      tpu.vector_store %arg8[%swap3A_354, %swap3A_355], %add3A_353 {strides = array<i32>} : memref<16x1024xf32, #tpu.memory_space<vmem>>, vector<16xf32>,
      %get3A_357 = arith.index_cast %scan3A_26 : i32 to index
      %get3A_358 = arith.constant 528 : index
      %get3A_359 = tpu.vector_load %arg8[%get3A_357, %get3A_358] {strides = array<i32>} : memref<16x1024xf32, #tpu.memory_space<vmem>>, vector<16xf32>,
      %get3A_360 = arith.index_cast %scan3A_26 : i32 to index
      %get3A_361 = arith.constant 528 : index
      %get3A_362 = tpu.vector_load %arg9[%get3A_360, %get3A_361] {strides = array<i32>} : memref<16x1024xf32, #tpu.memory_space<vmem>>, vector<16xf32>,
      %add3A_363 = arith.addf %get3A_359, %get3A_362 : vector<16xf32>
      %swap3A_364 = arith.index_cast %scan3A_26 : i32 to index
      %swap3A_365 = arith.constant 528 : index
      %swap3A_366 = tpu.vector_load %arg8[%swap3A_364, %swap3A_365] {strides = array<i32>} : memref<16x1024xf32, #tpu.memory_space<vmem>>, vector<16xf32>,
      tpu.vector_store %arg8[%swap3A_364, %swap3A_365], %add3A_363 {strides = array<i32>} : memref<16x1024xf32, #tpu.memory_space<vmem>>, vector<16xf32>,
      %get3A_367 = arith.index_cast %scan3A_26 : i32 to index
      %get3A_368 = arith.constant 544 : index
      %get3A_369 = tpu.vector_load %arg8[%get3A_367, %get3A_368] {strides = array<i32>} : memref<16x1024xf32, #tpu.memory_space<vmem>>, vector<16xf32>,
      %get3A_370 = arith.index_cast %scan3A_26 : i32 to index
      %get3A_371 = arith.constant 544 : index
      %get3A_372 = tpu.vector_load %arg9[%get3A_370, %get3A_371] {strides = array<i32>} : memref<16x1024xf32, #tpu.memory_space<vmem>>, vector<16xf32>,
      %add3A_373 = arith.addf %get3A_369, %get3A_372 : vector<16xf32>
      %swap3A_374 = arith.index_cast %scan3A_26 : i32 to index
      %swap3A_375 = arith.constant 544 : index
      %swap3A_376 = tpu.vector_load %arg8[%swap3A_374, %swap3A_375] {strides = array<i32>} : memref<16x1024xf32, #tpu.memory_space<vmem>>, vector<16xf32>,
      tpu.vector_store %arg8[%swap3A_374, %swap3A_375], %add3A_373 {strides = array<i32>} : memref<16x1024xf32, #tpu.memory_space<vmem>>, vector<16xf32>,
      %get3A_377 = arith.index_cast %scan3A_26 : i32 to index
      %get3A_378 = arith.constant 560 : index
      %get3A_379 = tpu.vector_load %arg8[%get3A_377, %get3A_378] {strides = array<i32>} : memref<16x1024xf32, #tpu.memory_space<vmem>>, vector<16xf32>,
      %get3A_380 = arith.index_cast %scan3A_26 : i32 to index
      %get3A_381 = arith.constant 560 : index
      %get3A_382 = tpu.vector_load %arg9[%get3A_380, %get3A_381] {strides = array<i32>} : memref<16x1024xf32, #tpu.memory_space<vmem>>, vector<16xf32>,
      %add3A_383 = arith.addf %get3A_379, %get3A_382 : vector<16xf32>
      %swap3A_384 = arith.index_cast %scan3A_26 : i32 to index
      %swap3A_385 = arith.constant 560 : index
      %swap3A_386 = tpu.vector_load %arg8[%swap3A_384, %swap3A_385] {strides = array<i32>} : memref<16x1024xf32, #tpu.memory_space<vmem>>, vector<16xf32>,
      tpu.vector_store %arg8[%swap3A_384, %swap3A_385], %add3A_383 {strides = array<i32>} : memref<16x1024xf32, #tpu.memory_space<vmem>>, vector<16xf32>,
      %get3A_387 = arith.index_cast %scan3A_26 : i32 to index
      %get3A_388 = arith.constant 576 : index
      %get3A_389 = tpu.vector_load %arg8[%get3A_387, %get3A_388] {strides = array<i32>} : memref<16x1024xf32, #tpu.memory_space<vmem>>, vector<16xf32>,
      %get3A_390 = arith.index_cast %scan3A_26 : i32 to index
      %get3A_391 = arith.constant 576 : index
      %get3A_392 = tpu.vector_load %arg9[%get3A_390, %get3A_391] {strides = array<i32>} : memref<16x1024xf32, #tpu.memory_space<vmem>>, vector<16xf32>,
      %add3A_393 = arith.addf %get3A_389, %get3A_392 : vector<16xf32>
      %swap3A_394 = arith.index_cast %scan3A_26 : i32 to index
      %swap3A_395 = arith.constant 576 : index
      %swap3A_396 = tpu.vector_load %arg8[%swap3A_394, %swap3A_395] {strides = array<i32>} : memref<16x1024xf32, #tpu.memory_space<vmem>>, vector<16xf32>,
      tpu.vector_store %arg8[%swap3A_394, %swap3A_395], %add3A_393 {strides = array<i32>} : memref<16x1024xf32, #tpu.memory_space<vmem>>, vector<16xf32>,
      %get3A_397 = arith.index_cast %scan3A_26 : i32 to index
      %get3A_398 = arith.constant 592 : index
      %get3A_399 = tpu.vector_load %arg8[%get3A_397, %get3A_398] {strides = array<i32>} : memref<16x1024xf32, #tpu.memory_space<vmem>>, vector<16xf32>,
      %get3A_400 = arith.index_cast %scan3A_26 : i32 to index
      %get3A_401 = arith.constant 592 : index
      %get3A_402 = tpu.vector_load %arg9[%get3A_400, %get3A_401] {strides = array<i32>} : memref<16x1024xf32, #tpu.memory_space<vmem>>, vector<16xf32>,
      %add3A_403 = arith.addf %get3A_399, %get3A_402 : vector<16xf32>
      %swap3A_404 = arith.index_cast %scan3A_26 : i32 to index
      %swap3A_405 = arith.constant 592 : index
      %swap3A_406 = tpu.vector_load %arg8[%swap3A_404, %swap3A_405] {strides = array<i32>} : memref<16x1024xf32, #tpu.memory_space<vmem>>, vector<16xf32>,
      tpu.vector_store %arg8[%swap3A_404, %swap3A_405], %add3A_403 {strides = array<i32>} : memref<16x1024xf32, #tpu.memory_space<vmem>>, vector<16xf32>,
      %get3A_407 = arith.index_cast %scan3A_26 : i32 to index
      %get3A_408 = arith.constant 608 : index
      %get3A_409 = tpu.vector_load %arg8[%get3A_407, %get3A_408] {strides = array<i32>} : memref<16x1024xf32, #tpu.memory_space<vmem>>, vector<16xf32>,
      %get3A_410 = arith.index_cast %scan3A_26 : i32 to index
      %get3A_411 = arith.constant 608 : index
      %get3A_412 = tpu.vector_load %arg9[%get3A_410, %get3A_411] {strides = array<i32>} : memref<16x1024xf32, #tpu.memory_space<vmem>>, vector<16xf32>,
      %add3A_413 = arith.addf %get3A_409, %get3A_412 : vector<16xf32>
      %swap3A_414 = arith.index_cast %scan3A_26 : i32 to index
      %swap3A_415 = arith.constant 608 : index
      %swap3A_416 = tpu.vector_load %arg8[%swap3A_414, %swap3A_415] {strides = array<i32>} : memref<16x1024xf32, #tpu.memory_space<vmem>>, vector<16xf32>,
      tpu.vector_store %arg8[%swap3A_414, %swap3A_415], %add3A_413 {strides = array<i32>} : memref<16x1024xf32, #tpu.memory_space<vmem>>, vector<16xf32>,
      %get3A_417 = arith.index_cast %scan3A_26 : i32 to index
      %get3A_418 = arith.constant 624 : index
      %get3A_419 = tpu.vector_load %arg8[%get3A_417, %get3A_418] {strides = array<i32>} : memref<16x1024xf32, #tpu.memory_space<vmem>>, vector<16xf32>,
      %get3A_420 = arith.index_cast %scan3A_26 : i32 to index
      %get3A_421 = arith.constant 624 : index
      %get3A_422 = tpu.vector_load %arg9[%get3A_420, %get3A_421] {strides = array<i32>} : memref<16x1024xf32, #tpu.memory_space<vmem>>, vector<16xf32>,
      %add3A_423 = arith.addf %get3A_419, %get3A_422 : vector<16xf32>
      %swap3A_424 = arith.index_cast %scan3A_26 : i32 to index
      %swap3A_425 = arith.constant 624 : index
      %swap3A_426 = tpu.vector_load %arg8[%swap3A_424, %swap3A_425] {strides = array<i32>} : memref<16x1024xf32, #tpu.memory_space<vmem>>, vector<16xf32>,
      tpu.vector_store %arg8[%swap3A_424, %swap3A_425], %add3A_423 {strides = array<i32>} : memref<16x1024xf32, #tpu.memory_space<vmem>>, vector<16xf32>,
      %get3A_427 = arith.index_cast %scan3A_26 : i32 to index
      %get3A_428 = arith.constant 640 : index
      %get3A_429 = tpu.vector_load %arg8[%get3A_427, %get3A_428] {strides = array<i32>} : memref<16x1024xf32, #tpu.memory_space<vmem>>, vector<16xf32>,
      %get3A_430 = arith.index_cast %scan3A_26 : i32 to index
      %get3A_431 = arith.constant 640 : index
      %get3A_432 = tpu.vector_load %arg9[%get3A_430, %get3A_431] {strides = array<i32>} : memref<16x1024xf32, #tpu.memory_space<vmem>>, vector<16xf32>,
      %add3A_433 = arith.addf %get3A_429, %get3A_432 : vector<16xf32>
      %swap3A_434 = arith.index_cast %scan3A_26 : i32 to index
      %swap3A_435 = arith.constant 640 : index
      %swap3A_436 = tpu.vector_load %arg8[%swap3A_434, %swap3A_435] {strides = array<i32>} : memref<16x1024xf32, #tpu.memory_space<vmem>>, vector<16xf32>,
      tpu.vector_store %arg8[%swap3A_434, %swap3A_435], %add3A_433 {strides = array<i32>} : memref<16x1024xf32, #tpu.memory_space<vmem>>, vector<16xf32>,
      %get3A_437 = arith.index_cast %scan3A_26 : i32 to index
      %get3A_438 = arith.constant 656 : index
      %get3A_439 = tpu.vector_load %arg8[%get3A_437, %get3A_438] {strides = array<i32>} : memref<16x1024xf32, #tpu.memory_space<vmem>>, vector<16xf32>,
      %get3A_440 = arith.index_cast %scan3A_26 : i32 to index
      %get3A_441 = arith.constant 656 : index
      %get3A_442 = tpu.vector_load %arg9[%get3A_440, %get3A_441] {strides = array<i32>} : memref<16x1024xf32, #tpu.memory_space<vmem>>, vector<16xf32>,
      %add3A_443 = arith.addf %get3A_439, %get3A_442 : vector<16xf32>
      %swap3A_444 = arith.index_cast %scan3A_26 : i32 to index
      %swap3A_445 = arith.constant 656 : index
      %swap3A_446 = tpu.vector_load %arg8[%swap3A_444, %swap3A_445] {strides = array<i32>} : memref<16x1024xf32, #tpu.memory_space<vmem>>, vector<16xf32>,
      tpu.vector_store %arg8[%swap3A_444, %swap3A_445], %add3A_443 {strides = array<i32>} : memref<16x1024xf32, #tpu.memory_space<vmem>>, vector<16xf32>,
      %get3A_447 = arith.index_cast %scan3A_26 : i32 to index
      %get3A_448 = arith.constant 672 : index
      %get3A_449 = tpu.vector_load %arg8[%get3A_447, %get3A_448] {strides = array<i32>} : memref<16x1024xf32, #tpu.memory_space<vmem>>, vector<16xf32>,
      %get3A_450 = arith.index_cast %scan3A_26 : i32 to index
      %get3A_451 = arith.constant 672 : index
      %get3A_452 = tpu.vector_load %arg9[%get3A_450, %get3A_451] {strides = array<i32>} : memref<16x1024xf32, #tpu.memory_space<vmem>>, vector<16xf32>,
      %add3A_453 = arith.addf %get3A_449, %get3A_452 : vector<16xf32>
      %swap3A_454 = arith.index_cast %scan3A_26 : i32 to index
      %swap3A_455 = arith.constant 672 : index
      %swap3A_456 = tpu.vector_load %arg8[%swap3A_454, %swap3A_455] {strides = array<i32>} : memref<16x1024xf32, #tpu.memory_space<vmem>>, vector<16xf32>,
      tpu.vector_store %arg8[%swap3A_454, %swap3A_455], %add3A_453 {strides = array<i32>} : memref<16x1024xf32, #tpu.memory_space<vmem>>, vector<16xf32>,
      %get3A_457 = arith.index_cast %scan3A_26 : i32 to index
      %get3A_458 = arith.constant 688 : index
      %get3A_459 = tpu.vector_load %arg8[%get3A_457, %get3A_458] {strides = array<i32>} : memref<16x1024xf32, #tpu.memory_space<vmem>>, vector<16xf32>,
      %get3A_460 = arith.index_cast %scan3A_26 : i32 to index
      %get3A_461 = arith.constant 688 : index
      %get3A_462 = tpu.vector_load %arg9[%get3A_460, %get3A_461] {strides = array<i32>} : memref<16x1024xf32, #tpu.memory_space<vmem>>, vector<16xf32>,
      %add3A_463 = arith.addf %get3A_459, %get3A_462 : vector<16xf32>
      %swap3A_464 = arith.index_cast %scan3A_26 : i32 to index
      %swap3A_465 = arith.constant 688 : index
      %swap3A_466 = tpu.vector_load %arg8[%swap3A_464, %swap3A_465] {strides = array<i32>} : memref<16x1024xf32, #tpu.memory_space<vmem>>, vector<16xf32>,
      tpu.vector_store %arg8[%swap3A_464, %swap3A_465], %add3A_463 {strides = array<i32>} : memref<16x1024xf32, #tpu.memory_space<vmem>>, vector<16xf32>,
      %get3A_467 = arith.index_cast %scan3A_26 : i32 to index
      %get3A_468 = arith.constant 704 : index
      %get3A_469 = tpu.vector_load %arg8[%get3A_467, %get3A_468] {strides = array<i32>} : memref<16x1024xf32, #tpu.memory_space<vmem>>, vector<16xf32>,
      %get3A_470 = arith.index_cast %scan3A_26 : i32 to index
      %get3A_471 = arith.constant 704 : index
      %get3A_472 = tpu.vector_load %arg9[%get3A_470, %get3A_471] {strides = array<i32>} : memref<16x1024xf32, #tpu.memory_space<vmem>>, vector<16xf32>,
      %add3A_473 = arith.addf %get3A_469, %get3A_472 : vector<16xf32>
      %swap3A_474 = arith.index_cast %scan3A_26 : i32 to index
      %swap3A_475 = arith.constant 704 : index
      %swap3A_476 = tpu.vector_load %arg8[%swap3A_474, %swap3A_475] {strides = array<i32>} : memref<16x1024xf32, #tpu.memory_space<vmem>>, vector<16xf32>,
      tpu.vector_store %arg8[%swap3A_474, %swap3A_475], %add3A_473 {strides = array<i32>} : memref<16x1024xf32, #tpu.memory_space<vmem>>, vector<16xf32>,
      %get3A_477 = arith.index_cast %scan3A_26 : i32 to index
      %get3A_478 = arith.constant 720 : index
      %get3A_479 = tpu.vector_load %arg8[%get3A_477, %get3A_478] {strides = array<i32>} : memref<16x1024xf32, #tpu.memory_space<vmem>>, vector<16xf32>,
      %get3A_480 = arith.index_cast %scan3A_26 : i32 to index
      %get3A_481 = arith.constant 720 : index
      %get3A_482 = tpu.vector_load %arg9[%get3A_480, %get3A_481] {strides = array<i32>} : memref<16x1024xf32, #tpu.memory_space<vmem>>, vector<16xf32>,
      %add3A_483 = arith.addf %get3A_479, %get3A_482 : vector<16xf32>
      %swap3A_484 = arith.index_cast %scan3A_26 : i32 to index
      %swap3A_485 = arith.constant 720 : index
      %swap3A_486 = tpu.vector_load %arg8[%swap3A_484, %swap3A_485] {strides = array<i32>} : memref<16x1024xf32, #tpu.memory_space<vmem>>, vector<16xf32>,
      tpu.vector_store %arg8[%swap3A_484, %swap3A_485], %add3A_483 {strides = array<i32>} : memref<16x1024xf32, #tpu.memory_space<vmem>>, vector<16xf32>,
      %get3A_487 = arith.index_cast %scan3A_26 : i32 to index
      %get3A_488 = arith.constant 736 : index
      %get3A_489 = tpu.vector_load %arg8[%get3A_487, %get3A_488] {strides = array<i32>} : memref<16x1024xf32, #tpu.memory_space<vmem>>, vector<16xf32>,
      %get3A_490 = arith.index_cast %scan3A_26 : i32 to index
      %get3A_491 = arith.constant 736 : index
      %get3A_492 = tpu.vector_load %arg9[%get3A_490, %get3A_491] {strides = array<i32>} : memref<16x1024xf32, #tpu.memory_space<vmem>>, vector<16xf32>,
      %add3A_493 = arith.addf %get3A_489, %get3A_492 : vector<16xf32>
      %swap3A_494 = arith.index_cast %scan3A_26 : i32 to index
      %swap3A_495 = arith.constant 736 : index
      %swap3A_496 = tpu.vector_load %arg8[%swap3A_494, %swap3A_495] {strides = array<i32>} : memref<16x1024xf32, #tpu.memory_space<vmem>>, vector<16xf32>,
      tpu.vector_store %arg8[%swap3A_494, %swap3A_495], %add3A_493 {strides = array<i32>} : memref<16x1024xf32, #tpu.memory_space<vmem>>, vector<16xf32>,
      %get3A_497 = arith.index_cast %scan3A_26 : i32 to index
      %get3A_498 = arith.constant 752 : index
      %get3A_499 = tpu.vector_load %arg8[%get3A_497, %get3A_498] {strides = array<i32>} : memref<16x1024xf32, #tpu.memory_space<vmem>>, vector<16xf32>,
      %get3A_500 = arith.index_cast %scan3A_26 : i32 to index
      %get3A_501 = arith.constant 752 : index
      %get3A_502 = tpu.vector_load %arg9[%get3A_500, %get3A_501] {strides = array<i32>} : memref<16x1024xf32, #tpu.memory_space<vmem>>, vector<16xf32>,
      %add3A_503 = arith.addf %get3A_499, %get3A_502 : vector<16xf32>
      %swap3A_504 = arith.index_cast %scan3A_26 : i32 to index
      %swap3A_505 = arith.constant 752 : index
      %swap3A_506 = tpu.vector_load %arg8[%swap3A_504, %swap3A_505] {strides = array<i32>} : memref<16x1024xf32, #tpu.memory_space<vmem>>, vector<16xf32>,
      tpu.vector_store %arg8[%swap3A_504, %swap3A_505], %add3A_503 {strides = array<i32>} : memref<16x1024xf32, #tpu.memory_space<vmem>>, vector<16xf32>,
      %get3A_507 = arith.index_cast %scan3A_26 : i32 to index
      %get3A_508 = arith.constant 768 : index
      %get3A_509 = tpu.vector_load %arg8[%get3A_507, %get3A_508] {strides = array<i32>} : memref<16x1024xf32, #tpu.memory_space<vmem>>, vector<16xf32>,
      %get3A_510 = arith.index_cast %scan3A_26 : i32 to index
      %get3A_511 = arith.constant 768 : index
      %get3A_512 = tpu.vector_load %arg9[%get3A_510, %get3A_511] {strides = array<i32>} : memref<16x1024xf32, #tpu.memory_space<vmem>>, vector<16xf32>,
      %add3A_513 = arith.addf %get3A_509, %get3A_512 : vector<16xf32>
      %swap3A_514 = arith.index_cast %scan3A_26 : i32 to index
      %swap3A_515 = arith.constant 768 : index
      %swap3A_516 = tpu.vector_load %arg8[%swap3A_514, %swap3A_515] {strides = array<i32>} : memref<16x1024xf32, #tpu.memory_space<vmem>>, vector<16xf32>,
      tpu.vector_store %arg8[%swap3A_514, %swap3A_515], %add3A_513 {strides = array<i32>} : memref<16x1024xf32, #tpu.memory_space<vmem>>, vector<16xf32>,
      %get3A_517 = arith.index_cast %scan3A_26 : i32 to index
      %get3A_518 = arith.constant 784 : index
      %get3A_519 = tpu.vector_load %arg8[%get3A_517, %get3A_518] {strides = array<i32>} : memref<16x1024xf32, #tpu.memory_space<vmem>>, vector<16xf32>,
      %get3A_520 = arith.index_cast %scan3A_26 : i32 to index
      %get3A_521 = arith.constant 784 : index
      %get3A_522 = tpu.vector_load %arg9[%get3A_520, %get3A_521] {strides = array<i32>} : memref<16x1024xf32, #tpu.memory_space<vmem>>, vector<16xf32>,
      %add3A_523 = arith.addf %get3A_519, %get3A_522 : vector<16xf32>
      %swap3A_524 = arith.index_cast %scan3A_26 : i32 to index
      %swap3A_525 = arith.constant 784 : index
      %swap3A_526 = tpu.vector_load %arg8[%swap3A_524, %swap3A_525] {strides = array<i32>} : memref<16x1024xf32, #tpu.memory_space<vmem>>, vector<16xf32>,
      tpu.vector_store %arg8[%swap3A_524, %swap3A_525], %add3A_523 {strides = array<i32>} : memref<16x1024xf32, #tpu.memory_space<vmem>>, vector<16xf32>,
      %get3A_527 = arith.index_cast %scan3A_26 : i32 to index
      %get3A_528 = arith.constant 800 : index
      %get3A_529 = tpu.vector_load %arg8[%get3A_527, %get3A_528] {strides = array<i32>} : memref<16x1024xf32, #tpu.memory_space<vmem>>, vector<16xf32>,
      %get3A_530 = arith.index_cast %scan3A_26 : i32 to index
      %get3A_531 = arith.constant 800 : index
      %get3A_532 = tpu.vector_load %arg9[%get3A_530, %get3A_531] {strides = array<i32>} : memref<16x1024xf32, #tpu.memory_space<vmem>>, vector<16xf32>,
      %add3A_533 = arith.addf %get3A_529, %get3A_532 : vector<16xf32>
      %swap3A_534 = arith.index_cast %scan3A_26 : i32 to index
      %swap3A_535 = arith.constant 800 : index
      %swap3A_536 = tpu.vector_load %arg8[%swap3A_534, %swap3A_535] {strides = array<i32>} : memref<16x1024xf32, #tpu.memory_space<vmem>>, vector<16xf32>,
      tpu.vector_store %arg8[%swap3A_534, %swap3A_535], %add3A_533 {strides = array<i32>} : memref<16x1024xf32, #tpu.memory_space<vmem>>, vector<16xf32>,
      %get3A_537 = arith.index_cast %scan3A_26 : i32 to index
      %get3A_538 = arith.constant 816 : index
      %get3A_539 = tpu.vector_load %arg8[%get3A_537, %get3A_538] {strides = array<i32>} : memref<16x1024xf32, #tpu.memory_space<vmem>>, vector<16xf32>,
      %get3A_540 = arith.index_cast %scan3A_26 : i32 to index
      %get3A_541 = arith.constant 816 : index
      %get3A_542 = tpu.vector_load %arg9[%get3A_540, %get3A_541] {strides = array<i32>} : memref<16x1024xf32, #tpu.memory_space<vmem>>, vector<16xf32>,
      %add3A_543 = arith.addf %get3A_539, %get3A_542 : vector<16xf32>
      %swap3A_544 = arith.index_cast %scan3A_26 : i32 to index
      %swap3A_545 = arith.constant 816 : index
      %swap3A_546 = tpu.vector_load %arg8[%swap3A_544, %swap3A_545] {strides = array<i32>} : memref<16x1024xf32, #tpu.memory_space<vmem>>, vector<16xf32>,
      tpu.vector_store %arg8[%swap3A_544, %swap3A_545], %add3A_543 {strides = array<i32>} : memref<16x1024xf32, #tpu.memory_space<vmem>>, vector<16xf32>,
      %get3A_547 = arith.index_cast %scan3A_26 : i32 to index
      %get3A_548 = arith.constant 832 : index
      %get3A_549 = tpu.vector_load %arg8[%get3A_547, %get3A_548] {strides = array<i32>} : memref<16x1024xf32, #tpu.memory_space<vmem>>, vector<16xf32>,
      %get3A_550 = arith.index_cast %scan3A_26 : i32 to index
      %get3A_551 = arith.constant 832 : index
      %get3A_552 = tpu.vector_load %arg9[%get3A_550, %get3A_551] {strides = array<i32>} : memref<16x1024xf32, #tpu.memory_space<vmem>>, vector<16xf32>,
      %add3A_553 = arith.addf %get3A_549, %get3A_552 : vector<16xf32>
      %swap3A_554 = arith.index_cast %scan3A_26 : i32 to index
      %swap3A_555 = arith.constant 832 : index
      %swap3A_556 = tpu.vector_load %arg8[%swap3A_554, %swap3A_555] {strides = array<i32>} : memref<16x1024xf32, #tpu.memory_space<vmem>>, vector<16xf32>,
      tpu.vector_store %arg8[%swap3A_554, %swap3A_555], %add3A_553 {strides = array<i32>} : memref<16x1024xf32, #tpu.memory_space<vmem>>, vector<16xf32>,
      %get3A_557 = arith.index_cast %scan3A_26 : i32 to index
      %get3A_558 = arith.constant 848 : index
      %get3A_559 = tpu.vector_load %arg8[%get3A_557, %get3A_558] {strides = array<i32>} : memref<16x1024xf32, #tpu.memory_space<vmem>>, vector<16xf32>,
      %get3A_560 = arith.index_cast %scan3A_26 : i32 to index
      %get3A_561 = arith.constant 848 : index
      %get3A_562 = tpu.vector_load %arg9[%get3A_560, %get3A_561] {strides = array<i32>} : memref<16x1024xf32, #tpu.memory_space<vmem>>, vector<16xf32>,
      %add3A_563 = arith.addf %get3A_559, %get3A_562 : vector<16xf32>
      %swap3A_564 = arith.index_cast %scan3A_26 : i32 to index
      %swap3A_565 = arith.constant 848 : index
      %swap3A_566 = tpu.vector_load %arg8[%swap3A_564, %swap3A_565] {strides = array<i32>} : memref<16x1024xf32, #tpu.memory_space<vmem>>, vector<16xf32>,
      tpu.vector_store %arg8[%swap3A_564, %swap3A_565], %add3A_563 {strides = array<i32>} : memref<16x1024xf32, #tpu.memory_space<vmem>>, vector<16xf32>,
      %get3A_567 = arith.index_cast %scan3A_26 : i32 to index
      %get3A_568 = arith.constant 864 : index
      %get3A_569 = tpu.vector_load %arg8[%get3A_567, %get3A_568] {strides = array<i32>} : memref<16x1024xf32, #tpu.memory_space<vmem>>, vector<16xf32>,
      %get3A_570 = arith.index_cast %scan3A_26 : i32 to index
      %get3A_571 = arith.constant 864 : index
      %get3A_572 = tpu.vector_load %arg9[%get3A_570, %get3A_571] {strides = array<i32>} : memref<16x1024xf32, #tpu.memory_space<vmem>>, vector<16xf32>,
      %add3A_573 = arith.addf %get3A_569, %get3A_572 : vector<16xf32>
      %swap3A_574 = arith.index_cast %scan3A_26 : i32 to index
      %swap3A_575 = arith.constant 864 : index
      %swap3A_576 = tpu.vector_load %arg8[%swap3A_574, %swap3A_575] {strides = array<i32>} : memref<16x1024xf32, #tpu.memory_space<vmem>>, vector<16xf32>,
      tpu.vector_store %arg8[%swap3A_574, %swap3A_575], %add3A_573 {strides = array<i32>} : memref<16x1024xf32, #tpu.memory_space<vmem>>, vector<16xf32>,
      %get3A_577 = arith.index_cast %scan3A_26 : i32 to index
      %get3A_578 = arith.constant 880 : index
      %get3A_579 = tpu.vector_load %arg8[%get3A_577, %get3A_578] {strides = array<i32>} : memref<16x1024xf32, #tpu.memory_space<vmem>>, vector<16xf32>,
      %get3A_580 = arith.index_cast %scan3A_26 : i32 to index
      %get3A_581 = arith.constant 880 : index
      %get3A_582 = tpu.vector_load %arg9[%get3A_580, %get3A_581] {strides = array<i32>} : memref<16x1024xf32, #tpu.memory_space<vmem>>, vector<16xf32>,
      %add3A_583 = arith.addf %get3A_579, %get3A_582 : vector<16xf32>
      %swap3A_584 = arith.index_cast %scan3A_26 : i32 to index
      %swap3A_585 = arith.constant 880 : index
      %swap3A_586 = tpu.vector_load %arg8[%swap3A_584, %swap3A_585] {strides = array<i32>} : memref<16x1024xf32, #tpu.memory_space<vmem>>, vector<16xf32>,
      tpu.vector_store %arg8[%swap3A_584, %swap3A_585], %add3A_583 {strides = array<i32>} : memref<16x1024xf32, #tpu.memory_space<vmem>>, vector<16xf32>,
      %get3A_587 = arith.index_cast %scan3A_26 : i32 to index
      %get3A_588 = arith.constant 896 : index
      %get3A_589 = tpu.vector_load %arg8[%get3A_587, %get3A_588] {strides = array<i32>} : memref<16x1024xf32, #tpu.memory_space<vmem>>, vector<16xf32>,
      %get3A_590 = arith.index_cast %scan3A_26 : i32 to index
      %get3A_591 = arith.constant 896 : index
      %get3A_592 = tpu.vector_load %arg9[%get3A_590, %get3A_591] {strides = array<i32>} : memref<16x1024xf32, #tpu.memory_space<vmem>>, vector<16xf32>,
      %add3A_593 = arith.addf %get3A_589, %get3A_592 : vector<16xf32>
      %swap3A_594 = arith.index_cast %scan3A_26 : i32 to index
      %swap3A_595 = arith.constant 896 : index
      %swap3A_596 = tpu.vector_load %arg8[%swap3A_594, %swap3A_595] {strides = array<i32>} : memref<16x1024xf32, #tpu.memory_space<vmem>>, vector<16xf32>,
      tpu.vector_store %arg8[%swap3A_594, %swap3A_595], %add3A_593 {strides = array<i32>} : memref<16x1024xf32, #tpu.memory_space<vmem>>, vector<16xf32>,
      %get3A_597 = arith.index_cast %scan3A_26 : i32 to index
      %get3A_598 = arith.constant 912 : index
      %get3A_599 = tpu.vector_load %arg8[%get3A_597, %get3A_598] {strides = array<i32>} : memref<16x1024xf32, #tpu.memory_space<vmem>>, vector<16xf32>,
      %get3A_600 = arith.index_cast %scan3A_26 : i32 to index
      %get3A_601 = arith.constant 912 : index
      %get3A_602 = tpu.vector_load %arg9[%get3A_600, %get3A_601] {strides = array<i32>} : memref<16x1024xf32, #tpu.memory_space<vmem>>, vector<16xf32>,
      %add3A_603 = arith.addf %get3A_599, %get3A_602 : vector<16xf32>
      %swap3A_604 = arith.index_cast %scan3A_26 : i32 to index
      %swap3A_605 = arith.constant 912 : index
      %swap3A_606 = tpu.vector_load %arg8[%swap3A_604, %swap3A_605] {strides = array<i32>} : memref<16x1024xf32, #tpu.memory_space<vmem>>, vector<16xf32>,
      tpu.vector_store %arg8[%swap3A_604, %swap3A_605], %add3A_603 {strides = array<i32>} : memref<16x1024xf32, #tpu.memory_space<vmem>>, vector<16xf32>,
      %get3A_607 = arith.index_cast %scan3A_26 : i32 to index
      %get3A_608 = arith.constant 928 : index
      %get3A_609 = tpu.vector_load %arg8[%get3A_607, %get3A_608] {strides = array<i32>} : memref<16x1024xf32, #tpu.memory_space<vmem>>, vector<16xf32>,
      %get3A_610 = arith.index_cast %scan3A_26 : i32 to index
      %get3A_611 = arith.constant 928 : index
      %get3A_612 = tpu.vector_load %arg9[%get3A_610, %get3A_611] {strides = array<i32>} : memref<16x1024xf32, #tpu.memory_space<vmem>>, vector<16xf32>,
      %add3A_613 = arith.addf %get3A_609, %get3A_612 : vector<16xf32>
      %swap3A_614 = arith.index_cast %scan3A_26 : i32 to index
      %swap3A_615 = arith.constant 928 : index
      %swap3A_616 = tpu.vector_load %arg8[%swap3A_614, %swap3A_615] {strides = array<i32>} : memref<16x1024xf32, #tpu.memory_space<vmem>>, vector<16xf32>,
      tpu.vector_store %arg8[%swap3A_614, %swap3A_615], %add3A_613 {strides = array<i32>} : memref<16x1024xf32, #tpu.memory_space<vmem>>, vector<16xf32>,
      %get3A_617 = arith.index_cast %scan3A_26 : i32 to index
      %get3A_618 = arith.constant 944 : index
      %get3A_619 = tpu.vector_load %arg8[%get3A_617, %get3A_618] {strides = array<i32>} : memref<16x1024xf32, #tpu.memory_space<vmem>>, vector<16xf32>,
      %get3A_620 = arith.index_cast %scan3A_26 : i32 to index
      %get3A_621 = arith.constant 944 : index
      %get3A_622 = tpu.vector_load %arg9[%get3A_620, %get3A_621] {strides = array<i32>} : memref<16x1024xf32, #tpu.memory_space<vmem>>, vector<16xf32>,
      %add3A_623 = arith.addf %get3A_619, %get3A_622 : vector<16xf32>
      %swap3A_624 = arith.index_cast %scan3A_26 : i32 to index
      %swap3A_625 = arith.constant 944 : index
      %swap3A_626 = tpu.vector_load %arg8[%swap3A_624, %swap3A_625] {strides = array<i32>} : memref<16x1024xf32, #tpu.memory_space<vmem>>, vector<16xf32>,
      tpu.vector_store %arg8[%swap3A_624, %swap3A_625], %add3A_623 {strides = array<i32>} : memref<16x1024xf32, #tpu.memory_space<vmem>>, vector<16xf32>,
      %get3A_627 = arith.index_cast %scan3A_26 : i32 to index
      %get3A_628 = arith.constant 960 : index
      %get3A_629 = tpu.vector_load %arg8[%get3A_627, %get3A_628] {strides = array<i32>} : memref<16x1024xf32, #tpu.memory_space<vmem>>, vector<16xf32>,
      %get3A_630 = arith.index_cast %scan3A_26 : i32 to index
      %get3A_631 = arith.constant 960 : index
      %get3A_632 = tpu.vector_load %arg9[%get3A_630, %get3A_631] {strides = array<i32>} : memref<16x1024xf32, #tpu.memory_space<vmem>>, vector<16xf32>,
      %add3A_633 = arith.addf %get3A_629, %get3A_632 : vector<16xf32>
      %swap3A_634 = arith.index_cast %scan3A_26 : i32 to index
      %swap3A_635 = arith.constant 960 : index
      %swap3A_636 = tpu.vector_load %arg8[%swap3A_634, %swap3A_635] {strides = array<i32>} : memref<16x1024xf32, #tpu.memory_space<vmem>>, vector<16xf32>,
      tpu.vector_store %arg8[%swap3A_634, %swap3A_635], %add3A_633 {strides = array<i32>} : memref<16x1024xf32, #tpu.memory_space<vmem>>, vector<16xf32>,
      %get3A_637 = arith.index_cast %scan3A_26 : i32 to index
      %get3A_638 = arith.constant 976 : index
      %get3A_639 = tpu.vector_load %arg8[%get3A_637, %get3A_638] {strides = array<i32>} : memref<16x1024xf32, #tpu.memory_space<vmem>>, vector<16xf32>,
      %get3A_640 = arith.index_cast %scan3A_26 : i32 to index
      %get3A_641 = arith.constant 976 : index
      %get3A_642 = tpu.vector_load %arg9[%get3A_640, %get3A_641] {strides = array<i32>} : memref<16x1024xf32, #tpu.memory_space<vmem>>, vector<16xf32>,
      %add3A_643 = arith.addf %get3A_639, %get3A_642 : vector<16xf32>
      %swap3A_644 = arith.index_cast %scan3A_26 : i32 to index
      %swap3A_645 = arith.constant 976 : index
      %swap3A_646 = tpu.vector_load %arg8[%swap3A_644, %swap3A_645] {strides = array<i32>} : memref<16x1024xf32, #tpu.memory_space<vmem>>, vector<16xf32>,
      tpu.vector_store %arg8[%swap3A_644, %swap3A_645], %add3A_643 {strides = array<i32>} : memref<16x1024xf32, #tpu.memory_space<vmem>>, vector<16xf32>,
      %get3A_647 = arith.index_cast %scan3A_26 : i32 to index
      %get3A_648 = arith.constant 992 : index
      %get3A_649 = tpu.vector_load %arg8[%get3A_647, %get3A_648] {strides = array<i32>} : memref<16x1024xf32, #tpu.memory_space<vmem>>, vector<16xf32>,
      %get3A_650 = arith.index_cast %scan3A_26 : i32 to index
      %get3A_651 = arith.constant 992 : index
      %get3A_652 = tpu.vector_load %arg9[%get3A_650, %get3A_651] {strides = array<i32>} : memref<16x1024xf32, #tpu.memory_space<vmem>>, vector<16xf32>,
      %add3A_653 = arith.addf %get3A_649, %get3A_652 : vector<16xf32>
      %swap3A_654 = arith.index_cast %scan3A_26 : i32 to index
      %swap3A_655 = arith.constant 992 : index
      %swap3A_656 = tpu.vector_load %arg8[%swap3A_654, %swap3A_655] {strides = array<i32>} : memref<16x1024xf32, #tpu.memory_space<vmem>>, vector<16xf32>,
      tpu.vector_store %arg8[%swap3A_654, %swap3A_655], %add3A_653 {strides = array<i32>} : memref<16x1024xf32, #tpu.memory_space<vmem>>, vector<16xf32>,
      %get3A_657 = arith.index_cast %scan3A_26 : i32 to index
      %get3A_658 = arith.constant 1008 : index
      %get3A_659 = tpu.vector_load %arg8[%get3A_657, %get3A_658] {strides = array<i32>} : memref<16x1024xf32, #tpu.memory_space<vmem>>, vector<16xf32>,
      %get3A_660 = arith.index_cast %scan3A_26 : i32 to index
      %get3A_661 = arith.constant 1008 : index
      %get3A_662 = tpu.vector_load %arg9[%get3A_660, %get3A_661] {strides = array<i32>} : memref<16x1024xf32, #tpu.memory_space<vmem>>, vector<16xf32>,
      %add3A_663 = arith.addf %get3A_659, %get3A_662 : vector<16xf32>
      %swap3A_664 = arith.index_cast %scan3A_26 : i32 to index
      %swap3A_665 = arith.constant 1008 : index
      %swap3A_666 = tpu.vector_load %arg8[%swap3A_664, %swap3A_665] {strides = array<i32>} : memref<16x1024xf32, #tpu.memory_space<vmem>>, vector<16xf32>,
      tpu.vector_store %arg8[%swap3A_664, %swap3A_665], %add3A_663 {strides = array<i32>} : memref<16x1024xf32, #tpu.memory_space<vmem>>, vector<16xf32>,
    }
    %scan3A_25 = arith.constant 16 : i32
    "tpu.region"() ({
      %run_scoped3A = tpu.sem_alloc : memref<!tpu.dma_semaphore, #tpu.memory_space<semaphore_mem>>
      %dma_start3A_26 = arith.constant 0 : i32
      %dma_start3A_27 = tpu.memref_slice %arg4[%mul3A_2, %dma_start3A_26] : memref<512x1024xf32, #tpu.memory_space<hbm>> -> memref<16x1024xf32, #tpu.memory_space<hbm>>
      %dma_start3A_28 = arith.constant 0 : i32
      %dma_start3A_29 = tpu.memref_slice %arg4[%mul3A_2, %dma_start3A_28] : memref<512x1024xf32, #tpu.memory_space<hbm>> -> memref<16x1024xf32, #tpu.memory_space<hbm>>
      tpu.enqueue_dma source(%arg8 : memref<16x1024xf32, #tpu.memory_space<vmem>>) target(%dma_start3A_29 : memref<16x1024xf32, #tpu.memory_space<hbm>>) target_semaphore(%run_scoped3A : memref<!tpu.dma_semaphore, #tpu.memory_space<semaphore_mem>>)
      %dma_wait3A_30 = arith.constant 0 : i32
      %dma_wait3A_31 = tpu.memref_slice %arg4[%mul3A_2, %dma_wait3A_30] : memref<512x1024xf32, #tpu.memory_space<hbm>> -> memref<16x1024xf32, #tpu.memory_space<hbm>>
      %dma_wait3A_32 = arith.constant 0 : i32
      %dma_wait3A_33 = tpu.memref_slice %arg4[%mul3A_2, %dma_wait3A_32] : memref<512x1024xf32, #tpu.memory_space<hbm>> -> memref<16x1024xf32, #tpu.memory_space<hbm>>
      tpu.wait_dma2 semaphore(%run_scoped3A : memref<!tpu.dma_semaphore, #tpu.memory_space<semaphore_mem>>) src(%arg8 : memref<16x1024xf32, #tpu.memory_space<vmem>>) dst(%dma_wait3A_33 : memref<16x1024xf32, #tpu.memory_space<hbm>>)
      tpu.yield
    }) : () -> ()
    return
  }
}

module attributes {stable_mosaic.version = 14 : i64} {
  func.func @_stage_a_body(%arg0: memref<512x48xf32, #tpu.memory_space<vmem>>, %arg1: memref<48x1024xf32, #tpu.memory_space<vmem>>, %arg2: memref<1x1024xf32, #tpu.memory_space<vmem>>, %arg3: memref<1024x1024xf32, #tpu.memory_space<vmem>>, %arg4: memref<1024x1024xf32, #tpu.memory_space<vmem>>, %arg5: memref<1024x1024xf32, #tpu.memory_space<vmem>>, %arg6: memref<1024x1024xf32, #tpu.memory_space<vmem>>, %arg7: memref<1x1024xf32, #tpu.memory_space<vmem>>, %arg8: memref<512x1024xf32, #tpu.memory_space<vmem>>, %arg9: memref<1x1024xf32, #tpu.memory_space<vmem>>, %arg10: memref<1x1024xf32, #tpu.memory_space<vmem>>, %arg11: memref<1x1024xf32, #tpu.memory_space<vmem>>, %arg12: memref<1x1024xf32, #tpu.memory_space<vmem>>, %arg13: memref<1x1024xf32, #tpu.memory_space<vmem>>, %arg14: memref<1x1024xf32, #tpu.memory_space<vmem>>, %arg15: memref<1024x8xf32, #tpu.memory_space<vmem>>, %arg16: memref<1x8xf32, #tpu.memory_space<vmem>>, %arg17: memref<1024x8xf32, #tpu.memory_space<vmem>>, %arg18: memref<1x8xf32, #tpu.memory_space<vmem>>, %arg19: memref<512x1024xf32, #tpu.memory_space<vmem>>, %arg20: memref<512x1024xf32, #tpu.memory_space<vmem>>, %arg21: memref<512x1xi32, #tpu.memory_space<vmem>>, %arg22: memref<1024x1xf32, #tpu.memory_space<vmem>>, %arg23: memref<16x1xi32, #tpu.memory_space<vmem>>, %arg24: memref<16x1xi32, #tpu.memory_space<vmem>>, %arg25: memref<16x1xi32, #tpu.memory_space<vmem>>, %arg26: memref<512x1xi32, #tpu.memory_space<vmem>>, %arg27: memref<1024x1xf32, #tpu.memory_space<vmem>>, %arg28: memref<16x1xi32, #tpu.memory_space<vmem>>, %arg29: memref<16x1xi32, #tpu.memory_space<vmem>>, %arg30: memref<16x1xi32, #tpu.memory_space<vmem>>) attributes {dimension_semantics = [], scalar_prefetch = 0 : i64, scratch_operands = 0 : i64, tpu.core_type = #tpu.core_type<tc>} {
    %get3A = arith.constant 0 : index
    %get3A_0 = arith.constant 0 : index
    %get3A_1 = vector.load %arg0[%get3A, %get3A_0] : memref<512x48xf32, #tpu.memory_space<vmem>>, vector<512x48xf32>
    %get3A_2 = arith.constant 0 : index
    %get3A_3 = arith.constant 0 : index
    %get3A_4 = vector.load %arg1[%get3A_2, %get3A_3] : memref<48x1024xf32, #tpu.memory_space<vmem>>, vector<48x1024xf32>
    %dot_general3A = arith.constant dense<0.000000e+00> : vector<512x1024xf32>
    %dot_general3A_5 = tpu.matmul %get3A_1, %get3A_4, %dot_general3A {dimension_numbers = #tpu.dot_dimension_numbers<[1], [0], [0], [1], [0, 0, 1, 1], [], []>, transpose_lhs_hint = false} : vector<512x48xf32>, vector<48x1024xf32>, vector<512x1024xf32> -> vector<512x1024xf32>
    %get3A_6 = arith.constant 0 : index
    %get3A_7 = arith.constant 0 : index
    %get3A_8 = vector.load %arg2[%get3A_6, %get3A_7] : memref<1x1024xf32, #tpu.memory_space<vmem>>, vector<1x1024xf32>
    %add3A = vector.broadcast %get3A_8 : vector<1x1024xf32> to vector<512x1024xf32>
    %add3A_9 = arith.addf %dot_general3A_5, %add3A : vector<512x1024xf32>
    %get3A_10 = arith.constant 0 : index
    %get3A_11 = arith.constant 0 : index
    %get3A_12 = vector.load %arg9[%get3A_10, %get3A_11] : memref<1x1024xf32, #tpu.memory_space<vmem>>, vector<1x1024xf32>
    %get3A_13 = arith.constant 0 : index
    %get3A_14 = arith.constant 0 : index
    %get3A_15 = vector.load %arg10[%get3A_13, %get3A_14] : memref<1x1024xf32, #tpu.memory_space<vmem>>, vector<1x1024xf32>
    %reduce_sum3A = arith.constant dense<0.000000e+00> : vector<512xf32>
    %reduce_sum3A_16 = vector.multi_reduction <add>, %add3A_9, %reduce_sum3A [1] : vector<512x1024xf32> to vector<512xf32>
    %broadcast_in_dim3A = vector.shape_cast %reduce_sum3A_16 : vector<512xf32> to vector<512x1xf32>
    %div3A = arith.constant 1.024000e+03 : f32
    %div3A_17 = vector.broadcast %div3A : f32 to vector<512x1xf32>
    %div3A_18 = arith.divf %broadcast_in_dim3A, %div3A_17 : vector<512x1xf32>
    %jit3A = arith.constant 0 : i32
    %reduce_sum3A_19 = arith.constant dense<0.000000e+00> : vector<512xf32>
    %reduce_sum3A_20 = vector.multi_reduction <add>, %add3A_9, %reduce_sum3A_19 [1] : vector<512x1024xf32> to vector<512xf32>
    %broadcast_in_dim3A_21 = vector.shape_cast %reduce_sum3A_20 : vector<512xf32> to vector<512x1xf32>
    %div3A_22 = arith.constant 1.024000e+03 : f32
    %div3A_23 = vector.broadcast %div3A_22 : f32 to vector<512x1xf32>
    %div3A_24 = arith.divf %broadcast_in_dim3A_21, %div3A_23 : vector<512x1xf32>
    %sub3A = vector.broadcast %div3A_24 : vector<512x1xf32> to vector<512x1024xf32>
    %sub3A_25 = arith.subf %add3A_9, %sub3A : vector<512x1024xf32>
    %square3A = arith.mulf %sub3A_25, %sub3A_25 : vector<512x1024xf32>
    %convert_element_type3A = arith.sitofp %jit3A : i32 to f32
    %sub3A_26 = arith.constant 1.024000e+03 : f32
    %sub3A_27 = arith.subf %sub3A_26, %convert_element_type3A : f32
    %reduce_sum3A_28 = arith.constant dense<0.000000e+00> : vector<512xf32>
    %reduce_sum3A_29 = vector.multi_reduction <add>, %square3A, %reduce_sum3A_28 [1] : vector<512x1024xf32> to vector<512xf32>
    %broadcast_in_dim3A_30 = vector.shape_cast %reduce_sum3A_29 : vector<512xf32> to vector<512x1xf32>
    %div3A_31 = vector.broadcast %sub3A_27 : f32 to vector<512x1xf32>
    %div3A_32 = arith.divf %broadcast_in_dim3A_30, %div3A_31 : vector<512x1xf32>
    %gt3A = arith.constant 0.000000e+00 : f32
    %gt3A_33 = arith.cmpf ogt, %sub3A_27, %gt3A : f32
    %jit3A_34 = arith.constant 0x7FC00000 : f32
    %broadcast_in_dim3A_35 = vector.broadcast %jit3A_34 : f32 to vector<512x1xf32>
    %select_n3A = arith.select %gt3A_33, %div3A_32, %broadcast_in_dim3A_35 : vector<512x1xf32>
    %sub3A_36 = vector.broadcast %div3A_18 : vector<512x1xf32> to vector<512x1024xf32>
    %sub3A_37 = arith.subf %add3A_9, %sub3A_36 : vector<512x1024xf32>
    %add3A_38 = arith.constant 9.99999974E-6 : f32
    %add3A_39 = vector.broadcast %add3A_38 : f32 to vector<512x1xf32>
    %add3A_40 = arith.addf %select_n3A, %add3A_39 : vector<512x1xf32>
    %sqrt3A = math.sqrt %add3A_40 : vector<512x1xf32>
    %div3A_41 = vector.broadcast %sqrt3A : vector<512x1xf32> to vector<512x1024xf32>
    %div3A_42 = arith.divf %sub3A_37, %div3A_41 : vector<512x1024xf32>
    %mul3A = vector.broadcast %get3A_12 : vector<1x1024xf32> to vector<512x1024xf32>
    %mul3A_43 = arith.mulf %div3A_42, %mul3A : vector<512x1024xf32>
    %add3A_44 = vector.broadcast %get3A_15 : vector<1x1024xf32> to vector<512x1024xf32>
    %add3A_45 = arith.addf %mul3A_43, %add3A_44 : vector<512x1024xf32>
    %get3A_46 = arith.constant 0 : index
    %get3A_47 = arith.constant 0 : index
    %get3A_48 = vector.load %arg3[%get3A_46, %get3A_47] : memref<1024x1024xf32, #tpu.memory_space<vmem>>, vector<1024x1024xf32>
    %dot_general3A_49 = arith.constant dense<0.000000e+00> : vector<512x1024xf32>
    %dot_general3A_50 = tpu.matmul %add3A_45, %get3A_48, %dot_general3A_49 {dimension_numbers = #tpu.dot_dimension_numbers<[1], [0], [0], [1], [0, 0, 1, 1], [], []>, transpose_lhs_hint = false} : vector<512x1024xf32>, vector<1024x1024xf32>, vector<512x1024xf32> -> vector<512x1024xf32>
    %get3A_51 = arith.constant 0 : index
    %get3A_52 = arith.constant 0 : index
    %get3A_53 = vector.load %arg4[%get3A_51, %get3A_52] : memref<1024x1024xf32, #tpu.memory_space<vmem>>, vector<1024x1024xf32>
    %dot_general3A_54 = arith.constant dense<0.000000e+00> : vector<512x1024xf32>
    %dot_general3A_55 = tpu.matmul %add3A_45, %get3A_53, %dot_general3A_54 {dimension_numbers = #tpu.dot_dimension_numbers<[1], [0], [0], [1], [0, 0, 1, 1], [], []>, transpose_lhs_hint = false} : vector<512x1024xf32>, vector<1024x1024xf32>, vector<512x1024xf32> -> vector<512x1024xf32>
    %get3A_56 = arith.constant 0 : index
    %get3A_57 = arith.constant 0 : index
    %get3A_58 = vector.load %arg5[%get3A_56, %get3A_57] : memref<1024x1024xf32, #tpu.memory_space<vmem>>, vector<1024x1024xf32>
    %dot_general3A_59 = arith.constant dense<0.000000e+00> : vector<512x1024xf32>
    %dot_general3A_60 = tpu.matmul %add3A_45, %get3A_58, %dot_general3A_59 {dimension_numbers = #tpu.dot_dimension_numbers<[1], [0], [0], [1], [0, 0, 1, 1], [], []>, transpose_lhs_hint = false} : vector<512x1024xf32>, vector<1024x1024xf32>, vector<512x1024xf32> -> vector<512x1024xf32>
    %iota3A = tpu.iota {dimensions = array<i32: 0>} : vector<64x64xi32>
    %iota3A_61 = tpu.iota {dimensions = array<i32: 1>} : vector<64x64xi32>
    %ge3A = arith.cmpi sge, %iota3A, %iota3A_61 : vector<64x64xi32>
    %slice3A = vector.extract_strided_slice %dot_general3A_50 {offsets = [0, 0], sizes = [64, 128], strides = [1, 1]} : vector<512x1024xf32> to vector<64x128xf32>
    %slice3A_62 = vector.extract_strided_slice %dot_general3A_55 {offsets = [0, 0], sizes = [64, 128], strides = [1, 1]} : vector<512x1024xf32> to vector<64x128xf32>
    %slice3A_63 = vector.extract_strided_slice %dot_general3A_60 {offsets = [0, 0], sizes = [64, 128], strides = [1, 1]} : vector<512x1024xf32> to vector<64x128xf32>
    %dot_general3A_64 = arith.constant dense<0.000000e+00> : vector<64x64xf32>
    %dot_general3A_65 = tpu.matmul %slice3A, %slice3A_62, %dot_general3A_64 {dimension_numbers = #tpu.dot_dimension_numbers<[1], [1], [0], [0], [0, 0, 1, 0], [], []>, transpose_lhs_hint = false} : vector<64x128xf32>, vector<64x128xf32>, vector<64x64xf32> -> vector<64x64xf32>
    %mul3A_66 = arith.constant 0.0883883461 : f32
    %mul3A_67 = vector.broadcast %mul3A_66 : f32 to vector<64x64xf32>
    %mul3A_68 = arith.mulf %dot_general3A_65, %mul3A_67 : vector<64x64xf32>
    %jit3A_69 = arith.constant 0xFF800000 : f32
    %broadcast_in_dim3A_70 = vector.broadcast %jit3A_69 : f32 to vector<64x64xf32>
    %select_n3A_71 = arith.select %ge3A, %mul3A_68, %broadcast_in_dim3A_70 : vector<64x64xi1>, vector<64x64xf32>
    %reduce_max3A = arith.constant dense<0xFF800000> : vector<64xf32>
    %reduce_max3A_72 = vector.multi_reduction <maximumf>, %select_n3A_71, %reduce_max3A [1] : vector<64x64xf32> to vector<64xf32>
    %broadcast_in_dim3A_73 = vector.shape_cast %reduce_max3A_72 : vector<64xf32> to vector<64x1xf32>
    %sub3A_74 = vector.broadcast %broadcast_in_dim3A_73 : vector<64x1xf32> to vector<64x64xf32>
    %sub3A_75 = arith.subf %select_n3A_71, %sub3A_74 : vector<64x64xf32>
    %exp3A = math.exp %sub3A_75 : vector<64x64xf32>
    %reduce_sum3A_76 = arith.constant dense<0.000000e+00> : vector<64xf32>
    %reduce_sum3A_77 = vector.multi_reduction <add>, %exp3A, %reduce_sum3A_76 [1] : vector<64x64xf32> to vector<64xf32>
    %broadcast_in_dim3A_78 = vector.shape_cast %reduce_sum3A_77 : vector<64xf32> to vector<64x1xf32>
    %div3A_79 = vector.broadcast %broadcast_in_dim3A_78 : vector<64x1xf32> to vector<64x64xf32>
    %div3A_80 = arith.divf %exp3A, %div3A_79 : vector<64x64xf32>
    %dot_general3A_81 = arith.constant dense<0.000000e+00> : vector<64x128xf32>
    %dot_general3A_82 = tpu.matmul %div3A_80, %slice3A_63, %dot_general3A_81 {dimension_numbers = #tpu.dot_dimension_numbers<[1], [0], [0], [1], [0, 0, 1, 1], [], []>, transpose_lhs_hint = false} : vector<64x64xf32>, vector<64x128xf32>, vector<64x128xf32> -> vector<64x128xf32>
    %slice3A_83 = vector.extract_strided_slice %dot_general3A_50 {offsets = [0, 128], sizes = [64, 128], strides = [1, 1]} : vector<512x1024xf32> to vector<64x128xf32>
    %slice3A_84 = vector.extract_strided_slice %dot_general3A_55 {offsets = [0, 128], sizes = [64, 128], strides = [1, 1]} : vector<512x1024xf32> to vector<64x128xf32>
    %slice3A_85 = vector.extract_strided_slice %dot_general3A_60 {offsets = [0, 128], sizes = [64, 128], strides = [1, 1]} : vector<512x1024xf32> to vector<64x128xf32>
    %dot_general3A_86 = arith.constant dense<0.000000e+00> : vector<64x64xf32>
    %dot_general3A_87 = tpu.matmul %slice3A_83, %slice3A_84, %dot_general3A_86 {dimension_numbers = #tpu.dot_dimension_numbers<[1], [1], [0], [0], [0, 0, 1, 0], [], []>, transpose_lhs_hint = false} : vector<64x128xf32>, vector<64x128xf32>, vector<64x64xf32> -> vector<64x64xf32>
    %mul3A_88 = arith.constant 0.0883883461 : f32
    %mul3A_89 = vector.broadcast %mul3A_88 : f32 to vector<64x64xf32>
    %mul3A_90 = arith.mulf %dot_general3A_87, %mul3A_89 : vector<64x64xf32>
    %jit3A_91 = arith.constant 0xFF800000 : f32
    %broadcast_in_dim3A_92 = vector.broadcast %jit3A_91 : f32 to vector<64x64xf32>
    %select_n3A_93 = arith.select %ge3A, %mul3A_90, %broadcast_in_dim3A_92 : vector<64x64xi1>, vector<64x64xf32>
    %reduce_max3A_94 = arith.constant dense<0xFF800000> : vector<64xf32>
    %reduce_max3A_95 = vector.multi_reduction <maximumf>, %select_n3A_93, %reduce_max3A_94 [1] : vector<64x64xf32> to vector<64xf32>
    %broadcast_in_dim3A_96 = vector.shape_cast %reduce_max3A_95 : vector<64xf32> to vector<64x1xf32>
    %sub3A_97 = vector.broadcast %broadcast_in_dim3A_96 : vector<64x1xf32> to vector<64x64xf32>
    %sub3A_98 = arith.subf %select_n3A_93, %sub3A_97 : vector<64x64xf32>
    %exp3A_99 = math.exp %sub3A_98 : vector<64x64xf32>
    %reduce_sum3A_100 = arith.constant dense<0.000000e+00> : vector<64xf32>
    %reduce_sum3A_101 = vector.multi_reduction <add>, %exp3A_99, %reduce_sum3A_100 [1] : vector<64x64xf32> to vector<64xf32>
    %broadcast_in_dim3A_102 = vector.shape_cast %reduce_sum3A_101 : vector<64xf32> to vector<64x1xf32>
    %div3A_103 = vector.broadcast %broadcast_in_dim3A_102 : vector<64x1xf32> to vector<64x64xf32>
    %div3A_104 = arith.divf %exp3A_99, %div3A_103 : vector<64x64xf32>
    %dot_general3A_105 = arith.constant dense<0.000000e+00> : vector<64x128xf32>
    %dot_general3A_106 = tpu.matmul %div3A_104, %slice3A_85, %dot_general3A_105 {dimension_numbers = #tpu.dot_dimension_numbers<[1], [0], [0], [1], [0, 0, 1, 1], [], []>, transpose_lhs_hint = false} : vector<64x64xf32>, vector<64x128xf32>, vector<64x128xf32> -> vector<64x128xf32>
    %slice3A_107 = vector.extract_strided_slice %dot_general3A_50 {offsets = [0, 256], sizes = [64, 128], strides = [1, 1]} : vector<512x1024xf32> to vector<64x128xf32>
    %slice3A_108 = vector.extract_strided_slice %dot_general3A_55 {offsets = [0, 256], sizes = [64, 128], strides = [1, 1]} : vector<512x1024xf32> to vector<64x128xf32>
    %slice3A_109 = vector.extract_strided_slice %dot_general3A_60 {offsets = [0, 256], sizes = [64, 128], strides = [1, 1]} : vector<512x1024xf32> to vector<64x128xf32>
    %dot_general3A_110 = arith.constant dense<0.000000e+00> : vector<64x64xf32>
    %dot_general3A_111 = tpu.matmul %slice3A_107, %slice3A_108, %dot_general3A_110 {dimension_numbers = #tpu.dot_dimension_numbers<[1], [1], [0], [0], [0, 0, 1, 0], [], []>, transpose_lhs_hint = false} : vector<64x128xf32>, vector<64x128xf32>, vector<64x64xf32> -> vector<64x64xf32>
    %mul3A_112 = arith.constant 0.0883883461 : f32
    %mul3A_113 = vector.broadcast %mul3A_112 : f32 to vector<64x64xf32>
    %mul3A_114 = arith.mulf %dot_general3A_111, %mul3A_113 : vector<64x64xf32>
    %jit3A_115 = arith.constant 0xFF800000 : f32
    %broadcast_in_dim3A_116 = vector.broadcast %jit3A_115 : f32 to vector<64x64xf32>
    %select_n3A_117 = arith.select %ge3A, %mul3A_114, %broadcast_in_dim3A_116 : vector<64x64xi1>, vector<64x64xf32>
    %reduce_max3A_118 = arith.constant dense<0xFF800000> : vector<64xf32>
    %reduce_max3A_119 = vector.multi_reduction <maximumf>, %select_n3A_117, %reduce_max3A_118 [1] : vector<64x64xf32> to vector<64xf32>
    %broadcast_in_dim3A_120 = vector.shape_cast %reduce_max3A_119 : vector<64xf32> to vector<64x1xf32>
    %sub3A_121 = vector.broadcast %broadcast_in_dim3A_120 : vector<64x1xf32> to vector<64x64xf32>
    %sub3A_122 = arith.subf %select_n3A_117, %sub3A_121 : vector<64x64xf32>
    %exp3A_123 = math.exp %sub3A_122 : vector<64x64xf32>
    %reduce_sum3A_124 = arith.constant dense<0.000000e+00> : vector<64xf32>
    %reduce_sum3A_125 = vector.multi_reduction <add>, %exp3A_123, %reduce_sum3A_124 [1] : vector<64x64xf32> to vector<64xf32>
    %broadcast_in_dim3A_126 = vector.shape_cast %reduce_sum3A_125 : vector<64xf32> to vector<64x1xf32>
    %div3A_127 = vector.broadcast %broadcast_in_dim3A_126 : vector<64x1xf32> to vector<64x64xf32>
    %div3A_128 = arith.divf %exp3A_123, %div3A_127 : vector<64x64xf32>
    %dot_general3A_129 = arith.constant dense<0.000000e+00> : vector<64x128xf32>
    %dot_general3A_130 = tpu.matmul %div3A_128, %slice3A_109, %dot_general3A_129 {dimension_numbers = #tpu.dot_dimension_numbers<[1], [0], [0], [1], [0, 0, 1, 1], [], []>, transpose_lhs_hint = false} : vector<64x64xf32>, vector<64x128xf32>, vector<64x128xf32> -> vector<64x128xf32>
    %slice3A_131 = vector.extract_strided_slice %dot_general3A_50 {offsets = [0, 384], sizes = [64, 128], strides = [1, 1]} : vector<512x1024xf32> to vector<64x128xf32>
    %slice3A_132 = vector.extract_strided_slice %dot_general3A_55 {offsets = [0, 384], sizes = [64, 128], strides = [1, 1]} : vector<512x1024xf32> to vector<64x128xf32>
    %slice3A_133 = vector.extract_strided_slice %dot_general3A_60 {offsets = [0, 384], sizes = [64, 128], strides = [1, 1]} : vector<512x1024xf32> to vector<64x128xf32>
    %dot_general3A_134 = arith.constant dense<0.000000e+00> : vector<64x64xf32>
    %dot_general3A_135 = tpu.matmul %slice3A_131, %slice3A_132, %dot_general3A_134 {dimension_numbers = #tpu.dot_dimension_numbers<[1], [1], [0], [0], [0, 0, 1, 0], [], []>, transpose_lhs_hint = false} : vector<64x128xf32>, vector<64x128xf32>, vector<64x64xf32> -> vector<64x64xf32>
    %mul3A_136 = arith.constant 0.0883883461 : f32
    %mul3A_137 = vector.broadcast %mul3A_136 : f32 to vector<64x64xf32>
    %mul3A_138 = arith.mulf %dot_general3A_135, %mul3A_137 : vector<64x64xf32>
    %jit3A_139 = arith.constant 0xFF800000 : f32
    %broadcast_in_dim3A_140 = vector.broadcast %jit3A_139 : f32 to vector<64x64xf32>
    %select_n3A_141 = arith.select %ge3A, %mul3A_138, %broadcast_in_dim3A_140 : vector<64x64xi1>, vector<64x64xf32>
    %reduce_max3A_142 = arith.constant dense<0xFF800000> : vector<64xf32>
    %reduce_max3A_143 = vector.multi_reduction <maximumf>, %select_n3A_141, %reduce_max3A_142 [1] : vector<64x64xf32> to vector<64xf32>
    %broadcast_in_dim3A_144 = vector.shape_cast %reduce_max3A_143 : vector<64xf32> to vector<64x1xf32>
    %sub3A_145 = vector.broadcast %broadcast_in_dim3A_144 : vector<64x1xf32> to vector<64x64xf32>
    %sub3A_146 = arith.subf %select_n3A_141, %sub3A_145 : vector<64x64xf32>
    %exp3A_147 = math.exp %sub3A_146 : vector<64x64xf32>
    %reduce_sum3A_148 = arith.constant dense<0.000000e+00> : vector<64xf32>
    %reduce_sum3A_149 = vector.multi_reduction <add>, %exp3A_147, %reduce_sum3A_148 [1] : vector<64x64xf32> to vector<64xf32>
    %broadcast_in_dim3A_150 = vector.shape_cast %reduce_sum3A_149 : vector<64xf32> to vector<64x1xf32>
    %div3A_151 = vector.broadcast %broadcast_in_dim3A_150 : vector<64x1xf32> to vector<64x64xf32>
    %div3A_152 = arith.divf %exp3A_147, %div3A_151 : vector<64x64xf32>
    %dot_general3A_153 = arith.constant dense<0.000000e+00> : vector<64x128xf32>
    %dot_general3A_154 = tpu.matmul %div3A_152, %slice3A_133, %dot_general3A_153 {dimension_numbers = #tpu.dot_dimension_numbers<[1], [0], [0], [1], [0, 0, 1, 1], [], []>, transpose_lhs_hint = false} : vector<64x64xf32>, vector<64x128xf32>, vector<64x128xf32> -> vector<64x128xf32>
    %slice3A_155 = vector.extract_strided_slice %dot_general3A_50 {offsets = [0, 512], sizes = [64, 128], strides = [1, 1]} : vector<512x1024xf32> to vector<64x128xf32>
    %slice3A_156 = vector.extract_strided_slice %dot_general3A_55 {offsets = [0, 512], sizes = [64, 128], strides = [1, 1]} : vector<512x1024xf32> to vector<64x128xf32>
    %slice3A_157 = vector.extract_strided_slice %dot_general3A_60 {offsets = [0, 512], sizes = [64, 128], strides = [1, 1]} : vector<512x1024xf32> to vector<64x128xf32>
    %dot_general3A_158 = arith.constant dense<0.000000e+00> : vector<64x64xf32>
    %dot_general3A_159 = tpu.matmul %slice3A_155, %slice3A_156, %dot_general3A_158 {dimension_numbers = #tpu.dot_dimension_numbers<[1], [1], [0], [0], [0, 0, 1, 0], [], []>, transpose_lhs_hint = false} : vector<64x128xf32>, vector<64x128xf32>, vector<64x64xf32> -> vector<64x64xf32>
    %mul3A_160 = arith.constant 0.0883883461 : f32
    %mul3A_161 = vector.broadcast %mul3A_160 : f32 to vector<64x64xf32>
    %mul3A_162 = arith.mulf %dot_general3A_159, %mul3A_161 : vector<64x64xf32>
    %jit3A_163 = arith.constant 0xFF800000 : f32
    %broadcast_in_dim3A_164 = vector.broadcast %jit3A_163 : f32 to vector<64x64xf32>
    %select_n3A_165 = arith.select %ge3A, %mul3A_162, %broadcast_in_dim3A_164 : vector<64x64xi1>, vector<64x64xf32>
    %reduce_max3A_166 = arith.constant dense<0xFF800000> : vector<64xf32>
    %reduce_max3A_167 = vector.multi_reduction <maximumf>, %select_n3A_165, %reduce_max3A_166 [1] : vector<64x64xf32> to vector<64xf32>
    %broadcast_in_dim3A_168 = vector.shape_cast %reduce_max3A_167 : vector<64xf32> to vector<64x1xf32>
    %sub3A_169 = vector.broadcast %broadcast_in_dim3A_168 : vector<64x1xf32> to vector<64x64xf32>
    %sub3A_170 = arith.subf %select_n3A_165, %sub3A_169 : vector<64x64xf32>
    %exp3A_171 = math.exp %sub3A_170 : vector<64x64xf32>
    %reduce_sum3A_172 = arith.constant dense<0.000000e+00> : vector<64xf32>
    %reduce_sum3A_173 = vector.multi_reduction <add>, %exp3A_171, %reduce_sum3A_172 [1] : vector<64x64xf32> to vector<64xf32>
    %broadcast_in_dim3A_174 = vector.shape_cast %reduce_sum3A_173 : vector<64xf32> to vector<64x1xf32>
    %div3A_175 = vector.broadcast %broadcast_in_dim3A_174 : vector<64x1xf32> to vector<64x64xf32>
    %div3A_176 = arith.divf %exp3A_171, %div3A_175 : vector<64x64xf32>
    %dot_general3A_177 = arith.constant dense<0.000000e+00> : vector<64x128xf32>
    %dot_general3A_178 = tpu.matmul %div3A_176, %slice3A_157, %dot_general3A_177 {dimension_numbers = #tpu.dot_dimension_numbers<[1], [0], [0], [1], [0, 0, 1, 1], [], []>, transpose_lhs_hint = false} : vector<64x64xf32>, vector<64x128xf32>, vector<64x128xf32> -> vector<64x128xf32>
    %slice3A_179 = vector.extract_strided_slice %dot_general3A_50 {offsets = [0, 640], sizes = [64, 128], strides = [1, 1]} : vector<512x1024xf32> to vector<64x128xf32>
    %slice3A_180 = vector.extract_strided_slice %dot_general3A_55 {offsets = [0, 640], sizes = [64, 128], strides = [1, 1]} : vector<512x1024xf32> to vector<64x128xf32>
    %slice3A_181 = vector.extract_strided_slice %dot_general3A_60 {offsets = [0, 640], sizes = [64, 128], strides = [1, 1]} : vector<512x1024xf32> to vector<64x128xf32>
    %dot_general3A_182 = arith.constant dense<0.000000e+00> : vector<64x64xf32>
    %dot_general3A_183 = tpu.matmul %slice3A_179, %slice3A_180, %dot_general3A_182 {dimension_numbers = #tpu.dot_dimension_numbers<[1], [1], [0], [0], [0, 0, 1, 0], [], []>, transpose_lhs_hint = false} : vector<64x128xf32>, vector<64x128xf32>, vector<64x64xf32> -> vector<64x64xf32>
    %mul3A_184 = arith.constant 0.0883883461 : f32
    %mul3A_185 = vector.broadcast %mul3A_184 : f32 to vector<64x64xf32>
    %mul3A_186 = arith.mulf %dot_general3A_183, %mul3A_185 : vector<64x64xf32>
    %jit3A_187 = arith.constant 0xFF800000 : f32
    %broadcast_in_dim3A_188 = vector.broadcast %jit3A_187 : f32 to vector<64x64xf32>
    %select_n3A_189 = arith.select %ge3A, %mul3A_186, %broadcast_in_dim3A_188 : vector<64x64xi1>, vector<64x64xf32>
    %reduce_max3A_190 = arith.constant dense<0xFF800000> : vector<64xf32>
    %reduce_max3A_191 = vector.multi_reduction <maximumf>, %select_n3A_189, %reduce_max3A_190 [1] : vector<64x64xf32> to vector<64xf32>
    %broadcast_in_dim3A_192 = vector.shape_cast %reduce_max3A_191 : vector<64xf32> to vector<64x1xf32>
    %sub3A_193 = vector.broadcast %broadcast_in_dim3A_192 : vector<64x1xf32> to vector<64x64xf32>
    %sub3A_194 = arith.subf %select_n3A_189, %sub3A_193 : vector<64x64xf32>
    %exp3A_195 = math.exp %sub3A_194 : vector<64x64xf32>
    %reduce_sum3A_196 = arith.constant dense<0.000000e+00> : vector<64xf32>
    %reduce_sum3A_197 = vector.multi_reduction <add>, %exp3A_195, %reduce_sum3A_196 [1] : vector<64x64xf32> to vector<64xf32>
    %broadcast_in_dim3A_198 = vector.shape_cast %reduce_sum3A_197 : vector<64xf32> to vector<64x1xf32>
    %div3A_199 = vector.broadcast %broadcast_in_dim3A_198 : vector<64x1xf32> to vector<64x64xf32>
    %div3A_200 = arith.divf %exp3A_195, %div3A_199 : vector<64x64xf32>
    %dot_general3A_201 = arith.constant dense<0.000000e+00> : vector<64x128xf32>
    %dot_general3A_202 = tpu.matmul %div3A_200, %slice3A_181, %dot_general3A_201 {dimension_numbers = #tpu.dot_dimension_numbers<[1], [0], [0], [1], [0, 0, 1, 1], [], []>, transpose_lhs_hint = false} : vector<64x64xf32>, vector<64x128xf32>, vector<64x128xf32> -> vector<64x128xf32>
    %slice3A_203 = vector.extract_strided_slice %dot_general3A_50 {offsets = [0, 768], sizes = [64, 128], strides = [1, 1]} : vector<512x1024xf32> to vector<64x128xf32>
    %slice3A_204 = vector.extract_strided_slice %dot_general3A_55 {offsets = [0, 768], sizes = [64, 128], strides = [1, 1]} : vector<512x1024xf32> to vector<64x128xf32>
    %slice3A_205 = vector.extract_strided_slice %dot_general3A_60 {offsets = [0, 768], sizes = [64, 128], strides = [1, 1]} : vector<512x1024xf32> to vector<64x128xf32>
    %dot_general3A_206 = arith.constant dense<0.000000e+00> : vector<64x64xf32>
    %dot_general3A_207 = tpu.matmul %slice3A_203, %slice3A_204, %dot_general3A_206 {dimension_numbers = #tpu.dot_dimension_numbers<[1], [1], [0], [0], [0, 0, 1, 0], [], []>, transpose_lhs_hint = false} : vector<64x128xf32>, vector<64x128xf32>, vector<64x64xf32> -> vector<64x64xf32>
    %mul3A_208 = arith.constant 0.0883883461 : f32
    %mul3A_209 = vector.broadcast %mul3A_208 : f32 to vector<64x64xf32>
    %mul3A_210 = arith.mulf %dot_general3A_207, %mul3A_209 : vector<64x64xf32>
    %jit3A_211 = arith.constant 0xFF800000 : f32
    %broadcast_in_dim3A_212 = vector.broadcast %jit3A_211 : f32 to vector<64x64xf32>
    %select_n3A_213 = arith.select %ge3A, %mul3A_210, %broadcast_in_dim3A_212 : vector<64x64xi1>, vector<64x64xf32>
    %reduce_max3A_214 = arith.constant dense<0xFF800000> : vector<64xf32>
    %reduce_max3A_215 = vector.multi_reduction <maximumf>, %select_n3A_213, %reduce_max3A_214 [1] : vector<64x64xf32> to vector<64xf32>
    %broadcast_in_dim3A_216 = vector.shape_cast %reduce_max3A_215 : vector<64xf32> to vector<64x1xf32>
    %sub3A_217 = vector.broadcast %broadcast_in_dim3A_216 : vector<64x1xf32> to vector<64x64xf32>
    %sub3A_218 = arith.subf %select_n3A_213, %sub3A_217 : vector<64x64xf32>
    %exp3A_219 = math.exp %sub3A_218 : vector<64x64xf32>
    %reduce_sum3A_220 = arith.constant dense<0.000000e+00> : vector<64xf32>
    %reduce_sum3A_221 = vector.multi_reduction <add>, %exp3A_219, %reduce_sum3A_220 [1] : vector<64x64xf32> to vector<64xf32>
    %broadcast_in_dim3A_222 = vector.shape_cast %reduce_sum3A_221 : vector<64xf32> to vector<64x1xf32>
    %div3A_223 = vector.broadcast %broadcast_in_dim3A_222 : vector<64x1xf32> to vector<64x64xf32>
    %div3A_224 = arith.divf %exp3A_219, %div3A_223 : vector<64x64xf32>
    %dot_general3A_225 = arith.constant dense<0.000000e+00> : vector<64x128xf32>
    %dot_general3A_226 = tpu.matmul %div3A_224, %slice3A_205, %dot_general3A_225 {dimension_numbers = #tpu.dot_dimension_numbers<[1], [0], [0], [1], [0, 0, 1, 1], [], []>, transpose_lhs_hint = false} : vector<64x64xf32>, vector<64x128xf32>, vector<64x128xf32> -> vector<64x128xf32>
    %slice3A_227 = vector.extract_strided_slice %dot_general3A_50 {offsets = [0, 896], sizes = [64, 128], strides = [1, 1]} : vector<512x1024xf32> to vector<64x128xf32>
    %slice3A_228 = vector.extract_strided_slice %dot_general3A_55 {offsets = [0, 896], sizes = [64, 128], strides = [1, 1]} : vector<512x1024xf32> to vector<64x128xf32>
    %slice3A_229 = vector.extract_strided_slice %dot_general3A_60 {offsets = [0, 896], sizes = [64, 128], strides = [1, 1]} : vector<512x1024xf32> to vector<64x128xf32>
    %dot_general3A_230 = arith.constant dense<0.000000e+00> : vector<64x64xf32>
    %dot_general3A_231 = tpu.matmul %slice3A_227, %slice3A_228, %dot_general3A_230 {dimension_numbers = #tpu.dot_dimension_numbers<[1], [1], [0], [0], [0, 0, 1, 0], [], []>, transpose_lhs_hint = false} : vector<64x128xf32>, vector<64x128xf32>, vector<64x64xf32> -> vector<64x64xf32>
    %mul3A_232 = arith.constant 0.0883883461 : f32
    %mul3A_233 = vector.broadcast %mul3A_232 : f32 to vector<64x64xf32>
    %mul3A_234 = arith.mulf %dot_general3A_231, %mul3A_233 : vector<64x64xf32>
    %jit3A_235 = arith.constant 0xFF800000 : f32
    %broadcast_in_dim3A_236 = vector.broadcast %jit3A_235 : f32 to vector<64x64xf32>
    %select_n3A_237 = arith.select %ge3A, %mul3A_234, %broadcast_in_dim3A_236 : vector<64x64xi1>, vector<64x64xf32>
    %reduce_max3A_238 = arith.constant dense<0xFF800000> : vector<64xf32>
    %reduce_max3A_239 = vector.multi_reduction <maximumf>, %select_n3A_237, %reduce_max3A_238 [1] : vector<64x64xf32> to vector<64xf32>
    %broadcast_in_dim3A_240 = vector.shape_cast %reduce_max3A_239 : vector<64xf32> to vector<64x1xf32>
    %sub3A_241 = vector.broadcast %broadcast_in_dim3A_240 : vector<64x1xf32> to vector<64x64xf32>
    %sub3A_242 = arith.subf %select_n3A_237, %sub3A_241 : vector<64x64xf32>
    %exp3A_243 = math.exp %sub3A_242 : vector<64x64xf32>
    %reduce_sum3A_244 = arith.constant dense<0.000000e+00> : vector<64xf32>
    %reduce_sum3A_245 = vector.multi_reduction <add>, %exp3A_243, %reduce_sum3A_244 [1] : vector<64x64xf32> to vector<64xf32>
    %broadcast_in_dim3A_246 = vector.shape_cast %reduce_sum3A_245 : vector<64xf32> to vector<64x1xf32>
    %div3A_247 = vector.broadcast %broadcast_in_dim3A_246 : vector<64x1xf32> to vector<64x64xf32>
    %div3A_248 = arith.divf %exp3A_243, %div3A_247 : vector<64x64xf32>
    %dot_general3A_249 = arith.constant dense<0.000000e+00> : vector<64x128xf32>
    %dot_general3A_250 = tpu.matmul %div3A_248, %slice3A_229, %dot_general3A_249 {dimension_numbers = #tpu.dot_dimension_numbers<[1], [0], [0], [1], [0, 0, 1, 1], [], []>, transpose_lhs_hint = false} : vector<64x64xf32>, vector<64x128xf32>, vector<64x128xf32> -> vector<64x128xf32>
    %concatenate3A = tpu.concatenate %dot_general3A_82, %dot_general3A_106, %dot_general3A_130, %dot_general3A_154, %dot_general3A_178, %dot_general3A_202, %dot_general3A_226, %dot_general3A_250 in 1 : vector<64x128xf32>, vector<64x128xf32>, vector<64x128xf32>, vector<64x128xf32>, vector<64x128xf32>, vector<64x128xf32>, vector<64x128xf32>, vector<64x128xf32> -> vector<64x1024xf32>
    %slice3A_251 = vector.extract_strided_slice %dot_general3A_50 {offsets = [64, 0], sizes = [64, 128], strides = [1, 1]} : vector<512x1024xf32> to vector<64x128xf32>
    %slice3A_252 = vector.extract_strided_slice %dot_general3A_55 {offsets = [64, 0], sizes = [64, 128], strides = [1, 1]} : vector<512x1024xf32> to vector<64x128xf32>
    %slice3A_253 = vector.extract_strided_slice %dot_general3A_60 {offsets = [64, 0], sizes = [64, 128], strides = [1, 1]} : vector<512x1024xf32> to vector<64x128xf32>
    %dot_general3A_254 = arith.constant dense<0.000000e+00> : vector<64x64xf32>
    %dot_general3A_255 = tpu.matmul %slice3A_251, %slice3A_252, %dot_general3A_254 {dimension_numbers = #tpu.dot_dimension_numbers<[1], [1], [0], [0], [0, 0, 1, 0], [], []>, transpose_lhs_hint = false} : vector<64x128xf32>, vector<64x128xf32>, vector<64x64xf32> -> vector<64x64xf32>
    %mul3A_256 = arith.constant 0.0883883461 : f32
    %mul3A_257 = vector.broadcast %mul3A_256 : f32 to vector<64x64xf32>
    %mul3A_258 = arith.mulf %dot_general3A_255, %mul3A_257 : vector<64x64xf32>
    %jit3A_259 = arith.constant 0xFF800000 : f32
    %broadcast_in_dim3A_260 = vector.broadcast %jit3A_259 : f32 to vector<64x64xf32>
    %select_n3A_261 = arith.select %ge3A, %mul3A_258, %broadcast_in_dim3A_260 : vector<64x64xi1>, vector<64x64xf32>
    %reduce_max3A_262 = arith.constant dense<0xFF800000> : vector<64xf32>
    %reduce_max3A_263 = vector.multi_reduction <maximumf>, %select_n3A_261, %reduce_max3A_262 [1] : vector<64x64xf32> to vector<64xf32>
    %broadcast_in_dim3A_264 = vector.shape_cast %reduce_max3A_263 : vector<64xf32> to vector<64x1xf32>
    %sub3A_265 = vector.broadcast %broadcast_in_dim3A_264 : vector<64x1xf32> to vector<64x64xf32>
    %sub3A_266 = arith.subf %select_n3A_261, %sub3A_265 : vector<64x64xf32>
    %exp3A_267 = math.exp %sub3A_266 : vector<64x64xf32>
    %reduce_sum3A_268 = arith.constant dense<0.000000e+00> : vector<64xf32>
    %reduce_sum3A_269 = vector.multi_reduction <add>, %exp3A_267, %reduce_sum3A_268 [1] : vector<64x64xf32> to vector<64xf32>
    %broadcast_in_dim3A_270 = vector.shape_cast %reduce_sum3A_269 : vector<64xf32> to vector<64x1xf32>
    %div3A_271 = vector.broadcast %broadcast_in_dim3A_270 : vector<64x1xf32> to vector<64x64xf32>
    %div3A_272 = arith.divf %exp3A_267, %div3A_271 : vector<64x64xf32>
    %dot_general3A_273 = arith.constant dense<0.000000e+00> : vector<64x128xf32>
    %dot_general3A_274 = tpu.matmul %div3A_272, %slice3A_253, %dot_general3A_273 {dimension_numbers = #tpu.dot_dimension_numbers<[1], [0], [0], [1], [0, 0, 1, 1], [], []>, transpose_lhs_hint = false} : vector<64x64xf32>, vector<64x128xf32>, vector<64x128xf32> -> vector<64x128xf32>
    %slice3A_275 = vector.extract_strided_slice %dot_general3A_50 {offsets = [64, 128], sizes = [64, 128], strides = [1, 1]} : vector<512x1024xf32> to vector<64x128xf32>
    %slice3A_276 = vector.extract_strided_slice %dot_general3A_55 {offsets = [64, 128], sizes = [64, 128], strides = [1, 1]} : vector<512x1024xf32> to vector<64x128xf32>
    %slice3A_277 = vector.extract_strided_slice %dot_general3A_60 {offsets = [64, 128], sizes = [64, 128], strides = [1, 1]} : vector<512x1024xf32> to vector<64x128xf32>
    %dot_general3A_278 = arith.constant dense<0.000000e+00> : vector<64x64xf32>
    %dot_general3A_279 = tpu.matmul %slice3A_275, %slice3A_276, %dot_general3A_278 {dimension_numbers = #tpu.dot_dimension_numbers<[1], [1], [0], [0], [0, 0, 1, 0], [], []>, transpose_lhs_hint = false} : vector<64x128xf32>, vector<64x128xf32>, vector<64x64xf32> -> vector<64x64xf32>
    %mul3A_280 = arith.constant 0.0883883461 : f32
    %mul3A_281 = vector.broadcast %mul3A_280 : f32 to vector<64x64xf32>
    %mul3A_282 = arith.mulf %dot_general3A_279, %mul3A_281 : vector<64x64xf32>
    %jit3A_283 = arith.constant 0xFF800000 : f32
    %broadcast_in_dim3A_284 = vector.broadcast %jit3A_283 : f32 to vector<64x64xf32>
    %select_n3A_285 = arith.select %ge3A, %mul3A_282, %broadcast_in_dim3A_284 : vector<64x64xi1>, vector<64x64xf32>
    %reduce_max3A_286 = arith.constant dense<0xFF800000> : vector<64xf32>
    %reduce_max3A_287 = vector.multi_reduction <maximumf>, %select_n3A_285, %reduce_max3A_286 [1] : vector<64x64xf32> to vector<64xf32>
    %broadcast_in_dim3A_288 = vector.shape_cast %reduce_max3A_287 : vector<64xf32> to vector<64x1xf32>
    %sub3A_289 = vector.broadcast %broadcast_in_dim3A_288 : vector<64x1xf32> to vector<64x64xf32>
    %sub3A_290 = arith.subf %select_n3A_285, %sub3A_289 : vector<64x64xf32>
    %exp3A_291 = math.exp %sub3A_290 : vector<64x64xf32>
    %reduce_sum3A_292 = arith.constant dense<0.000000e+00> : vector<64xf32>
    %reduce_sum3A_293 = vector.multi_reduction <add>, %exp3A_291, %reduce_sum3A_292 [1] : vector<64x64xf32> to vector<64xf32>
    %broadcast_in_dim3A_294 = vector.shape_cast %reduce_sum3A_293 : vector<64xf32> to vector<64x1xf32>
    %div3A_295 = vector.broadcast %broadcast_in_dim3A_294 : vector<64x1xf32> to vector<64x64xf32>
    %div3A_296 = arith.divf %exp3A_291, %div3A_295 : vector<64x64xf32>
    %dot_general3A_297 = arith.constant dense<0.000000e+00> : vector<64x128xf32>
    %dot_general3A_298 = tpu.matmul %div3A_296, %slice3A_277, %dot_general3A_297 {dimension_numbers = #tpu.dot_dimension_numbers<[1], [0], [0], [1], [0, 0, 1, 1], [], []>, transpose_lhs_hint = false} : vector<64x64xf32>, vector<64x128xf32>, vector<64x128xf32> -> vector<64x128xf32>
    %slice3A_299 = vector.extract_strided_slice %dot_general3A_50 {offsets = [64, 256], sizes = [64, 128], strides = [1, 1]} : vector<512x1024xf32> to vector<64x128xf32>
    %slice3A_300 = vector.extract_strided_slice %dot_general3A_55 {offsets = [64, 256], sizes = [64, 128], strides = [1, 1]} : vector<512x1024xf32> to vector<64x128xf32>
    %slice3A_301 = vector.extract_strided_slice %dot_general3A_60 {offsets = [64, 256], sizes = [64, 128], strides = [1, 1]} : vector<512x1024xf32> to vector<64x128xf32>
    %dot_general3A_302 = arith.constant dense<0.000000e+00> : vector<64x64xf32>
    %dot_general3A_303 = tpu.matmul %slice3A_299, %slice3A_300, %dot_general3A_302 {dimension_numbers = #tpu.dot_dimension_numbers<[1], [1], [0], [0], [0, 0, 1, 0], [], []>, transpose_lhs_hint = false} : vector<64x128xf32>, vector<64x128xf32>, vector<64x64xf32> -> vector<64x64xf32>
    %mul3A_304 = arith.constant 0.0883883461 : f32
    %mul3A_305 = vector.broadcast %mul3A_304 : f32 to vector<64x64xf32>
    %mul3A_306 = arith.mulf %dot_general3A_303, %mul3A_305 : vector<64x64xf32>
    %jit3A_307 = arith.constant 0xFF800000 : f32
    %broadcast_in_dim3A_308 = vector.broadcast %jit3A_307 : f32 to vector<64x64xf32>
    %select_n3A_309 = arith.select %ge3A, %mul3A_306, %broadcast_in_dim3A_308 : vector<64x64xi1>, vector<64x64xf32>
    %reduce_max3A_310 = arith.constant dense<0xFF800000> : vector<64xf32>
    %reduce_max3A_311 = vector.multi_reduction <maximumf>, %select_n3A_309, %reduce_max3A_310 [1] : vector<64x64xf32> to vector<64xf32>
    %broadcast_in_dim3A_312 = vector.shape_cast %reduce_max3A_311 : vector<64xf32> to vector<64x1xf32>
    %sub3A_313 = vector.broadcast %broadcast_in_dim3A_312 : vector<64x1xf32> to vector<64x64xf32>
    %sub3A_314 = arith.subf %select_n3A_309, %sub3A_313 : vector<64x64xf32>
    %exp3A_315 = math.exp %sub3A_314 : vector<64x64xf32>
    %reduce_sum3A_316 = arith.constant dense<0.000000e+00> : vector<64xf32>
    %reduce_sum3A_317 = vector.multi_reduction <add>, %exp3A_315, %reduce_sum3A_316 [1] : vector<64x64xf32> to vector<64xf32>
    %broadcast_in_dim3A_318 = vector.shape_cast %reduce_sum3A_317 : vector<64xf32> to vector<64x1xf32>
    %div3A_319 = vector.broadcast %broadcast_in_dim3A_318 : vector<64x1xf32> to vector<64x64xf32>
    %div3A_320 = arith.divf %exp3A_315, %div3A_319 : vector<64x64xf32>
    %dot_general3A_321 = arith.constant dense<0.000000e+00> : vector<64x128xf32>
    %dot_general3A_322 = tpu.matmul %div3A_320, %slice3A_301, %dot_general3A_321 {dimension_numbers = #tpu.dot_dimension_numbers<[1], [0], [0], [1], [0, 0, 1, 1], [], []>, transpose_lhs_hint = false} : vector<64x64xf32>, vector<64x128xf32>, vector<64x128xf32> -> vector<64x128xf32>
    %slice3A_323 = vector.extract_strided_slice %dot_general3A_50 {offsets = [64, 384], sizes = [64, 128], strides = [1, 1]} : vector<512x1024xf32> to vector<64x128xf32>
    %slice3A_324 = vector.extract_strided_slice %dot_general3A_55 {offsets = [64, 384], sizes = [64, 128], strides = [1, 1]} : vector<512x1024xf32> to vector<64x128xf32>
    %slice3A_325 = vector.extract_strided_slice %dot_general3A_60 {offsets = [64, 384], sizes = [64, 128], strides = [1, 1]} : vector<512x1024xf32> to vector<64x128xf32>
    %dot_general3A_326 = arith.constant dense<0.000000e+00> : vector<64x64xf32>
    %dot_general3A_327 = tpu.matmul %slice3A_323, %slice3A_324, %dot_general3A_326 {dimension_numbers = #tpu.dot_dimension_numbers<[1], [1], [0], [0], [0, 0, 1, 0], [], []>, transpose_lhs_hint = false} : vector<64x128xf32>, vector<64x128xf32>, vector<64x64xf32> -> vector<64x64xf32>
    %mul3A_328 = arith.constant 0.0883883461 : f32
    %mul3A_329 = vector.broadcast %mul3A_328 : f32 to vector<64x64xf32>
    %mul3A_330 = arith.mulf %dot_general3A_327, %mul3A_329 : vector<64x64xf32>
    %jit3A_331 = arith.constant 0xFF800000 : f32
    %broadcast_in_dim3A_332 = vector.broadcast %jit3A_331 : f32 to vector<64x64xf32>
    %select_n3A_333 = arith.select %ge3A, %mul3A_330, %broadcast_in_dim3A_332 : vector<64x64xi1>, vector<64x64xf32>
    %reduce_max3A_334 = arith.constant dense<0xFF800000> : vector<64xf32>
    %reduce_max3A_335 = vector.multi_reduction <maximumf>, %select_n3A_333, %reduce_max3A_334 [1] : vector<64x64xf32> to vector<64xf32>
    %broadcast_in_dim3A_336 = vector.shape_cast %reduce_max3A_335 : vector<64xf32> to vector<64x1xf32>
    %sub3A_337 = vector.broadcast %broadcast_in_dim3A_336 : vector<64x1xf32> to vector<64x64xf32>
    %sub3A_338 = arith.subf %select_n3A_333, %sub3A_337 : vector<64x64xf32>
    %exp3A_339 = math.exp %sub3A_338 : vector<64x64xf32>
    %reduce_sum3A_340 = arith.constant dense<0.000000e+00> : vector<64xf32>
    %reduce_sum3A_341 = vector.multi_reduction <add>, %exp3A_339, %reduce_sum3A_340 [1] : vector<64x64xf32> to vector<64xf32>
    %broadcast_in_dim3A_342 = vector.shape_cast %reduce_sum3A_341 : vector<64xf32> to vector<64x1xf32>
    %div3A_343 = vector.broadcast %broadcast_in_dim3A_342 : vector<64x1xf32> to vector<64x64xf32>
    %div3A_344 = arith.divf %exp3A_339, %div3A_343 : vector<64x64xf32>
    %dot_general3A_345 = arith.constant dense<0.000000e+00> : vector<64x128xf32>
    %dot_general3A_346 = tpu.matmul %div3A_344, %slice3A_325, %dot_general3A_345 {dimension_numbers = #tpu.dot_dimension_numbers<[1], [0], [0], [1], [0, 0, 1, 1], [], []>, transpose_lhs_hint = false} : vector<64x64xf32>, vector<64x128xf32>, vector<64x128xf32> -> vector<64x128xf32>
    %slice3A_347 = vector.extract_strided_slice %dot_general3A_50 {offsets = [64, 512], sizes = [64, 128], strides = [1, 1]} : vector<512x1024xf32> to vector<64x128xf32>
    %slice3A_348 = vector.extract_strided_slice %dot_general3A_55 {offsets = [64, 512], sizes = [64, 128], strides = [1, 1]} : vector<512x1024xf32> to vector<64x128xf32>
    %slice3A_349 = vector.extract_strided_slice %dot_general3A_60 {offsets = [64, 512], sizes = [64, 128], strides = [1, 1]} : vector<512x1024xf32> to vector<64x128xf32>
    %dot_general3A_350 = arith.constant dense<0.000000e+00> : vector<64x64xf32>
    %dot_general3A_351 = tpu.matmul %slice3A_347, %slice3A_348, %dot_general3A_350 {dimension_numbers = #tpu.dot_dimension_numbers<[1], [1], [0], [0], [0, 0, 1, 0], [], []>, transpose_lhs_hint = false} : vector<64x128xf32>, vector<64x128xf32>, vector<64x64xf32> -> vector<64x64xf32>
    %mul3A_352 = arith.constant 0.0883883461 : f32
    %mul3A_353 = vector.broadcast %mul3A_352 : f32 to vector<64x64xf32>
    %mul3A_354 = arith.mulf %dot_general3A_351, %mul3A_353 : vector<64x64xf32>
    %jit3A_355 = arith.constant 0xFF800000 : f32
    %broadcast_in_dim3A_356 = vector.broadcast %jit3A_355 : f32 to vector<64x64xf32>
    %select_n3A_357 = arith.select %ge3A, %mul3A_354, %broadcast_in_dim3A_356 : vector<64x64xi1>, vector<64x64xf32>
    %reduce_max3A_358 = arith.constant dense<0xFF800000> : vector<64xf32>
    %reduce_max3A_359 = vector.multi_reduction <maximumf>, %select_n3A_357, %reduce_max3A_358 [1] : vector<64x64xf32> to vector<64xf32>
    %broadcast_in_dim3A_360 = vector.shape_cast %reduce_max3A_359 : vector<64xf32> to vector<64x1xf32>
    %sub3A_361 = vector.broadcast %broadcast_in_dim3A_360 : vector<64x1xf32> to vector<64x64xf32>
    %sub3A_362 = arith.subf %select_n3A_357, %sub3A_361 : vector<64x64xf32>
    %exp3A_363 = math.exp %sub3A_362 : vector<64x64xf32>
    %reduce_sum3A_364 = arith.constant dense<0.000000e+00> : vector<64xf32>
    %reduce_sum3A_365 = vector.multi_reduction <add>, %exp3A_363, %reduce_sum3A_364 [1] : vector<64x64xf32> to vector<64xf32>
    %broadcast_in_dim3A_366 = vector.shape_cast %reduce_sum3A_365 : vector<64xf32> to vector<64x1xf32>
    %div3A_367 = vector.broadcast %broadcast_in_dim3A_366 : vector<64x1xf32> to vector<64x64xf32>
    %div3A_368 = arith.divf %exp3A_363, %div3A_367 : vector<64x64xf32>
    %dot_general3A_369 = arith.constant dense<0.000000e+00> : vector<64x128xf32>
    %dot_general3A_370 = tpu.matmul %div3A_368, %slice3A_349, %dot_general3A_369 {dimension_numbers = #tpu.dot_dimension_numbers<[1], [0], [0], [1], [0, 0, 1, 1], [], []>, transpose_lhs_hint = false} : vector<64x64xf32>, vector<64x128xf32>, vector<64x128xf32> -> vector<64x128xf32>
    %slice3A_371 = vector.extract_strided_slice %dot_general3A_50 {offsets = [64, 640], sizes = [64, 128], strides = [1, 1]} : vector<512x1024xf32> to vector<64x128xf32>
    %slice3A_372 = vector.extract_strided_slice %dot_general3A_55 {offsets = [64, 640], sizes = [64, 128], strides = [1, 1]} : vector<512x1024xf32> to vector<64x128xf32>
    %slice3A_373 = vector.extract_strided_slice %dot_general3A_60 {offsets = [64, 640], sizes = [64, 128], strides = [1, 1]} : vector<512x1024xf32> to vector<64x128xf32>
    %dot_general3A_374 = arith.constant dense<0.000000e+00> : vector<64x64xf32>
    %dot_general3A_375 = tpu.matmul %slice3A_371, %slice3A_372, %dot_general3A_374 {dimension_numbers = #tpu.dot_dimension_numbers<[1], [1], [0], [0], [0, 0, 1, 0], [], []>, transpose_lhs_hint = false} : vector<64x128xf32>, vector<64x128xf32>, vector<64x64xf32> -> vector<64x64xf32>
    %mul3A_376 = arith.constant 0.0883883461 : f32
    %mul3A_377 = vector.broadcast %mul3A_376 : f32 to vector<64x64xf32>
    %mul3A_378 = arith.mulf %dot_general3A_375, %mul3A_377 : vector<64x64xf32>
    %jit3A_379 = arith.constant 0xFF800000 : f32
    %broadcast_in_dim3A_380 = vector.broadcast %jit3A_379 : f32 to vector<64x64xf32>
    %select_n3A_381 = arith.select %ge3A, %mul3A_378, %broadcast_in_dim3A_380 : vector<64x64xi1>, vector<64x64xf32>
    %reduce_max3A_382 = arith.constant dense<0xFF800000> : vector<64xf32>
    %reduce_max3A_383 = vector.multi_reduction <maximumf>, %select_n3A_381, %reduce_max3A_382 [1] : vector<64x64xf32> to vector<64xf32>
    %broadcast_in_dim3A_384 = vector.shape_cast %reduce_max3A_383 : vector<64xf32> to vector<64x1xf32>
    %sub3A_385 = vector.broadcast %broadcast_in_dim3A_384 : vector<64x1xf32> to vector<64x64xf32>
    %sub3A_386 = arith.subf %select_n3A_381, %sub3A_385 : vector<64x64xf32>
    %exp3A_387 = math.exp %sub3A_386 : vector<64x64xf32>
    %reduce_sum3A_388 = arith.constant dense<0.000000e+00> : vector<64xf32>
    %reduce_sum3A_389 = vector.multi_reduction <add>, %exp3A_387, %reduce_sum3A_388 [1] : vector<64x64xf32> to vector<64xf32>
    %broadcast_in_dim3A_390 = vector.shape_cast %reduce_sum3A_389 : vector<64xf32> to vector<64x1xf32>
    %div3A_391 = vector.broadcast %broadcast_in_dim3A_390 : vector<64x1xf32> to vector<64x64xf32>
    %div3A_392 = arith.divf %exp3A_387, %div3A_391 : vector<64x64xf32>
    %dot_general3A_393 = arith.constant dense<0.000000e+00> : vector<64x128xf32>
    %dot_general3A_394 = tpu.matmul %div3A_392, %slice3A_373, %dot_general3A_393 {dimension_numbers = #tpu.dot_dimension_numbers<[1], [0], [0], [1], [0, 0, 1, 1], [], []>, transpose_lhs_hint = false} : vector<64x64xf32>, vector<64x128xf32>, vector<64x128xf32> -> vector<64x128xf32>
    %slice3A_395 = vector.extract_strided_slice %dot_general3A_50 {offsets = [64, 768], sizes = [64, 128], strides = [1, 1]} : vector<512x1024xf32> to vector<64x128xf32>
    %slice3A_396 = vector.extract_strided_slice %dot_general3A_55 {offsets = [64, 768], sizes = [64, 128], strides = [1, 1]} : vector<512x1024xf32> to vector<64x128xf32>
    %slice3A_397 = vector.extract_strided_slice %dot_general3A_60 {offsets = [64, 768], sizes = [64, 128], strides = [1, 1]} : vector<512x1024xf32> to vector<64x128xf32>
    %dot_general3A_398 = arith.constant dense<0.000000e+00> : vector<64x64xf32>
    %dot_general3A_399 = tpu.matmul %slice3A_395, %slice3A_396, %dot_general3A_398 {dimension_numbers = #tpu.dot_dimension_numbers<[1], [1], [0], [0], [0, 0, 1, 0], [], []>, transpose_lhs_hint = false} : vector<64x128xf32>, vector<64x128xf32>, vector<64x64xf32> -> vector<64x64xf32>
    %mul3A_400 = arith.constant 0.0883883461 : f32
    %mul3A_401 = vector.broadcast %mul3A_400 : f32 to vector<64x64xf32>
    %mul3A_402 = arith.mulf %dot_general3A_399, %mul3A_401 : vector<64x64xf32>
    %jit3A_403 = arith.constant 0xFF800000 : f32
    %broadcast_in_dim3A_404 = vector.broadcast %jit3A_403 : f32 to vector<64x64xf32>
    %select_n3A_405 = arith.select %ge3A, %mul3A_402, %broadcast_in_dim3A_404 : vector<64x64xi1>, vector<64x64xf32>
    %reduce_max3A_406 = arith.constant dense<0xFF800000> : vector<64xf32>
    %reduce_max3A_407 = vector.multi_reduction <maximumf>, %select_n3A_405, %reduce_max3A_406 [1] : vector<64x64xf32> to vector<64xf32>
    %broadcast_in_dim3A_408 = vector.shape_cast %reduce_max3A_407 : vector<64xf32> to vector<64x1xf32>
    %sub3A_409 = vector.broadcast %broadcast_in_dim3A_408 : vector<64x1xf32> to vector<64x64xf32>
    %sub3A_410 = arith.subf %select_n3A_405, %sub3A_409 : vector<64x64xf32>
    %exp3A_411 = math.exp %sub3A_410 : vector<64x64xf32>
    %reduce_sum3A_412 = arith.constant dense<0.000000e+00> : vector<64xf32>
    %reduce_sum3A_413 = vector.multi_reduction <add>, %exp3A_411, %reduce_sum3A_412 [1] : vector<64x64xf32> to vector<64xf32>
    %broadcast_in_dim3A_414 = vector.shape_cast %reduce_sum3A_413 : vector<64xf32> to vector<64x1xf32>
    %div3A_415 = vector.broadcast %broadcast_in_dim3A_414 : vector<64x1xf32> to vector<64x64xf32>
    %div3A_416 = arith.divf %exp3A_411, %div3A_415 : vector<64x64xf32>
    %dot_general3A_417 = arith.constant dense<0.000000e+00> : vector<64x128xf32>
    %dot_general3A_418 = tpu.matmul %div3A_416, %slice3A_397, %dot_general3A_417 {dimension_numbers = #tpu.dot_dimension_numbers<[1], [0], [0], [1], [0, 0, 1, 1], [], []>, transpose_lhs_hint = false} : vector<64x64xf32>, vector<64x128xf32>, vector<64x128xf32> -> vector<64x128xf32>
    %slice3A_419 = vector.extract_strided_slice %dot_general3A_50 {offsets = [64, 896], sizes = [64, 128], strides = [1, 1]} : vector<512x1024xf32> to vector<64x128xf32>
    %slice3A_420 = vector.extract_strided_slice %dot_general3A_55 {offsets = [64, 896], sizes = [64, 128], strides = [1, 1]} : vector<512x1024xf32> to vector<64x128xf32>
    %slice3A_421 = vector.extract_strided_slice %dot_general3A_60 {offsets = [64, 896], sizes = [64, 128], strides = [1, 1]} : vector<512x1024xf32> to vector<64x128xf32>
    %dot_general3A_422 = arith.constant dense<0.000000e+00> : vector<64x64xf32>
    %dot_general3A_423 = tpu.matmul %slice3A_419, %slice3A_420, %dot_general3A_422 {dimension_numbers = #tpu.dot_dimension_numbers<[1], [1], [0], [0], [0, 0, 1, 0], [], []>, transpose_lhs_hint = false} : vector<64x128xf32>, vector<64x128xf32>, vector<64x64xf32> -> vector<64x64xf32>
    %mul3A_424 = arith.constant 0.0883883461 : f32
    %mul3A_425 = vector.broadcast %mul3A_424 : f32 to vector<64x64xf32>
    %mul3A_426 = arith.mulf %dot_general3A_423, %mul3A_425 : vector<64x64xf32>
    %jit3A_427 = arith.constant 0xFF800000 : f32
    %broadcast_in_dim3A_428 = vector.broadcast %jit3A_427 : f32 to vector<64x64xf32>
    %select_n3A_429 = arith.select %ge3A, %mul3A_426, %broadcast_in_dim3A_428 : vector<64x64xi1>, vector<64x64xf32>
    %reduce_max3A_430 = arith.constant dense<0xFF800000> : vector<64xf32>
    %reduce_max3A_431 = vector.multi_reduction <maximumf>, %select_n3A_429, %reduce_max3A_430 [1] : vector<64x64xf32> to vector<64xf32>
    %broadcast_in_dim3A_432 = vector.shape_cast %reduce_max3A_431 : vector<64xf32> to vector<64x1xf32>
    %sub3A_433 = vector.broadcast %broadcast_in_dim3A_432 : vector<64x1xf32> to vector<64x64xf32>
    %sub3A_434 = arith.subf %select_n3A_429, %sub3A_433 : vector<64x64xf32>
    %exp3A_435 = math.exp %sub3A_434 : vector<64x64xf32>
    %reduce_sum3A_436 = arith.constant dense<0.000000e+00> : vector<64xf32>
    %reduce_sum3A_437 = vector.multi_reduction <add>, %exp3A_435, %reduce_sum3A_436 [1] : vector<64x64xf32> to vector<64xf32>
    %broadcast_in_dim3A_438 = vector.shape_cast %reduce_sum3A_437 : vector<64xf32> to vector<64x1xf32>
    %div3A_439 = vector.broadcast %broadcast_in_dim3A_438 : vector<64x1xf32> to vector<64x64xf32>
    %div3A_440 = arith.divf %exp3A_435, %div3A_439 : vector<64x64xf32>
    %dot_general3A_441 = arith.constant dense<0.000000e+00> : vector<64x128xf32>
    %dot_general3A_442 = tpu.matmul %div3A_440, %slice3A_421, %dot_general3A_441 {dimension_numbers = #tpu.dot_dimension_numbers<[1], [0], [0], [1], [0, 0, 1, 1], [], []>, transpose_lhs_hint = false} : vector<64x64xf32>, vector<64x128xf32>, vector<64x128xf32> -> vector<64x128xf32>
    %concatenate3A_443 = tpu.concatenate %dot_general3A_274, %dot_general3A_298, %dot_general3A_322, %dot_general3A_346, %dot_general3A_370, %dot_general3A_394, %dot_general3A_418, %dot_general3A_442 in 1 : vector<64x128xf32>, vector<64x128xf32>, vector<64x128xf32>, vector<64x128xf32>, vector<64x128xf32>, vector<64x128xf32>, vector<64x128xf32>, vector<64x128xf32> -> vector<64x1024xf32>
    %slice3A_444 = vector.extract_strided_slice %dot_general3A_50 {offsets = [128, 0], sizes = [64, 128], strides = [1, 1]} : vector<512x1024xf32> to vector<64x128xf32>
    %slice3A_445 = vector.extract_strided_slice %dot_general3A_55 {offsets = [128, 0], sizes = [64, 128], strides = [1, 1]} : vector<512x1024xf32> to vector<64x128xf32>
    %slice3A_446 = vector.extract_strided_slice %dot_general3A_60 {offsets = [128, 0], sizes = [64, 128], strides = [1, 1]} : vector<512x1024xf32> to vector<64x128xf32>
    %dot_general3A_447 = arith.constant dense<0.000000e+00> : vector<64x64xf32>
    %dot_general3A_448 = tpu.matmul %slice3A_444, %slice3A_445, %dot_general3A_447 {dimension_numbers = #tpu.dot_dimension_numbers<[1], [1], [0], [0], [0, 0, 1, 0], [], []>, transpose_lhs_hint = false} : vector<64x128xf32>, vector<64x128xf32>, vector<64x64xf32> -> vector<64x64xf32>
    %mul3A_449 = arith.constant 0.0883883461 : f32
    %mul3A_450 = vector.broadcast %mul3A_449 : f32 to vector<64x64xf32>
    %mul3A_451 = arith.mulf %dot_general3A_448, %mul3A_450 : vector<64x64xf32>
    %jit3A_452 = arith.constant 0xFF800000 : f32
    %broadcast_in_dim3A_453 = vector.broadcast %jit3A_452 : f32 to vector<64x64xf32>
    %select_n3A_454 = arith.select %ge3A, %mul3A_451, %broadcast_in_dim3A_453 : vector<64x64xi1>, vector<64x64xf32>
    %reduce_max3A_455 = arith.constant dense<0xFF800000> : vector<64xf32>
    %reduce_max3A_456 = vector.multi_reduction <maximumf>, %select_n3A_454, %reduce_max3A_455 [1] : vector<64x64xf32> to vector<64xf32>
    %broadcast_in_dim3A_457 = vector.shape_cast %reduce_max3A_456 : vector<64xf32> to vector<64x1xf32>
    %sub3A_458 = vector.broadcast %broadcast_in_dim3A_457 : vector<64x1xf32> to vector<64x64xf32>
    %sub3A_459 = arith.subf %select_n3A_454, %sub3A_458 : vector<64x64xf32>
    %exp3A_460 = math.exp %sub3A_459 : vector<64x64xf32>
    %reduce_sum3A_461 = arith.constant dense<0.000000e+00> : vector<64xf32>
    %reduce_sum3A_462 = vector.multi_reduction <add>, %exp3A_460, %reduce_sum3A_461 [1] : vector<64x64xf32> to vector<64xf32>
    %broadcast_in_dim3A_463 = vector.shape_cast %reduce_sum3A_462 : vector<64xf32> to vector<64x1xf32>
    %div3A_464 = vector.broadcast %broadcast_in_dim3A_463 : vector<64x1xf32> to vector<64x64xf32>
    %div3A_465 = arith.divf %exp3A_460, %div3A_464 : vector<64x64xf32>
    %dot_general3A_466 = arith.constant dense<0.000000e+00> : vector<64x128xf32>
    %dot_general3A_467 = tpu.matmul %div3A_465, %slice3A_446, %dot_general3A_466 {dimension_numbers = #tpu.dot_dimension_numbers<[1], [0], [0], [1], [0, 0, 1, 1], [], []>, transpose_lhs_hint = false} : vector<64x64xf32>, vector<64x128xf32>, vector<64x128xf32> -> vector<64x128xf32>
    %slice3A_468 = vector.extract_strided_slice %dot_general3A_50 {offsets = [128, 128], sizes = [64, 128], strides = [1, 1]} : vector<512x1024xf32> to vector<64x128xf32>
    %slice3A_469 = vector.extract_strided_slice %dot_general3A_55 {offsets = [128, 128], sizes = [64, 128], strides = [1, 1]} : vector<512x1024xf32> to vector<64x128xf32>
    %slice3A_470 = vector.extract_strided_slice %dot_general3A_60 {offsets = [128, 128], sizes = [64, 128], strides = [1, 1]} : vector<512x1024xf32> to vector<64x128xf32>
    %dot_general3A_471 = arith.constant dense<0.000000e+00> : vector<64x64xf32>
    %dot_general3A_472 = tpu.matmul %slice3A_468, %slice3A_469, %dot_general3A_471 {dimension_numbers = #tpu.dot_dimension_numbers<[1], [1], [0], [0], [0, 0, 1, 0], [], []>, transpose_lhs_hint = false} : vector<64x128xf32>, vector<64x128xf32>, vector<64x64xf32> -> vector<64x64xf32>
    %mul3A_473 = arith.constant 0.0883883461 : f32
    %mul3A_474 = vector.broadcast %mul3A_473 : f32 to vector<64x64xf32>
    %mul3A_475 = arith.mulf %dot_general3A_472, %mul3A_474 : vector<64x64xf32>
    %jit3A_476 = arith.constant 0xFF800000 : f32
    %broadcast_in_dim3A_477 = vector.broadcast %jit3A_476 : f32 to vector<64x64xf32>
    %select_n3A_478 = arith.select %ge3A, %mul3A_475, %broadcast_in_dim3A_477 : vector<64x64xi1>, vector<64x64xf32>
    %reduce_max3A_479 = arith.constant dense<0xFF800000> : vector<64xf32>
    %reduce_max3A_480 = vector.multi_reduction <maximumf>, %select_n3A_478, %reduce_max3A_479 [1] : vector<64x64xf32> to vector<64xf32>
    %broadcast_in_dim3A_481 = vector.shape_cast %reduce_max3A_480 : vector<64xf32> to vector<64x1xf32>
    %sub3A_482 = vector.broadcast %broadcast_in_dim3A_481 : vector<64x1xf32> to vector<64x64xf32>
    %sub3A_483 = arith.subf %select_n3A_478, %sub3A_482 : vector<64x64xf32>
    %exp3A_484 = math.exp %sub3A_483 : vector<64x64xf32>
    %reduce_sum3A_485 = arith.constant dense<0.000000e+00> : vector<64xf32>
    %reduce_sum3A_486 = vector.multi_reduction <add>, %exp3A_484, %reduce_sum3A_485 [1] : vector<64x64xf32> to vector<64xf32>
    %broadcast_in_dim3A_487 = vector.shape_cast %reduce_sum3A_486 : vector<64xf32> to vector<64x1xf32>
    %div3A_488 = vector.broadcast %broadcast_in_dim3A_487 : vector<64x1xf32> to vector<64x64xf32>
    %div3A_489 = arith.divf %exp3A_484, %div3A_488 : vector<64x64xf32>
    %dot_general3A_490 = arith.constant dense<0.000000e+00> : vector<64x128xf32>
    %dot_general3A_491 = tpu.matmul %div3A_489, %slice3A_470, %dot_general3A_490 {dimension_numbers = #tpu.dot_dimension_numbers<[1], [0], [0], [1], [0, 0, 1, 1], [], []>, transpose_lhs_hint = false} : vector<64x64xf32>, vector<64x128xf32>, vector<64x128xf32> -> vector<64x128xf32>
    %slice3A_492 = vector.extract_strided_slice %dot_general3A_50 {offsets = [128, 256], sizes = [64, 128], strides = [1, 1]} : vector<512x1024xf32> to vector<64x128xf32>
    %slice3A_493 = vector.extract_strided_slice %dot_general3A_55 {offsets = [128, 256], sizes = [64, 128], strides = [1, 1]} : vector<512x1024xf32> to vector<64x128xf32>
    %slice3A_494 = vector.extract_strided_slice %dot_general3A_60 {offsets = [128, 256], sizes = [64, 128], strides = [1, 1]} : vector<512x1024xf32> to vector<64x128xf32>
    %dot_general3A_495 = arith.constant dense<0.000000e+00> : vector<64x64xf32>
    %dot_general3A_496 = tpu.matmul %slice3A_492, %slice3A_493, %dot_general3A_495 {dimension_numbers = #tpu.dot_dimension_numbers<[1], [1], [0], [0], [0, 0, 1, 0], [], []>, transpose_lhs_hint = false} : vector<64x128xf32>, vector<64x128xf32>, vector<64x64xf32> -> vector<64x64xf32>
    %mul3A_497 = arith.constant 0.0883883461 : f32
    %mul3A_498 = vector.broadcast %mul3A_497 : f32 to vector<64x64xf32>
    %mul3A_499 = arith.mulf %dot_general3A_496, %mul3A_498 : vector<64x64xf32>
    %jit3A_500 = arith.constant 0xFF800000 : f32
    %broadcast_in_dim3A_501 = vector.broadcast %jit3A_500 : f32 to vector<64x64xf32>
    %select_n3A_502 = arith.select %ge3A, %mul3A_499, %broadcast_in_dim3A_501 : vector<64x64xi1>, vector<64x64xf32>
    %reduce_max3A_503 = arith.constant dense<0xFF800000> : vector<64xf32>
    %reduce_max3A_504 = vector.multi_reduction <maximumf>, %select_n3A_502, %reduce_max3A_503 [1] : vector<64x64xf32> to vector<64xf32>
    %broadcast_in_dim3A_505 = vector.shape_cast %reduce_max3A_504 : vector<64xf32> to vector<64x1xf32>
    %sub3A_506 = vector.broadcast %broadcast_in_dim3A_505 : vector<64x1xf32> to vector<64x64xf32>
    %sub3A_507 = arith.subf %select_n3A_502, %sub3A_506 : vector<64x64xf32>
    %exp3A_508 = math.exp %sub3A_507 : vector<64x64xf32>
    %reduce_sum3A_509 = arith.constant dense<0.000000e+00> : vector<64xf32>
    %reduce_sum3A_510 = vector.multi_reduction <add>, %exp3A_508, %reduce_sum3A_509 [1] : vector<64x64xf32> to vector<64xf32>
    %broadcast_in_dim3A_511 = vector.shape_cast %reduce_sum3A_510 : vector<64xf32> to vector<64x1xf32>
    %div3A_512 = vector.broadcast %broadcast_in_dim3A_511 : vector<64x1xf32> to vector<64x64xf32>
    %div3A_513 = arith.divf %exp3A_508, %div3A_512 : vector<64x64xf32>
    %dot_general3A_514 = arith.constant dense<0.000000e+00> : vector<64x128xf32>
    %dot_general3A_515 = tpu.matmul %div3A_513, %slice3A_494, %dot_general3A_514 {dimension_numbers = #tpu.dot_dimension_numbers<[1], [0], [0], [1], [0, 0, 1, 1], [], []>, transpose_lhs_hint = false} : vector<64x64xf32>, vector<64x128xf32>, vector<64x128xf32> -> vector<64x128xf32>
    %slice3A_516 = vector.extract_strided_slice %dot_general3A_50 {offsets = [128, 384], sizes = [64, 128], strides = [1, 1]} : vector<512x1024xf32> to vector<64x128xf32>
    %slice3A_517 = vector.extract_strided_slice %dot_general3A_55 {offsets = [128, 384], sizes = [64, 128], strides = [1, 1]} : vector<512x1024xf32> to vector<64x128xf32>
    %slice3A_518 = vector.extract_strided_slice %dot_general3A_60 {offsets = [128, 384], sizes = [64, 128], strides = [1, 1]} : vector<512x1024xf32> to vector<64x128xf32>
    %dot_general3A_519 = arith.constant dense<0.000000e+00> : vector<64x64xf32>
    %dot_general3A_520 = tpu.matmul %slice3A_516, %slice3A_517, %dot_general3A_519 {dimension_numbers = #tpu.dot_dimension_numbers<[1], [1], [0], [0], [0, 0, 1, 0], [], []>, transpose_lhs_hint = false} : vector<64x128xf32>, vector<64x128xf32>, vector<64x64xf32> -> vector<64x64xf32>
    %mul3A_521 = arith.constant 0.0883883461 : f32
    %mul3A_522 = vector.broadcast %mul3A_521 : f32 to vector<64x64xf32>
    %mul3A_523 = arith.mulf %dot_general3A_520, %mul3A_522 : vector<64x64xf32>
    %jit3A_524 = arith.constant 0xFF800000 : f32
    %broadcast_in_dim3A_525 = vector.broadcast %jit3A_524 : f32 to vector<64x64xf32>
    %select_n3A_526 = arith.select %ge3A, %mul3A_523, %broadcast_in_dim3A_525 : vector<64x64xi1>, vector<64x64xf32>
    %reduce_max3A_527 = arith.constant dense<0xFF800000> : vector<64xf32>
    %reduce_max3A_528 = vector.multi_reduction <maximumf>, %select_n3A_526, %reduce_max3A_527 [1] : vector<64x64xf32> to vector<64xf32>
    %broadcast_in_dim3A_529 = vector.shape_cast %reduce_max3A_528 : vector<64xf32> to vector<64x1xf32>
    %sub3A_530 = vector.broadcast %broadcast_in_dim3A_529 : vector<64x1xf32> to vector<64x64xf32>
    %sub3A_531 = arith.subf %select_n3A_526, %sub3A_530 : vector<64x64xf32>
    %exp3A_532 = math.exp %sub3A_531 : vector<64x64xf32>
    %reduce_sum3A_533 = arith.constant dense<0.000000e+00> : vector<64xf32>
    %reduce_sum3A_534 = vector.multi_reduction <add>, %exp3A_532, %reduce_sum3A_533 [1] : vector<64x64xf32> to vector<64xf32>
    %broadcast_in_dim3A_535 = vector.shape_cast %reduce_sum3A_534 : vector<64xf32> to vector<64x1xf32>
    %div3A_536 = vector.broadcast %broadcast_in_dim3A_535 : vector<64x1xf32> to vector<64x64xf32>
    %div3A_537 = arith.divf %exp3A_532, %div3A_536 : vector<64x64xf32>
    %dot_general3A_538 = arith.constant dense<0.000000e+00> : vector<64x128xf32>
    %dot_general3A_539 = tpu.matmul %div3A_537, %slice3A_518, %dot_general3A_538 {dimension_numbers = #tpu.dot_dimension_numbers<[1], [0], [0], [1], [0, 0, 1, 1], [], []>, transpose_lhs_hint = false} : vector<64x64xf32>, vector<64x128xf32>, vector<64x128xf32> -> vector<64x128xf32>
    %slice3A_540 = vector.extract_strided_slice %dot_general3A_50 {offsets = [128, 512], sizes = [64, 128], strides = [1, 1]} : vector<512x1024xf32> to vector<64x128xf32>
    %slice3A_541 = vector.extract_strided_slice %dot_general3A_55 {offsets = [128, 512], sizes = [64, 128], strides = [1, 1]} : vector<512x1024xf32> to vector<64x128xf32>
    %slice3A_542 = vector.extract_strided_slice %dot_general3A_60 {offsets = [128, 512], sizes = [64, 128], strides = [1, 1]} : vector<512x1024xf32> to vector<64x128xf32>
    %dot_general3A_543 = arith.constant dense<0.000000e+00> : vector<64x64xf32>
    %dot_general3A_544 = tpu.matmul %slice3A_540, %slice3A_541, %dot_general3A_543 {dimension_numbers = #tpu.dot_dimension_numbers<[1], [1], [0], [0], [0, 0, 1, 0], [], []>, transpose_lhs_hint = false} : vector<64x128xf32>, vector<64x128xf32>, vector<64x64xf32> -> vector<64x64xf32>
    %mul3A_545 = arith.constant 0.0883883461 : f32
    %mul3A_546 = vector.broadcast %mul3A_545 : f32 to vector<64x64xf32>
    %mul3A_547 = arith.mulf %dot_general3A_544, %mul3A_546 : vector<64x64xf32>
    %jit3A_548 = arith.constant 0xFF800000 : f32
    %broadcast_in_dim3A_549 = vector.broadcast %jit3A_548 : f32 to vector<64x64xf32>
    %select_n3A_550 = arith.select %ge3A, %mul3A_547, %broadcast_in_dim3A_549 : vector<64x64xi1>, vector<64x64xf32>
    %reduce_max3A_551 = arith.constant dense<0xFF800000> : vector<64xf32>
    %reduce_max3A_552 = vector.multi_reduction <maximumf>, %select_n3A_550, %reduce_max3A_551 [1] : vector<64x64xf32> to vector<64xf32>
    %broadcast_in_dim3A_553 = vector.shape_cast %reduce_max3A_552 : vector<64xf32> to vector<64x1xf32>
    %sub3A_554 = vector.broadcast %broadcast_in_dim3A_553 : vector<64x1xf32> to vector<64x64xf32>
    %sub3A_555 = arith.subf %select_n3A_550, %sub3A_554 : vector<64x64xf32>
    %exp3A_556 = math.exp %sub3A_555 : vector<64x64xf32>
    %reduce_sum3A_557 = arith.constant dense<0.000000e+00> : vector<64xf32>
    %reduce_sum3A_558 = vector.multi_reduction <add>, %exp3A_556, %reduce_sum3A_557 [1] : vector<64x64xf32> to vector<64xf32>
    %broadcast_in_dim3A_559 = vector.shape_cast %reduce_sum3A_558 : vector<64xf32> to vector<64x1xf32>
    %div3A_560 = vector.broadcast %broadcast_in_dim3A_559 : vector<64x1xf32> to vector<64x64xf32>
    %div3A_561 = arith.divf %exp3A_556, %div3A_560 : vector<64x64xf32>
    %dot_general3A_562 = arith.constant dense<0.000000e+00> : vector<64x128xf32>
    %dot_general3A_563 = tpu.matmul %div3A_561, %slice3A_542, %dot_general3A_562 {dimension_numbers = #tpu.dot_dimension_numbers<[1], [0], [0], [1], [0, 0, 1, 1], [], []>, transpose_lhs_hint = false} : vector<64x64xf32>, vector<64x128xf32>, vector<64x128xf32> -> vector<64x128xf32>
    %slice3A_564 = vector.extract_strided_slice %dot_general3A_50 {offsets = [128, 640], sizes = [64, 128], strides = [1, 1]} : vector<512x1024xf32> to vector<64x128xf32>
    %slice3A_565 = vector.extract_strided_slice %dot_general3A_55 {offsets = [128, 640], sizes = [64, 128], strides = [1, 1]} : vector<512x1024xf32> to vector<64x128xf32>
    %slice3A_566 = vector.extract_strided_slice %dot_general3A_60 {offsets = [128, 640], sizes = [64, 128], strides = [1, 1]} : vector<512x1024xf32> to vector<64x128xf32>
    %dot_general3A_567 = arith.constant dense<0.000000e+00> : vector<64x64xf32>
    %dot_general3A_568 = tpu.matmul %slice3A_564, %slice3A_565, %dot_general3A_567 {dimension_numbers = #tpu.dot_dimension_numbers<[1], [1], [0], [0], [0, 0, 1, 0], [], []>, transpose_lhs_hint = false} : vector<64x128xf32>, vector<64x128xf32>, vector<64x64xf32> -> vector<64x64xf32>
    %mul3A_569 = arith.constant 0.0883883461 : f32
    %mul3A_570 = vector.broadcast %mul3A_569 : f32 to vector<64x64xf32>
    %mul3A_571 = arith.mulf %dot_general3A_568, %mul3A_570 : vector<64x64xf32>
    %jit3A_572 = arith.constant 0xFF800000 : f32
    %broadcast_in_dim3A_573 = vector.broadcast %jit3A_572 : f32 to vector<64x64xf32>
    %select_n3A_574 = arith.select %ge3A, %mul3A_571, %broadcast_in_dim3A_573 : vector<64x64xi1>, vector<64x64xf32>
    %reduce_max3A_575 = arith.constant dense<0xFF800000> : vector<64xf32>
    %reduce_max3A_576 = vector.multi_reduction <maximumf>, %select_n3A_574, %reduce_max3A_575 [1] : vector<64x64xf32> to vector<64xf32>
    %broadcast_in_dim3A_577 = vector.shape_cast %reduce_max3A_576 : vector<64xf32> to vector<64x1xf32>
    %sub3A_578 = vector.broadcast %broadcast_in_dim3A_577 : vector<64x1xf32> to vector<64x64xf32>
    %sub3A_579 = arith.subf %select_n3A_574, %sub3A_578 : vector<64x64xf32>
    %exp3A_580 = math.exp %sub3A_579 : vector<64x64xf32>
    %reduce_sum3A_581 = arith.constant dense<0.000000e+00> : vector<64xf32>
    %reduce_sum3A_582 = vector.multi_reduction <add>, %exp3A_580, %reduce_sum3A_581 [1] : vector<64x64xf32> to vector<64xf32>
    %broadcast_in_dim3A_583 = vector.shape_cast %reduce_sum3A_582 : vector<64xf32> to vector<64x1xf32>
    %div3A_584 = vector.broadcast %broadcast_in_dim3A_583 : vector<64x1xf32> to vector<64x64xf32>
    %div3A_585 = arith.divf %exp3A_580, %div3A_584 : vector<64x64xf32>
    %dot_general3A_586 = arith.constant dense<0.000000e+00> : vector<64x128xf32>
    %dot_general3A_587 = tpu.matmul %div3A_585, %slice3A_566, %dot_general3A_586 {dimension_numbers = #tpu.dot_dimension_numbers<[1], [0], [0], [1], [0, 0, 1, 1], [], []>, transpose_lhs_hint = false} : vector<64x64xf32>, vector<64x128xf32>, vector<64x128xf32> -> vector<64x128xf32>
    %slice3A_588 = vector.extract_strided_slice %dot_general3A_50 {offsets = [128, 768], sizes = [64, 128], strides = [1, 1]} : vector<512x1024xf32> to vector<64x128xf32>
    %slice3A_589 = vector.extract_strided_slice %dot_general3A_55 {offsets = [128, 768], sizes = [64, 128], strides = [1, 1]} : vector<512x1024xf32> to vector<64x128xf32>
    %slice3A_590 = vector.extract_strided_slice %dot_general3A_60 {offsets = [128, 768], sizes = [64, 128], strides = [1, 1]} : vector<512x1024xf32> to vector<64x128xf32>
    %dot_general3A_591 = arith.constant dense<0.000000e+00> : vector<64x64xf32>
    %dot_general3A_592 = tpu.matmul %slice3A_588, %slice3A_589, %dot_general3A_591 {dimension_numbers = #tpu.dot_dimension_numbers<[1], [1], [0], [0], [0, 0, 1, 0], [], []>, transpose_lhs_hint = false} : vector<64x128xf32>, vector<64x128xf32>, vector<64x64xf32> -> vector<64x64xf32>
    %mul3A_593 = arith.constant 0.0883883461 : f32
    %mul3A_594 = vector.broadcast %mul3A_593 : f32 to vector<64x64xf32>
    %mul3A_595 = arith.mulf %dot_general3A_592, %mul3A_594 : vector<64x64xf32>
    %jit3A_596 = arith.constant 0xFF800000 : f32
    %broadcast_in_dim3A_597 = vector.broadcast %jit3A_596 : f32 to vector<64x64xf32>
    %select_n3A_598 = arith.select %ge3A, %mul3A_595, %broadcast_in_dim3A_597 : vector<64x64xi1>, vector<64x64xf32>
    %reduce_max3A_599 = arith.constant dense<0xFF800000> : vector<64xf32>
    %reduce_max3A_600 = vector.multi_reduction <maximumf>, %select_n3A_598, %reduce_max3A_599 [1] : vector<64x64xf32> to vector<64xf32>
    %broadcast_in_dim3A_601 = vector.shape_cast %reduce_max3A_600 : vector<64xf32> to vector<64x1xf32>
    %sub3A_602 = vector.broadcast %broadcast_in_dim3A_601 : vector<64x1xf32> to vector<64x64xf32>
    %sub3A_603 = arith.subf %select_n3A_598, %sub3A_602 : vector<64x64xf32>
    %exp3A_604 = math.exp %sub3A_603 : vector<64x64xf32>
    %reduce_sum3A_605 = arith.constant dense<0.000000e+00> : vector<64xf32>
    %reduce_sum3A_606 = vector.multi_reduction <add>, %exp3A_604, %reduce_sum3A_605 [1] : vector<64x64xf32> to vector<64xf32>
    %broadcast_in_dim3A_607 = vector.shape_cast %reduce_sum3A_606 : vector<64xf32> to vector<64x1xf32>
    %div3A_608 = vector.broadcast %broadcast_in_dim3A_607 : vector<64x1xf32> to vector<64x64xf32>
    %div3A_609 = arith.divf %exp3A_604, %div3A_608 : vector<64x64xf32>
    %dot_general3A_610 = arith.constant dense<0.000000e+00> : vector<64x128xf32>
    %dot_general3A_611 = tpu.matmul %div3A_609, %slice3A_590, %dot_general3A_610 {dimension_numbers = #tpu.dot_dimension_numbers<[1], [0], [0], [1], [0, 0, 1, 1], [], []>, transpose_lhs_hint = false} : vector<64x64xf32>, vector<64x128xf32>, vector<64x128xf32> -> vector<64x128xf32>
    %slice3A_612 = vector.extract_strided_slice %dot_general3A_50 {offsets = [128, 896], sizes = [64, 128], strides = [1, 1]} : vector<512x1024xf32> to vector<64x128xf32>
    %slice3A_613 = vector.extract_strided_slice %dot_general3A_55 {offsets = [128, 896], sizes = [64, 128], strides = [1, 1]} : vector<512x1024xf32> to vector<64x128xf32>
    %slice3A_614 = vector.extract_strided_slice %dot_general3A_60 {offsets = [128, 896], sizes = [64, 128], strides = [1, 1]} : vector<512x1024xf32> to vector<64x128xf32>
    %dot_general3A_615 = arith.constant dense<0.000000e+00> : vector<64x64xf32>
    %dot_general3A_616 = tpu.matmul %slice3A_612, %slice3A_613, %dot_general3A_615 {dimension_numbers = #tpu.dot_dimension_numbers<[1], [1], [0], [0], [0, 0, 1, 0], [], []>, transpose_lhs_hint = false} : vector<64x128xf32>, vector<64x128xf32>, vector<64x64xf32> -> vector<64x64xf32>
    %mul3A_617 = arith.constant 0.0883883461 : f32
    %mul3A_618 = vector.broadcast %mul3A_617 : f32 to vector<64x64xf32>
    %mul3A_619 = arith.mulf %dot_general3A_616, %mul3A_618 : vector<64x64xf32>
    %jit3A_620 = arith.constant 0xFF800000 : f32
    %broadcast_in_dim3A_621 = vector.broadcast %jit3A_620 : f32 to vector<64x64xf32>
    %select_n3A_622 = arith.select %ge3A, %mul3A_619, %broadcast_in_dim3A_621 : vector<64x64xi1>, vector<64x64xf32>
    %reduce_max3A_623 = arith.constant dense<0xFF800000> : vector<64xf32>
    %reduce_max3A_624 = vector.multi_reduction <maximumf>, %select_n3A_622, %reduce_max3A_623 [1] : vector<64x64xf32> to vector<64xf32>
    %broadcast_in_dim3A_625 = vector.shape_cast %reduce_max3A_624 : vector<64xf32> to vector<64x1xf32>
    %sub3A_626 = vector.broadcast %broadcast_in_dim3A_625 : vector<64x1xf32> to vector<64x64xf32>
    %sub3A_627 = arith.subf %select_n3A_622, %sub3A_626 : vector<64x64xf32>
    %exp3A_628 = math.exp %sub3A_627 : vector<64x64xf32>
    %reduce_sum3A_629 = arith.constant dense<0.000000e+00> : vector<64xf32>
    %reduce_sum3A_630 = vector.multi_reduction <add>, %exp3A_628, %reduce_sum3A_629 [1] : vector<64x64xf32> to vector<64xf32>
    %broadcast_in_dim3A_631 = vector.shape_cast %reduce_sum3A_630 : vector<64xf32> to vector<64x1xf32>
    %div3A_632 = vector.broadcast %broadcast_in_dim3A_631 : vector<64x1xf32> to vector<64x64xf32>
    %div3A_633 = arith.divf %exp3A_628, %div3A_632 : vector<64x64xf32>
    %dot_general3A_634 = arith.constant dense<0.000000e+00> : vector<64x128xf32>
    %dot_general3A_635 = tpu.matmul %div3A_633, %slice3A_614, %dot_general3A_634 {dimension_numbers = #tpu.dot_dimension_numbers<[1], [0], [0], [1], [0, 0, 1, 1], [], []>, transpose_lhs_hint = false} : vector<64x64xf32>, vector<64x128xf32>, vector<64x128xf32> -> vector<64x128xf32>
    %concatenate3A_636 = tpu.concatenate %dot_general3A_467, %dot_general3A_491, %dot_general3A_515, %dot_general3A_539, %dot_general3A_563, %dot_general3A_587, %dot_general3A_611, %dot_general3A_635 in 1 : vector<64x128xf32>, vector<64x128xf32>, vector<64x128xf32>, vector<64x128xf32>, vector<64x128xf32>, vector<64x128xf32>, vector<64x128xf32>, vector<64x128xf32> -> vector<64x1024xf32>
    %slice3A_637 = vector.extract_strided_slice %dot_general3A_50 {offsets = [192, 0], sizes = [64, 128], strides = [1, 1]} : vector<512x1024xf32> to vector<64x128xf32>
    %slice3A_638 = vector.extract_strided_slice %dot_general3A_55 {offsets = [192, 0], sizes = [64, 128], strides = [1, 1]} : vector<512x1024xf32> to vector<64x128xf32>
    %slice3A_639 = vector.extract_strided_slice %dot_general3A_60 {offsets = [192, 0], sizes = [64, 128], strides = [1, 1]} : vector<512x1024xf32> to vector<64x128xf32>
    %dot_general3A_640 = arith.constant dense<0.000000e+00> : vector<64x64xf32>
    %dot_general3A_641 = tpu.matmul %slice3A_637, %slice3A_638, %dot_general3A_640 {dimension_numbers = #tpu.dot_dimension_numbers<[1], [1], [0], [0], [0, 0, 1, 0], [], []>, transpose_lhs_hint = false} : vector<64x128xf32>, vector<64x128xf32>, vector<64x64xf32> -> vector<64x64xf32>
    %mul3A_642 = arith.constant 0.0883883461 : f32
    %mul3A_643 = vector.broadcast %mul3A_642 : f32 to vector<64x64xf32>
    %mul3A_644 = arith.mulf %dot_general3A_641, %mul3A_643 : vector<64x64xf32>
    %jit3A_645 = arith.constant 0xFF800000 : f32
    %broadcast_in_dim3A_646 = vector.broadcast %jit3A_645 : f32 to vector<64x64xf32>
    %select_n3A_647 = arith.select %ge3A, %mul3A_644, %broadcast_in_dim3A_646 : vector<64x64xi1>, vector<64x64xf32>
    %reduce_max3A_648 = arith.constant dense<0xFF800000> : vector<64xf32>
    %reduce_max3A_649 = vector.multi_reduction <maximumf>, %select_n3A_647, %reduce_max3A_648 [1] : vector<64x64xf32> to vector<64xf32>
    %broadcast_in_dim3A_650 = vector.shape_cast %reduce_max3A_649 : vector<64xf32> to vector<64x1xf32>
    %sub3A_651 = vector.broadcast %broadcast_in_dim3A_650 : vector<64x1xf32> to vector<64x64xf32>
    %sub3A_652 = arith.subf %select_n3A_647, %sub3A_651 : vector<64x64xf32>
    %exp3A_653 = math.exp %sub3A_652 : vector<64x64xf32>
    %reduce_sum3A_654 = arith.constant dense<0.000000e+00> : vector<64xf32>
    %reduce_sum3A_655 = vector.multi_reduction <add>, %exp3A_653, %reduce_sum3A_654 [1] : vector<64x64xf32> to vector<64xf32>
    %broadcast_in_dim3A_656 = vector.shape_cast %reduce_sum3A_655 : vector<64xf32> to vector<64x1xf32>
    %div3A_657 = vector.broadcast %broadcast_in_dim3A_656 : vector<64x1xf32> to vector<64x64xf32>
    %div3A_658 = arith.divf %exp3A_653, %div3A_657 : vector<64x64xf32>
    %dot_general3A_659 = arith.constant dense<0.000000e+00> : vector<64x128xf32>
    %dot_general3A_660 = tpu.matmul %div3A_658, %slice3A_639, %dot_general3A_659 {dimension_numbers = #tpu.dot_dimension_numbers<[1], [0], [0], [1], [0, 0, 1, 1], [], []>, transpose_lhs_hint = false} : vector<64x64xf32>, vector<64x128xf32>, vector<64x128xf32> -> vector<64x128xf32>
    %slice3A_661 = vector.extract_strided_slice %dot_general3A_50 {offsets = [192, 128], sizes = [64, 128], strides = [1, 1]} : vector<512x1024xf32> to vector<64x128xf32>
    %slice3A_662 = vector.extract_strided_slice %dot_general3A_55 {offsets = [192, 128], sizes = [64, 128], strides = [1, 1]} : vector<512x1024xf32> to vector<64x128xf32>
    %slice3A_663 = vector.extract_strided_slice %dot_general3A_60 {offsets = [192, 128], sizes = [64, 128], strides = [1, 1]} : vector<512x1024xf32> to vector<64x128xf32>
    %dot_general3A_664 = arith.constant dense<0.000000e+00> : vector<64x64xf32>
    %dot_general3A_665 = tpu.matmul %slice3A_661, %slice3A_662, %dot_general3A_664 {dimension_numbers = #tpu.dot_dimension_numbers<[1], [1], [0], [0], [0, 0, 1, 0], [], []>, transpose_lhs_hint = false} : vector<64x128xf32>, vector<64x128xf32>, vector<64x64xf32> -> vector<64x64xf32>
    %mul3A_666 = arith.constant 0.0883883461 : f32
    %mul3A_667 = vector.broadcast %mul3A_666 : f32 to vector<64x64xf32>
    %mul3A_668 = arith.mulf %dot_general3A_665, %mul3A_667 : vector<64x64xf32>
    %jit3A_669 = arith.constant 0xFF800000 : f32
    %broadcast_in_dim3A_670 = vector.broadcast %jit3A_669 : f32 to vector<64x64xf32>
    %select_n3A_671 = arith.select %ge3A, %mul3A_668, %broadcast_in_dim3A_670 : vector<64x64xi1>, vector<64x64xf32>
    %reduce_max3A_672 = arith.constant dense<0xFF800000> : vector<64xf32>
    %reduce_max3A_673 = vector.multi_reduction <maximumf>, %select_n3A_671, %reduce_max3A_672 [1] : vector<64x64xf32> to vector<64xf32>
    %broadcast_in_dim3A_674 = vector.shape_cast %reduce_max3A_673 : vector<64xf32> to vector<64x1xf32>
    %sub3A_675 = vector.broadcast %broadcast_in_dim3A_674 : vector<64x1xf32> to vector<64x64xf32>
    %sub3A_676 = arith.subf %select_n3A_671, %sub3A_675 : vector<64x64xf32>
    %exp3A_677 = math.exp %sub3A_676 : vector<64x64xf32>
    %reduce_sum3A_678 = arith.constant dense<0.000000e+00> : vector<64xf32>
    %reduce_sum3A_679 = vector.multi_reduction <add>, %exp3A_677, %reduce_sum3A_678 [1] : vector<64x64xf32> to vector<64xf32>
    %broadcast_in_dim3A_680 = vector.shape_cast %reduce_sum3A_679 : vector<64xf32> to vector<64x1xf32>
    %div3A_681 = vector.broadcast %broadcast_in_dim3A_680 : vector<64x1xf32> to vector<64x64xf32>
    %div3A_682 = arith.divf %exp3A_677, %div3A_681 : vector<64x64xf32>
    %dot_general3A_683 = arith.constant dense<0.000000e+00> : vector<64x128xf32>
    %dot_general3A_684 = tpu.matmul %div3A_682, %slice3A_663, %dot_general3A_683 {dimension_numbers = #tpu.dot_dimension_numbers<[1], [0], [0], [1], [0, 0, 1, 1], [], []>, transpose_lhs_hint = false} : vector<64x64xf32>, vector<64x128xf32>, vector<64x128xf32> -> vector<64x128xf32>
    %slice3A_685 = vector.extract_strided_slice %dot_general3A_50 {offsets = [192, 256], sizes = [64, 128], strides = [1, 1]} : vector<512x1024xf32> to vector<64x128xf32>
    %slice3A_686 = vector.extract_strided_slice %dot_general3A_55 {offsets = [192, 256], sizes = [64, 128], strides = [1, 1]} : vector<512x1024xf32> to vector<64x128xf32>
    %slice3A_687 = vector.extract_strided_slice %dot_general3A_60 {offsets = [192, 256], sizes = [64, 128], strides = [1, 1]} : vector<512x1024xf32> to vector<64x128xf32>
    %dot_general3A_688 = arith.constant dense<0.000000e+00> : vector<64x64xf32>
    %dot_general3A_689 = tpu.matmul %slice3A_685, %slice3A_686, %dot_general3A_688 {dimension_numbers = #tpu.dot_dimension_numbers<[1], [1], [0], [0], [0, 0, 1, 0], [], []>, transpose_lhs_hint = false} : vector<64x128xf32>, vector<64x128xf32>, vector<64x64xf32> -> vector<64x64xf32>
    %mul3A_690 = arith.constant 0.0883883461 : f32
    %mul3A_691 = vector.broadcast %mul3A_690 : f32 to vector<64x64xf32>
    %mul3A_692 = arith.mulf %dot_general3A_689, %mul3A_691 : vector<64x64xf32>
    %jit3A_693 = arith.constant 0xFF800000 : f32
    %broadcast_in_dim3A_694 = vector.broadcast %jit3A_693 : f32 to vector<64x64xf32>
    %select_n3A_695 = arith.select %ge3A, %mul3A_692, %broadcast_in_dim3A_694 : vector<64x64xi1>, vector<64x64xf32>
    %reduce_max3A_696 = arith.constant dense<0xFF800000> : vector<64xf32>
    %reduce_max3A_697 = vector.multi_reduction <maximumf>, %select_n3A_695, %reduce_max3A_696 [1] : vector<64x64xf32> to vector<64xf32>
    %broadcast_in_dim3A_698 = vector.shape_cast %reduce_max3A_697 : vector<64xf32> to vector<64x1xf32>
    %sub3A_699 = vector.broadcast %broadcast_in_dim3A_698 : vector<64x1xf32> to vector<64x64xf32>
    %sub3A_700 = arith.subf %select_n3A_695, %sub3A_699 : vector<64x64xf32>
    %exp3A_701 = math.exp %sub3A_700 : vector<64x64xf32>
    %reduce_sum3A_702 = arith.constant dense<0.000000e+00> : vector<64xf32>
    %reduce_sum3A_703 = vector.multi_reduction <add>, %exp3A_701, %reduce_sum3A_702 [1] : vector<64x64xf32> to vector<64xf32>
    %broadcast_in_dim3A_704 = vector.shape_cast %reduce_sum3A_703 : vector<64xf32> to vector<64x1xf32>
    %div3A_705 = vector.broadcast %broadcast_in_dim3A_704 : vector<64x1xf32> to vector<64x64xf32>
    %div3A_706 = arith.divf %exp3A_701, %div3A_705 : vector<64x64xf32>
    %dot_general3A_707 = arith.constant dense<0.000000e+00> : vector<64x128xf32>
    %dot_general3A_708 = tpu.matmul %div3A_706, %slice3A_687, %dot_general3A_707 {dimension_numbers = #tpu.dot_dimension_numbers<[1], [0], [0], [1], [0, 0, 1, 1], [], []>, transpose_lhs_hint = false} : vector<64x64xf32>, vector<64x128xf32>, vector<64x128xf32> -> vector<64x128xf32>
    %slice3A_709 = vector.extract_strided_slice %dot_general3A_50 {offsets = [192, 384], sizes = [64, 128], strides = [1, 1]} : vector<512x1024xf32> to vector<64x128xf32>
    %slice3A_710 = vector.extract_strided_slice %dot_general3A_55 {offsets = [192, 384], sizes = [64, 128], strides = [1, 1]} : vector<512x1024xf32> to vector<64x128xf32>
    %slice3A_711 = vector.extract_strided_slice %dot_general3A_60 {offsets = [192, 384], sizes = [64, 128], strides = [1, 1]} : vector<512x1024xf32> to vector<64x128xf32>
    %dot_general3A_712 = arith.constant dense<0.000000e+00> : vector<64x64xf32>
    %dot_general3A_713 = tpu.matmul %slice3A_709, %slice3A_710, %dot_general3A_712 {dimension_numbers = #tpu.dot_dimension_numbers<[1], [1], [0], [0], [0, 0, 1, 0], [], []>, transpose_lhs_hint = false} : vector<64x128xf32>, vector<64x128xf32>, vector<64x64xf32> -> vector<64x64xf32>
    %mul3A_714 = arith.constant 0.0883883461 : f32
    %mul3A_715 = vector.broadcast %mul3A_714 : f32 to vector<64x64xf32>
    %mul3A_716 = arith.mulf %dot_general3A_713, %mul3A_715 : vector<64x64xf32>
    %jit3A_717 = arith.constant 0xFF800000 : f32
    %broadcast_in_dim3A_718 = vector.broadcast %jit3A_717 : f32 to vector<64x64xf32>
    %select_n3A_719 = arith.select %ge3A, %mul3A_716, %broadcast_in_dim3A_718 : vector<64x64xi1>, vector<64x64xf32>
    %reduce_max3A_720 = arith.constant dense<0xFF800000> : vector<64xf32>
    %reduce_max3A_721 = vector.multi_reduction <maximumf>, %select_n3A_719, %reduce_max3A_720 [1] : vector<64x64xf32> to vector<64xf32>
    %broadcast_in_dim3A_722 = vector.shape_cast %reduce_max3A_721 : vector<64xf32> to vector<64x1xf32>
    %sub3A_723 = vector.broadcast %broadcast_in_dim3A_722 : vector<64x1xf32> to vector<64x64xf32>
    %sub3A_724 = arith.subf %select_n3A_719, %sub3A_723 : vector<64x64xf32>
    %exp3A_725 = math.exp %sub3A_724 : vector<64x64xf32>
    %reduce_sum3A_726 = arith.constant dense<0.000000e+00> : vector<64xf32>
    %reduce_sum3A_727 = vector.multi_reduction <add>, %exp3A_725, %reduce_sum3A_726 [1] : vector<64x64xf32> to vector<64xf32>
    %broadcast_in_dim3A_728 = vector.shape_cast %reduce_sum3A_727 : vector<64xf32> to vector<64x1xf32>
    %div3A_729 = vector.broadcast %broadcast_in_dim3A_728 : vector<64x1xf32> to vector<64x64xf32>
    %div3A_730 = arith.divf %exp3A_725, %div3A_729 : vector<64x64xf32>
    %dot_general3A_731 = arith.constant dense<0.000000e+00> : vector<64x128xf32>
    %dot_general3A_732 = tpu.matmul %div3A_730, %slice3A_711, %dot_general3A_731 {dimension_numbers = #tpu.dot_dimension_numbers<[1], [0], [0], [1], [0, 0, 1, 1], [], []>, transpose_lhs_hint = false} : vector<64x64xf32>, vector<64x128xf32>, vector<64x128xf32> -> vector<64x128xf32>
    %slice3A_733 = vector.extract_strided_slice %dot_general3A_50 {offsets = [192, 512], sizes = [64, 128], strides = [1, 1]} : vector<512x1024xf32> to vector<64x128xf32>
    %slice3A_734 = vector.extract_strided_slice %dot_general3A_55 {offsets = [192, 512], sizes = [64, 128], strides = [1, 1]} : vector<512x1024xf32> to vector<64x128xf32>
    %slice3A_735 = vector.extract_strided_slice %dot_general3A_60 {offsets = [192, 512], sizes = [64, 128], strides = [1, 1]} : vector<512x1024xf32> to vector<64x128xf32>
    %dot_general3A_736 = arith.constant dense<0.000000e+00> : vector<64x64xf32>
    %dot_general3A_737 = tpu.matmul %slice3A_733, %slice3A_734, %dot_general3A_736 {dimension_numbers = #tpu.dot_dimension_numbers<[1], [1], [0], [0], [0, 0, 1, 0], [], []>, transpose_lhs_hint = false} : vector<64x128xf32>, vector<64x128xf32>, vector<64x64xf32> -> vector<64x64xf32>
    %mul3A_738 = arith.constant 0.0883883461 : f32
    %mul3A_739 = vector.broadcast %mul3A_738 : f32 to vector<64x64xf32>
    %mul3A_740 = arith.mulf %dot_general3A_737, %mul3A_739 : vector<64x64xf32>
    %jit3A_741 = arith.constant 0xFF800000 : f32
    %broadcast_in_dim3A_742 = vector.broadcast %jit3A_741 : f32 to vector<64x64xf32>
    %select_n3A_743 = arith.select %ge3A, %mul3A_740, %broadcast_in_dim3A_742 : vector<64x64xi1>, vector<64x64xf32>
    %reduce_max3A_744 = arith.constant dense<0xFF800000> : vector<64xf32>
    %reduce_max3A_745 = vector.multi_reduction <maximumf>, %select_n3A_743, %reduce_max3A_744 [1] : vector<64x64xf32> to vector<64xf32>
    %broadcast_in_dim3A_746 = vector.shape_cast %reduce_max3A_745 : vector<64xf32> to vector<64x1xf32>
    %sub3A_747 = vector.broadcast %broadcast_in_dim3A_746 : vector<64x1xf32> to vector<64x64xf32>
    %sub3A_748 = arith.subf %select_n3A_743, %sub3A_747 : vector<64x64xf32>
    %exp3A_749 = math.exp %sub3A_748 : vector<64x64xf32>
    %reduce_sum3A_750 = arith.constant dense<0.000000e+00> : vector<64xf32>
    %reduce_sum3A_751 = vector.multi_reduction <add>, %exp3A_749, %reduce_sum3A_750 [1] : vector<64x64xf32> to vector<64xf32>
    %broadcast_in_dim3A_752 = vector.shape_cast %reduce_sum3A_751 : vector<64xf32> to vector<64x1xf32>
    %div3A_753 = vector.broadcast %broadcast_in_dim3A_752 : vector<64x1xf32> to vector<64x64xf32>
    %div3A_754 = arith.divf %exp3A_749, %div3A_753 : vector<64x64xf32>
    %dot_general3A_755 = arith.constant dense<0.000000e+00> : vector<64x128xf32>
    %dot_general3A_756 = tpu.matmul %div3A_754, %slice3A_735, %dot_general3A_755 {dimension_numbers = #tpu.dot_dimension_numbers<[1], [0], [0], [1], [0, 0, 1, 1], [], []>, transpose_lhs_hint = false} : vector<64x64xf32>, vector<64x128xf32>, vector<64x128xf32> -> vector<64x128xf32>
    %slice3A_757 = vector.extract_strided_slice %dot_general3A_50 {offsets = [192, 640], sizes = [64, 128], strides = [1, 1]} : vector<512x1024xf32> to vector<64x128xf32>
    %slice3A_758 = vector.extract_strided_slice %dot_general3A_55 {offsets = [192, 640], sizes = [64, 128], strides = [1, 1]} : vector<512x1024xf32> to vector<64x128xf32>
    %slice3A_759 = vector.extract_strided_slice %dot_general3A_60 {offsets = [192, 640], sizes = [64, 128], strides = [1, 1]} : vector<512x1024xf32> to vector<64x128xf32>
    %dot_general3A_760 = arith.constant dense<0.000000e+00> : vector<64x64xf32>
    %dot_general3A_761 = tpu.matmul %slice3A_757, %slice3A_758, %dot_general3A_760 {dimension_numbers = #tpu.dot_dimension_numbers<[1], [1], [0], [0], [0, 0, 1, 0], [], []>, transpose_lhs_hint = false} : vector<64x128xf32>, vector<64x128xf32>, vector<64x64xf32> -> vector<64x64xf32>
    %mul3A_762 = arith.constant 0.0883883461 : f32
    %mul3A_763 = vector.broadcast %mul3A_762 : f32 to vector<64x64xf32>
    %mul3A_764 = arith.mulf %dot_general3A_761, %mul3A_763 : vector<64x64xf32>
    %jit3A_765 = arith.constant 0xFF800000 : f32
    %broadcast_in_dim3A_766 = vector.broadcast %jit3A_765 : f32 to vector<64x64xf32>
    %select_n3A_767 = arith.select %ge3A, %mul3A_764, %broadcast_in_dim3A_766 : vector<64x64xi1>, vector<64x64xf32>
    %reduce_max3A_768 = arith.constant dense<0xFF800000> : vector<64xf32>
    %reduce_max3A_769 = vector.multi_reduction <maximumf>, %select_n3A_767, %reduce_max3A_768 [1] : vector<64x64xf32> to vector<64xf32>
    %broadcast_in_dim3A_770 = vector.shape_cast %reduce_max3A_769 : vector<64xf32> to vector<64x1xf32>
    %sub3A_771 = vector.broadcast %broadcast_in_dim3A_770 : vector<64x1xf32> to vector<64x64xf32>
    %sub3A_772 = arith.subf %select_n3A_767, %sub3A_771 : vector<64x64xf32>
    %exp3A_773 = math.exp %sub3A_772 : vector<64x64xf32>
    %reduce_sum3A_774 = arith.constant dense<0.000000e+00> : vector<64xf32>
    %reduce_sum3A_775 = vector.multi_reduction <add>, %exp3A_773, %reduce_sum3A_774 [1] : vector<64x64xf32> to vector<64xf32>
    %broadcast_in_dim3A_776 = vector.shape_cast %reduce_sum3A_775 : vector<64xf32> to vector<64x1xf32>
    %div3A_777 = vector.broadcast %broadcast_in_dim3A_776 : vector<64x1xf32> to vector<64x64xf32>
    %div3A_778 = arith.divf %exp3A_773, %div3A_777 : vector<64x64xf32>
    %dot_general3A_779 = arith.constant dense<0.000000e+00> : vector<64x128xf32>
    %dot_general3A_780 = tpu.matmul %div3A_778, %slice3A_759, %dot_general3A_779 {dimension_numbers = #tpu.dot_dimension_numbers<[1], [0], [0], [1], [0, 0, 1, 1], [], []>, transpose_lhs_hint = false} : vector<64x64xf32>, vector<64x128xf32>, vector<64x128xf32> -> vector<64x128xf32>
    %slice3A_781 = vector.extract_strided_slice %dot_general3A_50 {offsets = [192, 768], sizes = [64, 128], strides = [1, 1]} : vector<512x1024xf32> to vector<64x128xf32>
    %slice3A_782 = vector.extract_strided_slice %dot_general3A_55 {offsets = [192, 768], sizes = [64, 128], strides = [1, 1]} : vector<512x1024xf32> to vector<64x128xf32>
    %slice3A_783 = vector.extract_strided_slice %dot_general3A_60 {offsets = [192, 768], sizes = [64, 128], strides = [1, 1]} : vector<512x1024xf32> to vector<64x128xf32>
    %dot_general3A_784 = arith.constant dense<0.000000e+00> : vector<64x64xf32>
    %dot_general3A_785 = tpu.matmul %slice3A_781, %slice3A_782, %dot_general3A_784 {dimension_numbers = #tpu.dot_dimension_numbers<[1], [1], [0], [0], [0, 0, 1, 0], [], []>, transpose_lhs_hint = false} : vector<64x128xf32>, vector<64x128xf32>, vector<64x64xf32> -> vector<64x64xf32>
    %mul3A_786 = arith.constant 0.0883883461 : f32
    %mul3A_787 = vector.broadcast %mul3A_786 : f32 to vector<64x64xf32>
    %mul3A_788 = arith.mulf %dot_general3A_785, %mul3A_787 : vector<64x64xf32>
    %jit3A_789 = arith.constant 0xFF800000 : f32
    %broadcast_in_dim3A_790 = vector.broadcast %jit3A_789 : f32 to vector<64x64xf32>
    %select_n3A_791 = arith.select %ge3A, %mul3A_788, %broadcast_in_dim3A_790 : vector<64x64xi1>, vector<64x64xf32>
    %reduce_max3A_792 = arith.constant dense<0xFF800000> : vector<64xf32>
    %reduce_max3A_793 = vector.multi_reduction <maximumf>, %select_n3A_791, %reduce_max3A_792 [1] : vector<64x64xf32> to vector<64xf32>
    %broadcast_in_dim3A_794 = vector.shape_cast %reduce_max3A_793 : vector<64xf32> to vector<64x1xf32>
    %sub3A_795 = vector.broadcast %broadcast_in_dim3A_794 : vector<64x1xf32> to vector<64x64xf32>
    %sub3A_796 = arith.subf %select_n3A_791, %sub3A_795 : vector<64x64xf32>
    %exp3A_797 = math.exp %sub3A_796 : vector<64x64xf32>
    %reduce_sum3A_798 = arith.constant dense<0.000000e+00> : vector<64xf32>
    %reduce_sum3A_799 = vector.multi_reduction <add>, %exp3A_797, %reduce_sum3A_798 [1] : vector<64x64xf32> to vector<64xf32>
    %broadcast_in_dim3A_800 = vector.shape_cast %reduce_sum3A_799 : vector<64xf32> to vector<64x1xf32>
    %div3A_801 = vector.broadcast %broadcast_in_dim3A_800 : vector<64x1xf32> to vector<64x64xf32>
    %div3A_802 = arith.divf %exp3A_797, %div3A_801 : vector<64x64xf32>
    %dot_general3A_803 = arith.constant dense<0.000000e+00> : vector<64x128xf32>
    %dot_general3A_804 = tpu.matmul %div3A_802, %slice3A_783, %dot_general3A_803 {dimension_numbers = #tpu.dot_dimension_numbers<[1], [0], [0], [1], [0, 0, 1, 1], [], []>, transpose_lhs_hint = false} : vector<64x64xf32>, vector<64x128xf32>, vector<64x128xf32> -> vector<64x128xf32>
    %slice3A_805 = vector.extract_strided_slice %dot_general3A_50 {offsets = [192, 896], sizes = [64, 128], strides = [1, 1]} : vector<512x1024xf32> to vector<64x128xf32>
    %slice3A_806 = vector.extract_strided_slice %dot_general3A_55 {offsets = [192, 896], sizes = [64, 128], strides = [1, 1]} : vector<512x1024xf32> to vector<64x128xf32>
    %slice3A_807 = vector.extract_strided_slice %dot_general3A_60 {offsets = [192, 896], sizes = [64, 128], strides = [1, 1]} : vector<512x1024xf32> to vector<64x128xf32>
    %dot_general3A_808 = arith.constant dense<0.000000e+00> : vector<64x64xf32>
    %dot_general3A_809 = tpu.matmul %slice3A_805, %slice3A_806, %dot_general3A_808 {dimension_numbers = #tpu.dot_dimension_numbers<[1], [1], [0], [0], [0, 0, 1, 0], [], []>, transpose_lhs_hint = false} : vector<64x128xf32>, vector<64x128xf32>, vector<64x64xf32> -> vector<64x64xf32>
    %mul3A_810 = arith.constant 0.0883883461 : f32
    %mul3A_811 = vector.broadcast %mul3A_810 : f32 to vector<64x64xf32>
    %mul3A_812 = arith.mulf %dot_general3A_809, %mul3A_811 : vector<64x64xf32>
    %jit3A_813 = arith.constant 0xFF800000 : f32
    %broadcast_in_dim3A_814 = vector.broadcast %jit3A_813 : f32 to vector<64x64xf32>
    %select_n3A_815 = arith.select %ge3A, %mul3A_812, %broadcast_in_dim3A_814 : vector<64x64xi1>, vector<64x64xf32>
    %reduce_max3A_816 = arith.constant dense<0xFF800000> : vector<64xf32>
    %reduce_max3A_817 = vector.multi_reduction <maximumf>, %select_n3A_815, %reduce_max3A_816 [1] : vector<64x64xf32> to vector<64xf32>
    %broadcast_in_dim3A_818 = vector.shape_cast %reduce_max3A_817 : vector<64xf32> to vector<64x1xf32>
    %sub3A_819 = vector.broadcast %broadcast_in_dim3A_818 : vector<64x1xf32> to vector<64x64xf32>
    %sub3A_820 = arith.subf %select_n3A_815, %sub3A_819 : vector<64x64xf32>
    %exp3A_821 = math.exp %sub3A_820 : vector<64x64xf32>
    %reduce_sum3A_822 = arith.constant dense<0.000000e+00> : vector<64xf32>
    %reduce_sum3A_823 = vector.multi_reduction <add>, %exp3A_821, %reduce_sum3A_822 [1] : vector<64x64xf32> to vector<64xf32>
    %broadcast_in_dim3A_824 = vector.shape_cast %reduce_sum3A_823 : vector<64xf32> to vector<64x1xf32>
    %div3A_825 = vector.broadcast %broadcast_in_dim3A_824 : vector<64x1xf32> to vector<64x64xf32>
    %div3A_826 = arith.divf %exp3A_821, %div3A_825 : vector<64x64xf32>
    %dot_general3A_827 = arith.constant dense<0.000000e+00> : vector<64x128xf32>
    %dot_general3A_828 = tpu.matmul %div3A_826, %slice3A_807, %dot_general3A_827 {dimension_numbers = #tpu.dot_dimension_numbers<[1], [0], [0], [1], [0, 0, 1, 1], [], []>, transpose_lhs_hint = false} : vector<64x64xf32>, vector<64x128xf32>, vector<64x128xf32> -> vector<64x128xf32>
    %concatenate3A_829 = tpu.concatenate %dot_general3A_660, %dot_general3A_684, %dot_general3A_708, %dot_general3A_732, %dot_general3A_756, %dot_general3A_780, %dot_general3A_804, %dot_general3A_828 in 1 : vector<64x128xf32>, vector<64x128xf32>, vector<64x128xf32>, vector<64x128xf32>, vector<64x128xf32>, vector<64x128xf32>, vector<64x128xf32>, vector<64x128xf32> -> vector<64x1024xf32>
    %slice3A_830 = vector.extract_strided_slice %dot_general3A_50 {offsets = [256, 0], sizes = [64, 128], strides = [1, 1]} : vector<512x1024xf32> to vector<64x128xf32>
    %slice3A_831 = vector.extract_strided_slice %dot_general3A_55 {offsets = [256, 0], sizes = [64, 128], strides = [1, 1]} : vector<512x1024xf32> to vector<64x128xf32>
    %slice3A_832 = vector.extract_strided_slice %dot_general3A_60 {offsets = [256, 0], sizes = [64, 128], strides = [1, 1]} : vector<512x1024xf32> to vector<64x128xf32>
    %dot_general3A_833 = arith.constant dense<0.000000e+00> : vector<64x64xf32>
    %dot_general3A_834 = tpu.matmul %slice3A_830, %slice3A_831, %dot_general3A_833 {dimension_numbers = #tpu.dot_dimension_numbers<[1], [1], [0], [0], [0, 0, 1, 0], [], []>, transpose_lhs_hint = false} : vector<64x128xf32>, vector<64x128xf32>, vector<64x64xf32> -> vector<64x64xf32>
    %mul3A_835 = arith.constant 0.0883883461 : f32
    %mul3A_836 = vector.broadcast %mul3A_835 : f32 to vector<64x64xf32>
    %mul3A_837 = arith.mulf %dot_general3A_834, %mul3A_836 : vector<64x64xf32>
    %jit3A_838 = arith.constant 0xFF800000 : f32
    %broadcast_in_dim3A_839 = vector.broadcast %jit3A_838 : f32 to vector<64x64xf32>
    %select_n3A_840 = arith.select %ge3A, %mul3A_837, %broadcast_in_dim3A_839 : vector<64x64xi1>, vector<64x64xf32>
    %reduce_max3A_841 = arith.constant dense<0xFF800000> : vector<64xf32>
    %reduce_max3A_842 = vector.multi_reduction <maximumf>, %select_n3A_840, %reduce_max3A_841 [1] : vector<64x64xf32> to vector<64xf32>
    %broadcast_in_dim3A_843 = vector.shape_cast %reduce_max3A_842 : vector<64xf32> to vector<64x1xf32>
    %sub3A_844 = vector.broadcast %broadcast_in_dim3A_843 : vector<64x1xf32> to vector<64x64xf32>
    %sub3A_845 = arith.subf %select_n3A_840, %sub3A_844 : vector<64x64xf32>
    %exp3A_846 = math.exp %sub3A_845 : vector<64x64xf32>
    %reduce_sum3A_847 = arith.constant dense<0.000000e+00> : vector<64xf32>
    %reduce_sum3A_848 = vector.multi_reduction <add>, %exp3A_846, %reduce_sum3A_847 [1] : vector<64x64xf32> to vector<64xf32>
    %broadcast_in_dim3A_849 = vector.shape_cast %reduce_sum3A_848 : vector<64xf32> to vector<64x1xf32>
    %div3A_850 = vector.broadcast %broadcast_in_dim3A_849 : vector<64x1xf32> to vector<64x64xf32>
    %div3A_851 = arith.divf %exp3A_846, %div3A_850 : vector<64x64xf32>
    %dot_general3A_852 = arith.constant dense<0.000000e+00> : vector<64x128xf32>
    %dot_general3A_853 = tpu.matmul %div3A_851, %slice3A_832, %dot_general3A_852 {dimension_numbers = #tpu.dot_dimension_numbers<[1], [0], [0], [1], [0, 0, 1, 1], [], []>, transpose_lhs_hint = false} : vector<64x64xf32>, vector<64x128xf32>, vector<64x128xf32> -> vector<64x128xf32>
    %slice3A_854 = vector.extract_strided_slice %dot_general3A_50 {offsets = [256, 128], sizes = [64, 128], strides = [1, 1]} : vector<512x1024xf32> to vector<64x128xf32>
    %slice3A_855 = vector.extract_strided_slice %dot_general3A_55 {offsets = [256, 128], sizes = [64, 128], strides = [1, 1]} : vector<512x1024xf32> to vector<64x128xf32>
    %slice3A_856 = vector.extract_strided_slice %dot_general3A_60 {offsets = [256, 128], sizes = [64, 128], strides = [1, 1]} : vector<512x1024xf32> to vector<64x128xf32>
    %dot_general3A_857 = arith.constant dense<0.000000e+00> : vector<64x64xf32>
    %dot_general3A_858 = tpu.matmul %slice3A_854, %slice3A_855, %dot_general3A_857 {dimension_numbers = #tpu.dot_dimension_numbers<[1], [1], [0], [0], [0, 0, 1, 0], [], []>, transpose_lhs_hint = false} : vector<64x128xf32>, vector<64x128xf32>, vector<64x64xf32> -> vector<64x64xf32>
    %mul3A_859 = arith.constant 0.0883883461 : f32
    %mul3A_860 = vector.broadcast %mul3A_859 : f32 to vector<64x64xf32>
    %mul3A_861 = arith.mulf %dot_general3A_858, %mul3A_860 : vector<64x64xf32>
    %jit3A_862 = arith.constant 0xFF800000 : f32
    %broadcast_in_dim3A_863 = vector.broadcast %jit3A_862 : f32 to vector<64x64xf32>
    %select_n3A_864 = arith.select %ge3A, %mul3A_861, %broadcast_in_dim3A_863 : vector<64x64xi1>, vector<64x64xf32>
    %reduce_max3A_865 = arith.constant dense<0xFF800000> : vector<64xf32>
    %reduce_max3A_866 = vector.multi_reduction <maximumf>, %select_n3A_864, %reduce_max3A_865 [1] : vector<64x64xf32> to vector<64xf32>
    %broadcast_in_dim3A_867 = vector.shape_cast %reduce_max3A_866 : vector<64xf32> to vector<64x1xf32>
    %sub3A_868 = vector.broadcast %broadcast_in_dim3A_867 : vector<64x1xf32> to vector<64x64xf32>
    %sub3A_869 = arith.subf %select_n3A_864, %sub3A_868 : vector<64x64xf32>
    %exp3A_870 = math.exp %sub3A_869 : vector<64x64xf32>
    %reduce_sum3A_871 = arith.constant dense<0.000000e+00> : vector<64xf32>
    %reduce_sum3A_872 = vector.multi_reduction <add>, %exp3A_870, %reduce_sum3A_871 [1] : vector<64x64xf32> to vector<64xf32>
    %broadcast_in_dim3A_873 = vector.shape_cast %reduce_sum3A_872 : vector<64xf32> to vector<64x1xf32>
    %div3A_874 = vector.broadcast %broadcast_in_dim3A_873 : vector<64x1xf32> to vector<64x64xf32>
    %div3A_875 = arith.divf %exp3A_870, %div3A_874 : vector<64x64xf32>
    %dot_general3A_876 = arith.constant dense<0.000000e+00> : vector<64x128xf32>
    %dot_general3A_877 = tpu.matmul %div3A_875, %slice3A_856, %dot_general3A_876 {dimension_numbers = #tpu.dot_dimension_numbers<[1], [0], [0], [1], [0, 0, 1, 1], [], []>, transpose_lhs_hint = false} : vector<64x64xf32>, vector<64x128xf32>, vector<64x128xf32> -> vector<64x128xf32>
    %slice3A_878 = vector.extract_strided_slice %dot_general3A_50 {offsets = [256, 256], sizes = [64, 128], strides = [1, 1]} : vector<512x1024xf32> to vector<64x128xf32>
    %slice3A_879 = vector.extract_strided_slice %dot_general3A_55 {offsets = [256, 256], sizes = [64, 128], strides = [1, 1]} : vector<512x1024xf32> to vector<64x128xf32>
    %slice3A_880 = vector.extract_strided_slice %dot_general3A_60 {offsets = [256, 256], sizes = [64, 128], strides = [1, 1]} : vector<512x1024xf32> to vector<64x128xf32>
    %dot_general3A_881 = arith.constant dense<0.000000e+00> : vector<64x64xf32>
    %dot_general3A_882 = tpu.matmul %slice3A_878, %slice3A_879, %dot_general3A_881 {dimension_numbers = #tpu.dot_dimension_numbers<[1], [1], [0], [0], [0, 0, 1, 0], [], []>, transpose_lhs_hint = false} : vector<64x128xf32>, vector<64x128xf32>, vector<64x64xf32> -> vector<64x64xf32>
    %mul3A_883 = arith.constant 0.0883883461 : f32
    %mul3A_884 = vector.broadcast %mul3A_883 : f32 to vector<64x64xf32>
    %mul3A_885 = arith.mulf %dot_general3A_882, %mul3A_884 : vector<64x64xf32>
    %jit3A_886 = arith.constant 0xFF800000 : f32
    %broadcast_in_dim3A_887 = vector.broadcast %jit3A_886 : f32 to vector<64x64xf32>
    %select_n3A_888 = arith.select %ge3A, %mul3A_885, %broadcast_in_dim3A_887 : vector<64x64xi1>, vector<64x64xf32>
    %reduce_max3A_889 = arith.constant dense<0xFF800000> : vector<64xf32>
    %reduce_max3A_890 = vector.multi_reduction <maximumf>, %select_n3A_888, %reduce_max3A_889 [1] : vector<64x64xf32> to vector<64xf32>
    %broadcast_in_dim3A_891 = vector.shape_cast %reduce_max3A_890 : vector<64xf32> to vector<64x1xf32>
    %sub3A_892 = vector.broadcast %broadcast_in_dim3A_891 : vector<64x1xf32> to vector<64x64xf32>
    %sub3A_893 = arith.subf %select_n3A_888, %sub3A_892 : vector<64x64xf32>
    %exp3A_894 = math.exp %sub3A_893 : vector<64x64xf32>
    %reduce_sum3A_895 = arith.constant dense<0.000000e+00> : vector<64xf32>
    %reduce_sum3A_896 = vector.multi_reduction <add>, %exp3A_894, %reduce_sum3A_895 [1] : vector<64x64xf32> to vector<64xf32>
    %broadcast_in_dim3A_897 = vector.shape_cast %reduce_sum3A_896 : vector<64xf32> to vector<64x1xf32>
    %div3A_898 = vector.broadcast %broadcast_in_dim3A_897 : vector<64x1xf32> to vector<64x64xf32>
    %div3A_899 = arith.divf %exp3A_894, %div3A_898 : vector<64x64xf32>
    %dot_general3A_900 = arith.constant dense<0.000000e+00> : vector<64x128xf32>
    %dot_general3A_901 = tpu.matmul %div3A_899, %slice3A_880, %dot_general3A_900 {dimension_numbers = #tpu.dot_dimension_numbers<[1], [0], [0], [1], [0, 0, 1, 1], [], []>, transpose_lhs_hint = false} : vector<64x64xf32>, vector<64x128xf32>, vector<64x128xf32> -> vector<64x128xf32>
    %slice3A_902 = vector.extract_strided_slice %dot_general3A_50 {offsets = [256, 384], sizes = [64, 128], strides = [1, 1]} : vector<512x1024xf32> to vector<64x128xf32>
    %slice3A_903 = vector.extract_strided_slice %dot_general3A_55 {offsets = [256, 384], sizes = [64, 128], strides = [1, 1]} : vector<512x1024xf32> to vector<64x128xf32>
    %slice3A_904 = vector.extract_strided_slice %dot_general3A_60 {offsets = [256, 384], sizes = [64, 128], strides = [1, 1]} : vector<512x1024xf32> to vector<64x128xf32>
    %dot_general3A_905 = arith.constant dense<0.000000e+00> : vector<64x64xf32>
    %dot_general3A_906 = tpu.matmul %slice3A_902, %slice3A_903, %dot_general3A_905 {dimension_numbers = #tpu.dot_dimension_numbers<[1], [1], [0], [0], [0, 0, 1, 0], [], []>, transpose_lhs_hint = false} : vector<64x128xf32>, vector<64x128xf32>, vector<64x64xf32> -> vector<64x64xf32>
    %mul3A_907 = arith.constant 0.0883883461 : f32
    %mul3A_908 = vector.broadcast %mul3A_907 : f32 to vector<64x64xf32>
    %mul3A_909 = arith.mulf %dot_general3A_906, %mul3A_908 : vector<64x64xf32>
    %jit3A_910 = arith.constant 0xFF800000 : f32
    %broadcast_in_dim3A_911 = vector.broadcast %jit3A_910 : f32 to vector<64x64xf32>
    %select_n3A_912 = arith.select %ge3A, %mul3A_909, %broadcast_in_dim3A_911 : vector<64x64xi1>, vector<64x64xf32>
    %reduce_max3A_913 = arith.constant dense<0xFF800000> : vector<64xf32>
    %reduce_max3A_914 = vector.multi_reduction <maximumf>, %select_n3A_912, %reduce_max3A_913 [1] : vector<64x64xf32> to vector<64xf32>
    %broadcast_in_dim3A_915 = vector.shape_cast %reduce_max3A_914 : vector<64xf32> to vector<64x1xf32>
    %sub3A_916 = vector.broadcast %broadcast_in_dim3A_915 : vector<64x1xf32> to vector<64x64xf32>
    %sub3A_917 = arith.subf %select_n3A_912, %sub3A_916 : vector<64x64xf32>
    %exp3A_918 = math.exp %sub3A_917 : vector<64x64xf32>
    %reduce_sum3A_919 = arith.constant dense<0.000000e+00> : vector<64xf32>
    %reduce_sum3A_920 = vector.multi_reduction <add>, %exp3A_918, %reduce_sum3A_919 [1] : vector<64x64xf32> to vector<64xf32>
    %broadcast_in_dim3A_921 = vector.shape_cast %reduce_sum3A_920 : vector<64xf32> to vector<64x1xf32>
    %div3A_922 = vector.broadcast %broadcast_in_dim3A_921 : vector<64x1xf32> to vector<64x64xf32>
    %div3A_923 = arith.divf %exp3A_918, %div3A_922 : vector<64x64xf32>
    %dot_general3A_924 = arith.constant dense<0.000000e+00> : vector<64x128xf32>
    %dot_general3A_925 = tpu.matmul %div3A_923, %slice3A_904, %dot_general3A_924 {dimension_numbers = #tpu.dot_dimension_numbers<[1], [0], [0], [1], [0, 0, 1, 1], [], []>, transpose_lhs_hint = false} : vector<64x64xf32>, vector<64x128xf32>, vector<64x128xf32> -> vector<64x128xf32>
    %slice3A_926 = vector.extract_strided_slice %dot_general3A_50 {offsets = [256, 512], sizes = [64, 128], strides = [1, 1]} : vector<512x1024xf32> to vector<64x128xf32>
    %slice3A_927 = vector.extract_strided_slice %dot_general3A_55 {offsets = [256, 512], sizes = [64, 128], strides = [1, 1]} : vector<512x1024xf32> to vector<64x128xf32>
    %slice3A_928 = vector.extract_strided_slice %dot_general3A_60 {offsets = [256, 512], sizes = [64, 128], strides = [1, 1]} : vector<512x1024xf32> to vector<64x128xf32>
    %dot_general3A_929 = arith.constant dense<0.000000e+00> : vector<64x64xf32>
    %dot_general3A_930 = tpu.matmul %slice3A_926, %slice3A_927, %dot_general3A_929 {dimension_numbers = #tpu.dot_dimension_numbers<[1], [1], [0], [0], [0, 0, 1, 0], [], []>, transpose_lhs_hint = false} : vector<64x128xf32>, vector<64x128xf32>, vector<64x64xf32> -> vector<64x64xf32>
    %mul3A_931 = arith.constant 0.0883883461 : f32
    %mul3A_932 = vector.broadcast %mul3A_931 : f32 to vector<64x64xf32>
    %mul3A_933 = arith.mulf %dot_general3A_930, %mul3A_932 : vector<64x64xf32>
    %jit3A_934 = arith.constant 0xFF800000 : f32
    %broadcast_in_dim3A_935 = vector.broadcast %jit3A_934 : f32 to vector<64x64xf32>
    %select_n3A_936 = arith.select %ge3A, %mul3A_933, %broadcast_in_dim3A_935 : vector<64x64xi1>, vector<64x64xf32>
    %reduce_max3A_937 = arith.constant dense<0xFF800000> : vector<64xf32>
    %reduce_max3A_938 = vector.multi_reduction <maximumf>, %select_n3A_936, %reduce_max3A_937 [1] : vector<64x64xf32> to vector<64xf32>
    %broadcast_in_dim3A_939 = vector.shape_cast %reduce_max3A_938 : vector<64xf32> to vector<64x1xf32>
    %sub3A_940 = vector.broadcast %broadcast_in_dim3A_939 : vector<64x1xf32> to vector<64x64xf32>
    %sub3A_941 = arith.subf %select_n3A_936, %sub3A_940 : vector<64x64xf32>
    %exp3A_942 = math.exp %sub3A_941 : vector<64x64xf32>
    %reduce_sum3A_943 = arith.constant dense<0.000000e+00> : vector<64xf32>
    %reduce_sum3A_944 = vector.multi_reduction <add>, %exp3A_942, %reduce_sum3A_943 [1] : vector<64x64xf32> to vector<64xf32>
    %broadcast_in_dim3A_945 = vector.shape_cast %reduce_sum3A_944 : vector<64xf32> to vector<64x1xf32>
    %div3A_946 = vector.broadcast %broadcast_in_dim3A_945 : vector<64x1xf32> to vector<64x64xf32>
    %div3A_947 = arith.divf %exp3A_942, %div3A_946 : vector<64x64xf32>
    %dot_general3A_948 = arith.constant dense<0.000000e+00> : vector<64x128xf32>
    %dot_general3A_949 = tpu.matmul %div3A_947, %slice3A_928, %dot_general3A_948 {dimension_numbers = #tpu.dot_dimension_numbers<[1], [0], [0], [1], [0, 0, 1, 1], [], []>, transpose_lhs_hint = false} : vector<64x64xf32>, vector<64x128xf32>, vector<64x128xf32> -> vector<64x128xf32>
    %slice3A_950 = vector.extract_strided_slice %dot_general3A_50 {offsets = [256, 640], sizes = [64, 128], strides = [1, 1]} : vector<512x1024xf32> to vector<64x128xf32>
    %slice3A_951 = vector.extract_strided_slice %dot_general3A_55 {offsets = [256, 640], sizes = [64, 128], strides = [1, 1]} : vector<512x1024xf32> to vector<64x128xf32>
    %slice3A_952 = vector.extract_strided_slice %dot_general3A_60 {offsets = [256, 640], sizes = [64, 128], strides = [1, 1]} : vector<512x1024xf32> to vector<64x128xf32>
    %dot_general3A_953 = arith.constant dense<0.000000e+00> : vector<64x64xf32>
    %dot_general3A_954 = tpu.matmul %slice3A_950, %slice3A_951, %dot_general3A_953 {dimension_numbers = #tpu.dot_dimension_numbers<[1], [1], [0], [0], [0, 0, 1, 0], [], []>, transpose_lhs_hint = false} : vector<64x128xf32>, vector<64x128xf32>, vector<64x64xf32> -> vector<64x64xf32>
    %mul3A_955 = arith.constant 0.0883883461 : f32
    %mul3A_956 = vector.broadcast %mul3A_955 : f32 to vector<64x64xf32>
    %mul3A_957 = arith.mulf %dot_general3A_954, %mul3A_956 : vector<64x64xf32>
    %jit3A_958 = arith.constant 0xFF800000 : f32
    %broadcast_in_dim3A_959 = vector.broadcast %jit3A_958 : f32 to vector<64x64xf32>
    %select_n3A_960 = arith.select %ge3A, %mul3A_957, %broadcast_in_dim3A_959 : vector<64x64xi1>, vector<64x64xf32>
    %reduce_max3A_961 = arith.constant dense<0xFF800000> : vector<64xf32>
    %reduce_max3A_962 = vector.multi_reduction <maximumf>, %select_n3A_960, %reduce_max3A_961 [1] : vector<64x64xf32> to vector<64xf32>
    %broadcast_in_dim3A_963 = vector.shape_cast %reduce_max3A_962 : vector<64xf32> to vector<64x1xf32>
    %sub3A_964 = vector.broadcast %broadcast_in_dim3A_963 : vector<64x1xf32> to vector<64x64xf32>
    %sub3A_965 = arith.subf %select_n3A_960, %sub3A_964 : vector<64x64xf32>
    %exp3A_966 = math.exp %sub3A_965 : vector<64x64xf32>
    %reduce_sum3A_967 = arith.constant dense<0.000000e+00> : vector<64xf32>
    %reduce_sum3A_968 = vector.multi_reduction <add>, %exp3A_966, %reduce_sum3A_967 [1] : vector<64x64xf32> to vector<64xf32>
    %broadcast_in_dim3A_969 = vector.shape_cast %reduce_sum3A_968 : vector<64xf32> to vector<64x1xf32>
    %div3A_970 = vector.broadcast %broadcast_in_dim3A_969 : vector<64x1xf32> to vector<64x64xf32>
    %div3A_971 = arith.divf %exp3A_966, %div3A_970 : vector<64x64xf32>
    %dot_general3A_972 = arith.constant dense<0.000000e+00> : vector<64x128xf32>
    %dot_general3A_973 = tpu.matmul %div3A_971, %slice3A_952, %dot_general3A_972 {dimension_numbers = #tpu.dot_dimension_numbers<[1], [0], [0], [1], [0, 0, 1, 1], [], []>, transpose_lhs_hint = false} : vector<64x64xf32>, vector<64x128xf32>, vector<64x128xf32> -> vector<64x128xf32>
    %slice3A_974 = vector.extract_strided_slice %dot_general3A_50 {offsets = [256, 768], sizes = [64, 128], strides = [1, 1]} : vector<512x1024xf32> to vector<64x128xf32>
    %slice3A_975 = vector.extract_strided_slice %dot_general3A_55 {offsets = [256, 768], sizes = [64, 128], strides = [1, 1]} : vector<512x1024xf32> to vector<64x128xf32>
    %slice3A_976 = vector.extract_strided_slice %dot_general3A_60 {offsets = [256, 768], sizes = [64, 128], strides = [1, 1]} : vector<512x1024xf32> to vector<64x128xf32>
    %dot_general3A_977 = arith.constant dense<0.000000e+00> : vector<64x64xf32>
    %dot_general3A_978 = tpu.matmul %slice3A_974, %slice3A_975, %dot_general3A_977 {dimension_numbers = #tpu.dot_dimension_numbers<[1], [1], [0], [0], [0, 0, 1, 0], [], []>, transpose_lhs_hint = false} : vector<64x128xf32>, vector<64x128xf32>, vector<64x64xf32> -> vector<64x64xf32>
    %mul3A_979 = arith.constant 0.0883883461 : f32
    %mul3A_980 = vector.broadcast %mul3A_979 : f32 to vector<64x64xf32>
    %mul3A_981 = arith.mulf %dot_general3A_978, %mul3A_980 : vector<64x64xf32>
    %jit3A_982 = arith.constant 0xFF800000 : f32
    %broadcast_in_dim3A_983 = vector.broadcast %jit3A_982 : f32 to vector<64x64xf32>
    %select_n3A_984 = arith.select %ge3A, %mul3A_981, %broadcast_in_dim3A_983 : vector<64x64xi1>, vector<64x64xf32>
    %reduce_max3A_985 = arith.constant dense<0xFF800000> : vector<64xf32>
    %reduce_max3A_986 = vector.multi_reduction <maximumf>, %select_n3A_984, %reduce_max3A_985 [1] : vector<64x64xf32> to vector<64xf32>
    %broadcast_in_dim3A_987 = vector.shape_cast %reduce_max3A_986 : vector<64xf32> to vector<64x1xf32>
    %sub3A_988 = vector.broadcast %broadcast_in_dim3A_987 : vector<64x1xf32> to vector<64x64xf32>
    %sub3A_989 = arith.subf %select_n3A_984, %sub3A_988 : vector<64x64xf32>
    %exp3A_990 = math.exp %sub3A_989 : vector<64x64xf32>
    %reduce_sum3A_991 = arith.constant dense<0.000000e+00> : vector<64xf32>
    %reduce_sum3A_992 = vector.multi_reduction <add>, %exp3A_990, %reduce_sum3A_991 [1] : vector<64x64xf32> to vector<64xf32>
    %broadcast_in_dim3A_993 = vector.shape_cast %reduce_sum3A_992 : vector<64xf32> to vector<64x1xf32>
    %div3A_994 = vector.broadcast %broadcast_in_dim3A_993 : vector<64x1xf32> to vector<64x64xf32>
    %div3A_995 = arith.divf %exp3A_990, %div3A_994 : vector<64x64xf32>
    %dot_general3A_996 = arith.constant dense<0.000000e+00> : vector<64x128xf32>
    %dot_general3A_997 = tpu.matmul %div3A_995, %slice3A_976, %dot_general3A_996 {dimension_numbers = #tpu.dot_dimension_numbers<[1], [0], [0], [1], [0, 0, 1, 1], [], []>, transpose_lhs_hint = false} : vector<64x64xf32>, vector<64x128xf32>, vector<64x128xf32> -> vector<64x128xf32>
    %slice3A_998 = vector.extract_strided_slice %dot_general3A_50 {offsets = [256, 896], sizes = [64, 128], strides = [1, 1]} : vector<512x1024xf32> to vector<64x128xf32>
    %slice3A_999 = vector.extract_strided_slice %dot_general3A_55 {offsets = [256, 896], sizes = [64, 128], strides = [1, 1]} : vector<512x1024xf32> to vector<64x128xf32>
    %slice3A_1000 = vector.extract_strided_slice %dot_general3A_60 {offsets = [256, 896], sizes = [64, 128], strides = [1, 1]} : vector<512x1024xf32> to vector<64x128xf32>
    %dot_general3A_1001 = arith.constant dense<0.000000e+00> : vector<64x64xf32>
    %dot_general3A_1002 = tpu.matmul %slice3A_998, %slice3A_999, %dot_general3A_1001 {dimension_numbers = #tpu.dot_dimension_numbers<[1], [1], [0], [0], [0, 0, 1, 0], [], []>, transpose_lhs_hint = false} : vector<64x128xf32>, vector<64x128xf32>, vector<64x64xf32> -> vector<64x64xf32>
    %mul3A_1003 = arith.constant 0.0883883461 : f32
    %mul3A_1004 = vector.broadcast %mul3A_1003 : f32 to vector<64x64xf32>
    %mul3A_1005 = arith.mulf %dot_general3A_1002, %mul3A_1004 : vector<64x64xf32>
    %jit3A_1006 = arith.constant 0xFF800000 : f32
    %broadcast_in_dim3A_1007 = vector.broadcast %jit3A_1006 : f32 to vector<64x64xf32>
    %select_n3A_1008 = arith.select %ge3A, %mul3A_1005, %broadcast_in_dim3A_1007 : vector<64x64xi1>, vector<64x64xf32>
    %reduce_max3A_1009 = arith.constant dense<0xFF800000> : vector<64xf32>
    %reduce_max3A_1010 = vector.multi_reduction <maximumf>, %select_n3A_1008, %reduce_max3A_1009 [1] : vector<64x64xf32> to vector<64xf32>
    %broadcast_in_dim3A_1011 = vector.shape_cast %reduce_max3A_1010 : vector<64xf32> to vector<64x1xf32>
    %sub3A_1012 = vector.broadcast %broadcast_in_dim3A_1011 : vector<64x1xf32> to vector<64x64xf32>
    %sub3A_1013 = arith.subf %select_n3A_1008, %sub3A_1012 : vector<64x64xf32>
    %exp3A_1014 = math.exp %sub3A_1013 : vector<64x64xf32>
    %reduce_sum3A_1015 = arith.constant dense<0.000000e+00> : vector<64xf32>
    %reduce_sum3A_1016 = vector.multi_reduction <add>, %exp3A_1014, %reduce_sum3A_1015 [1] : vector<64x64xf32> to vector<64xf32>
    %broadcast_in_dim3A_1017 = vector.shape_cast %reduce_sum3A_1016 : vector<64xf32> to vector<64x1xf32>
    %div3A_1018 = vector.broadcast %broadcast_in_dim3A_1017 : vector<64x1xf32> to vector<64x64xf32>
    %div3A_1019 = arith.divf %exp3A_1014, %div3A_1018 : vector<64x64xf32>
    %dot_general3A_1020 = arith.constant dense<0.000000e+00> : vector<64x128xf32>
    %dot_general3A_1021 = tpu.matmul %div3A_1019, %slice3A_1000, %dot_general3A_1020 {dimension_numbers = #tpu.dot_dimension_numbers<[1], [0], [0], [1], [0, 0, 1, 1], [], []>, transpose_lhs_hint = false} : vector<64x64xf32>, vector<64x128xf32>, vector<64x128xf32> -> vector<64x128xf32>
    %concatenate3A_1022 = tpu.concatenate %dot_general3A_853, %dot_general3A_877, %dot_general3A_901, %dot_general3A_925, %dot_general3A_949, %dot_general3A_973, %dot_general3A_997, %dot_general3A_1021 in 1 : vector<64x128xf32>, vector<64x128xf32>, vector<64x128xf32>, vector<64x128xf32>, vector<64x128xf32>, vector<64x128xf32>, vector<64x128xf32>, vector<64x128xf32> -> vector<64x1024xf32>
    %slice3A_1023 = vector.extract_strided_slice %dot_general3A_50 {offsets = [320, 0], sizes = [64, 128], strides = [1, 1]} : vector<512x1024xf32> to vector<64x128xf32>
    %slice3A_1024 = vector.extract_strided_slice %dot_general3A_55 {offsets = [320, 0], sizes = [64, 128], strides = [1, 1]} : vector<512x1024xf32> to vector<64x128xf32>
    %slice3A_1025 = vector.extract_strided_slice %dot_general3A_60 {offsets = [320, 0], sizes = [64, 128], strides = [1, 1]} : vector<512x1024xf32> to vector<64x128xf32>
    %dot_general3A_1026 = arith.constant dense<0.000000e+00> : vector<64x64xf32>
    %dot_general3A_1027 = tpu.matmul %slice3A_1023, %slice3A_1024, %dot_general3A_1026 {dimension_numbers = #tpu.dot_dimension_numbers<[1], [1], [0], [0], [0, 0, 1, 0], [], []>, transpose_lhs_hint = false} : vector<64x128xf32>, vector<64x128xf32>, vector<64x64xf32> -> vector<64x64xf32>
    %mul3A_1028 = arith.constant 0.0883883461 : f32
    %mul3A_1029 = vector.broadcast %mul3A_1028 : f32 to vector<64x64xf32>
    %mul3A_1030 = arith.mulf %dot_general3A_1027, %mul3A_1029 : vector<64x64xf32>
    %jit3A_1031 = arith.constant 0xFF800000 : f32
    %broadcast_in_dim3A_1032 = vector.broadcast %jit3A_1031 : f32 to vector<64x64xf32>
    %select_n3A_1033 = arith.select %ge3A, %mul3A_1030, %broadcast_in_dim3A_1032 : vector<64x64xi1>, vector<64x64xf32>
    %reduce_max3A_1034 = arith.constant dense<0xFF800000> : vector<64xf32>
    %reduce_max3A_1035 = vector.multi_reduction <maximumf>, %select_n3A_1033, %reduce_max3A_1034 [1] : vector<64x64xf32> to vector<64xf32>
    %broadcast_in_dim3A_1036 = vector.shape_cast %reduce_max3A_1035 : vector<64xf32> to vector<64x1xf32>
    %sub3A_1037 = vector.broadcast %broadcast_in_dim3A_1036 : vector<64x1xf32> to vector<64x64xf32>
    %sub3A_1038 = arith.subf %select_n3A_1033, %sub3A_1037 : vector<64x64xf32>
    %exp3A_1039 = math.exp %sub3A_1038 : vector<64x64xf32>
    %reduce_sum3A_1040 = arith.constant dense<0.000000e+00> : vector<64xf32>
    %reduce_sum3A_1041 = vector.multi_reduction <add>, %exp3A_1039, %reduce_sum3A_1040 [1] : vector<64x64xf32> to vector<64xf32>
    %broadcast_in_dim3A_1042 = vector.shape_cast %reduce_sum3A_1041 : vector<64xf32> to vector<64x1xf32>
    %div3A_1043 = vector.broadcast %broadcast_in_dim3A_1042 : vector<64x1xf32> to vector<64x64xf32>
    %div3A_1044 = arith.divf %exp3A_1039, %div3A_1043 : vector<64x64xf32>
    %dot_general3A_1045 = arith.constant dense<0.000000e+00> : vector<64x128xf32>
    %dot_general3A_1046 = tpu.matmul %div3A_1044, %slice3A_1025, %dot_general3A_1045 {dimension_numbers = #tpu.dot_dimension_numbers<[1], [0], [0], [1], [0, 0, 1, 1], [], []>, transpose_lhs_hint = false} : vector<64x64xf32>, vector<64x128xf32>, vector<64x128xf32> -> vector<64x128xf32>
    %slice3A_1047 = vector.extract_strided_slice %dot_general3A_50 {offsets = [320, 128], sizes = [64, 128], strides = [1, 1]} : vector<512x1024xf32> to vector<64x128xf32>
    %slice3A_1048 = vector.extract_strided_slice %dot_general3A_55 {offsets = [320, 128], sizes = [64, 128], strides = [1, 1]} : vector<512x1024xf32> to vector<64x128xf32>
    %slice3A_1049 = vector.extract_strided_slice %dot_general3A_60 {offsets = [320, 128], sizes = [64, 128], strides = [1, 1]} : vector<512x1024xf32> to vector<64x128xf32>
    %dot_general3A_1050 = arith.constant dense<0.000000e+00> : vector<64x64xf32>
    %dot_general3A_1051 = tpu.matmul %slice3A_1047, %slice3A_1048, %dot_general3A_1050 {dimension_numbers = #tpu.dot_dimension_numbers<[1], [1], [0], [0], [0, 0, 1, 0], [], []>, transpose_lhs_hint = false} : vector<64x128xf32>, vector<64x128xf32>, vector<64x64xf32> -> vector<64x64xf32>
    %mul3A_1052 = arith.constant 0.0883883461 : f32
    %mul3A_1053 = vector.broadcast %mul3A_1052 : f32 to vector<64x64xf32>
    %mul3A_1054 = arith.mulf %dot_general3A_1051, %mul3A_1053 : vector<64x64xf32>
    %jit3A_1055 = arith.constant 0xFF800000 : f32
    %broadcast_in_dim3A_1056 = vector.broadcast %jit3A_1055 : f32 to vector<64x64xf32>
    %select_n3A_1057 = arith.select %ge3A, %mul3A_1054, %broadcast_in_dim3A_1056 : vector<64x64xi1>, vector<64x64xf32>
    %reduce_max3A_1058 = arith.constant dense<0xFF800000> : vector<64xf32>
    %reduce_max3A_1059 = vector.multi_reduction <maximumf>, %select_n3A_1057, %reduce_max3A_1058 [1] : vector<64x64xf32> to vector<64xf32>
    %broadcast_in_dim3A_1060 = vector.shape_cast %reduce_max3A_1059 : vector<64xf32> to vector<64x1xf32>
    %sub3A_1061 = vector.broadcast %broadcast_in_dim3A_1060 : vector<64x1xf32> to vector<64x64xf32>
    %sub3A_1062 = arith.subf %select_n3A_1057, %sub3A_1061 : vector<64x64xf32>
    %exp3A_1063 = math.exp %sub3A_1062 : vector<64x64xf32>
    %reduce_sum3A_1064 = arith.constant dense<0.000000e+00> : vector<64xf32>
    %reduce_sum3A_1065 = vector.multi_reduction <add>, %exp3A_1063, %reduce_sum3A_1064 [1] : vector<64x64xf32> to vector<64xf32>
    %broadcast_in_dim3A_1066 = vector.shape_cast %reduce_sum3A_1065 : vector<64xf32> to vector<64x1xf32>
    %div3A_1067 = vector.broadcast %broadcast_in_dim3A_1066 : vector<64x1xf32> to vector<64x64xf32>
    %div3A_1068 = arith.divf %exp3A_1063, %div3A_1067 : vector<64x64xf32>
    %dot_general3A_1069 = arith.constant dense<0.000000e+00> : vector<64x128xf32>
    %dot_general3A_1070 = tpu.matmul %div3A_1068, %slice3A_1049, %dot_general3A_1069 {dimension_numbers = #tpu.dot_dimension_numbers<[1], [0], [0], [1], [0, 0, 1, 1], [], []>, transpose_lhs_hint = false} : vector<64x64xf32>, vector<64x128xf32>, vector<64x128xf32> -> vector<64x128xf32>
    %slice3A_1071 = vector.extract_strided_slice %dot_general3A_50 {offsets = [320, 256], sizes = [64, 128], strides = [1, 1]} : vector<512x1024xf32> to vector<64x128xf32>
    %slice3A_1072 = vector.extract_strided_slice %dot_general3A_55 {offsets = [320, 256], sizes = [64, 128], strides = [1, 1]} : vector<512x1024xf32> to vector<64x128xf32>
    %slice3A_1073 = vector.extract_strided_slice %dot_general3A_60 {offsets = [320, 256], sizes = [64, 128], strides = [1, 1]} : vector<512x1024xf32> to vector<64x128xf32>
    %dot_general3A_1074 = arith.constant dense<0.000000e+00> : vector<64x64xf32>
    %dot_general3A_1075 = tpu.matmul %slice3A_1071, %slice3A_1072, %dot_general3A_1074 {dimension_numbers = #tpu.dot_dimension_numbers<[1], [1], [0], [0], [0, 0, 1, 0], [], []>, transpose_lhs_hint = false} : vector<64x128xf32>, vector<64x128xf32>, vector<64x64xf32> -> vector<64x64xf32>
    %mul3A_1076 = arith.constant 0.0883883461 : f32
    %mul3A_1077 = vector.broadcast %mul3A_1076 : f32 to vector<64x64xf32>
    %mul3A_1078 = arith.mulf %dot_general3A_1075, %mul3A_1077 : vector<64x64xf32>
    %jit3A_1079 = arith.constant 0xFF800000 : f32
    %broadcast_in_dim3A_1080 = vector.broadcast %jit3A_1079 : f32 to vector<64x64xf32>
    %select_n3A_1081 = arith.select %ge3A, %mul3A_1078, %broadcast_in_dim3A_1080 : vector<64x64xi1>, vector<64x64xf32>
    %reduce_max3A_1082 = arith.constant dense<0xFF800000> : vector<64xf32>
    %reduce_max3A_1083 = vector.multi_reduction <maximumf>, %select_n3A_1081, %reduce_max3A_1082 [1] : vector<64x64xf32> to vector<64xf32>
    %broadcast_in_dim3A_1084 = vector.shape_cast %reduce_max3A_1083 : vector<64xf32> to vector<64x1xf32>
    %sub3A_1085 = vector.broadcast %broadcast_in_dim3A_1084 : vector<64x1xf32> to vector<64x64xf32>
    %sub3A_1086 = arith.subf %select_n3A_1081, %sub3A_1085 : vector<64x64xf32>
    %exp3A_1087 = math.exp %sub3A_1086 : vector<64x64xf32>
    %reduce_sum3A_1088 = arith.constant dense<0.000000e+00> : vector<64xf32>
    %reduce_sum3A_1089 = vector.multi_reduction <add>, %exp3A_1087, %reduce_sum3A_1088 [1] : vector<64x64xf32> to vector<64xf32>
    %broadcast_in_dim3A_1090 = vector.shape_cast %reduce_sum3A_1089 : vector<64xf32> to vector<64x1xf32>
    %div3A_1091 = vector.broadcast %broadcast_in_dim3A_1090 : vector<64x1xf32> to vector<64x64xf32>
    %div3A_1092 = arith.divf %exp3A_1087, %div3A_1091 : vector<64x64xf32>
    %dot_general3A_1093 = arith.constant dense<0.000000e+00> : vector<64x128xf32>
    %dot_general3A_1094 = tpu.matmul %div3A_1092, %slice3A_1073, %dot_general3A_1093 {dimension_numbers = #tpu.dot_dimension_numbers<[1], [0], [0], [1], [0, 0, 1, 1], [], []>, transpose_lhs_hint = false} : vector<64x64xf32>, vector<64x128xf32>, vector<64x128xf32> -> vector<64x128xf32>
    %slice3A_1095 = vector.extract_strided_slice %dot_general3A_50 {offsets = [320, 384], sizes = [64, 128], strides = [1, 1]} : vector<512x1024xf32> to vector<64x128xf32>
    %slice3A_1096 = vector.extract_strided_slice %dot_general3A_55 {offsets = [320, 384], sizes = [64, 128], strides = [1, 1]} : vector<512x1024xf32> to vector<64x128xf32>
    %slice3A_1097 = vector.extract_strided_slice %dot_general3A_60 {offsets = [320, 384], sizes = [64, 128], strides = [1, 1]} : vector<512x1024xf32> to vector<64x128xf32>
    %dot_general3A_1098 = arith.constant dense<0.000000e+00> : vector<64x64xf32>
    %dot_general3A_1099 = tpu.matmul %slice3A_1095, %slice3A_1096, %dot_general3A_1098 {dimension_numbers = #tpu.dot_dimension_numbers<[1], [1], [0], [0], [0, 0, 1, 0], [], []>, transpose_lhs_hint = false} : vector<64x128xf32>, vector<64x128xf32>, vector<64x64xf32> -> vector<64x64xf32>
    %mul3A_1100 = arith.constant 0.0883883461 : f32
    %mul3A_1101 = vector.broadcast %mul3A_1100 : f32 to vector<64x64xf32>
    %mul3A_1102 = arith.mulf %dot_general3A_1099, %mul3A_1101 : vector<64x64xf32>
    %jit3A_1103 = arith.constant 0xFF800000 : f32
    %broadcast_in_dim3A_1104 = vector.broadcast %jit3A_1103 : f32 to vector<64x64xf32>
    %select_n3A_1105 = arith.select %ge3A, %mul3A_1102, %broadcast_in_dim3A_1104 : vector<64x64xi1>, vector<64x64xf32>
    %reduce_max3A_1106 = arith.constant dense<0xFF800000> : vector<64xf32>
    %reduce_max3A_1107 = vector.multi_reduction <maximumf>, %select_n3A_1105, %reduce_max3A_1106 [1] : vector<64x64xf32> to vector<64xf32>
    %broadcast_in_dim3A_1108 = vector.shape_cast %reduce_max3A_1107 : vector<64xf32> to vector<64x1xf32>
    %sub3A_1109 = vector.broadcast %broadcast_in_dim3A_1108 : vector<64x1xf32> to vector<64x64xf32>
    %sub3A_1110 = arith.subf %select_n3A_1105, %sub3A_1109 : vector<64x64xf32>
    %exp3A_1111 = math.exp %sub3A_1110 : vector<64x64xf32>
    %reduce_sum3A_1112 = arith.constant dense<0.000000e+00> : vector<64xf32>
    %reduce_sum3A_1113 = vector.multi_reduction <add>, %exp3A_1111, %reduce_sum3A_1112 [1] : vector<64x64xf32> to vector<64xf32>
    %broadcast_in_dim3A_1114 = vector.shape_cast %reduce_sum3A_1113 : vector<64xf32> to vector<64x1xf32>
    %div3A_1115 = vector.broadcast %broadcast_in_dim3A_1114 : vector<64x1xf32> to vector<64x64xf32>
    %div3A_1116 = arith.divf %exp3A_1111, %div3A_1115 : vector<64x64xf32>
    %dot_general3A_1117 = arith.constant dense<0.000000e+00> : vector<64x128xf32>
    %dot_general3A_1118 = tpu.matmul %div3A_1116, %slice3A_1097, %dot_general3A_1117 {dimension_numbers = #tpu.dot_dimension_numbers<[1], [0], [0], [1], [0, 0, 1, 1], [], []>, transpose_lhs_hint = false} : vector<64x64xf32>, vector<64x128xf32>, vector<64x128xf32> -> vector<64x128xf32>
    %slice3A_1119 = vector.extract_strided_slice %dot_general3A_50 {offsets = [320, 512], sizes = [64, 128], strides = [1, 1]} : vector<512x1024xf32> to vector<64x128xf32>
    %slice3A_1120 = vector.extract_strided_slice %dot_general3A_55 {offsets = [320, 512], sizes = [64, 128], strides = [1, 1]} : vector<512x1024xf32> to vector<64x128xf32>
    %slice3A_1121 = vector.extract_strided_slice %dot_general3A_60 {offsets = [320, 512], sizes = [64, 128], strides = [1, 1]} : vector<512x1024xf32> to vector<64x128xf32>
    %dot_general3A_1122 = arith.constant dense<0.000000e+00> : vector<64x64xf32>
    %dot_general3A_1123 = tpu.matmul %slice3A_1119, %slice3A_1120, %dot_general3A_1122 {dimension_numbers = #tpu.dot_dimension_numbers<[1], [1], [0], [0], [0, 0, 1, 0], [], []>, transpose_lhs_hint = false} : vector<64x128xf32>, vector<64x128xf32>, vector<64x64xf32> -> vector<64x64xf32>
    %mul3A_1124 = arith.constant 0.0883883461 : f32
    %mul3A_1125 = vector.broadcast %mul3A_1124 : f32 to vector<64x64xf32>
    %mul3A_1126 = arith.mulf %dot_general3A_1123, %mul3A_1125 : vector<64x64xf32>
    %jit3A_1127 = arith.constant 0xFF800000 : f32
    %broadcast_in_dim3A_1128 = vector.broadcast %jit3A_1127 : f32 to vector<64x64xf32>
    %select_n3A_1129 = arith.select %ge3A, %mul3A_1126, %broadcast_in_dim3A_1128 : vector<64x64xi1>, vector<64x64xf32>
    %reduce_max3A_1130 = arith.constant dense<0xFF800000> : vector<64xf32>
    %reduce_max3A_1131 = vector.multi_reduction <maximumf>, %select_n3A_1129, %reduce_max3A_1130 [1] : vector<64x64xf32> to vector<64xf32>
    %broadcast_in_dim3A_1132 = vector.shape_cast %reduce_max3A_1131 : vector<64xf32> to vector<64x1xf32>
    %sub3A_1133 = vector.broadcast %broadcast_in_dim3A_1132 : vector<64x1xf32> to vector<64x64xf32>
    %sub3A_1134 = arith.subf %select_n3A_1129, %sub3A_1133 : vector<64x64xf32>
    %exp3A_1135 = math.exp %sub3A_1134 : vector<64x64xf32>
    %reduce_sum3A_1136 = arith.constant dense<0.000000e+00> : vector<64xf32>
    %reduce_sum3A_1137 = vector.multi_reduction <add>, %exp3A_1135, %reduce_sum3A_1136 [1] : vector<64x64xf32> to vector<64xf32>
    %broadcast_in_dim3A_1138 = vector.shape_cast %reduce_sum3A_1137 : vector<64xf32> to vector<64x1xf32>
    %div3A_1139 = vector.broadcast %broadcast_in_dim3A_1138 : vector<64x1xf32> to vector<64x64xf32>
    %div3A_1140 = arith.divf %exp3A_1135, %div3A_1139 : vector<64x64xf32>
    %dot_general3A_1141 = arith.constant dense<0.000000e+00> : vector<64x128xf32>
    %dot_general3A_1142 = tpu.matmul %div3A_1140, %slice3A_1121, %dot_general3A_1141 {dimension_numbers = #tpu.dot_dimension_numbers<[1], [0], [0], [1], [0, 0, 1, 1], [], []>, transpose_lhs_hint = false} : vector<64x64xf32>, vector<64x128xf32>, vector<64x128xf32> -> vector<64x128xf32>
    %slice3A_1143 = vector.extract_strided_slice %dot_general3A_50 {offsets = [320, 640], sizes = [64, 128], strides = [1, 1]} : vector<512x1024xf32> to vector<64x128xf32>
    %slice3A_1144 = vector.extract_strided_slice %dot_general3A_55 {offsets = [320, 640], sizes = [64, 128], strides = [1, 1]} : vector<512x1024xf32> to vector<64x128xf32>
    %slice3A_1145 = vector.extract_strided_slice %dot_general3A_60 {offsets = [320, 640], sizes = [64, 128], strides = [1, 1]} : vector<512x1024xf32> to vector<64x128xf32>
    %dot_general3A_1146 = arith.constant dense<0.000000e+00> : vector<64x64xf32>
    %dot_general3A_1147 = tpu.matmul %slice3A_1143, %slice3A_1144, %dot_general3A_1146 {dimension_numbers = #tpu.dot_dimension_numbers<[1], [1], [0], [0], [0, 0, 1, 0], [], []>, transpose_lhs_hint = false} : vector<64x128xf32>, vector<64x128xf32>, vector<64x64xf32> -> vector<64x64xf32>
    %mul3A_1148 = arith.constant 0.0883883461 : f32
    %mul3A_1149 = vector.broadcast %mul3A_1148 : f32 to vector<64x64xf32>
    %mul3A_1150 = arith.mulf %dot_general3A_1147, %mul3A_1149 : vector<64x64xf32>
    %jit3A_1151 = arith.constant 0xFF800000 : f32
    %broadcast_in_dim3A_1152 = vector.broadcast %jit3A_1151 : f32 to vector<64x64xf32>
    %select_n3A_1153 = arith.select %ge3A, %mul3A_1150, %broadcast_in_dim3A_1152 : vector<64x64xi1>, vector<64x64xf32>
    %reduce_max3A_1154 = arith.constant dense<0xFF800000> : vector<64xf32>
    %reduce_max3A_1155 = vector.multi_reduction <maximumf>, %select_n3A_1153, %reduce_max3A_1154 [1] : vector<64x64xf32> to vector<64xf32>
    %broadcast_in_dim3A_1156 = vector.shape_cast %reduce_max3A_1155 : vector<64xf32> to vector<64x1xf32>
    %sub3A_1157 = vector.broadcast %broadcast_in_dim3A_1156 : vector<64x1xf32> to vector<64x64xf32>
    %sub3A_1158 = arith.subf %select_n3A_1153, %sub3A_1157 : vector<64x64xf32>
    %exp3A_1159 = math.exp %sub3A_1158 : vector<64x64xf32>
    %reduce_sum3A_1160 = arith.constant dense<0.000000e+00> : vector<64xf32>
    %reduce_sum3A_1161 = vector.multi_reduction <add>, %exp3A_1159, %reduce_sum3A_1160 [1] : vector<64x64xf32> to vector<64xf32>
    %broadcast_in_dim3A_1162 = vector.shape_cast %reduce_sum3A_1161 : vector<64xf32> to vector<64x1xf32>
    %div3A_1163 = vector.broadcast %broadcast_in_dim3A_1162 : vector<64x1xf32> to vector<64x64xf32>
    %div3A_1164 = arith.divf %exp3A_1159, %div3A_1163 : vector<64x64xf32>
    %dot_general3A_1165 = arith.constant dense<0.000000e+00> : vector<64x128xf32>
    %dot_general3A_1166 = tpu.matmul %div3A_1164, %slice3A_1145, %dot_general3A_1165 {dimension_numbers = #tpu.dot_dimension_numbers<[1], [0], [0], [1], [0, 0, 1, 1], [], []>, transpose_lhs_hint = false} : vector<64x64xf32>, vector<64x128xf32>, vector<64x128xf32> -> vector<64x128xf32>
    %slice3A_1167 = vector.extract_strided_slice %dot_general3A_50 {offsets = [320, 768], sizes = [64, 128], strides = [1, 1]} : vector<512x1024xf32> to vector<64x128xf32>
    %slice3A_1168 = vector.extract_strided_slice %dot_general3A_55 {offsets = [320, 768], sizes = [64, 128], strides = [1, 1]} : vector<512x1024xf32> to vector<64x128xf32>
    %slice3A_1169 = vector.extract_strided_slice %dot_general3A_60 {offsets = [320, 768], sizes = [64, 128], strides = [1, 1]} : vector<512x1024xf32> to vector<64x128xf32>
    %dot_general3A_1170 = arith.constant dense<0.000000e+00> : vector<64x64xf32>
    %dot_general3A_1171 = tpu.matmul %slice3A_1167, %slice3A_1168, %dot_general3A_1170 {dimension_numbers = #tpu.dot_dimension_numbers<[1], [1], [0], [0], [0, 0, 1, 0], [], []>, transpose_lhs_hint = false} : vector<64x128xf32>, vector<64x128xf32>, vector<64x64xf32> -> vector<64x64xf32>
    %mul3A_1172 = arith.constant 0.0883883461 : f32
    %mul3A_1173 = vector.broadcast %mul3A_1172 : f32 to vector<64x64xf32>
    %mul3A_1174 = arith.mulf %dot_general3A_1171, %mul3A_1173 : vector<64x64xf32>
    %jit3A_1175 = arith.constant 0xFF800000 : f32
    %broadcast_in_dim3A_1176 = vector.broadcast %jit3A_1175 : f32 to vector<64x64xf32>
    %select_n3A_1177 = arith.select %ge3A, %mul3A_1174, %broadcast_in_dim3A_1176 : vector<64x64xi1>, vector<64x64xf32>
    %reduce_max3A_1178 = arith.constant dense<0xFF800000> : vector<64xf32>
    %reduce_max3A_1179 = vector.multi_reduction <maximumf>, %select_n3A_1177, %reduce_max3A_1178 [1] : vector<64x64xf32> to vector<64xf32>
    %broadcast_in_dim3A_1180 = vector.shape_cast %reduce_max3A_1179 : vector<64xf32> to vector<64x1xf32>
    %sub3A_1181 = vector.broadcast %broadcast_in_dim3A_1180 : vector<64x1xf32> to vector<64x64xf32>
    %sub3A_1182 = arith.subf %select_n3A_1177, %sub3A_1181 : vector<64x64xf32>
    %exp3A_1183 = math.exp %sub3A_1182 : vector<64x64xf32>
    %reduce_sum3A_1184 = arith.constant dense<0.000000e+00> : vector<64xf32>
    %reduce_sum3A_1185 = vector.multi_reduction <add>, %exp3A_1183, %reduce_sum3A_1184 [1] : vector<64x64xf32> to vector<64xf32>
    %broadcast_in_dim3A_1186 = vector.shape_cast %reduce_sum3A_1185 : vector<64xf32> to vector<64x1xf32>
    %div3A_1187 = vector.broadcast %broadcast_in_dim3A_1186 : vector<64x1xf32> to vector<64x64xf32>
    %div3A_1188 = arith.divf %exp3A_1183, %div3A_1187 : vector<64x64xf32>
    %dot_general3A_1189 = arith.constant dense<0.000000e+00> : vector<64x128xf32>
    %dot_general3A_1190 = tpu.matmul %div3A_1188, %slice3A_1169, %dot_general3A_1189 {dimension_numbers = #tpu.dot_dimension_numbers<[1], [0], [0], [1], [0, 0, 1, 1], [], []>, transpose_lhs_hint = false} : vector<64x64xf32>, vector<64x128xf32>, vector<64x128xf32> -> vector<64x128xf32>
    %slice3A_1191 = vector.extract_strided_slice %dot_general3A_50 {offsets = [320, 896], sizes = [64, 128], strides = [1, 1]} : vector<512x1024xf32> to vector<64x128xf32>
    %slice3A_1192 = vector.extract_strided_slice %dot_general3A_55 {offsets = [320, 896], sizes = [64, 128], strides = [1, 1]} : vector<512x1024xf32> to vector<64x128xf32>
    %slice3A_1193 = vector.extract_strided_slice %dot_general3A_60 {offsets = [320, 896], sizes = [64, 128], strides = [1, 1]} : vector<512x1024xf32> to vector<64x128xf32>
    %dot_general3A_1194 = arith.constant dense<0.000000e+00> : vector<64x64xf32>
    %dot_general3A_1195 = tpu.matmul %slice3A_1191, %slice3A_1192, %dot_general3A_1194 {dimension_numbers = #tpu.dot_dimension_numbers<[1], [1], [0], [0], [0, 0, 1, 0], [], []>, transpose_lhs_hint = false} : vector<64x128xf32>, vector<64x128xf32>, vector<64x64xf32> -> vector<64x64xf32>
    %mul3A_1196 = arith.constant 0.0883883461 : f32
    %mul3A_1197 = vector.broadcast %mul3A_1196 : f32 to vector<64x64xf32>
    %mul3A_1198 = arith.mulf %dot_general3A_1195, %mul3A_1197 : vector<64x64xf32>
    %jit3A_1199 = arith.constant 0xFF800000 : f32
    %broadcast_in_dim3A_1200 = vector.broadcast %jit3A_1199 : f32 to vector<64x64xf32>
    %select_n3A_1201 = arith.select %ge3A, %mul3A_1198, %broadcast_in_dim3A_1200 : vector<64x64xi1>, vector<64x64xf32>
    %reduce_max3A_1202 = arith.constant dense<0xFF800000> : vector<64xf32>
    %reduce_max3A_1203 = vector.multi_reduction <maximumf>, %select_n3A_1201, %reduce_max3A_1202 [1] : vector<64x64xf32> to vector<64xf32>
    %broadcast_in_dim3A_1204 = vector.shape_cast %reduce_max3A_1203 : vector<64xf32> to vector<64x1xf32>
    %sub3A_1205 = vector.broadcast %broadcast_in_dim3A_1204 : vector<64x1xf32> to vector<64x64xf32>
    %sub3A_1206 = arith.subf %select_n3A_1201, %sub3A_1205 : vector<64x64xf32>
    %exp3A_1207 = math.exp %sub3A_1206 : vector<64x64xf32>
    %reduce_sum3A_1208 = arith.constant dense<0.000000e+00> : vector<64xf32>
    %reduce_sum3A_1209 = vector.multi_reduction <add>, %exp3A_1207, %reduce_sum3A_1208 [1] : vector<64x64xf32> to vector<64xf32>
    %broadcast_in_dim3A_1210 = vector.shape_cast %reduce_sum3A_1209 : vector<64xf32> to vector<64x1xf32>
    %div3A_1211 = vector.broadcast %broadcast_in_dim3A_1210 : vector<64x1xf32> to vector<64x64xf32>
    %div3A_1212 = arith.divf %exp3A_1207, %div3A_1211 : vector<64x64xf32>
    %dot_general3A_1213 = arith.constant dense<0.000000e+00> : vector<64x128xf32>
    %dot_general3A_1214 = tpu.matmul %div3A_1212, %slice3A_1193, %dot_general3A_1213 {dimension_numbers = #tpu.dot_dimension_numbers<[1], [0], [0], [1], [0, 0, 1, 1], [], []>, transpose_lhs_hint = false} : vector<64x64xf32>, vector<64x128xf32>, vector<64x128xf32> -> vector<64x128xf32>
    %concatenate3A_1215 = tpu.concatenate %dot_general3A_1046, %dot_general3A_1070, %dot_general3A_1094, %dot_general3A_1118, %dot_general3A_1142, %dot_general3A_1166, %dot_general3A_1190, %dot_general3A_1214 in 1 : vector<64x128xf32>, vector<64x128xf32>, vector<64x128xf32>, vector<64x128xf32>, vector<64x128xf32>, vector<64x128xf32>, vector<64x128xf32>, vector<64x128xf32> -> vector<64x1024xf32>
    %slice3A_1216 = vector.extract_strided_slice %dot_general3A_50 {offsets = [384, 0], sizes = [64, 128], strides = [1, 1]} : vector<512x1024xf32> to vector<64x128xf32>
    %slice3A_1217 = vector.extract_strided_slice %dot_general3A_55 {offsets = [384, 0], sizes = [64, 128], strides = [1, 1]} : vector<512x1024xf32> to vector<64x128xf32>
    %slice3A_1218 = vector.extract_strided_slice %dot_general3A_60 {offsets = [384, 0], sizes = [64, 128], strides = [1, 1]} : vector<512x1024xf32> to vector<64x128xf32>
    %dot_general3A_1219 = arith.constant dense<0.000000e+00> : vector<64x64xf32>
    %dot_general3A_1220 = tpu.matmul %slice3A_1216, %slice3A_1217, %dot_general3A_1219 {dimension_numbers = #tpu.dot_dimension_numbers<[1], [1], [0], [0], [0, 0, 1, 0], [], []>, transpose_lhs_hint = false} : vector<64x128xf32>, vector<64x128xf32>, vector<64x64xf32> -> vector<64x64xf32>
    %mul3A_1221 = arith.constant 0.0883883461 : f32
    %mul3A_1222 = vector.broadcast %mul3A_1221 : f32 to vector<64x64xf32>
    %mul3A_1223 = arith.mulf %dot_general3A_1220, %mul3A_1222 : vector<64x64xf32>
    %jit3A_1224 = arith.constant 0xFF800000 : f32
    %broadcast_in_dim3A_1225 = vector.broadcast %jit3A_1224 : f32 to vector<64x64xf32>
    %select_n3A_1226 = arith.select %ge3A, %mul3A_1223, %broadcast_in_dim3A_1225 : vector<64x64xi1>, vector<64x64xf32>
    %reduce_max3A_1227 = arith.constant dense<0xFF800000> : vector<64xf32>
    %reduce_max3A_1228 = vector.multi_reduction <maximumf>, %select_n3A_1226, %reduce_max3A_1227 [1] : vector<64x64xf32> to vector<64xf32>
    %broadcast_in_dim3A_1229 = vector.shape_cast %reduce_max3A_1228 : vector<64xf32> to vector<64x1xf32>
    %sub3A_1230 = vector.broadcast %broadcast_in_dim3A_1229 : vector<64x1xf32> to vector<64x64xf32>
    %sub3A_1231 = arith.subf %select_n3A_1226, %sub3A_1230 : vector<64x64xf32>
    %exp3A_1232 = math.exp %sub3A_1231 : vector<64x64xf32>
    %reduce_sum3A_1233 = arith.constant dense<0.000000e+00> : vector<64xf32>
    %reduce_sum3A_1234 = vector.multi_reduction <add>, %exp3A_1232, %reduce_sum3A_1233 [1] : vector<64x64xf32> to vector<64xf32>
    %broadcast_in_dim3A_1235 = vector.shape_cast %reduce_sum3A_1234 : vector<64xf32> to vector<64x1xf32>
    %div3A_1236 = vector.broadcast %broadcast_in_dim3A_1235 : vector<64x1xf32> to vector<64x64xf32>
    %div3A_1237 = arith.divf %exp3A_1232, %div3A_1236 : vector<64x64xf32>
    %dot_general3A_1238 = arith.constant dense<0.000000e+00> : vector<64x128xf32>
    %dot_general3A_1239 = tpu.matmul %div3A_1237, %slice3A_1218, %dot_general3A_1238 {dimension_numbers = #tpu.dot_dimension_numbers<[1], [0], [0], [1], [0, 0, 1, 1], [], []>, transpose_lhs_hint = false} : vector<64x64xf32>, vector<64x128xf32>, vector<64x128xf32> -> vector<64x128xf32>
    %slice3A_1240 = vector.extract_strided_slice %dot_general3A_50 {offsets = [384, 128], sizes = [64, 128], strides = [1, 1]} : vector<512x1024xf32> to vector<64x128xf32>
    %slice3A_1241 = vector.extract_strided_slice %dot_general3A_55 {offsets = [384, 128], sizes = [64, 128], strides = [1, 1]} : vector<512x1024xf32> to vector<64x128xf32>
    %slice3A_1242 = vector.extract_strided_slice %dot_general3A_60 {offsets = [384, 128], sizes = [64, 128], strides = [1, 1]} : vector<512x1024xf32> to vector<64x128xf32>
    %dot_general3A_1243 = arith.constant dense<0.000000e+00> : vector<64x64xf32>
    %dot_general3A_1244 = tpu.matmul %slice3A_1240, %slice3A_1241, %dot_general3A_1243 {dimension_numbers = #tpu.dot_dimension_numbers<[1], [1], [0], [0], [0, 0, 1, 0], [], []>, transpose_lhs_hint = false} : vector<64x128xf32>, vector<64x128xf32>, vector<64x64xf32> -> vector<64x64xf32>
    %mul3A_1245 = arith.constant 0.0883883461 : f32
    %mul3A_1246 = vector.broadcast %mul3A_1245 : f32 to vector<64x64xf32>
    %mul3A_1247 = arith.mulf %dot_general3A_1244, %mul3A_1246 : vector<64x64xf32>
    %jit3A_1248 = arith.constant 0xFF800000 : f32
    %broadcast_in_dim3A_1249 = vector.broadcast %jit3A_1248 : f32 to vector<64x64xf32>
    %select_n3A_1250 = arith.select %ge3A, %mul3A_1247, %broadcast_in_dim3A_1249 : vector<64x64xi1>, vector<64x64xf32>
    %reduce_max3A_1251 = arith.constant dense<0xFF800000> : vector<64xf32>
    %reduce_max3A_1252 = vector.multi_reduction <maximumf>, %select_n3A_1250, %reduce_max3A_1251 [1] : vector<64x64xf32> to vector<64xf32>
    %broadcast_in_dim3A_1253 = vector.shape_cast %reduce_max3A_1252 : vector<64xf32> to vector<64x1xf32>
    %sub3A_1254 = vector.broadcast %broadcast_in_dim3A_1253 : vector<64x1xf32> to vector<64x64xf32>
    %sub3A_1255 = arith.subf %select_n3A_1250, %sub3A_1254 : vector<64x64xf32>
    %exp3A_1256 = math.exp %sub3A_1255 : vector<64x64xf32>
    %reduce_sum3A_1257 = arith.constant dense<0.000000e+00> : vector<64xf32>
    %reduce_sum3A_1258 = vector.multi_reduction <add>, %exp3A_1256, %reduce_sum3A_1257 [1] : vector<64x64xf32> to vector<64xf32>
    %broadcast_in_dim3A_1259 = vector.shape_cast %reduce_sum3A_1258 : vector<64xf32> to vector<64x1xf32>
    %div3A_1260 = vector.broadcast %broadcast_in_dim3A_1259 : vector<64x1xf32> to vector<64x64xf32>
    %div3A_1261 = arith.divf %exp3A_1256, %div3A_1260 : vector<64x64xf32>
    %dot_general3A_1262 = arith.constant dense<0.000000e+00> : vector<64x128xf32>
    %dot_general3A_1263 = tpu.matmul %div3A_1261, %slice3A_1242, %dot_general3A_1262 {dimension_numbers = #tpu.dot_dimension_numbers<[1], [0], [0], [1], [0, 0, 1, 1], [], []>, transpose_lhs_hint = false} : vector<64x64xf32>, vector<64x128xf32>, vector<64x128xf32> -> vector<64x128xf32>
    %slice3A_1264 = vector.extract_strided_slice %dot_general3A_50 {offsets = [384, 256], sizes = [64, 128], strides = [1, 1]} : vector<512x1024xf32> to vector<64x128xf32>
    %slice3A_1265 = vector.extract_strided_slice %dot_general3A_55 {offsets = [384, 256], sizes = [64, 128], strides = [1, 1]} : vector<512x1024xf32> to vector<64x128xf32>
    %slice3A_1266 = vector.extract_strided_slice %dot_general3A_60 {offsets = [384, 256], sizes = [64, 128], strides = [1, 1]} : vector<512x1024xf32> to vector<64x128xf32>
    %dot_general3A_1267 = arith.constant dense<0.000000e+00> : vector<64x64xf32>
    %dot_general3A_1268 = tpu.matmul %slice3A_1264, %slice3A_1265, %dot_general3A_1267 {dimension_numbers = #tpu.dot_dimension_numbers<[1], [1], [0], [0], [0, 0, 1, 0], [], []>, transpose_lhs_hint = false} : vector<64x128xf32>, vector<64x128xf32>, vector<64x64xf32> -> vector<64x64xf32>
    %mul3A_1269 = arith.constant 0.0883883461 : f32
    %mul3A_1270 = vector.broadcast %mul3A_1269 : f32 to vector<64x64xf32>
    %mul3A_1271 = arith.mulf %dot_general3A_1268, %mul3A_1270 : vector<64x64xf32>
    %jit3A_1272 = arith.constant 0xFF800000 : f32
    %broadcast_in_dim3A_1273 = vector.broadcast %jit3A_1272 : f32 to vector<64x64xf32>
    %select_n3A_1274 = arith.select %ge3A, %mul3A_1271, %broadcast_in_dim3A_1273 : vector<64x64xi1>, vector<64x64xf32>
    %reduce_max3A_1275 = arith.constant dense<0xFF800000> : vector<64xf32>
    %reduce_max3A_1276 = vector.multi_reduction <maximumf>, %select_n3A_1274, %reduce_max3A_1275 [1] : vector<64x64xf32> to vector<64xf32>
    %broadcast_in_dim3A_1277 = vector.shape_cast %reduce_max3A_1276 : vector<64xf32> to vector<64x1xf32>
    %sub3A_1278 = vector.broadcast %broadcast_in_dim3A_1277 : vector<64x1xf32> to vector<64x64xf32>
    %sub3A_1279 = arith.subf %select_n3A_1274, %sub3A_1278 : vector<64x64xf32>
    %exp3A_1280 = math.exp %sub3A_1279 : vector<64x64xf32>
    %reduce_sum3A_1281 = arith.constant dense<0.000000e+00> : vector<64xf32>
    %reduce_sum3A_1282 = vector.multi_reduction <add>, %exp3A_1280, %reduce_sum3A_1281 [1] : vector<64x64xf32> to vector<64xf32>
    %broadcast_in_dim3A_1283 = vector.shape_cast %reduce_sum3A_1282 : vector<64xf32> to vector<64x1xf32>
    %div3A_1284 = vector.broadcast %broadcast_in_dim3A_1283 : vector<64x1xf32> to vector<64x64xf32>
    %div3A_1285 = arith.divf %exp3A_1280, %div3A_1284 : vector<64x64xf32>
    %dot_general3A_1286 = arith.constant dense<0.000000e+00> : vector<64x128xf32>
    %dot_general3A_1287 = tpu.matmul %div3A_1285, %slice3A_1266, %dot_general3A_1286 {dimension_numbers = #tpu.dot_dimension_numbers<[1], [0], [0], [1], [0, 0, 1, 1], [], []>, transpose_lhs_hint = false} : vector<64x64xf32>, vector<64x128xf32>, vector<64x128xf32> -> vector<64x128xf32>
    %slice3A_1288 = vector.extract_strided_slice %dot_general3A_50 {offsets = [384, 384], sizes = [64, 128], strides = [1, 1]} : vector<512x1024xf32> to vector<64x128xf32>
    %slice3A_1289 = vector.extract_strided_slice %dot_general3A_55 {offsets = [384, 384], sizes = [64, 128], strides = [1, 1]} : vector<512x1024xf32> to vector<64x128xf32>
    %slice3A_1290 = vector.extract_strided_slice %dot_general3A_60 {offsets = [384, 384], sizes = [64, 128], strides = [1, 1]} : vector<512x1024xf32> to vector<64x128xf32>
    %dot_general3A_1291 = arith.constant dense<0.000000e+00> : vector<64x64xf32>
    %dot_general3A_1292 = tpu.matmul %slice3A_1288, %slice3A_1289, %dot_general3A_1291 {dimension_numbers = #tpu.dot_dimension_numbers<[1], [1], [0], [0], [0, 0, 1, 0], [], []>, transpose_lhs_hint = false} : vector<64x128xf32>, vector<64x128xf32>, vector<64x64xf32> -> vector<64x64xf32>
    %mul3A_1293 = arith.constant 0.0883883461 : f32
    %mul3A_1294 = vector.broadcast %mul3A_1293 : f32 to vector<64x64xf32>
    %mul3A_1295 = arith.mulf %dot_general3A_1292, %mul3A_1294 : vector<64x64xf32>
    %jit3A_1296 = arith.constant 0xFF800000 : f32
    %broadcast_in_dim3A_1297 = vector.broadcast %jit3A_1296 : f32 to vector<64x64xf32>
    %select_n3A_1298 = arith.select %ge3A, %mul3A_1295, %broadcast_in_dim3A_1297 : vector<64x64xi1>, vector<64x64xf32>
    %reduce_max3A_1299 = arith.constant dense<0xFF800000> : vector<64xf32>
    %reduce_max3A_1300 = vector.multi_reduction <maximumf>, %select_n3A_1298, %reduce_max3A_1299 [1] : vector<64x64xf32> to vector<64xf32>
    %broadcast_in_dim3A_1301 = vector.shape_cast %reduce_max3A_1300 : vector<64xf32> to vector<64x1xf32>
    %sub3A_1302 = vector.broadcast %broadcast_in_dim3A_1301 : vector<64x1xf32> to vector<64x64xf32>
    %sub3A_1303 = arith.subf %select_n3A_1298, %sub3A_1302 : vector<64x64xf32>
    %exp3A_1304 = math.exp %sub3A_1303 : vector<64x64xf32>
    %reduce_sum3A_1305 = arith.constant dense<0.000000e+00> : vector<64xf32>
    %reduce_sum3A_1306 = vector.multi_reduction <add>, %exp3A_1304, %reduce_sum3A_1305 [1] : vector<64x64xf32> to vector<64xf32>
    %broadcast_in_dim3A_1307 = vector.shape_cast %reduce_sum3A_1306 : vector<64xf32> to vector<64x1xf32>
    %div3A_1308 = vector.broadcast %broadcast_in_dim3A_1307 : vector<64x1xf32> to vector<64x64xf32>
    %div3A_1309 = arith.divf %exp3A_1304, %div3A_1308 : vector<64x64xf32>
    %dot_general3A_1310 = arith.constant dense<0.000000e+00> : vector<64x128xf32>
    %dot_general3A_1311 = tpu.matmul %div3A_1309, %slice3A_1290, %dot_general3A_1310 {dimension_numbers = #tpu.dot_dimension_numbers<[1], [0], [0], [1], [0, 0, 1, 1], [], []>, transpose_lhs_hint = false} : vector<64x64xf32>, vector<64x128xf32>, vector<64x128xf32> -> vector<64x128xf32>
    %slice3A_1312 = vector.extract_strided_slice %dot_general3A_50 {offsets = [384, 512], sizes = [64, 128], strides = [1, 1]} : vector<512x1024xf32> to vector<64x128xf32>
    %slice3A_1313 = vector.extract_strided_slice %dot_general3A_55 {offsets = [384, 512], sizes = [64, 128], strides = [1, 1]} : vector<512x1024xf32> to vector<64x128xf32>
    %slice3A_1314 = vector.extract_strided_slice %dot_general3A_60 {offsets = [384, 512], sizes = [64, 128], strides = [1, 1]} : vector<512x1024xf32> to vector<64x128xf32>
    %dot_general3A_1315 = arith.constant dense<0.000000e+00> : vector<64x64xf32>
    %dot_general3A_1316 = tpu.matmul %slice3A_1312, %slice3A_1313, %dot_general3A_1315 {dimension_numbers = #tpu.dot_dimension_numbers<[1], [1], [0], [0], [0, 0, 1, 0], [], []>, transpose_lhs_hint = false} : vector<64x128xf32>, vector<64x128xf32>, vector<64x64xf32> -> vector<64x64xf32>
    %mul3A_1317 = arith.constant 0.0883883461 : f32
    %mul3A_1318 = vector.broadcast %mul3A_1317 : f32 to vector<64x64xf32>
    %mul3A_1319 = arith.mulf %dot_general3A_1316, %mul3A_1318 : vector<64x64xf32>
    %jit3A_1320 = arith.constant 0xFF800000 : f32
    %broadcast_in_dim3A_1321 = vector.broadcast %jit3A_1320 : f32 to vector<64x64xf32>
    %select_n3A_1322 = arith.select %ge3A, %mul3A_1319, %broadcast_in_dim3A_1321 : vector<64x64xi1>, vector<64x64xf32>
    %reduce_max3A_1323 = arith.constant dense<0xFF800000> : vector<64xf32>
    %reduce_max3A_1324 = vector.multi_reduction <maximumf>, %select_n3A_1322, %reduce_max3A_1323 [1] : vector<64x64xf32> to vector<64xf32>
    %broadcast_in_dim3A_1325 = vector.shape_cast %reduce_max3A_1324 : vector<64xf32> to vector<64x1xf32>
    %sub3A_1326 = vector.broadcast %broadcast_in_dim3A_1325 : vector<64x1xf32> to vector<64x64xf32>
    %sub3A_1327 = arith.subf %select_n3A_1322, %sub3A_1326 : vector<64x64xf32>
    %exp3A_1328 = math.exp %sub3A_1327 : vector<64x64xf32>
    %reduce_sum3A_1329 = arith.constant dense<0.000000e+00> : vector<64xf32>
    %reduce_sum3A_1330 = vector.multi_reduction <add>, %exp3A_1328, %reduce_sum3A_1329 [1] : vector<64x64xf32> to vector<64xf32>
    %broadcast_in_dim3A_1331 = vector.shape_cast %reduce_sum3A_1330 : vector<64xf32> to vector<64x1xf32>
    %div3A_1332 = vector.broadcast %broadcast_in_dim3A_1331 : vector<64x1xf32> to vector<64x64xf32>
    %div3A_1333 = arith.divf %exp3A_1328, %div3A_1332 : vector<64x64xf32>
    %dot_general3A_1334 = arith.constant dense<0.000000e+00> : vector<64x128xf32>
    %dot_general3A_1335 = tpu.matmul %div3A_1333, %slice3A_1314, %dot_general3A_1334 {dimension_numbers = #tpu.dot_dimension_numbers<[1], [0], [0], [1], [0, 0, 1, 1], [], []>, transpose_lhs_hint = false} : vector<64x64xf32>, vector<64x128xf32>, vector<64x128xf32> -> vector<64x128xf32>
    %slice3A_1336 = vector.extract_strided_slice %dot_general3A_50 {offsets = [384, 640], sizes = [64, 128], strides = [1, 1]} : vector<512x1024xf32> to vector<64x128xf32>
    %slice3A_1337 = vector.extract_strided_slice %dot_general3A_55 {offsets = [384, 640], sizes = [64, 128], strides = [1, 1]} : vector<512x1024xf32> to vector<64x128xf32>
    %slice3A_1338 = vector.extract_strided_slice %dot_general3A_60 {offsets = [384, 640], sizes = [64, 128], strides = [1, 1]} : vector<512x1024xf32> to vector<64x128xf32>
    %dot_general3A_1339 = arith.constant dense<0.000000e+00> : vector<64x64xf32>
    %dot_general3A_1340 = tpu.matmul %slice3A_1336, %slice3A_1337, %dot_general3A_1339 {dimension_numbers = #tpu.dot_dimension_numbers<[1], [1], [0], [0], [0, 0, 1, 0], [], []>, transpose_lhs_hint = false} : vector<64x128xf32>, vector<64x128xf32>, vector<64x64xf32> -> vector<64x64xf32>
    %mul3A_1341 = arith.constant 0.0883883461 : f32
    %mul3A_1342 = vector.broadcast %mul3A_1341 : f32 to vector<64x64xf32>
    %mul3A_1343 = arith.mulf %dot_general3A_1340, %mul3A_1342 : vector<64x64xf32>
    %jit3A_1344 = arith.constant 0xFF800000 : f32
    %broadcast_in_dim3A_1345 = vector.broadcast %jit3A_1344 : f32 to vector<64x64xf32>
    %select_n3A_1346 = arith.select %ge3A, %mul3A_1343, %broadcast_in_dim3A_1345 : vector<64x64xi1>, vector<64x64xf32>
    %reduce_max3A_1347 = arith.constant dense<0xFF800000> : vector<64xf32>
    %reduce_max3A_1348 = vector.multi_reduction <maximumf>, %select_n3A_1346, %reduce_max3A_1347 [1] : vector<64x64xf32> to vector<64xf32>
    %broadcast_in_dim3A_1349 = vector.shape_cast %reduce_max3A_1348 : vector<64xf32> to vector<64x1xf32>
    %sub3A_1350 = vector.broadcast %broadcast_in_dim3A_1349 : vector<64x1xf32> to vector<64x64xf32>
    %sub3A_1351 = arith.subf %select_n3A_1346, %sub3A_1350 : vector<64x64xf32>
    %exp3A_1352 = math.exp %sub3A_1351 : vector<64x64xf32>
    %reduce_sum3A_1353 = arith.constant dense<0.000000e+00> : vector<64xf32>
    %reduce_sum3A_1354 = vector.multi_reduction <add>, %exp3A_1352, %reduce_sum3A_1353 [1] : vector<64x64xf32> to vector<64xf32>
    %broadcast_in_dim3A_1355 = vector.shape_cast %reduce_sum3A_1354 : vector<64xf32> to vector<64x1xf32>
    %div3A_1356 = vector.broadcast %broadcast_in_dim3A_1355 : vector<64x1xf32> to vector<64x64xf32>
    %div3A_1357 = arith.divf %exp3A_1352, %div3A_1356 : vector<64x64xf32>
    %dot_general3A_1358 = arith.constant dense<0.000000e+00> : vector<64x128xf32>
    %dot_general3A_1359 = tpu.matmul %div3A_1357, %slice3A_1338, %dot_general3A_1358 {dimension_numbers = #tpu.dot_dimension_numbers<[1], [0], [0], [1], [0, 0, 1, 1], [], []>, transpose_lhs_hint = false} : vector<64x64xf32>, vector<64x128xf32>, vector<64x128xf32> -> vector<64x128xf32>
    %slice3A_1360 = vector.extract_strided_slice %dot_general3A_50 {offsets = [384, 768], sizes = [64, 128], strides = [1, 1]} : vector<512x1024xf32> to vector<64x128xf32>
    %slice3A_1361 = vector.extract_strided_slice %dot_general3A_55 {offsets = [384, 768], sizes = [64, 128], strides = [1, 1]} : vector<512x1024xf32> to vector<64x128xf32>
    %slice3A_1362 = vector.extract_strided_slice %dot_general3A_60 {offsets = [384, 768], sizes = [64, 128], strides = [1, 1]} : vector<512x1024xf32> to vector<64x128xf32>
    %dot_general3A_1363 = arith.constant dense<0.000000e+00> : vector<64x64xf32>
    %dot_general3A_1364 = tpu.matmul %slice3A_1360, %slice3A_1361, %dot_general3A_1363 {dimension_numbers = #tpu.dot_dimension_numbers<[1], [1], [0], [0], [0, 0, 1, 0], [], []>, transpose_lhs_hint = false} : vector<64x128xf32>, vector<64x128xf32>, vector<64x64xf32> -> vector<64x64xf32>
    %mul3A_1365 = arith.constant 0.0883883461 : f32
    %mul3A_1366 = vector.broadcast %mul3A_1365 : f32 to vector<64x64xf32>
    %mul3A_1367 = arith.mulf %dot_general3A_1364, %mul3A_1366 : vector<64x64xf32>
    %jit3A_1368 = arith.constant 0xFF800000 : f32
    %broadcast_in_dim3A_1369 = vector.broadcast %jit3A_1368 : f32 to vector<64x64xf32>
    %select_n3A_1370 = arith.select %ge3A, %mul3A_1367, %broadcast_in_dim3A_1369 : vector<64x64xi1>, vector<64x64xf32>
    %reduce_max3A_1371 = arith.constant dense<0xFF800000> : vector<64xf32>
    %reduce_max3A_1372 = vector.multi_reduction <maximumf>, %select_n3A_1370, %reduce_max3A_1371 [1] : vector<64x64xf32> to vector<64xf32>
    %broadcast_in_dim3A_1373 = vector.shape_cast %reduce_max3A_1372 : vector<64xf32> to vector<64x1xf32>
    %sub3A_1374 = vector.broadcast %broadcast_in_dim3A_1373 : vector<64x1xf32> to vector<64x64xf32>
    %sub3A_1375 = arith.subf %select_n3A_1370, %sub3A_1374 : vector<64x64xf32>
    %exp3A_1376 = math.exp %sub3A_1375 : vector<64x64xf32>
    %reduce_sum3A_1377 = arith.constant dense<0.000000e+00> : vector<64xf32>
    %reduce_sum3A_1378 = vector.multi_reduction <add>, %exp3A_1376, %reduce_sum3A_1377 [1] : vector<64x64xf32> to vector<64xf32>
    %broadcast_in_dim3A_1379 = vector.shape_cast %reduce_sum3A_1378 : vector<64xf32> to vector<64x1xf32>
    %div3A_1380 = vector.broadcast %broadcast_in_dim3A_1379 : vector<64x1xf32> to vector<64x64xf32>
    %div3A_1381 = arith.divf %exp3A_1376, %div3A_1380 : vector<64x64xf32>
    %dot_general3A_1382 = arith.constant dense<0.000000e+00> : vector<64x128xf32>
    %dot_general3A_1383 = tpu.matmul %div3A_1381, %slice3A_1362, %dot_general3A_1382 {dimension_numbers = #tpu.dot_dimension_numbers<[1], [0], [0], [1], [0, 0, 1, 1], [], []>, transpose_lhs_hint = false} : vector<64x64xf32>, vector<64x128xf32>, vector<64x128xf32> -> vector<64x128xf32>
    %slice3A_1384 = vector.extract_strided_slice %dot_general3A_50 {offsets = [384, 896], sizes = [64, 128], strides = [1, 1]} : vector<512x1024xf32> to vector<64x128xf32>
    %slice3A_1385 = vector.extract_strided_slice %dot_general3A_55 {offsets = [384, 896], sizes = [64, 128], strides = [1, 1]} : vector<512x1024xf32> to vector<64x128xf32>
    %slice3A_1386 = vector.extract_strided_slice %dot_general3A_60 {offsets = [384, 896], sizes = [64, 128], strides = [1, 1]} : vector<512x1024xf32> to vector<64x128xf32>
    %dot_general3A_1387 = arith.constant dense<0.000000e+00> : vector<64x64xf32>
    %dot_general3A_1388 = tpu.matmul %slice3A_1384, %slice3A_1385, %dot_general3A_1387 {dimension_numbers = #tpu.dot_dimension_numbers<[1], [1], [0], [0], [0, 0, 1, 0], [], []>, transpose_lhs_hint = false} : vector<64x128xf32>, vector<64x128xf32>, vector<64x64xf32> -> vector<64x64xf32>
    %mul3A_1389 = arith.constant 0.0883883461 : f32
    %mul3A_1390 = vector.broadcast %mul3A_1389 : f32 to vector<64x64xf32>
    %mul3A_1391 = arith.mulf %dot_general3A_1388, %mul3A_1390 : vector<64x64xf32>
    %jit3A_1392 = arith.constant 0xFF800000 : f32
    %broadcast_in_dim3A_1393 = vector.broadcast %jit3A_1392 : f32 to vector<64x64xf32>
    %select_n3A_1394 = arith.select %ge3A, %mul3A_1391, %broadcast_in_dim3A_1393 : vector<64x64xi1>, vector<64x64xf32>
    %reduce_max3A_1395 = arith.constant dense<0xFF800000> : vector<64xf32>
    %reduce_max3A_1396 = vector.multi_reduction <maximumf>, %select_n3A_1394, %reduce_max3A_1395 [1] : vector<64x64xf32> to vector<64xf32>
    %broadcast_in_dim3A_1397 = vector.shape_cast %reduce_max3A_1396 : vector<64xf32> to vector<64x1xf32>
    %sub3A_1398 = vector.broadcast %broadcast_in_dim3A_1397 : vector<64x1xf32> to vector<64x64xf32>
    %sub3A_1399 = arith.subf %select_n3A_1394, %sub3A_1398 : vector<64x64xf32>
    %exp3A_1400 = math.exp %sub3A_1399 : vector<64x64xf32>
    %reduce_sum3A_1401 = arith.constant dense<0.000000e+00> : vector<64xf32>
    %reduce_sum3A_1402 = vector.multi_reduction <add>, %exp3A_1400, %reduce_sum3A_1401 [1] : vector<64x64xf32> to vector<64xf32>
    %broadcast_in_dim3A_1403 = vector.shape_cast %reduce_sum3A_1402 : vector<64xf32> to vector<64x1xf32>
    %div3A_1404 = vector.broadcast %broadcast_in_dim3A_1403 : vector<64x1xf32> to vector<64x64xf32>
    %div3A_1405 = arith.divf %exp3A_1400, %div3A_1404 : vector<64x64xf32>
    %dot_general3A_1406 = arith.constant dense<0.000000e+00> : vector<64x128xf32>
    %dot_general3A_1407 = tpu.matmul %div3A_1405, %slice3A_1386, %dot_general3A_1406 {dimension_numbers = #tpu.dot_dimension_numbers<[1], [0], [0], [1], [0, 0, 1, 1], [], []>, transpose_lhs_hint = false} : vector<64x64xf32>, vector<64x128xf32>, vector<64x128xf32> -> vector<64x128xf32>
    %concatenate3A_1408 = tpu.concatenate %dot_general3A_1239, %dot_general3A_1263, %dot_general3A_1287, %dot_general3A_1311, %dot_general3A_1335, %dot_general3A_1359, %dot_general3A_1383, %dot_general3A_1407 in 1 : vector<64x128xf32>, vector<64x128xf32>, vector<64x128xf32>, vector<64x128xf32>, vector<64x128xf32>, vector<64x128xf32>, vector<64x128xf32>, vector<64x128xf32> -> vector<64x1024xf32>
    %slice3A_1409 = vector.extract_strided_slice %dot_general3A_50 {offsets = [448, 0], sizes = [64, 128], strides = [1, 1]} : vector<512x1024xf32> to vector<64x128xf32>
    %slice3A_1410 = vector.extract_strided_slice %dot_general3A_55 {offsets = [448, 0], sizes = [64, 128], strides = [1, 1]} : vector<512x1024xf32> to vector<64x128xf32>
    %slice3A_1411 = vector.extract_strided_slice %dot_general3A_60 {offsets = [448, 0], sizes = [64, 128], strides = [1, 1]} : vector<512x1024xf32> to vector<64x128xf32>
    %dot_general3A_1412 = arith.constant dense<0.000000e+00> : vector<64x64xf32>
    %dot_general3A_1413 = tpu.matmul %slice3A_1409, %slice3A_1410, %dot_general3A_1412 {dimension_numbers = #tpu.dot_dimension_numbers<[1], [1], [0], [0], [0, 0, 1, 0], [], []>, transpose_lhs_hint = false} : vector<64x128xf32>, vector<64x128xf32>, vector<64x64xf32> -> vector<64x64xf32>
    %mul3A_1414 = arith.constant 0.0883883461 : f32
    %mul3A_1415 = vector.broadcast %mul3A_1414 : f32 to vector<64x64xf32>
    %mul3A_1416 = arith.mulf %dot_general3A_1413, %mul3A_1415 : vector<64x64xf32>
    %jit3A_1417 = arith.constant 0xFF800000 : f32
    %broadcast_in_dim3A_1418 = vector.broadcast %jit3A_1417 : f32 to vector<64x64xf32>
    %select_n3A_1419 = arith.select %ge3A, %mul3A_1416, %broadcast_in_dim3A_1418 : vector<64x64xi1>, vector<64x64xf32>
    %reduce_max3A_1420 = arith.constant dense<0xFF800000> : vector<64xf32>
    %reduce_max3A_1421 = vector.multi_reduction <maximumf>, %select_n3A_1419, %reduce_max3A_1420 [1] : vector<64x64xf32> to vector<64xf32>
    %broadcast_in_dim3A_1422 = vector.shape_cast %reduce_max3A_1421 : vector<64xf32> to vector<64x1xf32>
    %sub3A_1423 = vector.broadcast %broadcast_in_dim3A_1422 : vector<64x1xf32> to vector<64x64xf32>
    %sub3A_1424 = arith.subf %select_n3A_1419, %sub3A_1423 : vector<64x64xf32>
    %exp3A_1425 = math.exp %sub3A_1424 : vector<64x64xf32>
    %reduce_sum3A_1426 = arith.constant dense<0.000000e+00> : vector<64xf32>
    %reduce_sum3A_1427 = vector.multi_reduction <add>, %exp3A_1425, %reduce_sum3A_1426 [1] : vector<64x64xf32> to vector<64xf32>
    %broadcast_in_dim3A_1428 = vector.shape_cast %reduce_sum3A_1427 : vector<64xf32> to vector<64x1xf32>
    %div3A_1429 = vector.broadcast %broadcast_in_dim3A_1428 : vector<64x1xf32> to vector<64x64xf32>
    %div3A_1430 = arith.divf %exp3A_1425, %div3A_1429 : vector<64x64xf32>
    %dot_general3A_1431 = arith.constant dense<0.000000e+00> : vector<64x128xf32>
    %dot_general3A_1432 = tpu.matmul %div3A_1430, %slice3A_1411, %dot_general3A_1431 {dimension_numbers = #tpu.dot_dimension_numbers<[1], [0], [0], [1], [0, 0, 1, 1], [], []>, transpose_lhs_hint = false} : vector<64x64xf32>, vector<64x128xf32>, vector<64x128xf32> -> vector<64x128xf32>
    %slice3A_1433 = vector.extract_strided_slice %dot_general3A_50 {offsets = [448, 128], sizes = [64, 128], strides = [1, 1]} : vector<512x1024xf32> to vector<64x128xf32>
    %slice3A_1434 = vector.extract_strided_slice %dot_general3A_55 {offsets = [448, 128], sizes = [64, 128], strides = [1, 1]} : vector<512x1024xf32> to vector<64x128xf32>
    %slice3A_1435 = vector.extract_strided_slice %dot_general3A_60 {offsets = [448, 128], sizes = [64, 128], strides = [1, 1]} : vector<512x1024xf32> to vector<64x128xf32>
    %dot_general3A_1436 = arith.constant dense<0.000000e+00> : vector<64x64xf32>
    %dot_general3A_1437 = tpu.matmul %slice3A_1433, %slice3A_1434, %dot_general3A_1436 {dimension_numbers = #tpu.dot_dimension_numbers<[1], [1], [0], [0], [0, 0, 1, 0], [], []>, transpose_lhs_hint = false} : vector<64x128xf32>, vector<64x128xf32>, vector<64x64xf32> -> vector<64x64xf32>
    %mul3A_1438 = arith.constant 0.0883883461 : f32
    %mul3A_1439 = vector.broadcast %mul3A_1438 : f32 to vector<64x64xf32>
    %mul3A_1440 = arith.mulf %dot_general3A_1437, %mul3A_1439 : vector<64x64xf32>
    %jit3A_1441 = arith.constant 0xFF800000 : f32
    %broadcast_in_dim3A_1442 = vector.broadcast %jit3A_1441 : f32 to vector<64x64xf32>
    %select_n3A_1443 = arith.select %ge3A, %mul3A_1440, %broadcast_in_dim3A_1442 : vector<64x64xi1>, vector<64x64xf32>
    %reduce_max3A_1444 = arith.constant dense<0xFF800000> : vector<64xf32>
    %reduce_max3A_1445 = vector.multi_reduction <maximumf>, %select_n3A_1443, %reduce_max3A_1444 [1] : vector<64x64xf32> to vector<64xf32>
    %broadcast_in_dim3A_1446 = vector.shape_cast %reduce_max3A_1445 : vector<64xf32> to vector<64x1xf32>
    %sub3A_1447 = vector.broadcast %broadcast_in_dim3A_1446 : vector<64x1xf32> to vector<64x64xf32>
    %sub3A_1448 = arith.subf %select_n3A_1443, %sub3A_1447 : vector<64x64xf32>
    %exp3A_1449 = math.exp %sub3A_1448 : vector<64x64xf32>
    %reduce_sum3A_1450 = arith.constant dense<0.000000e+00> : vector<64xf32>
    %reduce_sum3A_1451 = vector.multi_reduction <add>, %exp3A_1449, %reduce_sum3A_1450 [1] : vector<64x64xf32> to vector<64xf32>
    %broadcast_in_dim3A_1452 = vector.shape_cast %reduce_sum3A_1451 : vector<64xf32> to vector<64x1xf32>
    %div3A_1453 = vector.broadcast %broadcast_in_dim3A_1452 : vector<64x1xf32> to vector<64x64xf32>
    %div3A_1454 = arith.divf %exp3A_1449, %div3A_1453 : vector<64x64xf32>
    %dot_general3A_1455 = arith.constant dense<0.000000e+00> : vector<64x128xf32>
    %dot_general3A_1456 = tpu.matmul %div3A_1454, %slice3A_1435, %dot_general3A_1455 {dimension_numbers = #tpu.dot_dimension_numbers<[1], [0], [0], [1], [0, 0, 1, 1], [], []>, transpose_lhs_hint = false} : vector<64x64xf32>, vector<64x128xf32>, vector<64x128xf32> -> vector<64x128xf32>
    %slice3A_1457 = vector.extract_strided_slice %dot_general3A_50 {offsets = [448, 256], sizes = [64, 128], strides = [1, 1]} : vector<512x1024xf32> to vector<64x128xf32>
    %slice3A_1458 = vector.extract_strided_slice %dot_general3A_55 {offsets = [448, 256], sizes = [64, 128], strides = [1, 1]} : vector<512x1024xf32> to vector<64x128xf32>
    %slice3A_1459 = vector.extract_strided_slice %dot_general3A_60 {offsets = [448, 256], sizes = [64, 128], strides = [1, 1]} : vector<512x1024xf32> to vector<64x128xf32>
    %dot_general3A_1460 = arith.constant dense<0.000000e+00> : vector<64x64xf32>
    %dot_general3A_1461 = tpu.matmul %slice3A_1457, %slice3A_1458, %dot_general3A_1460 {dimension_numbers = #tpu.dot_dimension_numbers<[1], [1], [0], [0], [0, 0, 1, 0], [], []>, transpose_lhs_hint = false} : vector<64x128xf32>, vector<64x128xf32>, vector<64x64xf32> -> vector<64x64xf32>
    %mul3A_1462 = arith.constant 0.0883883461 : f32
    %mul3A_1463 = vector.broadcast %mul3A_1462 : f32 to vector<64x64xf32>
    %mul3A_1464 = arith.mulf %dot_general3A_1461, %mul3A_1463 : vector<64x64xf32>
    %jit3A_1465 = arith.constant 0xFF800000 : f32
    %broadcast_in_dim3A_1466 = vector.broadcast %jit3A_1465 : f32 to vector<64x64xf32>
    %select_n3A_1467 = arith.select %ge3A, %mul3A_1464, %broadcast_in_dim3A_1466 : vector<64x64xi1>, vector<64x64xf32>
    %reduce_max3A_1468 = arith.constant dense<0xFF800000> : vector<64xf32>
    %reduce_max3A_1469 = vector.multi_reduction <maximumf>, %select_n3A_1467, %reduce_max3A_1468 [1] : vector<64x64xf32> to vector<64xf32>
    %broadcast_in_dim3A_1470 = vector.shape_cast %reduce_max3A_1469 : vector<64xf32> to vector<64x1xf32>
    %sub3A_1471 = vector.broadcast %broadcast_in_dim3A_1470 : vector<64x1xf32> to vector<64x64xf32>
    %sub3A_1472 = arith.subf %select_n3A_1467, %sub3A_1471 : vector<64x64xf32>
    %exp3A_1473 = math.exp %sub3A_1472 : vector<64x64xf32>
    %reduce_sum3A_1474 = arith.constant dense<0.000000e+00> : vector<64xf32>
    %reduce_sum3A_1475 = vector.multi_reduction <add>, %exp3A_1473, %reduce_sum3A_1474 [1] : vector<64x64xf32> to vector<64xf32>
    %broadcast_in_dim3A_1476 = vector.shape_cast %reduce_sum3A_1475 : vector<64xf32> to vector<64x1xf32>
    %div3A_1477 = vector.broadcast %broadcast_in_dim3A_1476 : vector<64x1xf32> to vector<64x64xf32>
    %div3A_1478 = arith.divf %exp3A_1473, %div3A_1477 : vector<64x64xf32>
    %dot_general3A_1479 = arith.constant dense<0.000000e+00> : vector<64x128xf32>
    %dot_general3A_1480 = tpu.matmul %div3A_1478, %slice3A_1459, %dot_general3A_1479 {dimension_numbers = #tpu.dot_dimension_numbers<[1], [0], [0], [1], [0, 0, 1, 1], [], []>, transpose_lhs_hint = false} : vector<64x64xf32>, vector<64x128xf32>, vector<64x128xf32> -> vector<64x128xf32>
    %slice3A_1481 = vector.extract_strided_slice %dot_general3A_50 {offsets = [448, 384], sizes = [64, 128], strides = [1, 1]} : vector<512x1024xf32> to vector<64x128xf32>
    %slice3A_1482 = vector.extract_strided_slice %dot_general3A_55 {offsets = [448, 384], sizes = [64, 128], strides = [1, 1]} : vector<512x1024xf32> to vector<64x128xf32>
    %slice3A_1483 = vector.extract_strided_slice %dot_general3A_60 {offsets = [448, 384], sizes = [64, 128], strides = [1, 1]} : vector<512x1024xf32> to vector<64x128xf32>
    %dot_general3A_1484 = arith.constant dense<0.000000e+00> : vector<64x64xf32>
    %dot_general3A_1485 = tpu.matmul %slice3A_1481, %slice3A_1482, %dot_general3A_1484 {dimension_numbers = #tpu.dot_dimension_numbers<[1], [1], [0], [0], [0, 0, 1, 0], [], []>, transpose_lhs_hint = false} : vector<64x128xf32>, vector<64x128xf32>, vector<64x64xf32> -> vector<64x64xf32>
    %mul3A_1486 = arith.constant 0.0883883461 : f32
    %mul3A_1487 = vector.broadcast %mul3A_1486 : f32 to vector<64x64xf32>
    %mul3A_1488 = arith.mulf %dot_general3A_1485, %mul3A_1487 : vector<64x64xf32>
    %jit3A_1489 = arith.constant 0xFF800000 : f32
    %broadcast_in_dim3A_1490 = vector.broadcast %jit3A_1489 : f32 to vector<64x64xf32>
    %select_n3A_1491 = arith.select %ge3A, %mul3A_1488, %broadcast_in_dim3A_1490 : vector<64x64xi1>, vector<64x64xf32>
    %reduce_max3A_1492 = arith.constant dense<0xFF800000> : vector<64xf32>
    %reduce_max3A_1493 = vector.multi_reduction <maximumf>, %select_n3A_1491, %reduce_max3A_1492 [1] : vector<64x64xf32> to vector<64xf32>
    %broadcast_in_dim3A_1494 = vector.shape_cast %reduce_max3A_1493 : vector<64xf32> to vector<64x1xf32>
    %sub3A_1495 = vector.broadcast %broadcast_in_dim3A_1494 : vector<64x1xf32> to vector<64x64xf32>
    %sub3A_1496 = arith.subf %select_n3A_1491, %sub3A_1495 : vector<64x64xf32>
    %exp3A_1497 = math.exp %sub3A_1496 : vector<64x64xf32>
    %reduce_sum3A_1498 = arith.constant dense<0.000000e+00> : vector<64xf32>
    %reduce_sum3A_1499 = vector.multi_reduction <add>, %exp3A_1497, %reduce_sum3A_1498 [1] : vector<64x64xf32> to vector<64xf32>
    %broadcast_in_dim3A_1500 = vector.shape_cast %reduce_sum3A_1499 : vector<64xf32> to vector<64x1xf32>
    %div3A_1501 = vector.broadcast %broadcast_in_dim3A_1500 : vector<64x1xf32> to vector<64x64xf32>
    %div3A_1502 = arith.divf %exp3A_1497, %div3A_1501 : vector<64x64xf32>
    %dot_general3A_1503 = arith.constant dense<0.000000e+00> : vector<64x128xf32>
    %dot_general3A_1504 = tpu.matmul %div3A_1502, %slice3A_1483, %dot_general3A_1503 {dimension_numbers = #tpu.dot_dimension_numbers<[1], [0], [0], [1], [0, 0, 1, 1], [], []>, transpose_lhs_hint = false} : vector<64x64xf32>, vector<64x128xf32>, vector<64x128xf32> -> vector<64x128xf32>
    %slice3A_1505 = vector.extract_strided_slice %dot_general3A_50 {offsets = [448, 512], sizes = [64, 128], strides = [1, 1]} : vector<512x1024xf32> to vector<64x128xf32>
    %slice3A_1506 = vector.extract_strided_slice %dot_general3A_55 {offsets = [448, 512], sizes = [64, 128], strides = [1, 1]} : vector<512x1024xf32> to vector<64x128xf32>
    %slice3A_1507 = vector.extract_strided_slice %dot_general3A_60 {offsets = [448, 512], sizes = [64, 128], strides = [1, 1]} : vector<512x1024xf32> to vector<64x128xf32>
    %dot_general3A_1508 = arith.constant dense<0.000000e+00> : vector<64x64xf32>
    %dot_general3A_1509 = tpu.matmul %slice3A_1505, %slice3A_1506, %dot_general3A_1508 {dimension_numbers = #tpu.dot_dimension_numbers<[1], [1], [0], [0], [0, 0, 1, 0], [], []>, transpose_lhs_hint = false} : vector<64x128xf32>, vector<64x128xf32>, vector<64x64xf32> -> vector<64x64xf32>
    %mul3A_1510 = arith.constant 0.0883883461 : f32
    %mul3A_1511 = vector.broadcast %mul3A_1510 : f32 to vector<64x64xf32>
    %mul3A_1512 = arith.mulf %dot_general3A_1509, %mul3A_1511 : vector<64x64xf32>
    %jit3A_1513 = arith.constant 0xFF800000 : f32
    %broadcast_in_dim3A_1514 = vector.broadcast %jit3A_1513 : f32 to vector<64x64xf32>
    %select_n3A_1515 = arith.select %ge3A, %mul3A_1512, %broadcast_in_dim3A_1514 : vector<64x64xi1>, vector<64x64xf32>
    %reduce_max3A_1516 = arith.constant dense<0xFF800000> : vector<64xf32>
    %reduce_max3A_1517 = vector.multi_reduction <maximumf>, %select_n3A_1515, %reduce_max3A_1516 [1] : vector<64x64xf32> to vector<64xf32>
    %broadcast_in_dim3A_1518 = vector.shape_cast %reduce_max3A_1517 : vector<64xf32> to vector<64x1xf32>
    %sub3A_1519 = vector.broadcast %broadcast_in_dim3A_1518 : vector<64x1xf32> to vector<64x64xf32>
    %sub3A_1520 = arith.subf %select_n3A_1515, %sub3A_1519 : vector<64x64xf32>
    %exp3A_1521 = math.exp %sub3A_1520 : vector<64x64xf32>
    %reduce_sum3A_1522 = arith.constant dense<0.000000e+00> : vector<64xf32>
    %reduce_sum3A_1523 = vector.multi_reduction <add>, %exp3A_1521, %reduce_sum3A_1522 [1] : vector<64x64xf32> to vector<64xf32>
    %broadcast_in_dim3A_1524 = vector.shape_cast %reduce_sum3A_1523 : vector<64xf32> to vector<64x1xf32>
    %div3A_1525 = vector.broadcast %broadcast_in_dim3A_1524 : vector<64x1xf32> to vector<64x64xf32>
    %div3A_1526 = arith.divf %exp3A_1521, %div3A_1525 : vector<64x64xf32>
    %dot_general3A_1527 = arith.constant dense<0.000000e+00> : vector<64x128xf32>
    %dot_general3A_1528 = tpu.matmul %div3A_1526, %slice3A_1507, %dot_general3A_1527 {dimension_numbers = #tpu.dot_dimension_numbers<[1], [0], [0], [1], [0, 0, 1, 1], [], []>, transpose_lhs_hint = false} : vector<64x64xf32>, vector<64x128xf32>, vector<64x128xf32> -> vector<64x128xf32>
    %slice3A_1529 = vector.extract_strided_slice %dot_general3A_50 {offsets = [448, 640], sizes = [64, 128], strides = [1, 1]} : vector<512x1024xf32> to vector<64x128xf32>
    %slice3A_1530 = vector.extract_strided_slice %dot_general3A_55 {offsets = [448, 640], sizes = [64, 128], strides = [1, 1]} : vector<512x1024xf32> to vector<64x128xf32>
    %slice3A_1531 = vector.extract_strided_slice %dot_general3A_60 {offsets = [448, 640], sizes = [64, 128], strides = [1, 1]} : vector<512x1024xf32> to vector<64x128xf32>
    %dot_general3A_1532 = arith.constant dense<0.000000e+00> : vector<64x64xf32>
    %dot_general3A_1533 = tpu.matmul %slice3A_1529, %slice3A_1530, %dot_general3A_1532 {dimension_numbers = #tpu.dot_dimension_numbers<[1], [1], [0], [0], [0, 0, 1, 0], [], []>, transpose_lhs_hint = false} : vector<64x128xf32>, vector<64x128xf32>, vector<64x64xf32> -> vector<64x64xf32>
    %mul3A_1534 = arith.constant 0.0883883461 : f32
    %mul3A_1535 = vector.broadcast %mul3A_1534 : f32 to vector<64x64xf32>
    %mul3A_1536 = arith.mulf %dot_general3A_1533, %mul3A_1535 : vector<64x64xf32>
    %jit3A_1537 = arith.constant 0xFF800000 : f32
    %broadcast_in_dim3A_1538 = vector.broadcast %jit3A_1537 : f32 to vector<64x64xf32>
    %select_n3A_1539 = arith.select %ge3A, %mul3A_1536, %broadcast_in_dim3A_1538 : vector<64x64xi1>, vector<64x64xf32>
    %reduce_max3A_1540 = arith.constant dense<0xFF800000> : vector<64xf32>
    %reduce_max3A_1541 = vector.multi_reduction <maximumf>, %select_n3A_1539, %reduce_max3A_1540 [1] : vector<64x64xf32> to vector<64xf32>
    %broadcast_in_dim3A_1542 = vector.shape_cast %reduce_max3A_1541 : vector<64xf32> to vector<64x1xf32>
    %sub3A_1543 = vector.broadcast %broadcast_in_dim3A_1542 : vector<64x1xf32> to vector<64x64xf32>
    %sub3A_1544 = arith.subf %select_n3A_1539, %sub3A_1543 : vector<64x64xf32>
    %exp3A_1545 = math.exp %sub3A_1544 : vector<64x64xf32>
    %reduce_sum3A_1546 = arith.constant dense<0.000000e+00> : vector<64xf32>
    %reduce_sum3A_1547 = vector.multi_reduction <add>, %exp3A_1545, %reduce_sum3A_1546 [1] : vector<64x64xf32> to vector<64xf32>
    %broadcast_in_dim3A_1548 = vector.shape_cast %reduce_sum3A_1547 : vector<64xf32> to vector<64x1xf32>
    %div3A_1549 = vector.broadcast %broadcast_in_dim3A_1548 : vector<64x1xf32> to vector<64x64xf32>
    %div3A_1550 = arith.divf %exp3A_1545, %div3A_1549 : vector<64x64xf32>
    %dot_general3A_1551 = arith.constant dense<0.000000e+00> : vector<64x128xf32>
    %dot_general3A_1552 = tpu.matmul %div3A_1550, %slice3A_1531, %dot_general3A_1551 {dimension_numbers = #tpu.dot_dimension_numbers<[1], [0], [0], [1], [0, 0, 1, 1], [], []>, transpose_lhs_hint = false} : vector<64x64xf32>, vector<64x128xf32>, vector<64x128xf32> -> vector<64x128xf32>
    %slice3A_1553 = vector.extract_strided_slice %dot_general3A_50 {offsets = [448, 768], sizes = [64, 128], strides = [1, 1]} : vector<512x1024xf32> to vector<64x128xf32>
    %slice3A_1554 = vector.extract_strided_slice %dot_general3A_55 {offsets = [448, 768], sizes = [64, 128], strides = [1, 1]} : vector<512x1024xf32> to vector<64x128xf32>
    %slice3A_1555 = vector.extract_strided_slice %dot_general3A_60 {offsets = [448, 768], sizes = [64, 128], strides = [1, 1]} : vector<512x1024xf32> to vector<64x128xf32>
    %dot_general3A_1556 = arith.constant dense<0.000000e+00> : vector<64x64xf32>
    %dot_general3A_1557 = tpu.matmul %slice3A_1553, %slice3A_1554, %dot_general3A_1556 {dimension_numbers = #tpu.dot_dimension_numbers<[1], [1], [0], [0], [0, 0, 1, 0], [], []>, transpose_lhs_hint = false} : vector<64x128xf32>, vector<64x128xf32>, vector<64x64xf32> -> vector<64x64xf32>
    %mul3A_1558 = arith.constant 0.0883883461 : f32
    %mul3A_1559 = vector.broadcast %mul3A_1558 : f32 to vector<64x64xf32>
    %mul3A_1560 = arith.mulf %dot_general3A_1557, %mul3A_1559 : vector<64x64xf32>
    %jit3A_1561 = arith.constant 0xFF800000 : f32
    %broadcast_in_dim3A_1562 = vector.broadcast %jit3A_1561 : f32 to vector<64x64xf32>
    %select_n3A_1563 = arith.select %ge3A, %mul3A_1560, %broadcast_in_dim3A_1562 : vector<64x64xi1>, vector<64x64xf32>
    %reduce_max3A_1564 = arith.constant dense<0xFF800000> : vector<64xf32>
    %reduce_max3A_1565 = vector.multi_reduction <maximumf>, %select_n3A_1563, %reduce_max3A_1564 [1] : vector<64x64xf32> to vector<64xf32>
    %broadcast_in_dim3A_1566 = vector.shape_cast %reduce_max3A_1565 : vector<64xf32> to vector<64x1xf32>
    %sub3A_1567 = vector.broadcast %broadcast_in_dim3A_1566 : vector<64x1xf32> to vector<64x64xf32>
    %sub3A_1568 = arith.subf %select_n3A_1563, %sub3A_1567 : vector<64x64xf32>
    %exp3A_1569 = math.exp %sub3A_1568 : vector<64x64xf32>
    %reduce_sum3A_1570 = arith.constant dense<0.000000e+00> : vector<64xf32>
    %reduce_sum3A_1571 = vector.multi_reduction <add>, %exp3A_1569, %reduce_sum3A_1570 [1] : vector<64x64xf32> to vector<64xf32>
    %broadcast_in_dim3A_1572 = vector.shape_cast %reduce_sum3A_1571 : vector<64xf32> to vector<64x1xf32>
    %div3A_1573 = vector.broadcast %broadcast_in_dim3A_1572 : vector<64x1xf32> to vector<64x64xf32>
    %div3A_1574 = arith.divf %exp3A_1569, %div3A_1573 : vector<64x64xf32>
    %dot_general3A_1575 = arith.constant dense<0.000000e+00> : vector<64x128xf32>
    %dot_general3A_1576 = tpu.matmul %div3A_1574, %slice3A_1555, %dot_general3A_1575 {dimension_numbers = #tpu.dot_dimension_numbers<[1], [0], [0], [1], [0, 0, 1, 1], [], []>, transpose_lhs_hint = false} : vector<64x64xf32>, vector<64x128xf32>, vector<64x128xf32> -> vector<64x128xf32>
    %slice3A_1577 = vector.extract_strided_slice %dot_general3A_50 {offsets = [448, 896], sizes = [64, 128], strides = [1, 1]} : vector<512x1024xf32> to vector<64x128xf32>
    %slice3A_1578 = vector.extract_strided_slice %dot_general3A_55 {offsets = [448, 896], sizes = [64, 128], strides = [1, 1]} : vector<512x1024xf32> to vector<64x128xf32>
    %slice3A_1579 = vector.extract_strided_slice %dot_general3A_60 {offsets = [448, 896], sizes = [64, 128], strides = [1, 1]} : vector<512x1024xf32> to vector<64x128xf32>
    %dot_general3A_1580 = arith.constant dense<0.000000e+00> : vector<64x64xf32>
    %dot_general3A_1581 = tpu.matmul %slice3A_1577, %slice3A_1578, %dot_general3A_1580 {dimension_numbers = #tpu.dot_dimension_numbers<[1], [1], [0], [0], [0, 0, 1, 0], [], []>, transpose_lhs_hint = false} : vector<64x128xf32>, vector<64x128xf32>, vector<64x64xf32> -> vector<64x64xf32>
    %mul3A_1582 = arith.constant 0.0883883461 : f32
    %mul3A_1583 = vector.broadcast %mul3A_1582 : f32 to vector<64x64xf32>
    %mul3A_1584 = arith.mulf %dot_general3A_1581, %mul3A_1583 : vector<64x64xf32>
    %jit3A_1585 = arith.constant 0xFF800000 : f32
    %broadcast_in_dim3A_1586 = vector.broadcast %jit3A_1585 : f32 to vector<64x64xf32>
    %select_n3A_1587 = arith.select %ge3A, %mul3A_1584, %broadcast_in_dim3A_1586 : vector<64x64xi1>, vector<64x64xf32>
    %reduce_max3A_1588 = arith.constant dense<0xFF800000> : vector<64xf32>
    %reduce_max3A_1589 = vector.multi_reduction <maximumf>, %select_n3A_1587, %reduce_max3A_1588 [1] : vector<64x64xf32> to vector<64xf32>
    %broadcast_in_dim3A_1590 = vector.shape_cast %reduce_max3A_1589 : vector<64xf32> to vector<64x1xf32>
    %sub3A_1591 = vector.broadcast %broadcast_in_dim3A_1590 : vector<64x1xf32> to vector<64x64xf32>
    %sub3A_1592 = arith.subf %select_n3A_1587, %sub3A_1591 : vector<64x64xf32>
    %exp3A_1593 = math.exp %sub3A_1592 : vector<64x64xf32>
    %reduce_sum3A_1594 = arith.constant dense<0.000000e+00> : vector<64xf32>
    %reduce_sum3A_1595 = vector.multi_reduction <add>, %exp3A_1593, %reduce_sum3A_1594 [1] : vector<64x64xf32> to vector<64xf32>
    %broadcast_in_dim3A_1596 = vector.shape_cast %reduce_sum3A_1595 : vector<64xf32> to vector<64x1xf32>
    %div3A_1597 = vector.broadcast %broadcast_in_dim3A_1596 : vector<64x1xf32> to vector<64x64xf32>
    %div3A_1598 = arith.divf %exp3A_1593, %div3A_1597 : vector<64x64xf32>
    %dot_general3A_1599 = arith.constant dense<0.000000e+00> : vector<64x128xf32>
    %dot_general3A_1600 = tpu.matmul %div3A_1598, %slice3A_1579, %dot_general3A_1599 {dimension_numbers = #tpu.dot_dimension_numbers<[1], [0], [0], [1], [0, 0, 1, 1], [], []>, transpose_lhs_hint = false} : vector<64x64xf32>, vector<64x128xf32>, vector<64x128xf32> -> vector<64x128xf32>
    %concatenate3A_1601 = tpu.concatenate %dot_general3A_1432, %dot_general3A_1456, %dot_general3A_1480, %dot_general3A_1504, %dot_general3A_1528, %dot_general3A_1552, %dot_general3A_1576, %dot_general3A_1600 in 1 : vector<64x128xf32>, vector<64x128xf32>, vector<64x128xf32>, vector<64x128xf32>, vector<64x128xf32>, vector<64x128xf32>, vector<64x128xf32>, vector<64x128xf32> -> vector<64x1024xf32>
    %concatenate3A_1602 = tpu.concatenate %concatenate3A, %concatenate3A_443, %concatenate3A_636, %concatenate3A_829, %concatenate3A_1022, %concatenate3A_1215, %concatenate3A_1408, %concatenate3A_1601 in 0 : vector<64x1024xf32>, vector<64x1024xf32>, vector<64x1024xf32>, vector<64x1024xf32>, vector<64x1024xf32>, vector<64x1024xf32>, vector<64x1024xf32>, vector<64x1024xf32> -> vector<512x1024xf32>
    %get3A_1603 = arith.constant 0 : index
    %get3A_1604 = arith.constant 0 : index
    %get3A_1605 = vector.load %arg6[%get3A_1603, %get3A_1604] : memref<1024x1024xf32, #tpu.memory_space<vmem>>, vector<1024x1024xf32>
    %dot_general3A_1606 = arith.constant dense<0.000000e+00> : vector<512x1024xf32>
    %dot_general3A_1607 = tpu.matmul %concatenate3A_1602, %get3A_1605, %dot_general3A_1606 {dimension_numbers = #tpu.dot_dimension_numbers<[1], [0], [0], [1], [0, 0, 1, 1], [], []>, transpose_lhs_hint = false} : vector<512x1024xf32>, vector<1024x1024xf32>, vector<512x1024xf32> -> vector<512x1024xf32>
    %add3A_1608 = arith.addf %add3A_9, %dot_general3A_1607 : vector<512x1024xf32>
    %get3A_1609 = arith.constant 0 : index
    %get3A_1610 = arith.constant 0 : index
    %get3A_1611 = vector.load %arg7[%get3A_1609, %get3A_1610] : memref<1x1024xf32, #tpu.memory_space<vmem>>, vector<1x1024xf32>
    %add3A_1612 = vector.broadcast %get3A_1611 : vector<1x1024xf32> to vector<512x1024xf32>
    %add3A_1613 = arith.addf %add3A_1608, %add3A_1612 : vector<512x1024xf32>
    %get3A_1614 = arith.constant 0 : index
    %get3A_1615 = arith.constant 0 : index
    %get3A_1616 = vector.load %arg8[%get3A_1614, %get3A_1615] : memref<512x1024xf32, #tpu.memory_space<vmem>>, vector<512x1024xf32>
    %add3A_1617 = arith.addf %add3A_1613, %get3A_1616 : vector<512x1024xf32>
    %get3A_1618 = arith.constant 0 : index
    %get3A_1619 = arith.constant 0 : index
    %get3A_1620 = vector.load %arg11[%get3A_1618, %get3A_1619] : memref<1x1024xf32, #tpu.memory_space<vmem>>, vector<1x1024xf32>
    %get3A_1621 = arith.constant 0 : index
    %get3A_1622 = arith.constant 0 : index
    %get3A_1623 = vector.load %arg12[%get3A_1621, %get3A_1622] : memref<1x1024xf32, #tpu.memory_space<vmem>>, vector<1x1024xf32>
    %reduce_sum3A_1624 = arith.constant dense<0.000000e+00> : vector<512xf32>
    %reduce_sum3A_1625 = vector.multi_reduction <add>, %add3A_1617, %reduce_sum3A_1624 [1] : vector<512x1024xf32> to vector<512xf32>
    %broadcast_in_dim3A_1626 = vector.shape_cast %reduce_sum3A_1625 : vector<512xf32> to vector<512x1xf32>
    %div3A_1627 = arith.constant 1.024000e+03 : f32
    %div3A_1628 = vector.broadcast %div3A_1627 : f32 to vector<512x1xf32>
    %div3A_1629 = arith.divf %broadcast_in_dim3A_1626, %div3A_1628 : vector<512x1xf32>
    %jit3A_1630 = arith.constant 0 : i32
    %reduce_sum3A_1631 = arith.constant dense<0.000000e+00> : vector<512xf32>
    %reduce_sum3A_1632 = vector.multi_reduction <add>, %add3A_1617, %reduce_sum3A_1631 [1] : vector<512x1024xf32> to vector<512xf32>
    %broadcast_in_dim3A_1633 = vector.shape_cast %reduce_sum3A_1632 : vector<512xf32> to vector<512x1xf32>
    %div3A_1634 = arith.constant 1.024000e+03 : f32
    %div3A_1635 = vector.broadcast %div3A_1634 : f32 to vector<512x1xf32>
    %div3A_1636 = arith.divf %broadcast_in_dim3A_1633, %div3A_1635 : vector<512x1xf32>
    %sub3A_1637 = vector.broadcast %div3A_1636 : vector<512x1xf32> to vector<512x1024xf32>
    %sub3A_1638 = arith.subf %add3A_1617, %sub3A_1637 : vector<512x1024xf32>
    %square3A_1639 = arith.mulf %sub3A_1638, %sub3A_1638 : vector<512x1024xf32>
    %convert_element_type3A_1640 = arith.sitofp %jit3A_1630 : i32 to f32
    %sub3A_1641 = arith.constant 1.024000e+03 : f32
    %sub3A_1642 = arith.subf %sub3A_1641, %convert_element_type3A_1640 : f32
    %reduce_sum3A_1643 = arith.constant dense<0.000000e+00> : vector<512xf32>
    %reduce_sum3A_1644 = vector.multi_reduction <add>, %square3A_1639, %reduce_sum3A_1643 [1] : vector<512x1024xf32> to vector<512xf32>
    %broadcast_in_dim3A_1645 = vector.shape_cast %reduce_sum3A_1644 : vector<512xf32> to vector<512x1xf32>
    %div3A_1646 = vector.broadcast %sub3A_1642 : f32 to vector<512x1xf32>
    %div3A_1647 = arith.divf %broadcast_in_dim3A_1645, %div3A_1646 : vector<512x1xf32>
    %gt3A_1648 = arith.constant 0.000000e+00 : f32
    %gt3A_1649 = arith.cmpf ogt, %sub3A_1642, %gt3A_1648 : f32
    %jit3A_1650 = arith.constant 0x7FC00000 : f32
    %broadcast_in_dim3A_1651 = vector.broadcast %jit3A_1650 : f32 to vector<512x1xf32>
    %select_n3A_1652 = arith.select %gt3A_1649, %div3A_1647, %broadcast_in_dim3A_1651 : vector<512x1xf32>
    %sub3A_1653 = vector.broadcast %div3A_1629 : vector<512x1xf32> to vector<512x1024xf32>
    %sub3A_1654 = arith.subf %add3A_1617, %sub3A_1653 : vector<512x1024xf32>
    %add3A_1655 = arith.constant 9.99999974E-6 : f32
    %add3A_1656 = vector.broadcast %add3A_1655 : f32 to vector<512x1xf32>
    %add3A_1657 = arith.addf %select_n3A_1652, %add3A_1656 : vector<512x1xf32>
    %sqrt3A_1658 = math.sqrt %add3A_1657 : vector<512x1xf32>
    %div3A_1659 = vector.broadcast %sqrt3A_1658 : vector<512x1xf32> to vector<512x1024xf32>
    %div3A_1660 = arith.divf %sub3A_1654, %div3A_1659 : vector<512x1024xf32>
    %mul3A_1661 = vector.broadcast %get3A_1620 : vector<1x1024xf32> to vector<512x1024xf32>
    %mul3A_1662 = arith.mulf %div3A_1660, %mul3A_1661 : vector<512x1024xf32>
    %add3A_1663 = vector.broadcast %get3A_1623 : vector<1x1024xf32> to vector<512x1024xf32>
    %add3A_1664 = arith.addf %mul3A_1662, %add3A_1663 : vector<512x1024xf32>
    %get3A_1665 = arith.constant 0 : index
    %get3A_1666 = arith.constant 0 : index
    %get3A_1667 = vector.load %arg13[%get3A_1665, %get3A_1666] : memref<1x1024xf32, #tpu.memory_space<vmem>>, vector<1x1024xf32>
    %get3A_1668 = arith.constant 0 : index
    %get3A_1669 = arith.constant 0 : index
    %get3A_1670 = vector.load %arg14[%get3A_1668, %get3A_1669] : memref<1x1024xf32, #tpu.memory_space<vmem>>, vector<1x1024xf32>
    %reduce_sum3A_1671 = arith.constant dense<0.000000e+00> : vector<512xf32>
    %reduce_sum3A_1672 = vector.multi_reduction <add>, %add3A_1617, %reduce_sum3A_1671 [1] : vector<512x1024xf32> to vector<512xf32>
    %broadcast_in_dim3A_1673 = vector.shape_cast %reduce_sum3A_1672 : vector<512xf32> to vector<512x1xf32>
    %div3A_1674 = arith.constant 1.024000e+03 : f32
    %div3A_1675 = vector.broadcast %div3A_1674 : f32 to vector<512x1xf32>
    %div3A_1676 = arith.divf %broadcast_in_dim3A_1673, %div3A_1675 : vector<512x1xf32>
    %jit3A_1677 = arith.constant 0 : i32
    %reduce_sum3A_1678 = arith.constant dense<0.000000e+00> : vector<512xf32>
    %reduce_sum3A_1679 = vector.multi_reduction <add>, %add3A_1617, %reduce_sum3A_1678 [1] : vector<512x1024xf32> to vector<512xf32>
    %broadcast_in_dim3A_1680 = vector.shape_cast %reduce_sum3A_1679 : vector<512xf32> to vector<512x1xf32>
    %div3A_1681 = arith.constant 1.024000e+03 : f32
    %div3A_1682 = vector.broadcast %div3A_1681 : f32 to vector<512x1xf32>
    %div3A_1683 = arith.divf %broadcast_in_dim3A_1680, %div3A_1682 : vector<512x1xf32>
    %sub3A_1684 = vector.broadcast %div3A_1683 : vector<512x1xf32> to vector<512x1024xf32>
    %sub3A_1685 = arith.subf %add3A_1617, %sub3A_1684 : vector<512x1024xf32>
    %square3A_1686 = arith.mulf %sub3A_1685, %sub3A_1685 : vector<512x1024xf32>
    %convert_element_type3A_1687 = arith.sitofp %jit3A_1677 : i32 to f32
    %sub3A_1688 = arith.constant 1.024000e+03 : f32
    %sub3A_1689 = arith.subf %sub3A_1688, %convert_element_type3A_1687 : f32
    %reduce_sum3A_1690 = arith.constant dense<0.000000e+00> : vector<512xf32>
    %reduce_sum3A_1691 = vector.multi_reduction <add>, %square3A_1686, %reduce_sum3A_1690 [1] : vector<512x1024xf32> to vector<512xf32>
    %broadcast_in_dim3A_1692 = vector.shape_cast %reduce_sum3A_1691 : vector<512xf32> to vector<512x1xf32>
    %div3A_1693 = vector.broadcast %sub3A_1689 : f32 to vector<512x1xf32>
    %div3A_1694 = arith.divf %broadcast_in_dim3A_1692, %div3A_1693 : vector<512x1xf32>
    %gt3A_1695 = arith.constant 0.000000e+00 : f32
    %gt3A_1696 = arith.cmpf ogt, %sub3A_1689, %gt3A_1695 : f32
    %jit3A_1697 = arith.constant 0x7FC00000 : f32
    %broadcast_in_dim3A_1698 = vector.broadcast %jit3A_1697 : f32 to vector<512x1xf32>
    %select_n3A_1699 = arith.select %gt3A_1696, %div3A_1694, %broadcast_in_dim3A_1698 : vector<512x1xf32>
    %sub3A_1700 = vector.broadcast %div3A_1676 : vector<512x1xf32> to vector<512x1024xf32>
    %sub3A_1701 = arith.subf %add3A_1617, %sub3A_1700 : vector<512x1024xf32>
    %add3A_1702 = arith.constant 9.99999974E-6 : f32
    %add3A_1703 = vector.broadcast %add3A_1702 : f32 to vector<512x1xf32>
    %add3A_1704 = arith.addf %select_n3A_1699, %add3A_1703 : vector<512x1xf32>
    %sqrt3A_1705 = math.sqrt %add3A_1704 : vector<512x1xf32>
    %div3A_1706 = vector.broadcast %sqrt3A_1705 : vector<512x1xf32> to vector<512x1024xf32>
    %div3A_1707 = arith.divf %sub3A_1701, %div3A_1706 : vector<512x1024xf32>
    %mul3A_1708 = vector.broadcast %get3A_1667 : vector<1x1024xf32> to vector<512x1024xf32>
    %mul3A_1709 = arith.mulf %div3A_1707, %mul3A_1708 : vector<512x1024xf32>
    %add3A_1710 = vector.broadcast %get3A_1670 : vector<1x1024xf32> to vector<512x1024xf32>
    %add3A_1711 = arith.addf %mul3A_1709, %add3A_1710 : vector<512x1024xf32>
    %get3A_1712 = arith.constant 0 : index
    %get3A_1713 = arith.constant 0 : index
    %get3A_1714 = vector.load %arg15[%get3A_1712, %get3A_1713] : memref<1024x8xf32, #tpu.memory_space<vmem>>, vector<1024x8xf32>
    %dot_general3A_1715 = arith.constant dense<0.000000e+00> : vector<512x8xf32>
    %dot_general3A_1716 = tpu.matmul %add3A_1664, %get3A_1714, %dot_general3A_1715 {dimension_numbers = #tpu.dot_dimension_numbers<[1], [0], [0], [1], [0, 0, 1, 1], [], []>, transpose_lhs_hint = false} : vector<512x1024xf32>, vector<1024x8xf32>, vector<512x8xf32> -> vector<512x8xf32>
    %get3A_1717 = arith.constant 0 : index
    %get3A_1718 = arith.constant 0 : index
    %get3A_1719 = vector.load %arg16[%get3A_1717, %get3A_1718] : memref<1x8xf32, #tpu.memory_space<vmem>>, vector<1x8xf32>
    %add3A_1720 = vector.broadcast %get3A_1719 : vector<1x8xf32> to vector<512x8xf32>
    %add3A_1721 = arith.addf %dot_general3A_1716, %add3A_1720 : vector<512x8xf32>
    %get3A_1722 = arith.constant 0 : index
    %get3A_1723 = arith.constant 0 : index
    %get3A_1724 = vector.load %arg17[%get3A_1722, %get3A_1723] : memref<1024x8xf32, #tpu.memory_space<vmem>>, vector<1024x8xf32>
    %dot_general3A_1725 = arith.constant dense<0.000000e+00> : vector<512x8xf32>
    %dot_general3A_1726 = tpu.matmul %add3A_1711, %get3A_1724, %dot_general3A_1725 {dimension_numbers = #tpu.dot_dimension_numbers<[1], [0], [0], [1], [0, 0, 1, 1], [], []>, transpose_lhs_hint = false} : vector<512x1024xf32>, vector<1024x8xf32>, vector<512x8xf32> -> vector<512x8xf32>
    %get3A_1727 = arith.constant 0 : index
    %get3A_1728 = arith.constant 0 : index
    %get3A_1729 = vector.load %arg18[%get3A_1727, %get3A_1728] : memref<1x8xf32, #tpu.memory_space<vmem>>, vector<1x8xf32>
    %add3A_1730 = vector.broadcast %get3A_1729 : vector<1x8xf32> to vector<512x8xf32>
    %add3A_1731 = arith.addf %dot_general3A_1726, %add3A_1730 : vector<512x8xf32>
    %iota3A_1732 = tpu.iota {dimensions = array<i32: 0>} : vector<512x512xi32>
    %iota3A_1733 = tpu.iota {dimensions = array<i32: 1>} : vector<512x512xi32>
    %gt3A_1734 = arith.cmpi sgt, %iota3A_1732, %iota3A_1733 : vector<512x512xi32>
    %convert_element_type3A_1735 = arith.extui %gt3A_1734 : vector<512x512xi1> to vector<512x512xi32>
    %convert_element_type3A_1736 = arith.sitofp %convert_element_type3A_1735 : vector<512x512xi32> to vector<512x512xf32>
    %iota3A_1737 = tpu.iota {dimensions = array<i32: 0>} : vector<8x8xi32>
    %iota3A_1738 = tpu.iota {dimensions = array<i32: 1>} : vector<8x8xi32>
    %lt3A = arith.cmpi slt, %iota3A_1737, %iota3A_1738 : vector<8x8xi32>
    %convert_element_type3A_1739 = arith.extui %lt3A : vector<8x8xi1> to vector<8x8xi32>
    %convert_element_type3A_1740 = arith.sitofp %convert_element_type3A_1739 : vector<8x8xi32> to vector<8x8xf32>
    %iota3A_1741 = tpu.iota {dimensions = array<i32: 0>} : vector<16x1xi32>
    %convert_element_type3A_1742 = arith.sitofp %iota3A_1741 : vector<16x1xi32> to vector<16x1xf32>
    %iota3A_1743 = tpu.iota {dimensions = array<i32: 1>} : vector<512x8xi32>
    %reduce_max3A_1744 = arith.constant dense<0xFF800000> : vector<512xf32>
    %reduce_max3A_1745 = vector.multi_reduction <maximumf>, %add3A_1721, %reduce_max3A_1744 [1] : vector<512x8xf32> to vector<512xf32>
    %broadcast_in_dim3A_1746 = vector.shape_cast %reduce_max3A_1745 : vector<512xf32> to vector<512x1xf32>
    %eq3A = vector.broadcast %broadcast_in_dim3A_1746 : vector<512x1xf32> to vector<512x8xf32>
    %eq3A_1747 = arith.cmpf oeq, %add3A_1721, %eq3A : vector<512x8xf32>
    %jit3A_1748 = arith.constant 999 : i32
    %broadcast_in_dim3A_1749 = vector.broadcast %jit3A_1748 : i32 to vector<512x8xi32>
    %select_n3A_1750 = arith.select %eq3A_1747, %iota3A_1743, %broadcast_in_dim3A_1749 : vector<512x8xi1>, vector<512x8xi32>
    %reduce_min3A = arith.constant dense<2147483647> : vector<512xi32>
    %reduce_min3A_1751 = vector.multi_reduction <minsi>, %select_n3A_1750, %reduce_min3A [1] : vector<512x8xi32> to vector<512xi32>
    %broadcast_in_dim3A_1752 = vector.shape_cast %reduce_min3A_1751 : vector<512xi32> to vector<512x1xi32>
    %eq3A_1753 = vector.broadcast %broadcast_in_dim3A_1752 : vector<512x1xi32> to vector<512x8xi32>
    %eq3A_1754 = arith.cmpi eq, %iota3A_1743, %eq3A_1753 : vector<512x8xi32>
    %convert_element_type3A_1755 = arith.extui %eq3A_1754 : vector<512x8xi1> to vector<512x8xi32>
    %convert_element_type3A_1756 = arith.sitofp %convert_element_type3A_1755 : vector<512x8xi32> to vector<512x8xf32>
    %gt3A_1757 = arith.constant 0.000000e+00 : f32
    %gt3A_1758 = vector.broadcast %gt3A_1757 : f32 to vector<512x8xf32>
    %gt3A_1759 = arith.cmpf ogt, %convert_element_type3A_1756, %gt3A_1758 : vector<512x8xf32>
    %jit3A_1760 = arith.constant 0xFF800000 : f32
    %broadcast_in_dim3A_1761 = vector.broadcast %jit3A_1760 : f32 to vector<512x8xf32>
    %select_n3A_1762 = arith.select %gt3A_1759, %broadcast_in_dim3A_1761, %add3A_1721 : vector<512x8xi1>, vector<512x8xf32>
    %reduce_max3A_1763 = arith.constant dense<0xFF800000> : vector<512xf32>
    %reduce_max3A_1764 = vector.multi_reduction <maximumf>, %select_n3A_1762, %reduce_max3A_1763 [1] : vector<512x8xf32> to vector<512xf32>
    %broadcast_in_dim3A_1765 = vector.shape_cast %reduce_max3A_1764 : vector<512xf32> to vector<512x1xf32>
    %eq3A_1766 = vector.broadcast %broadcast_in_dim3A_1765 : vector<512x1xf32> to vector<512x8xf32>
    %eq3A_1767 = arith.cmpf oeq, %select_n3A_1762, %eq3A_1766 : vector<512x8xf32>
    %jit3A_1768 = arith.constant 999 : i32
    %broadcast_in_dim3A_1769 = vector.broadcast %jit3A_1768 : i32 to vector<512x8xi32>
    %select_n3A_1770 = arith.select %eq3A_1767, %iota3A_1743, %broadcast_in_dim3A_1769 : vector<512x8xi1>, vector<512x8xi32>
    %reduce_min3A_1771 = arith.constant dense<2147483647> : vector<512xi32>
    %reduce_min3A_1772 = vector.multi_reduction <minsi>, %select_n3A_1770, %reduce_min3A_1771 [1] : vector<512x8xi32> to vector<512xi32>
    %broadcast_in_dim3A_1773 = vector.shape_cast %reduce_min3A_1772 : vector<512xi32> to vector<512x1xi32>
    %eq3A_1774 = vector.broadcast %broadcast_in_dim3A_1773 : vector<512x1xi32> to vector<512x8xi32>
    %eq3A_1775 = arith.cmpi eq, %iota3A_1743, %eq3A_1774 : vector<512x8xi32>
    %convert_element_type3A_1776 = arith.extui %eq3A_1775 : vector<512x8xi1> to vector<512x8xi32>
    %convert_element_type3A_1777 = arith.sitofp %convert_element_type3A_1776 : vector<512x8xi32> to vector<512x8xf32>
    %add3A_1778 = arith.addf %convert_element_type3A_1756, %convert_element_type3A_1777 : vector<512x8xf32>
    %sub3A_1779 = vector.broadcast %broadcast_in_dim3A_1746 : vector<512x1xf32> to vector<512x8xf32>
    %sub3A_1780 = arith.subf %add3A_1721, %sub3A_1779 : vector<512x8xf32>
    %exp3A_1781 = math.exp %sub3A_1780 : vector<512x8xf32>
    %mul3A_1782 = arith.mulf %exp3A_1781, %add3A_1778 : vector<512x8xf32>
    %reduce_sum3A_1783 = arith.constant dense<0.000000e+00> : vector<512xf32>
    %reduce_sum3A_1784 = vector.multi_reduction <add>, %mul3A_1782, %reduce_sum3A_1783 [1] : vector<512x8xf32> to vector<512xf32>
    %broadcast_in_dim3A_1785 = vector.shape_cast %reduce_sum3A_1784 : vector<512xf32> to vector<512x1xf32>
    %div3A_1786 = vector.broadcast %broadcast_in_dim3A_1785 : vector<512x1xf32> to vector<512x8xf32>
    %div3A_1787 = arith.divf %mul3A_1782, %div3A_1786 : vector<512x8xf32>
    %add3A_1788 = arith.addf %convert_element_type3A_1756, %convert_element_type3A_1777 : vector<512x8xf32>
    %dot_general3A_1789 = arith.constant dense<0.000000e+00> : vector<512x8xf32>
    %dot_general3A_1790 = tpu.matmul %convert_element_type3A_1736, %add3A_1788, %dot_general3A_1789 {dimension_numbers = #tpu.dot_dimension_numbers<[1], [0], [0], [1], [0, 0, 1, 1], [], []>, transpose_lhs_hint = false} : vector<512x512xf32>, vector<512x8xf32>, vector<512x8xf32> -> vector<512x8xf32>
    %reduce_sum3A_1791 = arith.constant dense<0.000000e+00> : vector<8xf32>
    %reduce_sum3A_1792 = vector.multi_reduction <add>, %add3A_1788, %reduce_sum3A_1791 [0] : vector<512x8xf32> to vector<8xf32>
    %broadcast_in_dim3A_1793 = vector.shape_cast %reduce_sum3A_1792 : vector<8xf32> to vector<1x8xf32>
    %add3A_1794 = arith.constant 1.270000e+02 : f32
    %add3A_1795 = vector.broadcast %add3A_1794 : f32 to vector<1x8xf32>
    %add3A_1796 = arith.addf %broadcast_in_dim3A_1793, %add3A_1795 : vector<1x8xf32>
    %div3A_1797 = arith.constant 1.280000e+02 : f32
    %div3A_1798 = vector.broadcast %div3A_1797 : f32 to vector<1x8xf32>
    %div3A_1799 = arith.divf %add3A_1796, %div3A_1798 : vector<1x8xf32>
    %floor3A = math.floor %div3A_1799 : vector<1x8xf32>
    %mul3A_1800 = arith.constant 1.280000e+02 : f32
    %mul3A_1801 = vector.broadcast %mul3A_1800 : f32 to vector<1x8xf32>
    %mul3A_1802 = arith.mulf %floor3A, %mul3A_1801 : vector<1x8xf32>
    %dot_general3A_1803 = arith.constant dense<0.000000e+00> : vector<1x8xf32>
    %dot_general3A_1804 = tpu.matmul %mul3A_1802, %convert_element_type3A_1740, %dot_general3A_1803 {dimension_numbers = #tpu.dot_dimension_numbers<[1], [0], [0], [1], [0, 0, 1, 1], [], []>, transpose_lhs_hint = false} : vector<1x8xf32>, vector<8x8xf32>, vector<1x8xf32> -> vector<1x8xf32>
    %add3A_1805 = arith.addf %dot_general3A_1804, %mul3A_1802 : vector<1x8xf32>
    %reduce_sum3A_1806 = arith.constant dense<0.000000e+00> : vector<1xf32>
    %reduce_sum3A_1807 = vector.multi_reduction <add>, %mul3A_1802, %reduce_sum3A_1806 [1] : vector<1x8xf32> to vector<1xf32>
    %broadcast_in_dim3A_1808 = vector.shape_cast %reduce_sum3A_1807 : vector<1xf32> to vector<1x1xf32>
    %add3A_1809 = vector.broadcast %dot_general3A_1804 : vector<1x8xf32> to vector<512x8xf32>
    %add3A_1810 = arith.addf %add3A_1809, %dot_general3A_1790 : vector<512x8xf32>
    %mul3A_1811 = arith.mulf %convert_element_type3A_1756, %add3A_1810 : vector<512x8xf32>
    %reduce_sum3A_1812 = arith.constant dense<0.000000e+00> : vector<512xf32>
    %reduce_sum3A_1813 = vector.multi_reduction <add>, %mul3A_1811, %reduce_sum3A_1812 [1] : vector<512x8xf32> to vector<512xf32>
    %broadcast_in_dim3A_1814 = vector.shape_cast %reduce_sum3A_1813 : vector<512xf32> to vector<512x1xf32>
    %mul3A_1815 = arith.mulf %convert_element_type3A_1777, %add3A_1810 : vector<512x8xf32>
    %reduce_sum3A_1816 = arith.constant dense<0.000000e+00> : vector<512xf32>
    %reduce_sum3A_1817 = vector.multi_reduction <add>, %mul3A_1815, %reduce_sum3A_1816 [1] : vector<512x8xf32> to vector<512xf32>
    %broadcast_in_dim3A_1818 = vector.shape_cast %reduce_sum3A_1817 : vector<512xf32> to vector<512x1xf32>
    %mul3A_1819 = arith.mulf %convert_element_type3A_1756, %div3A_1787 : vector<512x8xf32>
    %reduce_sum3A_1820 = arith.constant dense<0.000000e+00> : vector<512xf32>
    %reduce_sum3A_1821 = vector.multi_reduction <add>, %mul3A_1819, %reduce_sum3A_1820 [1] : vector<512x8xf32> to vector<512xf32>
    %broadcast_in_dim3A_1822 = vector.shape_cast %reduce_sum3A_1821 : vector<512xf32> to vector<512x1xf32>
    %mul3A_1823 = arith.mulf %convert_element_type3A_1777, %div3A_1787 : vector<512x8xf32>
    %reduce_sum3A_1824 = arith.constant dense<0.000000e+00> : vector<512xf32>
    %reduce_sum3A_1825 = vector.multi_reduction <add>, %mul3A_1823, %reduce_sum3A_1824 [1] : vector<512x8xf32> to vector<512xf32>
    %broadcast_in_dim3A_1826 = vector.shape_cast %reduce_sum3A_1825 : vector<512xf32> to vector<512x1xf32>
    %mul3A_1827 = arith.constant 2.048000e+03 : f32
    %mul3A_1828 = vector.broadcast %mul3A_1827 : f32 to vector<512x1xf32>
    %mul3A_1829 = arith.mulf %mul3A_1828, %broadcast_in_dim3A_1818 : vector<512x1xf32>
    %add3A_1830 = arith.addf %broadcast_in_dim3A_1814, %mul3A_1829 : vector<512x1xf32>
    %concatenate3A_1831 = tpu.concatenate %broadcast_in_dim3A_1822, %broadcast_in_dim3A_1826 in 0 : vector<512x1xf32>, vector<512x1xf32> -> vector<1024x1xf32>
    %mul3A_1832 = arith.constant 1.280000e+02 : f32
    %mul3A_1833 = vector.broadcast %mul3A_1832 : f32 to vector<16x1xf32>
    %mul3A_1834 = arith.mulf %mul3A_1833, %convert_element_type3A_1742 : vector<16x1xf32>
    %ge3A_1835 = vector.broadcast %mul3A_1834 : vector<16x1xf32> to vector<16x8xf32>
    %ge3A_1836 = vector.broadcast %add3A_1805 : vector<1x8xf32> to vector<16x8xf32>
    %ge3A_1837 = arith.cmpf oge, %ge3A_1835, %ge3A_1836 : vector<16x8xf32>
    %convert_element_type3A_1838 = arith.extui %ge3A_1837 : vector<16x8xi1> to vector<16x8xi32>
    %convert_element_type3A_1839 = arith.sitofp %convert_element_type3A_1838 : vector<16x8xi32> to vector<16x8xf32>
    %reduce_sum3A_1840 = arith.constant dense<0.000000e+00> : vector<16xf32>
    %reduce_sum3A_1841 = vector.multi_reduction <add>, %convert_element_type3A_1839, %reduce_sum3A_1840 [1] : vector<16x8xf32> to vector<16xf32>
    %broadcast_in_dim3A_1842 = vector.shape_cast %reduce_sum3A_1841 : vector<16xf32> to vector<16x1xf32>
    %sub3A_1843 = arith.constant 1.280000e+02 : f32
    %sub3A_1844 = vector.broadcast %sub3A_1843 : f32 to vector<1x1xf32>
    %sub3A_1845 = arith.subf %broadcast_in_dim3A_1808, %sub3A_1844 : vector<1x1xf32>
    %ge3A_1846 = vector.broadcast %sub3A_1845 : vector<1x1xf32> to vector<1x8xf32>
    %ge3A_1847 = arith.cmpf oge, %ge3A_1846, %add3A_1805 : vector<1x8xf32>
    %convert_element_type3A_1848 = arith.extui %ge3A_1847 : vector<1x8xi1> to vector<1x8xi32>
    %convert_element_type3A_1849 = arith.sitofp %convert_element_type3A_1848 : vector<1x8xi32> to vector<1x8xf32>
    %reduce_sum3A_1850 = arith.constant dense<0.000000e+00> : vector<1xf32>
    %reduce_sum3A_1851 = vector.multi_reduction <add>, %convert_element_type3A_1849, %reduce_sum3A_1850 [1] : vector<1x8xf32> to vector<1xf32>
    %broadcast_in_dim3A_1852 = vector.shape_cast %reduce_sum3A_1851 : vector<1xf32> to vector<1x1xf32>
    %lt3A_1853 = vector.broadcast %broadcast_in_dim3A_1808 : vector<1x1xf32> to vector<16x1xf32>
    %lt3A_1854 = arith.cmpf olt, %mul3A_1834, %lt3A_1853 : vector<16x1xf32>
    %broadcast_in_dim3A_1855 = vector.shape_cast %broadcast_in_dim3A_1852 : vector<1x1xf32> to vector<1x1xf32>
    %broadcast_in_dim3A_1856 = vector.broadcast %broadcast_in_dim3A_1855 : vector<1x1xf32> to vector<16x1xf32>
    %select_n3A_1857 = arith.select %lt3A_1854, %broadcast_in_dim3A_1842, %broadcast_in_dim3A_1856 : vector<16x1xi1>, vector<16x1xf32>
    %div3A_1858 = arith.constant 1.280000e+02 : f32
    %div3A_1859 = vector.broadcast %div3A_1858 : f32 to vector<1x1xf32>
    %div3A_1860 = arith.divf %broadcast_in_dim3A_1808, %div3A_1859 : vector<1x1xf32>
    %sub3A_1861 = arith.constant 1.000000e+00 : f32
    %sub3A_1862 = vector.broadcast %sub3A_1861 : f32 to vector<1x1xf32>
    %sub3A_1863 = arith.subf %div3A_1860, %sub3A_1862 : vector<1x1xf32>
    %broadcast_in_dim3A_1864 = vector.shape_cast %sub3A_1863 : vector<1x1xf32> to vector<1x1xf32>
    %broadcast_in_dim3A_1865 = vector.broadcast %broadcast_in_dim3A_1864 : vector<1x1xf32> to vector<16x1xf32>
    %select_n3A_1866 = arith.select %lt3A_1854, %convert_element_type3A_1742, %broadcast_in_dim3A_1865 : vector<16x1xi1>, vector<16x1xf32>
    %convert_element_type3A_1867 = arith.fptosi %add3A_1830 : vector<512x1xf32> to vector<512x1xi32>
    %convert_element_type3A_1868 = arith.fptosi %select_n3A_1857 : vector<16x1xf32> to vector<16x1xi32>
    %convert_element_type3A_1869 = arith.fptosi %select_n3A_1866 : vector<16x1xf32> to vector<16x1xi32>
    %convert_element_type3A_1870 = arith.extui %lt3A_1854 : vector<16x1xi1> to vector<16x1xi32>
    %iota3A_1871 = tpu.iota {dimensions = array<i32: 1>} : vector<512x8xi32>
    %reduce_max3A_1872 = arith.constant dense<0xFF800000> : vector<512xf32>
    %reduce_max3A_1873 = vector.multi_reduction <maximumf>, %add3A_1731, %reduce_max3A_1872 [1] : vector<512x8xf32> to vector<512xf32>
    %broadcast_in_dim3A_1874 = vector.shape_cast %reduce_max3A_1873 : vector<512xf32> to vector<512x1xf32>
    %eq3A_1875 = vector.broadcast %broadcast_in_dim3A_1874 : vector<512x1xf32> to vector<512x8xf32>
    %eq3A_1876 = arith.cmpf oeq, %add3A_1731, %eq3A_1875 : vector<512x8xf32>
    %jit3A_1877 = arith.constant 999 : i32
    %broadcast_in_dim3A_1878 = vector.broadcast %jit3A_1877 : i32 to vector<512x8xi32>
    %select_n3A_1879 = arith.select %eq3A_1876, %iota3A_1871, %broadcast_in_dim3A_1878 : vector<512x8xi1>, vector<512x8xi32>
    %reduce_min3A_1880 = arith.constant dense<2147483647> : vector<512xi32>
    %reduce_min3A_1881 = vector.multi_reduction <minsi>, %select_n3A_1879, %reduce_min3A_1880 [1] : vector<512x8xi32> to vector<512xi32>
    %broadcast_in_dim3A_1882 = vector.shape_cast %reduce_min3A_1881 : vector<512xi32> to vector<512x1xi32>
    %eq3A_1883 = vector.broadcast %broadcast_in_dim3A_1882 : vector<512x1xi32> to vector<512x8xi32>
    %eq3A_1884 = arith.cmpi eq, %iota3A_1871, %eq3A_1883 : vector<512x8xi32>
    %convert_element_type3A_1885 = arith.extui %eq3A_1884 : vector<512x8xi1> to vector<512x8xi32>
    %convert_element_type3A_1886 = arith.sitofp %convert_element_type3A_1885 : vector<512x8xi32> to vector<512x8xf32>
    %gt3A_1887 = arith.constant 0.000000e+00 : f32
    %gt3A_1888 = vector.broadcast %gt3A_1887 : f32 to vector<512x8xf32>
    %gt3A_1889 = arith.cmpf ogt, %convert_element_type3A_1886, %gt3A_1888 : vector<512x8xf32>
    %jit3A_1890 = arith.constant 0xFF800000 : f32
    %broadcast_in_dim3A_1891 = vector.broadcast %jit3A_1890 : f32 to vector<512x8xf32>
    %select_n3A_1892 = arith.select %gt3A_1889, %broadcast_in_dim3A_1891, %add3A_1731 : vector<512x8xi1>, vector<512x8xf32>
    %reduce_max3A_1893 = arith.constant dense<0xFF800000> : vector<512xf32>
    %reduce_max3A_1894 = vector.multi_reduction <maximumf>, %select_n3A_1892, %reduce_max3A_1893 [1] : vector<512x8xf32> to vector<512xf32>
    %broadcast_in_dim3A_1895 = vector.shape_cast %reduce_max3A_1894 : vector<512xf32> to vector<512x1xf32>
    %eq3A_1896 = vector.broadcast %broadcast_in_dim3A_1895 : vector<512x1xf32> to vector<512x8xf32>
    %eq3A_1897 = arith.cmpf oeq, %select_n3A_1892, %eq3A_1896 : vector<512x8xf32>
    %jit3A_1898 = arith.constant 999 : i32
    %broadcast_in_dim3A_1899 = vector.broadcast %jit3A_1898 : i32 to vector<512x8xi32>
    %select_n3A_1900 = arith.select %eq3A_1897, %iota3A_1871, %broadcast_in_dim3A_1899 : vector<512x8xi1>, vector<512x8xi32>
    %reduce_min3A_1901 = arith.constant dense<2147483647> : vector<512xi32>
    %reduce_min3A_1902 = vector.multi_reduction <minsi>, %select_n3A_1900, %reduce_min3A_1901 [1] : vector<512x8xi32> to vector<512xi32>
    %broadcast_in_dim3A_1903 = vector.shape_cast %reduce_min3A_1902 : vector<512xi32> to vector<512x1xi32>
    %eq3A_1904 = vector.broadcast %broadcast_in_dim3A_1903 : vector<512x1xi32> to vector<512x8xi32>
    %eq3A_1905 = arith.cmpi eq, %iota3A_1871, %eq3A_1904 : vector<512x8xi32>
    %convert_element_type3A_1906 = arith.extui %eq3A_1905 : vector<512x8xi1> to vector<512x8xi32>
    %convert_element_type3A_1907 = arith.sitofp %convert_element_type3A_1906 : vector<512x8xi32> to vector<512x8xf32>
    %add3A_1908 = arith.addf %convert_element_type3A_1886, %convert_element_type3A_1907 : vector<512x8xf32>
    %sub3A_1909 = vector.broadcast %broadcast_in_dim3A_1874 : vector<512x1xf32> to vector<512x8xf32>
    %sub3A_1910 = arith.subf %add3A_1731, %sub3A_1909 : vector<512x8xf32>
    %exp3A_1911 = math.exp %sub3A_1910 : vector<512x8xf32>
    %mul3A_1912 = arith.mulf %exp3A_1911, %add3A_1908 : vector<512x8xf32>
    %reduce_sum3A_1913 = arith.constant dense<0.000000e+00> : vector<512xf32>
    %reduce_sum3A_1914 = vector.multi_reduction <add>, %mul3A_1912, %reduce_sum3A_1913 [1] : vector<512x8xf32> to vector<512xf32>
    %broadcast_in_dim3A_1915 = vector.shape_cast %reduce_sum3A_1914 : vector<512xf32> to vector<512x1xf32>
    %div3A_1916 = vector.broadcast %broadcast_in_dim3A_1915 : vector<512x1xf32> to vector<512x8xf32>
    %div3A_1917 = arith.divf %mul3A_1912, %div3A_1916 : vector<512x8xf32>
    %add3A_1918 = arith.addf %convert_element_type3A_1886, %convert_element_type3A_1907 : vector<512x8xf32>
    %dot_general3A_1919 = arith.constant dense<0.000000e+00> : vector<512x8xf32>
    %dot_general3A_1920 = tpu.matmul %convert_element_type3A_1736, %add3A_1918, %dot_general3A_1919 {dimension_numbers = #tpu.dot_dimension_numbers<[1], [0], [0], [1], [0, 0, 1, 1], [], []>, transpose_lhs_hint = false} : vector<512x512xf32>, vector<512x8xf32>, vector<512x8xf32> -> vector<512x8xf32>
    %reduce_sum3A_1921 = arith.constant dense<0.000000e+00> : vector<8xf32>
    %reduce_sum3A_1922 = vector.multi_reduction <add>, %add3A_1918, %reduce_sum3A_1921 [0] : vector<512x8xf32> to vector<8xf32>
    %broadcast_in_dim3A_1923 = vector.shape_cast %reduce_sum3A_1922 : vector<8xf32> to vector<1x8xf32>
    %add3A_1924 = arith.constant 1.270000e+02 : f32
    %add3A_1925 = vector.broadcast %add3A_1924 : f32 to vector<1x8xf32>
    %add3A_1926 = arith.addf %broadcast_in_dim3A_1923, %add3A_1925 : vector<1x8xf32>
    %div3A_1927 = arith.constant 1.280000e+02 : f32
    %div3A_1928 = vector.broadcast %div3A_1927 : f32 to vector<1x8xf32>
    %div3A_1929 = arith.divf %add3A_1926, %div3A_1928 : vector<1x8xf32>
    %floor3A_1930 = math.floor %div3A_1929 : vector<1x8xf32>
    %mul3A_1931 = arith.constant 1.280000e+02 : f32
    %mul3A_1932 = vector.broadcast %mul3A_1931 : f32 to vector<1x8xf32>
    %mul3A_1933 = arith.mulf %floor3A_1930, %mul3A_1932 : vector<1x8xf32>
    %dot_general3A_1934 = arith.constant dense<0.000000e+00> : vector<1x8xf32>
    %dot_general3A_1935 = tpu.matmul %mul3A_1933, %convert_element_type3A_1740, %dot_general3A_1934 {dimension_numbers = #tpu.dot_dimension_numbers<[1], [0], [0], [1], [0, 0, 1, 1], [], []>, transpose_lhs_hint = false} : vector<1x8xf32>, vector<8x8xf32>, vector<1x8xf32> -> vector<1x8xf32>
    %add3A_1936 = arith.addf %dot_general3A_1935, %mul3A_1933 : vector<1x8xf32>
    %reduce_sum3A_1937 = arith.constant dense<0.000000e+00> : vector<1xf32>
    %reduce_sum3A_1938 = vector.multi_reduction <add>, %mul3A_1933, %reduce_sum3A_1937 [1] : vector<1x8xf32> to vector<1xf32>
    %broadcast_in_dim3A_1939 = vector.shape_cast %reduce_sum3A_1938 : vector<1xf32> to vector<1x1xf32>
    %add3A_1940 = vector.broadcast %dot_general3A_1935 : vector<1x8xf32> to vector<512x8xf32>
    %add3A_1941 = arith.addf %add3A_1940, %dot_general3A_1920 : vector<512x8xf32>
    %mul3A_1942 = arith.mulf %convert_element_type3A_1886, %add3A_1941 : vector<512x8xf32>
    %reduce_sum3A_1943 = arith.constant dense<0.000000e+00> : vector<512xf32>
    %reduce_sum3A_1944 = vector.multi_reduction <add>, %mul3A_1942, %reduce_sum3A_1943 [1] : vector<512x8xf32> to vector<512xf32>
    %broadcast_in_dim3A_1945 = vector.shape_cast %reduce_sum3A_1944 : vector<512xf32> to vector<512x1xf32>
    %mul3A_1946 = arith.mulf %convert_element_type3A_1907, %add3A_1941 : vector<512x8xf32>
    %reduce_sum3A_1947 = arith.constant dense<0.000000e+00> : vector<512xf32>
    %reduce_sum3A_1948 = vector.multi_reduction <add>, %mul3A_1946, %reduce_sum3A_1947 [1] : vector<512x8xf32> to vector<512xf32>
    %broadcast_in_dim3A_1949 = vector.shape_cast %reduce_sum3A_1948 : vector<512xf32> to vector<512x1xf32>
    %mul3A_1950 = arith.mulf %convert_element_type3A_1886, %div3A_1917 : vector<512x8xf32>
    %reduce_sum3A_1951 = arith.constant dense<0.000000e+00> : vector<512xf32>
    %reduce_sum3A_1952 = vector.multi_reduction <add>, %mul3A_1950, %reduce_sum3A_1951 [1] : vector<512x8xf32> to vector<512xf32>
    %broadcast_in_dim3A_1953 = vector.shape_cast %reduce_sum3A_1952 : vector<512xf32> to vector<512x1xf32>
    %mul3A_1954 = arith.mulf %convert_element_type3A_1907, %div3A_1917 : vector<512x8xf32>
    %reduce_sum3A_1955 = arith.constant dense<0.000000e+00> : vector<512xf32>
    %reduce_sum3A_1956 = vector.multi_reduction <add>, %mul3A_1954, %reduce_sum3A_1955 [1] : vector<512x8xf32> to vector<512xf32>
    %broadcast_in_dim3A_1957 = vector.shape_cast %reduce_sum3A_1956 : vector<512xf32> to vector<512x1xf32>
    %mul3A_1958 = arith.constant 2.048000e+03 : f32
    %mul3A_1959 = vector.broadcast %mul3A_1958 : f32 to vector<512x1xf32>
    %mul3A_1960 = arith.mulf %mul3A_1959, %broadcast_in_dim3A_1949 : vector<512x1xf32>
    %add3A_1961 = arith.addf %broadcast_in_dim3A_1945, %mul3A_1960 : vector<512x1xf32>
    %concatenate3A_1962 = tpu.concatenate %broadcast_in_dim3A_1953, %broadcast_in_dim3A_1957 in 0 : vector<512x1xf32>, vector<512x1xf32> -> vector<1024x1xf32>
    %mul3A_1963 = arith.constant 1.280000e+02 : f32
    %mul3A_1964 = vector.broadcast %mul3A_1963 : f32 to vector<16x1xf32>
    %mul3A_1965 = arith.mulf %mul3A_1964, %convert_element_type3A_1742 : vector<16x1xf32>
    %ge3A_1966 = vector.broadcast %mul3A_1965 : vector<16x1xf32> to vector<16x8xf32>
    %ge3A_1967 = vector.broadcast %add3A_1936 : vector<1x8xf32> to vector<16x8xf32>
    %ge3A_1968 = arith.cmpf oge, %ge3A_1966, %ge3A_1967 : vector<16x8xf32>
    %convert_element_type3A_1969 = arith.extui %ge3A_1968 : vector<16x8xi1> to vector<16x8xi32>
    %convert_element_type3A_1970 = arith.sitofp %convert_element_type3A_1969 : vector<16x8xi32> to vector<16x8xf32>
    %reduce_sum3A_1971 = arith.constant dense<0.000000e+00> : vector<16xf32>
    %reduce_sum3A_1972 = vector.multi_reduction <add>, %convert_element_type3A_1970, %reduce_sum3A_1971 [1] : vector<16x8xf32> to vector<16xf32>
    %broadcast_in_dim3A_1973 = vector.shape_cast %reduce_sum3A_1972 : vector<16xf32> to vector<16x1xf32>
    %sub3A_1974 = arith.constant 1.280000e+02 : f32
    %sub3A_1975 = vector.broadcast %sub3A_1974 : f32 to vector<1x1xf32>
    %sub3A_1976 = arith.subf %broadcast_in_dim3A_1939, %sub3A_1975 : vector<1x1xf32>
    %ge3A_1977 = vector.broadcast %sub3A_1976 : vector<1x1xf32> to vector<1x8xf32>
    %ge3A_1978 = arith.cmpf oge, %ge3A_1977, %add3A_1936 : vector<1x8xf32>
    %convert_element_type3A_1979 = arith.extui %ge3A_1978 : vector<1x8xi1> to vector<1x8xi32>
    %convert_element_type3A_1980 = arith.sitofp %convert_element_type3A_1979 : vector<1x8xi32> to vector<1x8xf32>
    %reduce_sum3A_1981 = arith.constant dense<0.000000e+00> : vector<1xf32>
    %reduce_sum3A_1982 = vector.multi_reduction <add>, %convert_element_type3A_1980, %reduce_sum3A_1981 [1] : vector<1x8xf32> to vector<1xf32>
    %broadcast_in_dim3A_1983 = vector.shape_cast %reduce_sum3A_1982 : vector<1xf32> to vector<1x1xf32>
    %lt3A_1984 = vector.broadcast %broadcast_in_dim3A_1939 : vector<1x1xf32> to vector<16x1xf32>
    %lt3A_1985 = arith.cmpf olt, %mul3A_1965, %lt3A_1984 : vector<16x1xf32>
    %broadcast_in_dim3A_1986 = vector.shape_cast %broadcast_in_dim3A_1983 : vector<1x1xf32> to vector<1x1xf32>
    %broadcast_in_dim3A_1987 = vector.broadcast %broadcast_in_dim3A_1986 : vector<1x1xf32> to vector<16x1xf32>
    %select_n3A_1988 = arith.select %lt3A_1985, %broadcast_in_dim3A_1973, %broadcast_in_dim3A_1987 : vector<16x1xi1>, vector<16x1xf32>
    %div3A_1989 = arith.constant 1.280000e+02 : f32
    %div3A_1990 = vector.broadcast %div3A_1989 : f32 to vector<1x1xf32>
    %div3A_1991 = arith.divf %broadcast_in_dim3A_1939, %div3A_1990 : vector<1x1xf32>
    %sub3A_1992 = arith.constant 1.000000e+00 : f32
    %sub3A_1993 = vector.broadcast %sub3A_1992 : f32 to vector<1x1xf32>
    %sub3A_1994 = arith.subf %div3A_1991, %sub3A_1993 : vector<1x1xf32>
    %broadcast_in_dim3A_1995 = vector.shape_cast %sub3A_1994 : vector<1x1xf32> to vector<1x1xf32>
    %broadcast_in_dim3A_1996 = vector.broadcast %broadcast_in_dim3A_1995 : vector<1x1xf32> to vector<16x1xf32>
    %select_n3A_1997 = arith.select %lt3A_1985, %convert_element_type3A_1742, %broadcast_in_dim3A_1996 : vector<16x1xi1>, vector<16x1xf32>
    %convert_element_type3A_1998 = arith.fptosi %add3A_1961 : vector<512x1xf32> to vector<512x1xi32>
    %convert_element_type3A_1999 = arith.fptosi %select_n3A_1988 : vector<16x1xf32> to vector<16x1xi32>
    %convert_element_type3A_2000 = arith.fptosi %select_n3A_1997 : vector<16x1xf32> to vector<16x1xi32>
    %convert_element_type3A_2001 = arith.extui %lt3A_1985 : vector<16x1xi1> to vector<16x1xi32>
    %swap3A = arith.constant 0 : index
    %swap3A_2002 = arith.constant 0 : index
    %swap3A_2003 = vector.load %arg19[%swap3A, %swap3A_2002] : memref<512x1024xf32, #tpu.memory_space<vmem>>, vector<512x1024xf32>
    tpu.vector_store %arg19[%swap3A, %swap3A_2002], %add3A_1664 {strides = array<i32>} : memref<512x1024xf32, #tpu.memory_space<vmem>>, vector<512x1024xf32>,
    %swap3A_2004 = arith.constant 0 : index
    %swap3A_2005 = arith.constant 0 : index
    %swap3A_2006 = vector.load %arg20[%swap3A_2004, %swap3A_2005] : memref<512x1024xf32, #tpu.memory_space<vmem>>, vector<512x1024xf32>
    tpu.vector_store %arg20[%swap3A_2004, %swap3A_2005], %add3A_1711 {strides = array<i32>} : memref<512x1024xf32, #tpu.memory_space<vmem>>, vector<512x1024xf32>,
    %swap3A_2007 = arith.constant 0 : index
    %swap3A_2008 = arith.constant 0 : index
    %swap3A_2009 = vector.load %arg21[%swap3A_2007, %swap3A_2008] : memref<512x1xi32, #tpu.memory_space<vmem>>, vector<512x1xi32>
    tpu.vector_store %arg21[%swap3A_2007, %swap3A_2008], %convert_element_type3A_1867 {strides = array<i32>} : memref<512x1xi32, #tpu.memory_space<vmem>>, vector<512x1xi32>,
    %swap3A_2010 = arith.constant 0 : index
    %swap3A_2011 = arith.constant 0 : index
    %swap3A_2012 = vector.load %arg22[%swap3A_2010, %swap3A_2011] : memref<1024x1xf32, #tpu.memory_space<vmem>>, vector<1024x1xf32>
    tpu.vector_store %arg22[%swap3A_2010, %swap3A_2011], %concatenate3A_1831 {strides = array<i32>} : memref<1024x1xf32, #tpu.memory_space<vmem>>, vector<1024x1xf32>,
    %swap3A_2013 = arith.constant 0 : index
    %swap3A_2014 = arith.constant 0 : index
    %swap3A_2015 = vector.load %arg23[%swap3A_2013, %swap3A_2014] : memref<16x1xi32, #tpu.memory_space<vmem>>, vector<16x1xi32>
    tpu.vector_store %arg23[%swap3A_2013, %swap3A_2014], %convert_element_type3A_1868 {strides = array<i32>} : memref<16x1xi32, #tpu.memory_space<vmem>>, vector<16x1xi32>,
    %swap3A_2016 = arith.constant 0 : index
    %swap3A_2017 = arith.constant 0 : index
    %swap3A_2018 = vector.load %arg24[%swap3A_2016, %swap3A_2017] : memref<16x1xi32, #tpu.memory_space<vmem>>, vector<16x1xi32>
    tpu.vector_store %arg24[%swap3A_2016, %swap3A_2017], %convert_element_type3A_1869 {strides = array<i32>} : memref<16x1xi32, #tpu.memory_space<vmem>>, vector<16x1xi32>,
    %swap3A_2019 = arith.constant 0 : index
    %swap3A_2020 = arith.constant 0 : index
    %swap3A_2021 = vector.load %arg25[%swap3A_2019, %swap3A_2020] : memref<16x1xi32, #tpu.memory_space<vmem>>, vector<16x1xi32>
    tpu.vector_store %arg25[%swap3A_2019, %swap3A_2020], %convert_element_type3A_1870 {strides = array<i32>} : memref<16x1xi32, #tpu.memory_space<vmem>>, vector<16x1xi32>,
    %swap3A_2022 = arith.constant 0 : index
    %swap3A_2023 = arith.constant 0 : index
    %swap3A_2024 = vector.load %arg26[%swap3A_2022, %swap3A_2023] : memref<512x1xi32, #tpu.memory_space<vmem>>, vector<512x1xi32>
    tpu.vector_store %arg26[%swap3A_2022, %swap3A_2023], %convert_element_type3A_1998 {strides = array<i32>} : memref<512x1xi32, #tpu.memory_space<vmem>>, vector<512x1xi32>,
    %swap3A_2025 = arith.constant 0 : index
    %swap3A_2026 = arith.constant 0 : index
    %swap3A_2027 = vector.load %arg27[%swap3A_2025, %swap3A_2026] : memref<1024x1xf32, #tpu.memory_space<vmem>>, vector<1024x1xf32>
    tpu.vector_store %arg27[%swap3A_2025, %swap3A_2026], %concatenate3A_1962 {strides = array<i32>} : memref<1024x1xf32, #tpu.memory_space<vmem>>, vector<1024x1xf32>,
    %swap3A_2028 = arith.constant 0 : index
    %swap3A_2029 = arith.constant 0 : index
    %swap3A_2030 = vector.load %arg28[%swap3A_2028, %swap3A_2029] : memref<16x1xi32, #tpu.memory_space<vmem>>, vector<16x1xi32>
    tpu.vector_store %arg28[%swap3A_2028, %swap3A_2029], %convert_element_type3A_1999 {strides = array<i32>} : memref<16x1xi32, #tpu.memory_space<vmem>>, vector<16x1xi32>,
    %swap3A_2031 = arith.constant 0 : index
    %swap3A_2032 = arith.constant 0 : index
    %swap3A_2033 = vector.load %arg29[%swap3A_2031, %swap3A_2032] : memref<16x1xi32, #tpu.memory_space<vmem>>, vector<16x1xi32>
    tpu.vector_store %arg29[%swap3A_2031, %swap3A_2032], %convert_element_type3A_2000 {strides = array<i32>} : memref<16x1xi32, #tpu.memory_space<vmem>>, vector<16x1xi32>,
    %swap3A_2034 = arith.constant 0 : index
    %swap3A_2035 = arith.constant 0 : index
    %swap3A_2036 = vector.load %arg30[%swap3A_2034, %swap3A_2035] : memref<16x1xi32, #tpu.memory_space<vmem>>, vector<16x1xi32>
    tpu.vector_store %arg30[%swap3A_2034, %swap3A_2035], %convert_element_type3A_2001 {strides = array<i32>} : memref<16x1xi32, #tpu.memory_space<vmem>>, vector<16x1xi32>,
    return
  }
}

module attributes {stable_mosaic.version = 14 : i64} {
  func.func @_ffn_body(%arg0: i32, %arg1: i32, %arg2: memref<16xi32, #tpu.memory_space<smem>>, %arg3: memref<16xi32, #tpu.memory_space<smem>>, %arg4: memref<16xi32, #tpu.memory_space<smem>>, %arg5: memref<1x512xi32, #tpu.memory_space<vmem>>, %arg6: memref<1x512xi32, #tpu.memory_space<vmem>>, %arg7: memref<512x1xf32, #tpu.memory_space<vmem>>, %arg8: memref<512x1xf32, #tpu.memory_space<vmem>>, %arg9: memref<512x1024xf32, #tpu.memory_space<vmem>>, %arg10: memref<1x1024x1024xf32, #tpu.memory_space<vmem>>, %arg11: memref<1x1x1024xf32, #tpu.memory_space<vmem>>, %arg12: memref<1x1024x1024xf32, #tpu.memory_space<vmem>>, %arg13: memref<1x1x1024xf32, #tpu.memory_space<vmem>>, %arg14: memref<128x1024xf32, #tpu.memory_space<vmem>>, %arg15: memref<128x1024xf32, #tpu.memory_space<vmem>>, %arg16: memref<128x1xf32, #tpu.memory_space<vmem>>, %arg17: memref<128x1024xf32, #tpu.memory_space<vmem>>) attributes {dimension_semantics = [#tpu.dimension_semantics<arbitrary>, #tpu.dimension_semantics<arbitrary>], iteration_bounds = array<i64: 16, 4>, scalar_prefetch = 3 : i64, scratch_operands = 3 : i64, tpu.core_type = #tpu.core_type<tc>, window_params = [{pipeline_mode = #tpu.pipeline_mode<synchronous>, transform_indices = @transform_0, window_bounds = array<i64: 1, 512>}, {pipeline_mode = #tpu.pipeline_mode<synchronous>, transform_indices = @transform_1, window_bounds = array<i64: 1, 512>}, {pipeline_mode = #tpu.pipeline_mode<synchronous>, transform_indices = @transform_2, window_bounds = array<i64: 512, 1>}, {pipeline_mode = #tpu.pipeline_mode<synchronous>, transform_indices = @transform_3, window_bounds = array<i64: 512, 1>}, {pipeline_mode = #tpu.pipeline_mode<synchronous>, transform_indices = @transform_4, window_bounds = array<i64: 512, 1024>}, {transform_indices = @transform_5, window_bounds = array<i64: 1, 1024, 1024>}, {transform_indices = @transform_6, window_bounds = array<i64: 1, 1, 1024>}, {transform_indices = @transform_7, window_bounds = array<i64: 1, 1024, 1024>}, {transform_indices = @transform_8, window_bounds = array<i64: 1, 1, 1024>}, {transform_indices = @transform_9, window_bounds = array<i64: 128, 1024>}]} {
    %get3A = arith.index_cast %arg0 : i32 to index
    %get3A_0 = memref.load %arg4[%get3A] : memref<16xi32, #tpu.memory_space<smem>>
    %eq3A = arith.constant 1 : i32
    %eq3A_1 = arith.cmpi eq, %get3A_0, %eq3A : i32
    %convert_element_type3A = arith.extui %eq3A_1 : i1 to i32
    %cond3A = arith.constant 0 : i32
    %cond3A_2 = arith.cmpi ne, %convert_element_type3A, %cond3A : i32
    scf.if %cond3A_2 {
      %eq3A_3 = arith.constant 0 : i32
      %eq3A_4 = arith.cmpi eq, %arg1, %eq3A_3 : i32
      %convert_element_type3A_5 = arith.extui %eq3A_4 : i1 to i32
      %cond3A_6 = arith.constant 0 : i32
      %cond3A_7 = arith.cmpi ne, %convert_element_type3A_5, %cond3A_6 : i32
      scf.if %cond3A_7 {
        %mul3A = arith.constant 128 : i32
        %mul3A_50 = arith.muli %arg0, %mul3A : i32
        %iota3A = tpu.iota {dimensions = array<i32: 0>} : vector<128x1xi32>
        %add3A_51 = vector.broadcast %mul3A_50 : i32 to vector<128x1xi32>
        %add3A_52 = arith.addi %add3A_51, %iota3A : vector<128x1xi32>
        %get3A_53 = arith.constant 0 : index
        %get3A_54 = arith.constant 0 : index
        %get3A_55 = vector.load %arg5[%get3A_53, %get3A_54] : memref<1x512xi32, #tpu.memory_space<vmem>>, vector<1x512xi32>
        %eq3A_56 = vector.broadcast %get3A_55 : vector<1x512xi32> to vector<128x512xi32>
        %eq3A_57 = vector.broadcast %add3A_52 : vector<128x1xi32> to vector<128x512xi32>
        %eq3A_58 = arith.cmpi eq, %eq3A_56, %eq3A_57 : vector<128x512xi32>
        %convert_element_type3A_59 = arith.extui %eq3A_58 : vector<128x512xi1> to vector<128x512xi32>
        %convert_element_type3A_60 = arith.sitofp %convert_element_type3A_59 : vector<128x512xi32> to vector<128x512xf32>
        %get3A_61 = arith.constant 0 : index
        %get3A_62 = arith.constant 0 : index
        %get3A_63 = vector.load %arg6[%get3A_61, %get3A_62] : memref<1x512xi32, #tpu.memory_space<vmem>>, vector<1x512xi32>
        %eq3A_64 = vector.broadcast %get3A_63 : vector<1x512xi32> to vector<128x512xi32>
        %eq3A_65 = vector.broadcast %add3A_52 : vector<128x1xi32> to vector<128x512xi32>
        %eq3A_66 = arith.cmpi eq, %eq3A_64, %eq3A_65 : vector<128x512xi32>
        %convert_element_type3A_67 = arith.extui %eq3A_66 : vector<128x512xi1> to vector<128x512xi32>
        %convert_element_type3A_68 = arith.sitofp %convert_element_type3A_67 : vector<128x512xi32> to vector<128x512xf32>
        %add3A_69 = arith.addf %convert_element_type3A_60, %convert_element_type3A_68 : vector<128x512xf32>
        %get3A_70 = arith.constant 0 : index
        %get3A_71 = arith.constant 0 : index
        %get3A_72 = vector.load %arg9[%get3A_70, %get3A_71] : memref<512x1024xf32, #tpu.memory_space<vmem>>, vector<512x1024xf32>
        %dot_general3A_73 = arith.constant dense<0.000000e+00> : vector<128x1024xf32>
        %dot_general3A_74 = tpu.matmul %add3A_69, %get3A_72, %dot_general3A_73 {dimension_numbers = #tpu.dot_dimension_numbers<[1], [0], [0], [1], [0, 0, 1, 1], [], []>, transpose_lhs_hint = false} : vector<128x512xf32>, vector<512x1024xf32>, vector<128x1024xf32> -> vector<128x1024xf32>
        %swap3A = arith.constant 0 : index
        %swap3A_75 = arith.constant 0 : index
        %swap3A_76 = vector.load %arg15[%swap3A, %swap3A_75] : memref<128x1024xf32, #tpu.memory_space<vmem>>, vector<128x1024xf32>
        tpu.vector_store %arg15[%swap3A, %swap3A_75], %dot_general3A_74 {strides = array<i32>} : memref<128x1024xf32, #tpu.memory_space<vmem>>, vector<128x1024xf32>,
        %get3A_77 = arith.constant 0 : index
        %get3A_78 = arith.constant 0 : index
        %get3A_79 = vector.load %arg7[%get3A_77, %get3A_78] : memref<512x1xf32, #tpu.memory_space<vmem>>, vector<512x1xf32>
        %dot_general3A_80 = arith.constant dense<0.000000e+00> : vector<128x1xf32>
        %dot_general3A_81 = tpu.matmul %convert_element_type3A_60, %get3A_79, %dot_general3A_80 {dimension_numbers = #tpu.dot_dimension_numbers<[1], [0], [0], [1], [0, 0, 1, 1], [], []>, transpose_lhs_hint = false} : vector<128x512xf32>, vector<512x1xf32>, vector<128x1xf32> -> vector<128x1xf32>
        %get3A_82 = arith.constant 0 : index
        %get3A_83 = arith.constant 0 : index
        %get3A_84 = vector.load %arg8[%get3A_82, %get3A_83] : memref<512x1xf32, #tpu.memory_space<vmem>>, vector<512x1xf32>
        %dot_general3A_85 = arith.constant dense<0.000000e+00> : vector<128x1xf32>
        %dot_general3A_86 = tpu.matmul %convert_element_type3A_68, %get3A_84, %dot_general3A_85 {dimension_numbers = #tpu.dot_dimension_numbers<[1], [0], [0], [1], [0, 0, 1, 1], [], []>, transpose_lhs_hint = false} : vector<128x512xf32>, vector<512x1xf32>, vector<128x1xf32> -> vector<128x1xf32>
        %add3A_87 = arith.addf %dot_general3A_81, %dot_general3A_86 : vector<128x1xf32>
        %swap3A_88 = arith.constant 0 : index
        %swap3A_89 = arith.constant 0 : index
        %swap3A_90 = vector.load %arg16[%swap3A_88, %swap3A_89] : memref<128x1xf32, #tpu.memory_space<vmem>>, vector<128x1xf32>
        tpu.vector_store %arg16[%swap3A_88, %swap3A_89], %add3A_87 {strides = array<i32>} : memref<128x1xf32, #tpu.memory_space<vmem>>, vector<128x1xf32>,
      } else {
      }
      %get3A_8 = arith.constant 0 : index
      %get3A_9 = arith.constant 0 : index
      %get3A_10 = vector.load %arg15[%get3A_8, %get3A_9] : memref<128x1024xf32, #tpu.memory_space<vmem>>, vector<128x1024xf32>
      %convert_element_type3A_11 = arith.truncf %get3A_10 : vector<128x1024xf32> to vector<128x1024xbf16>
      %get3A_12 = arith.constant 0 : index
      %get3A_13 = arith.constant 0 : index
      %get3A_14 = arith.constant 0 : index
      %get3A_15 = vector.load %arg10[%get3A_12, %get3A_13, %get3A_14] : memref<1x1024x1024xf32, #tpu.memory_space<vmem>>, vector<1x1024x1024xf32>
      %get3A_16 = vector.shape_cast %get3A_15 : vector<1x1024x1024xf32> to vector<1024x1024xf32>
      %convert_element_type3A_17 = arith.truncf %get3A_16 : vector<1024x1024xf32> to vector<1024x1024xbf16>
      %dot_general3A = arith.constant dense<0.000000e+00> : vector<128x1024xf32>
      %dot_general3A_18 = tpu.matmul %convert_element_type3A_11, %convert_element_type3A_17, %dot_general3A {dimension_numbers = #tpu.dot_dimension_numbers<[1], [0], [0], [1], [0, 0, 1, 1], [], []>, transpose_lhs_hint = false} : vector<128x1024xbf16>, vector<1024x1024xbf16>, vector<128x1024xf32> -> vector<128x1024xf32>
      %get3A_19 = arith.constant 0 : index
      %get3A_20 = arith.constant 0 : index
      %get3A_21 = arith.constant 0 : index
      %get3A_22 = vector.load %arg11[%get3A_19, %get3A_20, %get3A_21] : memref<1x1x1024xf32, #tpu.memory_space<vmem>>, vector<1x1x1024xf32>
      %get3A_23 = vector.shape_cast %get3A_22 : vector<1x1x1024xf32> to vector<1x1024xf32>
      %add3A = vector.broadcast %get3A_23 : vector<1x1024xf32> to vector<128x1024xf32>
      %add3A_24 = arith.addf %dot_general3A_18, %add3A : vector<128x1024xf32>
      %max3A = arith.constant 0.000000e+00 : f32
      %max3A_25 = vector.broadcast %max3A : f32 to vector<128x1024xf32>
      %max3A_26 = arith.maximumf %add3A_24, %max3A_25 : vector<128x1024xf32>
      %convert_element_type3A_27 = arith.truncf %max3A_26 : vector<128x1024xf32> to vector<128x1024xbf16>
      %get3A_28 = arith.constant 0 : index
      %get3A_29 = arith.constant 0 : index
      %get3A_30 = arith.constant 0 : index
      %get3A_31 = vector.load %arg12[%get3A_28, %get3A_29, %get3A_30] : memref<1x1024x1024xf32, #tpu.memory_space<vmem>>, vector<1x1024x1024xf32>
      %get3A_32 = vector.shape_cast %get3A_31 : vector<1x1024x1024xf32> to vector<1024x1024xf32>
      %convert_element_type3A_33 = arith.truncf %get3A_32 : vector<1024x1024xf32> to vector<1024x1024xbf16>
      %dot_general3A_34 = arith.constant dense<0.000000e+00> : vector<128x1024xf32>
      %dot_general3A_35 = tpu.matmul %convert_element_type3A_27, %convert_element_type3A_33, %dot_general3A_34 {dimension_numbers = #tpu.dot_dimension_numbers<[1], [0], [0], [1], [0, 0, 1, 1], [], []>, transpose_lhs_hint = false} : vector<128x1024xbf16>, vector<1024x1024xbf16>, vector<128x1024xf32> -> vector<128x1024xf32>
      %eq3A_36 = arith.constant 0 : i32
      %eq3A_37 = arith.cmpi eq, %arg1, %eq3A_36 : i32
      %convert_element_type3A_38 = arith.extui %eq3A_37 : i1 to i32
      %cond3A_39 = arith.constant 0 : i32
      %cond3A_40 = arith.cmpi ne, %convert_element_type3A_38, %cond3A_39 : i32
      scf.if %cond3A_40 {
        %get3A_50 = arith.constant 0 : index
        %get3A_51 = arith.constant 0 : index
        %get3A_52 = arith.constant 0 : index
        %get3A_53 = vector.load %arg13[%get3A_50, %get3A_51, %get3A_52] : memref<1x1x1024xf32, #tpu.memory_space<vmem>>, vector<1x1x1024xf32>
        %get3A_54 = vector.shape_cast %get3A_53 : vector<1x1x1024xf32> to vector<1x1024xf32>
        %add3A_55 = vector.broadcast %get3A_54 : vector<1x1024xf32> to vector<128x1024xf32>
        %add3A_56 = arith.addf %dot_general3A_35, %add3A_55 : vector<128x1024xf32>
        %swap3A = arith.constant 0 : index
        %swap3A_57 = arith.constant 0 : index
        %swap3A_58 = vector.load %arg17[%swap3A, %swap3A_57] : memref<128x1024xf32, #tpu.memory_space<vmem>>, vector<128x1024xf32>
        tpu.vector_store %arg17[%swap3A, %swap3A_57], %add3A_56 {strides = array<i32>} : memref<128x1024xf32, #tpu.memory_space<vmem>>, vector<128x1024xf32>,
      } else {
      }
      %gt3A = arith.constant 0 : i32
      %gt3A_41 = arith.cmpi sgt, %arg1, %gt3A : i32
      %convert_element_type3A_42 = arith.extui %gt3A_41 : i1 to i32
      %cond3A_43 = arith.constant 0 : i32
      %cond3A_44 = arith.cmpi ne, %convert_element_type3A_42, %cond3A_43 : i32
      scf.if %cond3A_44 {
        %get3A_50 = arith.constant 0 : index
        %get3A_51 = arith.constant 0 : index
        %get3A_52 = vector.load %arg17[%get3A_50, %get3A_51] : memref<128x1024xf32, #tpu.memory_space<vmem>>, vector<128x1024xf32>
        %add3A_53 = arith.addf %get3A_52, %dot_general3A_35 : vector<128x1024xf32>
        %swap3A = arith.constant 0 : index
        %swap3A_54 = arith.constant 0 : index
        %swap3A_55 = vector.load %arg17[%swap3A, %swap3A_54] : memref<128x1024xf32, #tpu.memory_space<vmem>>, vector<128x1024xf32>
        tpu.vector_store %arg17[%swap3A, %swap3A_54], %add3A_53 {strides = array<i32>} : memref<128x1024xf32, #tpu.memory_space<vmem>>, vector<128x1024xf32>,
      } else {
      }
      %eq3A_45 = arith.constant 3 : i32
      %eq3A_46 = arith.cmpi eq, %arg1, %eq3A_45 : i32
      %convert_element_type3A_47 = arith.extui %eq3A_46 : i1 to i32
      %cond3A_48 = arith.constant 0 : i32
      %cond3A_49 = arith.cmpi ne, %convert_element_type3A_47, %cond3A_48 : i32
      scf.if %cond3A_49 {
        %get3A_50 = arith.constant 0 : index
        %get3A_51 = arith.constant 0 : index
        %get3A_52 = vector.load %arg17[%get3A_50, %get3A_51] : memref<128x1024xf32, #tpu.memory_space<vmem>>, vector<128x1024xf32>
        %get3A_53 = arith.constant 0 : index
        %get3A_54 = arith.constant 0 : index
        %get3A_55 = vector.load %arg16[%get3A_53, %get3A_54] : memref<128x1xf32, #tpu.memory_space<vmem>>, vector<128x1xf32>
        %mul3A = vector.broadcast %get3A_55 : vector<128x1xf32> to vector<128x1024xf32>
        %mul3A_56 = arith.mulf %get3A_52, %mul3A : vector<128x1024xf32>
        %swap3A = arith.constant 0 : index
        %swap3A_57 = arith.constant 0 : index
        %swap3A_58 = vector.load %arg14[%swap3A, %swap3A_57] : memref<128x1024xf32, #tpu.memory_space<vmem>>, vector<128x1024xf32>
        tpu.vector_store %arg14[%swap3A, %swap3A_57], %mul3A_56 {strides = array<i32>} : memref<128x1024xf32, #tpu.memory_space<vmem>>, vector<128x1024xf32>,
      } else {
      }
    } else {
    }
    return
  }
  func.func @transform_0(%arg0: i32, %arg1: i32, %arg2: memref<16xi32, #tpu.memory_space<smem>>, %arg3: memref<16xi32, #tpu.memory_space<smem>>, %arg4: memref<16xi32, #tpu.memory_space<smem>>) -> (i32, i32) {
    %c0_i32 = arith.constant 0 : i32
    %c0_i32_0 = arith.constant 0 : i32
    %c0_i32_1 = arith.constant 0 : i32
    return %c0_i32, %c0_i32_0 : i32, i32
  }
  func.func @transform_1(%arg0: i32, %arg1: i32, %arg2: memref<16xi32, #tpu.memory_space<smem>>, %arg3: memref<16xi32, #tpu.memory_space<smem>>, %arg4: memref<16xi32, #tpu.memory_space<smem>>) -> (i32, i32) {
    %c0_i32 = arith.constant 0 : i32
    %c0_i32_0 = arith.constant 0 : i32
    %c0_i32_1 = arith.constant 0 : i32
    return %c0_i32, %c0_i32_0 : i32, i32
  }
  func.func @transform_2(%arg0: i32, %arg1: i32, %arg2: memref<16xi32, #tpu.memory_space<smem>>, %arg3: memref<16xi32, #tpu.memory_space<smem>>, %arg4: memref<16xi32, #tpu.memory_space<smem>>) -> (i32, i32) {
    %c0_i32 = arith.constant 0 : i32
    %c0_i32_0 = arith.constant 0 : i32
    %c0_i32_1 = arith.constant 0 : i32
    return %c0_i32, %c0_i32_0 : i32, i32
  }
  func.func @transform_3(%arg0: i32, %arg1: i32, %arg2: memref<16xi32, #tpu.memory_space<smem>>, %arg3: memref<16xi32, #tpu.memory_space<smem>>, %arg4: memref<16xi32, #tpu.memory_space<smem>>) -> (i32, i32) {
    %c0_i32 = arith.constant 0 : i32
    %c0_i32_0 = arith.constant 0 : i32
    %c0_i32_1 = arith.constant 0 : i32
    return %c0_i32, %c0_i32_0 : i32, i32
  }
  func.func @transform_4(%arg0: i32, %arg1: i32, %arg2: memref<16xi32, #tpu.memory_space<smem>>, %arg3: memref<16xi32, #tpu.memory_space<smem>>, %arg4: memref<16xi32, #tpu.memory_space<smem>>) -> (i32, i32) {
    %c0_i32 = arith.constant 0 : i32
    %c0_i32_0 = arith.constant 0 : i32
    %c0_i32_1 = arith.constant 0 : i32
    return %c0_i32, %c0_i32_0 : i32, i32
  }
  func.func @transform_5(%arg0: i32, %arg1: i32, %arg2: memref<16xi32, #tpu.memory_space<smem>>, %arg3: memref<16xi32, #tpu.memory_space<smem>>, %arg4: memref<16xi32, #tpu.memory_space<smem>>) -> (i32, i32, i32) {
    %get3A = arith.index_cast %arg0 : i32 to index
    %get3A_0 = memref.load %arg3[%get3A] : memref<16xi32, #tpu.memory_space<smem>>
    %get3A_1 = arith.index_cast %arg0 : i32 to index
    %get3A_2 = memref.load %arg4[%get3A_1] : memref<16xi32, #tpu.memory_space<smem>>
    %mul3A = arith.muli %arg1, %get3A_2 : i32
    %c0_i32 = arith.constant 0 : i32
    %c0_i32_3 = arith.constant 0 : i32
    return %get3A_0, %c0_i32, %mul3A : i32, i32, i32
  }
  func.func @transform_6(%arg0: i32, %arg1: i32, %arg2: memref<16xi32, #tpu.memory_space<smem>>, %arg3: memref<16xi32, #tpu.memory_space<smem>>, %arg4: memref<16xi32, #tpu.memory_space<smem>>) -> (i32, i32, i32) {
    %get3A = arith.index_cast %arg0 : i32 to index
    %get3A_0 = memref.load %arg3[%get3A] : memref<16xi32, #tpu.memory_space<smem>>
    %mul3A = arith.constant 4 : i32
    %mul3A_1 = arith.muli %get3A_0, %mul3A : i32
    %get3A_2 = arith.index_cast %arg0 : i32 to index
    %get3A_3 = memref.load %arg4[%get3A_2] : memref<16xi32, #tpu.memory_space<smem>>
    %mul3A_4 = arith.muli %arg1, %get3A_3 : i32
    %add3A = arith.addi %mul3A_1, %mul3A_4 : i32
    %c0_i32 = arith.constant 0 : i32
    %c0_i32_5 = arith.constant 0 : i32
    %c0_i32_6 = arith.constant 0 : i32
    return %add3A, %c0_i32, %c0_i32_5 : i32, i32, i32
  }
  func.func @transform_7(%arg0: i32, %arg1: i32, %arg2: memref<16xi32, #tpu.memory_space<smem>>, %arg3: memref<16xi32, #tpu.memory_space<smem>>, %arg4: memref<16xi32, #tpu.memory_space<smem>>) -> (i32, i32, i32) {
    %get3A = arith.index_cast %arg0 : i32 to index
    %get3A_0 = memref.load %arg3[%get3A] : memref<16xi32, #tpu.memory_space<smem>>
    %get3A_1 = arith.index_cast %arg0 : i32 to index
    %get3A_2 = memref.load %arg4[%get3A_1] : memref<16xi32, #tpu.memory_space<smem>>
    %mul3A = arith.muli %arg1, %get3A_2 : i32
    %c0_i32 = arith.constant 0 : i32
    %c0_i32_3 = arith.constant 0 : i32
    return %get3A_0, %mul3A, %c0_i32 : i32, i32, i32
  }
  func.func @transform_8(%arg0: i32, %arg1: i32, %arg2: memref<16xi32, #tpu.memory_space<smem>>, %arg3: memref<16xi32, #tpu.memory_space<smem>>, %arg4: memref<16xi32, #tpu.memory_space<smem>>) -> (i32, i32, i32) {
    %get3A = arith.index_cast %arg0 : i32 to index
    %get3A_0 = memref.load %arg3[%get3A] : memref<16xi32, #tpu.memory_space<smem>>
    %c0_i32 = arith.constant 0 : i32
    %c0_i32_1 = arith.constant 0 : i32
    %c0_i32_2 = arith.constant 0 : i32
    return %get3A_0, %c0_i32, %c0_i32_1 : i32, i32, i32
  }
  func.func @transform_9(%arg0: i32, %arg1: i32, %arg2: memref<16xi32, #tpu.memory_space<smem>>, %arg3: memref<16xi32, #tpu.memory_space<smem>>, %arg4: memref<16xi32, #tpu.memory_space<smem>>) -> (i32, i32) {
    %get3A = arith.index_cast %arg0 : i32 to index
    %get3A_0 = memref.load %arg2[%get3A] : memref<16xi32, #tpu.memory_space<smem>>
    %c0_i32 = arith.constant 0 : i32
    %c0_i32_1 = arith.constant 0 : i32
    return %get3A_0, %c0_i32 : i32, i32
  }
}

module attributes {stable_mosaic.version = 14 : i64} {
  func.func @_head_body(%arg0: memref<512x1024xf32, #tpu.memory_space<vmem>>, %arg1: memref<1024x10xf32, #tpu.memory_space<vmem>>, %arg2: memref<1x10xf32, #tpu.memory_space<vmem>>, %arg3: memref<8x1024xf32, #tpu.memory_space<vmem>>, %arg4: memref<8x10xf32, #tpu.memory_space<vmem>>) attributes {dimension_semantics = [], scalar_prefetch = 0 : i64, scratch_operands = 0 : i64, tpu.core_type = #tpu.core_type<tc>} {
    %get3A = arith.constant 0 : index
    %get3A_0 = arith.constant 0 : index
    %get3A_1 = vector.load %arg0[%get3A, %get3A_0] : memref<512x1024xf32, #tpu.memory_space<vmem>>, vector<64x1024xf32>
    %reduce_sum3A = arith.constant dense<0.000000e+00> : vector<1024xf32>
    %reduce_sum3A_2 = vector.multi_reduction <add>, %get3A_1, %reduce_sum3A [0] : vector<64x1024xf32> to vector<1024xf32>
    %broadcast_in_dim3A = vector.shape_cast %reduce_sum3A_2 : vector<1024xf32> to vector<1x1024xf32>
    %div3A = arith.constant 6.400000e+01 : f32
    %div3A_3 = vector.broadcast %div3A : f32 to vector<1x1024xf32>
    %div3A_4 = arith.divf %broadcast_in_dim3A, %div3A_3 : vector<1x1024xf32>
    %get3A_5 = arith.constant 64 : index
    %get3A_6 = arith.constant 0 : index
    %get3A_7 = vector.load %arg0[%get3A_5, %get3A_6] : memref<512x1024xf32, #tpu.memory_space<vmem>>, vector<64x1024xf32>
    %reduce_sum3A_8 = arith.constant dense<0.000000e+00> : vector<1024xf32>
    %reduce_sum3A_9 = vector.multi_reduction <add>, %get3A_7, %reduce_sum3A_8 [0] : vector<64x1024xf32> to vector<1024xf32>
    %broadcast_in_dim3A_10 = vector.shape_cast %reduce_sum3A_9 : vector<1024xf32> to vector<1x1024xf32>
    %div3A_11 = arith.constant 6.400000e+01 : f32
    %div3A_12 = vector.broadcast %div3A_11 : f32 to vector<1x1024xf32>
    %div3A_13 = arith.divf %broadcast_in_dim3A_10, %div3A_12 : vector<1x1024xf32>
    %get3A_14 = arith.constant 128 : index
    %get3A_15 = arith.constant 0 : index
    %get3A_16 = vector.load %arg0[%get3A_14, %get3A_15] : memref<512x1024xf32, #tpu.memory_space<vmem>>, vector<64x1024xf32>
    %reduce_sum3A_17 = arith.constant dense<0.000000e+00> : vector<1024xf32>
    %reduce_sum3A_18 = vector.multi_reduction <add>, %get3A_16, %reduce_sum3A_17 [0] : vector<64x1024xf32> to vector<1024xf32>
    %broadcast_in_dim3A_19 = vector.shape_cast %reduce_sum3A_18 : vector<1024xf32> to vector<1x1024xf32>
    %div3A_20 = arith.constant 6.400000e+01 : f32
    %div3A_21 = vector.broadcast %div3A_20 : f32 to vector<1x1024xf32>
    %div3A_22 = arith.divf %broadcast_in_dim3A_19, %div3A_21 : vector<1x1024xf32>
    %get3A_23 = arith.constant 192 : index
    %get3A_24 = arith.constant 0 : index
    %get3A_25 = vector.load %arg0[%get3A_23, %get3A_24] : memref<512x1024xf32, #tpu.memory_space<vmem>>, vector<64x1024xf32>
    %reduce_sum3A_26 = arith.constant dense<0.000000e+00> : vector<1024xf32>
    %reduce_sum3A_27 = vector.multi_reduction <add>, %get3A_25, %reduce_sum3A_26 [0] : vector<64x1024xf32> to vector<1024xf32>
    %broadcast_in_dim3A_28 = vector.shape_cast %reduce_sum3A_27 : vector<1024xf32> to vector<1x1024xf32>
    %div3A_29 = arith.constant 6.400000e+01 : f32
    %div3A_30 = vector.broadcast %div3A_29 : f32 to vector<1x1024xf32>
    %div3A_31 = arith.divf %broadcast_in_dim3A_28, %div3A_30 : vector<1x1024xf32>
    %get3A_32 = arith.constant 256 : index
    %get3A_33 = arith.constant 0 : index
    %get3A_34 = vector.load %arg0[%get3A_32, %get3A_33] : memref<512x1024xf32, #tpu.memory_space<vmem>>, vector<64x1024xf32>
    %reduce_sum3A_35 = arith.constant dense<0.000000e+00> : vector<1024xf32>
    %reduce_sum3A_36 = vector.multi_reduction <add>, %get3A_34, %reduce_sum3A_35 [0] : vector<64x1024xf32> to vector<1024xf32>
    %broadcast_in_dim3A_37 = vector.shape_cast %reduce_sum3A_36 : vector<1024xf32> to vector<1x1024xf32>
    %div3A_38 = arith.constant 6.400000e+01 : f32
    %div3A_39 = vector.broadcast %div3A_38 : f32 to vector<1x1024xf32>
    %div3A_40 = arith.divf %broadcast_in_dim3A_37, %div3A_39 : vector<1x1024xf32>
    %get3A_41 = arith.constant 320 : index
    %get3A_42 = arith.constant 0 : index
    %get3A_43 = vector.load %arg0[%get3A_41, %get3A_42] : memref<512x1024xf32, #tpu.memory_space<vmem>>, vector<64x1024xf32>
    %reduce_sum3A_44 = arith.constant dense<0.000000e+00> : vector<1024xf32>
    %reduce_sum3A_45 = vector.multi_reduction <add>, %get3A_43, %reduce_sum3A_44 [0] : vector<64x1024xf32> to vector<1024xf32>
    %broadcast_in_dim3A_46 = vector.shape_cast %reduce_sum3A_45 : vector<1024xf32> to vector<1x1024xf32>
    %div3A_47 = arith.constant 6.400000e+01 : f32
    %div3A_48 = vector.broadcast %div3A_47 : f32 to vector<1x1024xf32>
    %div3A_49 = arith.divf %broadcast_in_dim3A_46, %div3A_48 : vector<1x1024xf32>
    %get3A_50 = arith.constant 384 : index
    %get3A_51 = arith.constant 0 : index
    %get3A_52 = vector.load %arg0[%get3A_50, %get3A_51] : memref<512x1024xf32, #tpu.memory_space<vmem>>, vector<64x1024xf32>
    %reduce_sum3A_53 = arith.constant dense<0.000000e+00> : vector<1024xf32>
    %reduce_sum3A_54 = vector.multi_reduction <add>, %get3A_52, %reduce_sum3A_53 [0] : vector<64x1024xf32> to vector<1024xf32>
    %broadcast_in_dim3A_55 = vector.shape_cast %reduce_sum3A_54 : vector<1024xf32> to vector<1x1024xf32>
    %div3A_56 = arith.constant 6.400000e+01 : f32
    %div3A_57 = vector.broadcast %div3A_56 : f32 to vector<1x1024xf32>
    %div3A_58 = arith.divf %broadcast_in_dim3A_55, %div3A_57 : vector<1x1024xf32>
    %get3A_59 = arith.constant 448 : index
    %get3A_60 = arith.constant 0 : index
    %get3A_61 = vector.load %arg0[%get3A_59, %get3A_60] : memref<512x1024xf32, #tpu.memory_space<vmem>>, vector<64x1024xf32>
    %reduce_sum3A_62 = arith.constant dense<0.000000e+00> : vector<1024xf32>
    %reduce_sum3A_63 = vector.multi_reduction <add>, %get3A_61, %reduce_sum3A_62 [0] : vector<64x1024xf32> to vector<1024xf32>
    %broadcast_in_dim3A_64 = vector.shape_cast %reduce_sum3A_63 : vector<1024xf32> to vector<1x1024xf32>
    %div3A_65 = arith.constant 6.400000e+01 : f32
    %div3A_66 = vector.broadcast %div3A_65 : f32 to vector<1x1024xf32>
    %div3A_67 = arith.divf %broadcast_in_dim3A_64, %div3A_66 : vector<1x1024xf32>
    %concatenate3A = tpu.concatenate %div3A_4, %div3A_13, %div3A_22, %div3A_31, %div3A_40, %div3A_49, %div3A_58, %div3A_67 in 0 : vector<1x1024xf32>, vector<1x1024xf32>, vector<1x1024xf32>, vector<1x1024xf32>, vector<1x1024xf32>, vector<1x1024xf32>, vector<1x1024xf32>, vector<1x1024xf32> -> vector<8x1024xf32>
    %swap3A = arith.constant 0 : index
    %swap3A_68 = arith.constant 0 : index
    %swap3A_69 = vector.load %arg3[%swap3A, %swap3A_68] : memref<8x1024xf32, #tpu.memory_space<vmem>>, vector<8x1024xf32>
    tpu.vector_store %arg3[%swap3A, %swap3A_68], %concatenate3A {strides = array<i32>} : memref<8x1024xf32, #tpu.memory_space<vmem>>, vector<8x1024xf32>,
    %get3A_70 = arith.constant 0 : index
    %get3A_71 = arith.constant 0 : index
    %get3A_72 = vector.load %arg1[%get3A_70, %get3A_71] : memref<1024x10xf32, #tpu.memory_space<vmem>>, vector<1024x10xf32>
    %dot_general3A = arith.constant dense<0.000000e+00> : vector<8x10xf32>
    %dot_general3A_73 = tpu.matmul %concatenate3A, %get3A_72, %dot_general3A {dimension_numbers = #tpu.dot_dimension_numbers<[1], [0], [0], [1], [0, 0, 1, 1], [], []>, transpose_lhs_hint = false} : vector<8x1024xf32>, vector<1024x10xf32>, vector<8x10xf32> -> vector<8x10xf32>
    %get3A_74 = arith.constant 0 : index
    %get3A_75 = arith.constant 0 : index
    %get3A_76 = vector.load %arg2[%get3A_74, %get3A_75] : memref<1x10xf32, #tpu.memory_space<vmem>>, vector<1x10xf32>
    %add3A = vector.broadcast %get3A_76 : vector<1x10xf32> to vector<8x10xf32>
    %add3A_77 = arith.addf %dot_general3A_73, %add3A : vector<8x10xf32>
    %swap3A_78 = arith.constant 0 : index
    %swap3A_79 = arith.constant 0 : index
    %swap3A_80 = vector.load %arg4[%swap3A_78, %swap3A_79] : memref<8x10xf32, #tpu.memory_space<vmem>>, vector<8x10xf32>
    tpu.vector_store %arg4[%swap3A_78, %swap3A_79], %add3A_77 {strides = array<i32>} : memref<8x10xf32, #tpu.memory_space<vmem>>, vector<8x10xf32>,
    return
  }
}

</mosaic_0001>

<sc_bundles>
// kernel: kernel.11.cloned.1.call-start
scs
__scs_entry_jumppad:
0x0: {  	(pc) =	sbr.rel $0x88, $3  }
0x1: {  	(tag) =	ssettag $0x0;
	lr =	simm.s32 $0x1  }
0x2: {  	[smem:$0x3F84] =	sst lr;
	_ =	strace $0xD0000000  }
0x3: {  	_ = 	snop  }
0x4: {  	_ = 	snop  }
0x5: {  	_ = 	snop  }
0x6: {  	_ = 	snop  }
0x7: {  	_ = 	snop  }
__scs_overlays_trampoline_lowered:
0x8: {  	[smem:$0x3F93] =	sst s0  }
0x9: {  	[smem:$0x3F94] =	sst s1  }
0xa: {  	[smem:$0x3F95] =	sst s2  }
0xb: {  	[smem:$0x3F96] =	sst s3  }
0xc: {  	[smem:$0x3F97] =	sst s4  }
0xd: {  	[smem:$0x3F98] =	sst s5  }
0xe: {  	[smem:$0x3F99] =	sst s6  }
0xf: {  	[smem:$0x3F9A] =	sst s7  }
0x10: {  	[smem:$0x3F9B] =	sst s8  }
0x11: {  	[smem:$0x3F9C] =	sst s9;
	s0 =	simm.s32 @!p0 $0x0  }
0x12: {  	s1 =	sld [smem:$0x3F82];
	s0 =	simm.s32 @p0 $0x1  }
0x13: {  	[smem:$0x3F9D] =	sst s0;
	s0 =	simm.s32 @!p1 $0x0  }
0x14: {  	s2 =	sld [smem:$0x3F81];
	s0 =	simm.s32 @p1 $0x1  }
0x15: {  	[smem:$0x3F9E] =	sst s0;
	s0 =	simm.s32 @!p2 $0x0  }
0x16: {  	s3 =	sld [smem:$0x3FDB];
	s0 =	simm.s32 @p2 $0x1  }
0x17: {  	s4 =	simm.s32 $0x1BF5;
	[smem:$0x3FA0] =	sst s0  }
0x18: {  	s0 =	sld [smem:$0x3F83];
	_ =	swait.ge [sflag:s4], $0x0  }
0x19: {  	s7 =	sld [smem:$0x3F84]  }
0x1a: {  	s8 =	sadd.s32 $0xFFFFE003, lr  }
0x1b: {  	s9 =	sadd.s32 $0xFFFFFEF7, lr;
	s5 =	simm.s32 $0xFFFFFFFF;
	p2 =	slt.u32 s8, $0xFFFFF086  }
0x1c: {  	p1 =	slt.u32 s9, $0xF7A;
	s5 =	simm.s32 @!p2 $0x0  }
0x1d: {  	s5 =	simm.s32 @p1 $0x1;
	p0 =	seq.s32 s7, s2  }
0x1e: {  	s7 =	smul.u32 @!p0 $0xF7A, s2;
	p2 =	seq.s32 @!p0 s5, $0x0  }
0x1f: {  	s9 =	smul.u32 $0xF7A, s1;
	s8 =	simm.s32 @!p0 $0x1BF5;
	p2 =	por !p2, p0  }
0x20: {  	[sflag:s8] =	ssyncset.s32 @!p0 $0xFFFFF086;
	s6 =	sadd.s32 @!p0 s3, s7;
	s7 =	simm.s32 @!p0 $0x108  }
0x21: {  	s3 =	sadd.s32 s3, s9;
	s6 =	sadd.s32 @!p0 $0x88, s6;
	s7 =	simm.s32 @p2 $0x1082  }
0x22: {  	[simem:s7], [sflag:s8] =	dma.local @!p0 [hbm:s6], $0xF7A  }
0x23: {  	s9 =	sor.u32 $0xD0000000, s2;
	s6 =	simm.s32 $0x108;
	_ =	swait.ge @!p0 [sflag:s8], $0x0  }
0x24: {  	s3 =	sadd.s32 $0x88, s3;
	s6 =	simm.s32 @!p1 $0x1082;
	[sflag:s4] =	ssyncset.s32 $0xFFFFF086  }
0x25: {  	[simem:s6], [sflag:s4] =	dma.local [hbm:s3], $0xF7A  }
0x26: {  	[smem:$0x3F84] =	sst s1;
	(tag) =	ssettag s2;
	_ =	strace s9  }
0x27: {  	s1 =	sld [smem:$0x3F94]  }
0x28: {  	s2 =	sld [smem:$0x3F95]  }
0x29: {  	s4 =	sld [smem:$0x3F97]  }
0x2a: {  	p0 =	seq.s32 s5, $0x0;
	s5 =	sld [smem:$0x3F98]  }
0x2b: {  	s6 =	sld [smem:$0x3F99]  }
0x2c: {  	s7 =	sld [smem:$0x3F9A]  }
0x2d: {  	s3 =	simm.s32 $0x108;
	s8 =	sld [smem:$0x3F9B]  }
0x2e: {  	s3 =	simm.s32 @!p0 $0x1082;
	s9 =	sld [smem:$0x3F9C]  }
0x2f: {  	lr =	sadd.s32 s0, s3;
	s0 =	sld [smem:$0x3F93]  }
0x30: {  	s3 =	sld [smem:$0x3F96]  }
0x31: {  	[smem:$0x3F9F] =	sst s10  }
0x32: {  	s10 =	sld [smem:$0x3F9D];
	_ =	sdelay $0x3  }
0x33: {  	p0 =	seq.s32 s10, $0x1;
	s10 =	sld [smem:$0x3F9F];
	_ =	sdelay $0x3  }
0x34: {  	[smem:$0x3F9F] =	sst s10  }
0x35: {  	s10 =	sld [smem:$0x3F9E];
	_ =	sdelay $0x3  }
0x36: {  	p1 =	seq.s32 s10, $0x1;
	s10 =	sld [smem:$0x3F9F];
	_ =	sdelay $0x3  }
0x37: {  	[smem:$0x3F9F] =	sst s10  }
0x38: {  	s10 =	sld [smem:$0x3FA0]  }
0x39: {  	_ = 	snop;
	(pc) =	sbr.ind lr, $3  }
0x3a: {  	_ = 	snop  }
0x3b: {  	_ = 	snop  }
0x3c: {  	p2 =	seq.s32 s10, $0x1;
	s10 =	sld [smem:$0x3F9F]  }
0x3d: {  	_ =	shalt  }
0x3e: {  	_ =	shalt  }
0x3f: {  	_ =	shalt  }
0x40: {  	_ =	shalt  }
0x41: {  	_ =	shalt  }
0x42: {  	_ =	shalt  }
0x43: {  	_ =	shalt  }
0x44: {  	_ =	shalt  }
0x45: {  	_ =	shalt  }
0x46: {  	_ =	shalt  }
0x47: {  	_ =	shalt  }
0x48: {  	_ =	shalt  }
0x49: {  	_ =	shalt  }
0x4a: {  	_ =	shalt  }
0x4b: {  	_ =	shalt  }
0x4c: {  	_ =	shalt  }
0x4d: {  	_ =	shalt  }
0x4e: {  	_ =	shalt  }
0x4f: {  	_ =	shalt  }
0x50: {  	_ =	shalt  }
0x51: {  	_ =	shalt  }
0x52: {  	_ =	shalt  }
0x53: {  	_ =	shalt  }
0x54: {  	_ =	shalt  }
0x55: {  	_ =	shalt  }
0x56: {  	_ =	shalt  }
0x57: {  	_ =	shalt  }
0x58: {  	_ =	shalt  }
0x59: {  	_ =	shalt  }
0x5a: {  	_ =	shalt  }
0x5b: {  	_ =	shalt  }
0x5c: {  	_ =	shalt  }
0x5d: {  	_ =	shalt  }
0x5e: {  	_ =	shalt  }
0x5f: {  	_ =	shalt  }
0x60: {  	_ =	shalt  }
0x61: {  	_ =	shalt  }
0x62: {  	_ =	shalt  }
0x63: {  	_ =	shalt  }
0x64: {  	_ =	shalt  }
0x65: {  	_ =	shalt  }
0x66: {  	_ =	shalt  }
0x67: {  	_ =	shalt  }
0x68: {  	_ =	shalt  }
0x69: {  	_ =	shalt  }
0x6a: {  	_ =	shalt  }
0x6b: {  	_ =	shalt  }
0x6c: {  	_ =	shalt  }
0x6d: {  	_ =	shalt  }
0x6e: {  	_ =	shalt  }
0x6f: {  	_ =	shalt  }
0x70: {  	_ =	shalt  }
0x71: {  	_ =	shalt  }
0x72: {  	_ =	shalt  }
0x73: {  	_ =	shalt  }
0x74: {  	_ =	shalt  }
0x75: {  	_ =	shalt  }
0x76: {  	_ =	shalt  }
0x77: {  	_ =	shalt  }
0x78: {  	_ =	shalt  }
0x79: {  	_ =	shalt  }
0x7a: {  	_ =	shalt  }
0x7b: {  	_ =	shalt  }
0x7c: {  	_ =	shalt  }
0x7d: {  	_ =	shalt  }
0x7e: {  	_ =	shalt  }
0x7f: {  	_ =	shalt  }
0x80: {  	_ =	shalt  }
0x81: {  	_ =	shalt  }
0x82: {  	_ =	shalt  }
0x83: {  	_ =	shalt  }
0x84: {  	_ =	shalt  }
0x85: {  	_ =	shalt  }
0x86: {  	_ =	shalt  }
0x87: {  	_ =	shalt  }
.Lfunc_end0:
.L_simem_size_0:
called_computation.1_lowered:
.L_overlay_start_0:
0x88: {  	s2 =	sld [smem:$0x3FD9]  }
0x89: {  	s3 =	sld [smem:$0x3FFE];
	_ =	sdelay $0x1  }
0x8a: {  	s1 =	srdreg.scid  }
0x8b: {  	s0 =	sand.u32 $0x1, s1  }
0x8c: {  	s14 =	sshll.u32 s0, $0xA;
	s2 =	sadd.s32 s3, s2  }
0x8d: {  	s2 =	sadd.s32 s2, s14  }
0x8e: {  	[smem:$0x3FAB] =	sst s2  }
0x8f: {  	_ = 	snop  }
0x90: {  	s2 =	sld [smem:$0x3FD0];
	_ =	sdelay $0x2  }
0x91: {  	s15 =	simm.s32 $0xB;
	s4 =	simm.s32 $0x10  }
0x92: {  	[smem:s4], [sflag:s15] =	dma.local [hbm:s2], $0x1  }
0x93: {  	_ =	swait.eq [sflag:s15], $0x1  }
0x94: {  	[sflag:s15] =	ssyncset.done $0x0  }
0x95: {  	s16 =	sld [smem:$0x11];
	[sflag:s15] =	ssyncadd.s32 $0xFFFFFFFF  }
0x96: {  	s17 =	sld [smem:$0x13];
	(tm) =	ssettm $0x1  }
0x97: {  	s18 =	sld [smem:$0x3FFB];
	_ =	sdelay $0x3  }
0x98: {  	_ =	strace s18  }
0x99: {  	s4 =	sld [smem:$0x3FFC];
	_ =	sdelay $0x3  }
0x9a: {  	_ =	strace s4  }
0x9b: {  	s4 =	sld [smem:$0x3FFD];
	_ =	sdelay $0x3  }
0x9c: {  	_ =	strace s4  }
0x9d: {  	_ =	strace $0x8FFFFFFF  }
0x9e: {  	s19 =	sld [smem:$0x3FDB];
	_ =	sdelay $0x1  }
0x9f: {  	s5 =	simm.s32 $_scs_section_size  }
0xa0: {  	s6 =	simm.s32 $_size__tile_overlayer_lowered;
	s7 =	simm.s32 $_tile_overlayer_lowered  }
0xa1: {  	s22 =	simm.s32 $0x1BFF;
	s21 =	sshll.u32 s7, $0x1;
	s4 =	sadd.s32 s5, s19  }
0xa2: {  	s8 =	simm.s32 $0x0;
	s20 =	sshll.u32 s6, $0x1;
	s6 =	sadd.s32 s21, s4  }
0xa3: {  	[timem:s8], [sflag:s22] =	dma.local [hbm:s6], s20  }
0xa4: {  	_ =	swait.ge [sflag:s22], s20  }
0xa5: {  	s5 =	ssub.s32 $0x0, s20;
	[sflag:s22] =	ssyncset.done $0x0  }
0xa6: {  	[sflag:s22] =	ssyncadd.s32 s5;
	_ =	sdelay $0x1  }
0xa7: {  	s23 =	simm.s32 $0x1B8B  }
0xa8: {  	_ =	swait.ge [sflag:s23], $0x1  }
0xa9: {  	[sflag:s23] =	ssyncset.done $0x0  }
0xaa: {  	s25 =	simm.s32 $0x1B8E;
	s24 =	sld [smem:$0x3FFE];
	[sflag:s23] =	ssyncadd.s32 $0xFFFFFFFF  }
0xab: {  	s26 =	simm.s32 $execute0_lowered;
	[smem:$0x3FD2] =	sst s25  }
0xac: {  	s6 =	sshll.u32 s26, $0x1;
	_ =	strace $0x80000046;
	[dreg:$0x1] =	wrdreg $0xFFFFFFFF  }
0xad: {  	s28 =	simm.s32 $_size_execute0_lowered;
	s4 =	sadd.s32 s4, s6;
	[dreg:$0x0] =	wrdreg $0x0  }
0xae: {  	s6 =	sshll.u32 s28, $0x1;
	[dreg:$0x2] =	wrdreg s4  }
0xaf: {  	[dreg:$0x3] =	wrdreg s6  }
0xb0: {  	[dreg:$0x4] =	wrdreg $0xC0  }
0xb1: {  	_ =	task [dreg:s8], $0x5FFFF  }
0xb2: {  	[dreg:$0x1] =	wrdreg $0xFFFFFFFF  }
0xb3: {  	[dreg:$0x0] =	wrdreg $0x60  }
0xb4: {  	[dreg:$0x2] =	wrdreg s24  }
0xb5: {  	[dreg:$0x3] =	wrdreg s17  }
0xb6: {  	[dreg:$0x4] =	wrdreg s16  }
0xb7: {  	[dreg:$0x5] =	wrdreg $0xA  }
0xb8: {  	_ =	task.clear_ibuf [dreg:s8], $0x6FFFF;
	_ =	strace $0x90000046  }
0xb9: {  	s29 =	simm.s32 $0xA;
	_ =	strace $0x80000048  }
0xba: {  	_ =	swait.ge [sflag:s29], $0x1  }
0xbb: {  	[sflag:s29] =	ssyncadd.s32 $0xFFFFFFFF  }
0xbc: {  	_ =	strace $0x90000048  }
0xbd: {  	_ =	sfence  }
0xbe: {  	s30 =	sld [smem:$0x0];
	_ =	sdelay $0x2  }
0xbf: {  	s31 =	sshll.u32 s1, $0xD;
	s1 =	sshrl.u32 s1, $0x2  }
0xc0: {  	s3 =	sand.u32 $0x4000, s31;
	s1 =	sadd.s32 s1, s30  }
0xc1: {  	s0 =	sor.u32 s3, s0;
	s1 =	sshll.u32 s1, $0x11  }
0xc2: {  	s0 =	sor.u32 s1, s0  }
0xc3: {  	s0 =	sadd.s32 $0x8F2B, s0  }
0xc4: {  	[sflag:s0] =	ssyncadd.remote.s32 $0x1  }
0xc5: {  	_ =	sfence.sel $0xFFFF  }
0xc6: {  	[dreg:$0x0] =	wrdreg $0xFFFFFFFF;
	(pc) =	sbr.abs _section_cstart, $3  }
0xc7: {  	[dreg:$0x1] =	wrdreg $0xFFFFFFFF  }
0xc8: {  	_ =	task.clear_ibuf [dreg:s8], $0x2FFFF;
	_ =	strace $0x9FFFFFFF  }
0xc9: {  	(tm) =	ssettm $0x7FFFFFFF  }
tec
execute0_lowered:
.L_overlay_start_1:
0x0: {  	(tag) =	ssettag $0x1  }
0x1: {  	s0 =	rddreg [dreg:$0x0]  }
0x2: {  	s1 =	rddreg [dreg:$0x1]  }
0x3: {  	s8 =	rddreg [dreg:$0x2];
	s2 =	simm.s32 $0x0  }
0x4: {  	s3 =	srdreg.scid;
	s5 =	stileid.u32;
	s10 =	simm.s32 $0x3  }
0x5: {  	s11 =	simm.s32 $0x180;
	s16 =	simm.s32 $0x2980;
	s17 =	simm.s32 $0x3180  }
0x6: {  	s18 =	simm.s32 $0x3980;
	s19 =	simm.s32 $0x4180;
	s20 =	simm.s32 $0x4980  }
0x7: {  	s21 =	simm.s32 $0x5180;
	s22 =	simm.s32 $0x5980;
	s23 =	simm.s32 $0x6180  }
0x8: {  	s24 =	simm.s32 $0x6980;
	s25 =	simm.s32 $0x7180;
	s28 =	simm.s32 $0x1  }
0x9: {  	s29 =	simm.s32 $0x2;
	s30 =	simm.s32 $0x0;
	s3 =	sand.u32 $0x1, s3  }
0xa: {  	[smem:$0x7FF] =	sst s2;
	s5 =	sshll.u32 s5, $0x5;
	s4 =	ssub.s32 $0x2, s3  }
0xb: {  	s3 =	sshll.u32 s3, $0x4;
	_ =	strace $0x80000047;
	s6 =	sshrl.u32 s4, $0x1  }
0xc: {  	s7 =	sor.u32 s3, s5;
	s3 =	sadd.s32 $0x200, s0;
	s5 =	sadd.s32 $0x300, s0  }
0xd: {  	v2 =	vlaneseq.u32;
	s9 =	ssub.s32 s4, s6;
	s26 =	sshrl.u32 s7, $0x3;
	s31 =	sshll.u32 s7, $0x7  }
0xe: {  	vm0 =	vmmov $0xffff;
	v1 =	vshrl.u32 v2, $0x3;
	s6 =	sadd.s32 $0x400, s0;
	s7 =	sadd.s32 $0x500, s0;
	s4 =	sadd.s32 s1, s26  }
0xf: {  	v0 =	vand.u32 $0x7, v2;
	v2 =	vor.u32 $0x8, v2;
	v1 =	vmul.u32 $0x8, v1;
	s8 =	sadd.s32 s8, s31;
	s9 =	smax.u32 s9, $0x1;
	s26 =	simm.s32 $0x7980  }
.LBB2_1:
0x10: {  	[tilespmem:s2], [sflag:$0x3] =	stream.linear.gather [hbm4b:s4+s2], $0x10, $0x38;
	[tilespmem:$0x8180] =	vst v63  }
0x11: {  	_ =	swait.ge [sflag:s10], $0x10  }
0x12: {  	[sflag:s10] =	ssyncset.done $0x0  }
0x13: {  	[sflag:s10] =	ssyncadd.s32 $0xFFFFFFF0  }
0x14: {  	v3 =	vld [tilespmem:$0x0];
	_ =	sdelay $0x4  }
0x15: {  	v4 =	vand.u32 $0x7FF, v3  }
0x16: {  	[tilespmem:$0x80] =	vst v4  }
0x17: {  	v4 =	vld [tilespmem:$0x80];
	_ =	sdelay $0x4  }
0x18: {  	v5 =	vshll.u32 v4, $0x3  }
0x19: {  	v4 =	vand.u32 $0x7, v4;
	v5 =	vand.u32 $0xFFFFFFC0, v5  }
0x1a: {  	v4 =	vor.u32 v4, v5  }
0x1b: {  	v5 =	vperm.xlane v4, v0;
	_ =	sdelay $0x1  }
0x1c: {  	v5 =	vadd.s32 v1, v5;
	_ =	sdelay $0x2  }
0x1d: {  	v3 =	vshrl.u32 v3, $0xB  }
0x1e: {  	[tilespmem:$0x100] =	vst v3  }
0x1f: {  	[tilespmem:s11], [sflag:$0x1] =	stream.indirect_vreg.gather [hbm4b:s3+s2], $0x80, v5, vm0, $0xb8;
	[tilespmem:$0x8180] =	vst v63  }
0x20: {  	s0 =	simm.s32 $0x980;
	v3 =	vperm.xlane v4, v2  }
0x21: {  	[tilespmem:s0], [sflag:$0x1] =	stream.indirect_vreg.gather [hbm4b:s5+s2], $0x80, v5, vm0, $0xb8;
	[tilespmem:$0x8180] =	vst v63  }
0x22: {  	s13 =	simm.s32 $0x1180;
	v3 =	vadd.s32 v1, v3  }
0x23: {  	[tilespmem:s13], [sflag:$0x1] =	stream.indirect_vreg.gather [hbm4b:s6+s2], $0x80, v5, vm0, $0xb8;
	[tilespmem:$0x8180] =	vst v63  }
0x24: {  	s14 =	simm.s32 $0x1980  }
0x25: {  	[tilespmem:s14], [sflag:$0x1] =	stream.indirect_vreg.gather [hbm4b:s7+s2], $0x80, v5, vm0, $0xb8;
	[tilespmem:$0x8180] =	vst v63  }
0x26: {  	s15 =	simm.s32 $0x2180  }
0x27: {  	[tilespmem:s15], [sflag:$0x1] =	stream.indirect_vreg.gather [hbm4b:s3+s2], $0x80, v3, vm0, $0xb8;
	[tilespmem:$0x8180] =	vst v63  }
0x28: {  	_ = 	snop  }
0x29: {  	[tilespmem:s16], [sflag:$0x1] =	stream.indirect_vreg.gather [hbm4b:s5+s2], $0x80, v3, vm0, $0xb8;
	[tilespmem:$0x8180] =	vst v63  }
0x2a: {  	_ = 	snop  }
0x2b: {  	[tilespmem:s17], [sflag:$0x1] =	stream.indirect_vreg.gather [hbm4b:s6+s2], $0x80, v3, vm0, $0xb8;
	[tilespmem:$0x8180] =	vst v63  }
0x2c: {  	_ = 	snop  }
0x2d: {  	[tilespmem:s18], [sflag:$0x1] =	stream.indirect_vreg.gather [hbm4b:s7+s2], $0x80, v3, vm0, $0xb8;
	[tilespmem:$0x8180] =	vst v63  }
0x2e: {  	v3 =	vld [tilespmem:$0x100];
	_ =	sdelay $0x4  }
0x2f: {  	v63 =	vshll.u32 v3, $0x3  }
0x30: {  	v3 =	vand.u32 $0x7, v3;
	v4 =	vand.u32 $0xFFFFFFC0, v63  }
0x31: {  	v3 =	vor.u32 v3, v4  }
0x32: {  	v4 =	vperm.xlane v3, v0;
	_ =	sdelay $0x1  }
0x33: {  	v4 =	vadd.s32 v1, v4;
	_ =	sdelay $0x4  }
0x34: {  	[tilespmem:s19], [sflag:$0x2] =	stream.indirect_vreg.gather [hbm4b:s3+s2], $0x80, v4, vm0, $0xb8;
	[tilespmem:$0x8180] =	vst v63  }
0x35: {  	v3 =	vperm.xlane v3, v2  }
0x36: {  	[tilespmem:s20], [sflag:$0x2] =	stream.indirect_vreg.gather [hbm4b:s5+s2], $0x80, v4, vm0, $0xb8;
	[tilespmem:$0x8180] =	vst v63  }
0x37: {  	v3 =	vadd.s32 v1, v3  }
0x38: {  	[tilespmem:s21], [sflag:$0x2] =	stream.indirect_vreg.gather [hbm4b:s6+s2], $0x80, v4, vm0, $0xb8;
	[tilespmem:$0x8180] =	vst v63  }
0x39: {  	_ = 	snop  }
0x3a: {  	[tilespmem:s22], [sflag:$0x2] =	stream.indirect_vreg.gather [hbm4b:s7+s2], $0x80, v4, vm0, $0xb8;
	[tilespmem:$0x8180] =	vst v63  }
0x3b: {  	_ = 	snop  }
0x3c: {  	[tilespmem:s23], [sflag:$0x2] =	stream.indirect_vreg.gather [hbm4b:s3+s2], $0x80, v3, vm0, $0xb8;
	[tilespmem:$0x8180] =	vst v63  }
0x3d: {  	_ = 	snop  }
0x3e: {  	[tilespmem:s24], [sflag:$0x2] =	stream.indirect_vreg.gather [hbm4b:s5+s2], $0x80, v3, vm0, $0xb8;
	[tilespmem:$0x8180] =	vst v63  }
0x3f: {  	_ = 	snop  }
0x40: {  	[tilespmem:s25], [sflag:$0x2] =	stream.indirect_vreg.gather [hbm4b:s6+s2], $0x80, v3, vm0, $0xb8;
	[tilespmem:$0x8180] =	vst v63  }
0x41: {  	_ = 	snop  }
0x42: {  	[tilespmem:s26], [sflag:$0x2] =	stream.indirect_vreg.gather [hbm4b:s7+s2], $0x80, v3, vm0, $0xb8;
	[tilespmem:$0x8180] =	vst v63  }
0x43: {  	_ =	swait.ge [sflag:s28], $0x4000  }
0x44: {  	[sflag:s28] =	ssyncset.done $0x0  }
0x45: {  	[sflag:s28] =	ssyncadd.s32 $0xFFFFC000  }
0x46: {  	_ =	swait.ge [sflag:s29], $0x4000  }
0x47: {  	s31 =	simm.s32 $0xFFFFC000;
	s1 =	simm.s32 $0x0;
	[sflag:s29] =	ssyncset.done $0x0  }
0x48: {  	s12 =	simm.s32 $0x0;
	s0 =	simm.s32 $0x0;
	[sflag:s29] =	ssyncadd.s32 $0xFFFFC000  }
.LBB2_2:
0x49: {  	s13 =	sadd.s32 $0x4000, s31  }
0x4a: {  	s14 =	sand.u32 $0x380, s12;
	s13 =	sand.u32 $0x2000, s13  }
0x4b: {  	s13 =	sor.u32 s14, s13  }
0x4c: {  	v3 =	vld [tilespmem:s13+$0x180]  }
0x4d: {  	v4 =	vld [tilespmem:s13+$0x4180]  }
0x4e: {  	v5 =	vld [tilespmem:s13+$0x190]  }
0x4f: {  	v6 =	vld [tilespmem:s13+$0x4190]  }
0x50: {  	v7 =	vld [tilespmem:s13+$0x1A0]  }
0x51: {  	v8 =	vld [tilespmem:s13+$0x41A0]  }
0x52: {  	v9 =	vld [tilespmem:s13+$0x1B0]  }
0x53: {  	v10 =	vld [tilespmem:s13+$0x41B0]  }
0x54: {  	v11 =	vld [tilespmem:s13+$0x1C0]  }
0x55: {  	v12 =	vld [tilespmem:s13+$0x41C0]  }
0x56: {  	v13 =	vld [tilespmem:s13+$0x1D0]  }
0x57: {  	v14 =	vld [tilespmem:s13+$0x41D0]  }
0x58: {  	v15 =	vld [tilespmem:s13+$0x1E0]  }
0x59: {  	v16 =	vld [tilespmem:s13+$0x41E0]  }
0x5a: {  	v17 =	vld [tilespmem:s13+$0x1F0]  }
0x5b: {  	v18 =	vld [tilespmem:s13+$0x41F0]  }
0x5c: {  	v19 =	vld [tilespmem:s13+$0x580]  }
0x5d: {  	v20 =	vld [tilespmem:s13+$0x4580]  }
0x5e: {  	v21 =	vld [tilespmem:s13+$0x590]  }
0x5f: {  	v22 =	vld [tilespmem:s13+$0x4590]  }
0x60: {  	v23 =	vld [tilespmem:s13+$0x5A0]  }
0x61: {  	v24 =	vld [tilespmem:s13+$0x45A0]  }
0x62: {  	v25 =	vld [tilespmem:s13+$0x5B0]  }
0x63: {  	v26 =	vld [tilespmem:s13+$0x45B0]  }
0x64: {  	v27 =	vld [tilespmem:s13+$0x5C0]  }
0x65: {  	v28 =	vld [tilespmem:s13+$0x45C0]  }
0x66: {  	v29 =	vld [tilespmem:s13+$0x5D0]  }
0x67: {  	v30 =	vld [tilespmem:s13+$0x45D0]  }
0x68: {  	v31 =	vld [tilespmem:s13+$0x5E0]  }
0x69: {  	v32 =	vld [tilespmem:s13+$0x45E0]  }
0x6a: {  	v33 =	vld [tilespmem:s13+$0x5F0]  }
0x6b: {  	v34 =	vld [tilespmem:s13+$0x45F0]  }
0x6c: {  	v35 =	vld [tilespmem:s13+$0x980]  }
0x6d: {  	v36 =	vld [tilespmem:s13+$0x4980]  }
0x6e: {  	v37 =	vld [tilespmem:s13+$0x990]  }
0x6f: {  	v38 =	vld [tilespmem:s13+$0x4990]  }
0x70: {  	v39 =	vld [tilespmem:s13+$0x9A0]  }
0x71: {  	v40 =	vld [tilespmem:s13+$0x49A0]  }
0x72: {  	v41 =	vld [tilespmem:s13+$0x9B0]  }
0x73: {  	v42 =	vld [tilespmem:s13+$0x49B0]  }
0x74: {  	v43 =	vld [tilespmem:s13+$0x9C0]  }
0x75: {  	v44 =	vld [tilespmem:s13+$0x49C0]  }
0x76: {  	v45 =	vld [tilespmem:s13+$0x9D0]  }
0x77: {  	v46 =	vld [tilespmem:s13+$0x49D0]  }
0x78: {  	v47 =	vld [tilespmem:s13+$0x9E0]  }
0x79: {  	v48 =	vld [tilespmem:s13+$0x49E0]  }
0x7a: {  	v49 =	vld [tilespmem:s13+$0x9F0]  }
0x7b: {  	v50 =	vld [tilespmem:s13+$0x49F0]  }
0x7c: {  	v51 =	vld [tilespmem:s13+$0xD80]  }
0x7d: {  	v52 =	vld [tilespmem:s13+$0x4D80]  }
0x7e: {  	v53 =	vld [tilespmem:s13+$0xD90]  }
0x7f: {  	v54 =	vld [tilespmem:s13+$0x4D90]  }
0x80: {  	v55 =	vld [tilespmem:s13+$0xDA0]  }
0x81: {  	v56 =	vld [tilespmem:s13+$0x4DA0]  }
0x82: {  	v57 =	vld [tilespmem:s13+$0xDB0]  }
0x83: {  	v58 =	vld [tilespmem:s13+$0x4DB0]  }
0x84: {  	v59 =	vld [tilespmem:s13+$0xDC0]  }
0x85: {  	v60 =	vld [tilespmem:s13+$0x4DC0]  }
0x86: {  	v61 =	vld [tilespmem:s13+$0xDD0]  }
0x87: {  	v62 =	vld [tilespmem:s13+$0x4DD0]  }
0x88: {  	v63 =	vld [tilespmem:s13+$0xDE0]  }
0x89: {  	v3 =	vadd.f32 v4, v3;
	v4 =	vld [tilespmem:s13+$0x4DE0]  }
0x8a: {  	v5 =	vadd.f32 v6, v5;
	v6 =	vld [tilespmem:s13+$0xDF0]  }
0x8b: {  	v14 =	vadd.f32 v14, v13;
	v13 =	vld [tilespmem:s13+$0x51A0];
	[tilespmem:s13+$0x180] =	vst v3;
	v3 =	vadd.f32 v8, v7  }
0x8c: {  	v18 =	vadd.f32 v18, v17;
	v17 =	vld [tilespmem:s13+$0x51C0];
	[tilespmem:s13+$0x190] =	vst v5  }
0x8d: {  	v22 =	vadd.f32 v22, v21;
	v21 =	vld [tilespmem:s13+$0x51E0];
	[tilespmem:s13+$0x1A0] =	vst v3;
	v3 =	vadd.f32 v12, v11  }
0x8e: {  	v7 =	vld [tilespmem:s13+$0x4DF0];
	[tilespmem:s13+$0x1D0] =	vst v14  }
0x8f: {  	v8 =	vld [tilespmem:s13+$0x1180];
	[tilespmem:s13+$0x1C0] =	vst v3;
	v3 =	vadd.f32 v16, v15  }
0x90: {  	v5 =	vadd.f32 v10, v9;
	v9 =	vld [tilespmem:s13+$0x5180];
	[tilespmem:s13+$0x1F0] =	vst v18  }
0x91: {  	v10 =	vld [tilespmem:s13+$0x1190];
	[tilespmem:s13+$0x1E0] =	vst v3;
	v3 =	vadd.f32 v20, v19  }
0x92: {  	v26 =	vadd.f32 v26, v25;
	v14 =	vld [tilespmem:s13+$0x11B0];
	[tilespmem:s13+$0x590] =	vst v22  }
0x93: {  	v18 =	vld [tilespmem:s13+$0x11D0];
	[tilespmem:s13+$0x580] =	vst v3;
	v3 =	vadd.f32 v24, v23  }
0x94: {  	v30 =	vadd.f32 v30, v29;
	[tilespmem:s13+$0x5B0] =	vst v26;
	v22 =	vld [tilespmem:s13+$0x11F0]  }
0x95: {  	v19 =	vld [tilespmem:s13+$0x51D0];
	[tilespmem:s13+$0x5A0] =	vst v3;
	v3 =	vadd.f32 v28, v27  }
0x96: {  	v34 =	vadd.f32 v34, v33;
	[tilespmem:s13+$0x5D0] =	vst v30;
	v11 =	vld [tilespmem:s13+$0x5190]  }
0x97: {  	v12 =	vld [tilespmem:s13+$0x11A0];
	[tilespmem:s13+$0x5C0] =	vst v3;
	v3 =	vadd.f32 v32, v31  }
0x98: {  	[tilespmem:s13+$0x5F0] =	vst v34;
	v15 =	vld [tilespmem:s13+$0x51B0]  }
0x99: {  	v16 =	vld [tilespmem:s13+$0x11C0];
	[tilespmem:s13+$0x5E0] =	vst v3;
	v3 =	vadd.f32 v36, v35  }
0x9a: {  	[tilespmem:s13+$0x1B0] =	vst v5;
	v20 =	vld [tilespmem:s13+$0x11E0];
	v19 =	vadd.f32 v19, v18  }
0x9b: {  	v24 =	vld [tilespmem:s13+$0x1580];
	[tilespmem:s13+$0x980] =	vst v3;
	v3 =	vadd.f32 v40, v39  }
0x9c: {  	[tilespmem:s13+$0x11D0] =	vst v19;
	v36 =	vadd.f32 v38, v37;
	v37 =	vld [tilespmem:s13+$0x51F0]  }
0x9d: {  	v38 =	vadd.f32 v42, v41;
	v41 =	vld [tilespmem:s13+$0x1590];
	[tilespmem:s13+$0x9A0] =	vst v3;
	v3 =	vadd.f32 v44, v43  }
0x9e: {  	v42 =	vld [tilespmem:s13+$0x5590];
	[tilespmem:s13+$0x990] =	vst v36  }
0x9f: {  	v35 =	vld [tilespmem:s13+$0x1990];
	[tilespmem:s13+$0x9C0] =	vst v3;
	v3 =	vadd.f32 v48, v47  }
0xa0: {  	v39 =	vld [tilespmem:s13+$0x5580];
	[tilespmem:s13+$0x9B0] =	vst v38;
	v40 =	vadd.f32 v46, v45  }
0xa1: {  	v45 =	vld [tilespmem:s13+$0x55A0];
	[tilespmem:s13+$0x9E0] =	vst v3;
	v3 =	vadd.f32 v52, v51  }
0xa2: {  	v46 =	vadd.f32 v54, v53;
	v53 =	vld [tilespmem:s13+$0x15D0];
	[tilespmem:s13+$0x9D0] =	vst v40  }
0xa3: {  	v54 =	vld [tilespmem:s13+$0x55D0];
	[tilespmem:s13+$0xD80] =	vst v3;
	v3 =	vadd.f32 v56, v55  }
0xa4: {  	v36 =	vld [tilespmem:s13+$0x5990];
	v43 =	vadd.f32 v50, v49;
	[tilespmem:s13+$0xD90] =	vst v46  }
0xa5: {  	v38 =	vld [tilespmem:s13+$0x19A0];
	[tilespmem:s13+$0xDA0] =	vst v3;
	v3 =	vadd.f32 v60, v59  }
0xa6: {  	v44 =	vld [tilespmem:s13+$0x15A0];
	v49 =	vadd.f32 v58, v57;
	[tilespmem:s13+$0x9F0] =	vst v43  }
0xa7: {  	v50 =	vld [tilespmem:s13+$0x15C0];
	[tilespmem:s13+$0xDC0] =	vst v3;
	v3 =	vadd.f32 v4, v63  }
0xa8: {  	v57 =	vld [tilespmem:s13+$0x55E0];
	v58 =	vadd.f32 v11, v10;
	[tilespmem:s13+$0xDB0] =	vst v49  }
0xa9: {  	v46 =	vld [tilespmem:s13+$0x59D0];
	[tilespmem:s13+$0xDE0] =	vst v3;
	v3 =	vadd.f32 v9, v8  }
0xaa: {  	v37 =	vadd.f32 v37, v22;
	v40 =	vadd.f32 v42, v41;
	v41 =	vld [tilespmem:s13+$0x19B0];
	[tilespmem:s13+$0x1190] =	vst v58  }
0xab: {  	v42 =	vld [tilespmem:s13+$0x59B0];
	[tilespmem:s13+$0x1180] =	vst v3;
	v3 =	vadd.f32 v13, v12  }
0xac: {  	v47 =	vld [tilespmem:s13+$0x15B0];
	[tilespmem:s13+$0x11F0] =	vst v37  }
0xad: {  	v48 =	vld [tilespmem:s13+$0x55B0];
	[tilespmem:s13+$0x11A0] =	vst v3;
	v3 =	vadd.f32 v17, v16  }
0xae: {  	v49 =	vld [tilespmem:s13+$0x59E0];
	[tilespmem:s13+$0x1590] =	vst v40;
	v52 =	vadd.f32 v62, v61  }
0xaf: {  	v51 =	vld [tilespmem:s13+$0x55C0];
	[tilespmem:s13+$0x11C0] =	vst v3;
	v3 =	vadd.f32 v21, v20  }
0xb0: {  	v61 =	vadd.f32 v15, v14;
	v62 =	vld [tilespmem:s13+$0x1980];
	[tilespmem:s13+$0xDD0] =	vst v52  }
0xb1: {  	v56 =	vld [tilespmem:s13+$0x15E0];
	[tilespmem:s13+$0x11E0] =	vst v3;
	v3 =	vadd.f32 v39, v24  }
0xb2: {  	v55 =	vadd.f32 v7, v6;
	[tilespmem:s13+$0x11B0] =	vst v61;
	v52 =	vld [tilespmem:s13+$0x59F0]  }
0xb3: {  	v43 =	vadd.f32 v48, v47;
	v47 =	vld [tilespmem:s13+$0x19E0];
	[tilespmem:s13+$0x1580] =	vst v3;
	v3 =	vadd.f32 v45, v44  }
0xb4: {  	[tilespmem:s13+$0xDF0] =	vst v55;
	v63 =	vld [tilespmem:s13+$0x5980]  }
0xb5: {  	v59 =	vld [tilespmem:s13+$0x15F0];
	[tilespmem:s13+$0x15A0] =	vst v3;
	v3 =	vadd.f32 v51, v50  }
0xb6: {  	[tilespmem:s13+$0x15B0] =	vst v43;
	v4 =	vadd.f32 v54, v53;
	v39 =	vld [tilespmem:s13+$0x59A0]  }
0xb7: {  	v60 =	vld [tilespmem:s13+$0x55F0];
	[tilespmem:s13+$0x15C0] =	vst v3;
	v3 =	vadd.f32 v57, v56  }
0xb8: {  	v54 =	vadd.f32 v42, v41;
	[tilespmem:s13+$0x15D0] =	vst v4;
	v45 =	vld [tilespmem:s13+$0x19D0]  }
0xb9: {  	v53 =	vld [tilespmem:s13+$0x59C0];
	[tilespmem:s13+$0x15E0] =	vst v3;
	v3 =	vadd.f32 v63, v62  }
0xba: {  	[tilespmem:s13+$0x19B0] =	vst v54;
	v55 =	vadd.f32 v49, v47;
	v50 =	vld [tilespmem:s13+$0x19F0]  }
0xbb: {  	v44 =	vld [tilespmem:s13+$0x19C0];
	[tilespmem:s13+$0x1980] =	vst v3;
	v3 =	vadd.f32 v39, v38  }
0xbc: {  	v48 =	vadd.f32 v60, v59;
	[tilespmem:s13+$0x19E0] =	vst v55  }
0xbd: {  	[tilespmem:s13+$0x19A0] =	vst v3;
	v3 =	vadd.f32 v46, v45  }
0xbe: {  	s15 =	sand.u32 $0x7, s0;
	[tilespmem:s13+$0x15F0] =	vst v48;
	v51 =	vadd.f32 v36, v35  }
0xbf: {  	s14 =	sshll.u32 s15, $0x7;
	[tilespmem:s13+$0x19D0] =	vst v3;
	v3 =	vadd.f32 v52, v50  }
0xc0: {  	s14 =	sadd.s32 s14, s1;
	[tilespmem:s13+$0x1990] =	vst v51;
	v56 =	vadd.f32 v53, v44  }
0xc1: {  	s15 =	sor.u32 $0x1C00, s14;
	[tilespmem:s13+$0x19F0] =	vst v3  }
0xc2: {  	[tilespmem:s13+$0x19C0] =	vst v56;
	v3 =	vld [tilespmem:s15+$0x180]  }
0xc3: {  	v4 =	vld [tilespmem:s15+$0x4180];
	_ =	sdelay $0x4  }
0xc4: {  	v3 =	vadd.f32 v4, v3;
	_ =	sdelay $0x1  }
0xc5: {  	[tilespmem:s15+$0x180] =	vst v3;
	s15 =	sor.u32 $0x1C10, s14  }
0xc6: {  	v3 =	vld [tilespmem:s15+$0x180]  }
0xc7: {  	v57 =	vld [tilespmem:s15+$0x4180];
	_ =	sdelay $0x4  }
0xc8: {  	v3 =	vadd.f32 v57, v3;
	_ =	sdelay $0x1  }
0xc9: {  	[tilespmem:s15+$0x180] =	vst v3;
	s15 =	sor.u32 $0x1C20, s14  }
0xca: {  	v3 =	vld [tilespmem:s15+$0x180]  }
0xcb: {  	v58 =	vld [tilespmem:s15+$0x4180];
	_ =	sdelay $0x4  }
0xcc: {  	v3 =	vadd.f32 v58, v3;
	_ =	sdelay $0x1  }
0xcd: {  	[tilespmem:s15+$0x180] =	vst v3;
	s15 =	sor.u32 $0x1C30, s14  }
0xce: {  	v3 =	vld [tilespmem:s15+$0x180]  }
0xcf: {  	v59 =	vld [tilespmem:s15+$0x4180];
	_ =	sdelay $0x4  }
0xd0: {  	v3 =	vadd.f32 v59, v3;
	_ =	sdelay $0x1  }
0xd1: {  	[tilespmem:s15+$0x180] =	vst v3;
	s15 =	sor.u32 $0x1C40, s14  }
0xd2: {  	v3 =	vld [tilespmem:s15+$0x180]  }
0xd3: {  	v60 =	vld [tilespmem:s15+$0x4180];
	_ =	sdelay $0x4  }
0xd4: {  	v3 =	vadd.f32 v60, v3;
	_ =	sdelay $0x1  }
0xd5: {  	[tilespmem:s15+$0x180] =	vst v3;
	s15 =	sor.u32 $0x1C50, s14  }
0xd6: {  	v3 =	vld [tilespmem:s15+$0x180]  }
0xd7: {  	v61 =	vld [tilespmem:s15+$0x4180];
	_ =	sdelay $0x4  }
0xd8: {  	v3 =	vadd.f32 v61, v3;
	_ =	sdelay $0x1  }
0xd9: {  	[tilespmem:s15+$0x180] =	vst v3;
	s15 =	sor.u32 $0x1C60, s14  }
0xda: {  	v3 =	vld [tilespmem:s15+$0x180]  }
0xdb: {  	v62 =	vld [tilespmem:s15+$0x4180];
	_ =	sdelay $0x4  }
0xdc: {  	v3 =	vadd.f32 v62, v3;
	_ =	sdelay $0x1  }
0xdd: {  	[tilespmem:s15+$0x180] =	vst v3;
	s15 =	sor.u32 $0x1C70, s14  }
0xde: {  	v3 =	vld [tilespmem:s15+$0x180]  }
0xdf: {  	v63 =	vld [tilespmem:s15+$0x4180];
	_ =	sdelay $0x1  }
0xe0: {  	p0 =	sne.s32 s12, $0x780  }
.Ltmp0:
0xe1: {  	_ = 	snop;
	(pc) =	sbr.rel @p0 .LBB2_2-.Ltmp0, $4  }
0xe2: {  	_ = 	snop  }
0xe3: {  	v3 =	vadd.f32 v63, v3  }
0xe4: {  	s0 =	sadd.s32 $0x1, s0  }
0xe5: {  	s31 =	sadd.s32 $0x400, s31;
	s12 =	sadd.s32 $0x80, s12;
	s1 =	sadd.s32 $0x400, s1;
	[tilespmem:s15+$0x180] =	vst v3  }
0xe6: {  	s30 =	sadd.s32 $0x1, s30  }
0xe7: {  	p0 =	sne.s32 s30, s9  }
.Ltmp1:
0xe8: {  	_ = 	snop;
	(pc) =	sbr.rel @p0 .LBB2_1-.Ltmp1, $4  }
0xe9: {  	[hbm4b:s8+s2] =	stream.linear.scatter [tilespmem:s11], [sflag:$0x3], $0x4000, $0x38;
	[tilespmem:$0x8180] =	vst v63  }
0xea: {  	_ =	swait.ge [sflag:s10], $0x4000  }
0xeb: {  	[sflag:s10] =	ssyncset.done $0x0  }
0xec: {  	[sflag:s10] =	ssyncadd.s32 $0xFFFFC000  }
0xed: {  	_ =	sfence.sel $0x180000  }
0xee: {  	[bflag:$0x0] =	sbarrier.arrive $0xFFFF  }
0xef: {  	_ =	strace $0x90000047  }
0xf0: {  	s0 =	stileid.u32;
	[bflag:$0x2] =	sbarrier.arrive $0xFFFF  }
0xf1: {  	p0 =	sne.s32 s0, $0x0;
	s0 =	rddreg [dreg:$0x3]  }
0xf2: {  	s0 =	sadd.s32 @!p0 $0x100000, s0  }
0xf3: {  	[sflag:s0] =	ssyncadd.tile.s32 @!p0 $0x1;
	_ =	shalt  }
.Lfunc_end2:
_tile_overlayer_lowered:
.L_overlay_start_2:
0xf4: {  	(tag) =	ssettag $0x2  }
0xf5: {  	s0 =	rddreg [dreg:$0x0];
	s2 =	stileid.u32  }
0xf6: {  	s1 =	rddreg [dreg:$0x1];
	p0 =	sne.s32 s2, $0x0  }
0xf7: {  	s3 =	rddreg [dreg:$0x2];
	[bflag:$0x3] =	sbarrier.arrive $0xFFFF;
	s2 =	simm.s32 @!p0 $0x1C03  }
0xf8: {  	[timem:s3], [sflag:s2] =	dma.local @!p0 [hbm:s0], s1  }
0xf9: {  	s0 =	simm.s32 @!p0 $0x3  }
0xfa: {  	_ =	swait.ge @!p0 [sflag:s0], s1  }
0xfb: {  	s1 =	ssub.s32 @!p0 $0x0, s1;
	[sflag:s0] =	ssyncset.done @!p0 $0x0  }
0xfc: {  	[sflag:s0] =	ssyncadd.s32 @!p0 s1  }
0xfd: {  	[bflag:$0x3] =	sbarrier.arrive $0xFFFF  }
0xfe: {  	_ =	shalt  }

// kernel: kernel.8.cloned.1.call-start
scs
__scs_entry_jumppad:
0x0: {  	(pc) =	sbr.rel $0x88, $3  }
0x1: {  	(tag) =	ssettag $0x0;
	lr =	simm.s32 $0x1  }
0x2: {  	[smem:$0x3F84] =	sst lr;
	_ =	strace $0xD0000000  }
0x3: {  	_ = 	snop  }
0x4: {  	_ = 	snop  }
0x5: {  	_ = 	snop  }
0x6: {  	_ = 	snop  }
0x7: {  	_ = 	snop  }
__scs_overlays_trampoline_lowered:
0x8: {  	[smem:$0x3F93] =	sst s0  }
0x9: {  	[smem:$0x3F94] =	sst s1  }
0xa: {  	[smem:$0x3F95] =	sst s2  }
0xb: {  	[smem:$0x3F96] =	sst s3  }
0xc: {  	[smem:$0x3F97] =	sst s4  }
0xd: {  	[smem:$0x3F98] =	sst s5  }
0xe: {  	[smem:$0x3F99] =	sst s6  }
0xf: {  	[smem:$0x3F9A] =	sst s7  }
0x10: {  	[smem:$0x3F9B] =	sst s8  }
0x11: {  	[smem:$0x3F9C] =	sst s9;
	s0 =	simm.s32 @!p0 $0x0  }
0x12: {  	s1 =	sld [smem:$0x3F82];
	s0 =	simm.s32 @p0 $0x1  }
0x13: {  	[smem:$0x3F9D] =	sst s0;
	s0 =	simm.s32 @!p1 $0x0  }
0x14: {  	s2 =	sld [smem:$0x3F81];
	s0 =	simm.s32 @p1 $0x1  }
0x15: {  	[smem:$0x3F9E] =	sst s0;
	s0 =	simm.s32 @!p2 $0x0  }
0x16: {  	s3 =	sld [smem:$0x3FDB];
	s0 =	simm.s32 @p2 $0x1  }
0x17: {  	s4 =	simm.s32 $0x1BF5;
	[smem:$0x3FA0] =	sst s0  }
0x18: {  	s0 =	sld [smem:$0x3F83];
	_ =	swait.ge [sflag:s4], $0x0  }
0x19: {  	s7 =	sld [smem:$0x3F84]  }
0x1a: {  	s8 =	sadd.s32 $0xFFFFE003, lr  }
0x1b: {  	s9 =	sadd.s32 $0xFFFFFEF7, lr;
	s5 =	simm.s32 $0xFFFFFFFF;
	p2 =	slt.u32 s8, $0xFFFFF086  }
0x1c: {  	p1 =	slt.u32 s9, $0xF7A;
	s5 =	simm.s32 @!p2 $0x0  }
0x1d: {  	s5 =	simm.s32 @p1 $0x1;
	p0 =	seq.s32 s7, s2  }
0x1e: {  	s7 =	smul.u32 @!p0 $0xF7A, s2;
	p2 =	seq.s32 @!p0 s5, $0x0  }
0x1f: {  	s9 =	smul.u32 $0xF7A, s1;
	s8 =	simm.s32 @!p0 $0x1BF5;
	p2 =	por !p2, p0  }
0x20: {  	[sflag:s8] =	ssyncset.s32 @!p0 $0xFFFFF086;
	s6 =	sadd.s32 @!p0 s3, s7;
	s7 =	simm.s32 @!p0 $0x108  }
0x21: {  	s3 =	sadd.s32 s3, s9;
	s6 =	sadd.s32 @!p0 $0x88, s6;
	s7 =	simm.s32 @p2 $0x1082  }
0x22: {  	[simem:s7], [sflag:s8] =	dma.local @!p0 [hbm:s6], $0xF7A  }
0x23: {  	s9 =	sor.u32 $0xD0000000, s2;
	s6 =	simm.s32 $0x108;
	_ =	swait.ge @!p0 [sflag:s8], $0x0  }
0x24: {  	s3 =	sadd.s32 $0x88, s3;
	s6 =	simm.s32 @!p1 $0x1082;
	[sflag:s4] =	ssyncset.s32 $0xFFFFF086  }
0x25: {  	[simem:s6], [sflag:s4] =	dma.local [hbm:s3], $0xF7A  }
0x26: {  	[smem:$0x3F84] =	sst s1;
	(tag) =	ssettag s2;
	_ =	strace s9  }
0x27: {  	s1 =	sld [smem:$0x3F94]  }
0x28: {  	s2 =	sld [smem:$0x3F95]  }
0x29: {  	s4 =	sld [smem:$0x3F97]  }
0x2a: {  	p0 =	seq.s32 s5, $0x0;
	s5 =	sld [smem:$0x3F98]  }
0x2b: {  	s6 =	sld [smem:$0x3F99]  }
0x2c: {  	s7 =	sld [smem:$0x3F9A]  }
0x2d: {  	s3 =	simm.s32 $0x108;
	s8 =	sld [smem:$0x3F9B]  }
0x2e: {  	s3 =	simm.s32 @!p0 $0x1082;
	s9 =	sld [smem:$0x3F9C]  }
0x2f: {  	lr =	sadd.s32 s0, s3;
	s0 =	sld [smem:$0x3F93]  }
0x30: {  	s3 =	sld [smem:$0x3F96]  }
0x31: {  	[smem:$0x3F9F] =	sst s10  }
0x32: {  	s10 =	sld [smem:$0x3F9D];
	_ =	sdelay $0x3  }
0x33: {  	p0 =	seq.s32 s10, $0x1;
	s10 =	sld [smem:$0x3F9F];
	_ =	sdelay $0x3  }
0x34: {  	[smem:$0x3F9F] =	sst s10  }
0x35: {  	s10 =	sld [smem:$0x3F9E];
	_ =	sdelay $0x3  }
0x36: {  	p1 =	seq.s32 s10, $0x1;
	s10 =	sld [smem:$0x3F9F];
	_ =	sdelay $0x3  }
0x37: {  	[smem:$0x3F9F] =	sst s10  }
0x38: {  	s10 =	sld [smem:$0x3FA0]  }
0x39: {  	_ = 	snop;
	(pc) =	sbr.ind lr, $3  }
0x3a: {  	_ = 	snop  }
0x3b: {  	_ = 	snop  }
0x3c: {  	p2 =	seq.s32 s10, $0x1;
	s10 =	sld [smem:$0x3F9F]  }
0x3d: {  	_ =	shalt  }
0x3e: {  	_ =	shalt  }
0x3f: {  	_ =	shalt  }
0x40: {  	_ =	shalt  }
0x41: {  	_ =	shalt  }
0x42: {  	_ =	shalt  }
0x43: {  	_ =	shalt  }
0x44: {  	_ =	shalt  }
0x45: {  	_ =	shalt  }
0x46: {  	_ =	shalt  }
0x47: {  	_ =	shalt  }
0x48: {  	_ =	shalt  }
0x49: {  	_ =	shalt  }
0x4a: {  	_ =	shalt  }
0x4b: {  	_ =	shalt  }
0x4c: {  	_ =	shalt  }
0x4d: {  	_ =	shalt  }
0x4e: {  	_ =	shalt  }
0x4f: {  	_ =	shalt  }
0x50: {  	_ =	shalt  }
0x51: {  	_ =	shalt  }
0x52: {  	_ =	shalt  }
0x53: {  	_ =	shalt  }
0x54: {  	_ =	shalt  }
0x55: {  	_ =	shalt  }
0x56: {  	_ =	shalt  }
0x57: {  	_ =	shalt  }
0x58: {  	_ =	shalt  }
0x59: {  	_ =	shalt  }
0x5a: {  	_ =	shalt  }
0x5b: {  	_ =	shalt  }
0x5c: {  	_ =	shalt  }
0x5d: {  	_ =	shalt  }
0x5e: {  	_ =	shalt  }
0x5f: {  	_ =	shalt  }
0x60: {  	_ =	shalt  }
0x61: {  	_ =	shalt  }
0x62: {  	_ =	shalt  }
0x63: {  	_ =	shalt  }
0x64: {  	_ =	shalt  }
0x65: {  	_ =	shalt  }
0x66: {  	_ =	shalt  }
0x67: {  	_ =	shalt  }
0x68: {  	_ =	shalt  }
0x69: {  	_ =	shalt  }
0x6a: {  	_ =	shalt  }
0x6b: {  	_ =	shalt  }
0x6c: {  	_ =	shalt  }
0x6d: {  	_ =	shalt  }
0x6e: {  	_ =	shalt  }
0x6f: {  	_ =	shalt  }
0x70: {  	_ =	shalt  }
0x71: {  	_ =	shalt  }
0x72: {  	_ =	shalt  }
0x73: {  	_ =	shalt  }
0x74: {  	_ =	shalt  }
0x75: {  	_ =	shalt  }
0x76: {  	_ =	shalt  }
0x77: {  	_ =	shalt  }
0x78: {  	_ =	shalt  }
0x79: {  	_ =	shalt  }
0x7a: {  	_ =	shalt  }
0x7b: {  	_ =	shalt  }
0x7c: {  	_ =	shalt  }
0x7d: {  	_ =	shalt  }
0x7e: {  	_ =	shalt  }
0x7f: {  	_ =	shalt  }
0x80: {  	_ =	shalt  }
0x81: {  	_ =	shalt  }
0x82: {  	_ =	shalt  }
0x83: {  	_ =	shalt  }
0x84: {  	_ =	shalt  }
0x85: {  	_ =	shalt  }
0x86: {  	_ =	shalt  }
0x87: {  	_ =	shalt  }
.Lfunc_end0:
.L_simem_size_0:
called_computation_lowered:
.L_overlay_start_0:
0x88: {  	s2 =	sld [smem:$0x3FD9]  }
0x89: {  	s3 =	sld [smem:$0x3FFE];
	_ =	sdelay $0x1  }
0x8a: {  	s1 =	srdreg.scid  }
0x8b: {  	s0 =	sand.u32 $0x1, s1  }
0x8c: {  	s15 =	sshll.u32 s0, $0xA;
	s2 =	sadd.s32 s3, s2  }
0x8d: {  	s2 =	sadd.s32 s2, s15  }
0x8e: {  	[smem:$0x3FAB] =	sst s2  }
0x8f: {  	_ = 	snop  }
0x90: {  	s2 =	sld [smem:$0x3FD0];
	_ =	sdelay $0x2  }
0x91: {  	s16 =	simm.s32 $0xB;
	s4 =	simm.s32 $0x10  }
0x92: {  	[smem:s4], [sflag:s16] =	dma.local [hbm:s2], $0x1  }
0x93: {  	_ =	swait.eq [sflag:s16], $0x1  }
0x94: {  	[sflag:s16] =	ssyncset.done $0x0  }
0x95: {  	[sflag:s16] =	ssyncadd.s32 $0xFFFFFFFF  }
0x96: {  	s17 =	sld [smem:$0x10];
	(tm) =	ssettm $0x1  }
0x97: {  	s18 =	sld [smem:$0x3FFB];
	_ =	sdelay $0x3  }
0x98: {  	_ =	strace s18  }
0x99: {  	s2 =	sld [smem:$0x3FFC];
	_ =	sdelay $0x3  }
0x9a: {  	_ =	strace s2  }
0x9b: {  	s2 =	sld [smem:$0x3FFD];
	_ =	sdelay $0x3  }
0x9c: {  	_ =	strace s2  }
0x9d: {  	_ =	strace $0x8FFFFFFF  }
0x9e: {  	s19 =	sld [smem:$0x3FDB];
	_ =	sdelay $0x1  }
0x9f: {  	s20 =	simm.s32 $_scs_section_size  }
0xa0: {  	s5 =	simm.s32 $_size__tile_overlayer_lowered;
	s6 =	simm.s32 $_tile_overlayer_lowered  }
0xa1: {  	s7 =	simm.s32 $0x1BFF;
	s21 =	sshll.u32 s6, $0x1;
	s4 =	sadd.s32 s20, s19  }
0xa2: {  	s22 =	simm.s32 $0x0;
	s5 =	sshll.u32 s5, $0x1;
	s6 =	sadd.s32 s21, s4  }
0xa3: {  	[timem:s22], [sflag:s7] =	dma.local [hbm:s6], s5  }
0xa4: {  	_ =	swait.ge [sflag:s7], s5  }
0xa5: {  	s5 =	ssub.s32 $0x0, s5;
	[sflag:s7] =	ssyncset.done $0x0  }
0xa6: {  	[sflag:s7] =	ssyncadd.s32 s5;
	_ =	sdelay $0x1  }
0xa7: {  	s23 =	simm.s32 $0x1B8B  }
0xa8: {  	_ =	swait.ge [sflag:s23], $0x1  }
0xa9: {  	[sflag:s23] =	ssyncset.done $0x0  }
0xaa: {  	[sflag:s23] =	ssyncadd.s32 $0xFFFFFFFF  }
0xab: {  	s5 =	sld [smem:$0x0]  }
0xac: {  	s6 =	sand.u32 $0xFFFFFFFE, s1  }
0xad: {  	p0 =	sne.s32 s1, s6  }
0xae: {  	s6 =	sshll.u32 @p0 s6, $0xE  }
0xaf: {  	s6 =	sadd.s32 @p0 $0x11B8D, s6;
	s7 =	sshll.u32 @p0 s5, $0x11  }
0xb0: {  	s6 =	sor.u32 @p0 s7, s6  }
0xb1: {  	[sflag:s6] =	ssyncadd.remote.s32 @p0 $0x1;
	_ =	sdelay $0x1  }
0xb2: {  	s6 =	simm.s32 @p0 $0x1B8D  }
0xb3: {  	_ =	swait.eq @p0 [sflag:s6], $0x1  }
0xb4: {  	[sflag:s6] =	ssyncadd.s32 @p0 $0xFFFFFFFF  }
0xb5: {  	s7 =	sshll.u32 @!p0 s1, $0xE  }
0xb6: {  	s7 =	sor.u32 @!p0 $0x4000, s7;
	s6 =	simm.s32 @!p0 $0x1B8D  }
0xb7: {  	s5 =	sshll.u32 @!p0 s5, $0x11;
	s7 =	sadd.s32 @!p0 $0x11B8D, s7;
	_ =	swait.eq @!p0 [sflag:s6], $0x1  }
0xb8: {  	s5 =	sor.u32 @!p0 s5, s7;
	[sflag:s6] =	ssyncadd.s32 @!p0 $0xFFFFFFFF  }
0xb9: {  	s25 =	simm.s32 $0x1B8E;
	s24 =	sld [smem:$0x3FFE];
	[sflag:s5] =	ssyncadd.remote.s32 @!p0 $0x1  }
0xba: {  	s26 =	simm.s32 $execute0_lowered;
	[smem:$0x3FD2] =	sst s25  }
0xbb: {  	s6 =	sshll.u32 s26, $0x1;
	_ =	strace $0x80000049;
	[dreg:$0x1] =	wrdreg $0xFFFFFFFF  }
0xbc: {  	s28 =	simm.s32 $_size_execute0_lowered;
	s4 =	sadd.s32 s4, s6;
	[dreg:$0x0] =	wrdreg $0x0  }
0xbd: {  	s6 =	sshll.u32 s28, $0x1;
	[dreg:$0x2] =	wrdreg s4  }
0xbe: {  	[dreg:$0x3] =	wrdreg s6  }
0xbf: {  	[dreg:$0x4] =	wrdreg $0xC0  }
0xc0: {  	_ =	task [dreg:s22], $0x5FFFF  }
0xc1: {  	[dreg:$0x1] =	wrdreg $0xFFFFFFFF  }
0xc2: {  	[dreg:$0x0] =	wrdreg $0x60  }
0xc3: {  	[dreg:$0x2] =	wrdreg s24  }
0xc4: {  	[dreg:$0x3] =	wrdreg s17  }
0xc5: {  	[dreg:$0x4] =	wrdreg $0x9  }
0xc6: {  	_ =	task.clear_ibuf [dreg:s22], $0x5FFFF;
	_ =	strace $0x90000049  }
0xc7: {  	s29 =	simm.s32 $0x9;
	_ =	strace $0x8000004B  }
0xc8: {  	_ =	swait.ge [sflag:s29], $0x1  }
0xc9: {  	[sflag:s29] =	ssyncadd.s32 $0xFFFFFFFF  }
0xca: {  	_ =	strace $0x9000004B  }
0xcb: {  	_ =	sfence  }
0xcc: {  	s30 =	sld [smem:$0x0];
	_ =	sdelay $0x2  }
0xcd: {  	s31 =	sshll.u32 s1, $0xD;
	s1 =	sshrl.u32 s1, $0x2  }
0xce: {  	s4 =	sand.u32 $0x4000, s31;
	s1 =	sadd.s32 s1, s30  }
0xcf: {  	s0 =	sor.u32 s4, s0;
	s1 =	sshll.u32 s1, $0x11  }
0xd0: {  	s0 =	sor.u32 s1, s0  }
0xd1: {  	s0 =	sadd.s32 $0x8F2B, s0  }
0xd2: {  	[sflag:s0] =	ssyncadd.remote.s32 $0x1  }
0xd3: {  	_ =	sfence.sel $0xFFFF  }
0xd4: {  	[dreg:$0x0] =	wrdreg $0xFFFFFFFF;
	(pc) =	sbr.abs _section_cstart, $3  }
0xd5: {  	[dreg:$0x1] =	wrdreg $0xFFFFFFFF  }
0xd6: {  	_ =	task.clear_ibuf [dreg:s22], $0x2FFFF;
	_ =	strace $0x9FFFFFFF  }
0xd7: {  	(tm) =	ssettm $0x7FFFFFFF  }
tec
execute0_lowered:
.L_overlay_start_1:
0x0: {  	(tag) =	ssettag $0x1  }
0x1: {  	s0 =	rddreg [dreg:$0x0]  }
0x2: {  	s1 =	rddreg [dreg:$0x1];
	s2 =	simm.s32 $0x0  }
0x3: {  	s3 =	srdreg.scid;
	s5 =	stileid.u32;
	s10 =	simm.s32 $0x3  }
0x4: {  	s11 =	simm.s32 $0x180;
	s16 =	simm.s32 $0x2980;
	s17 =	simm.s32 $0x3180  }
0x5: {  	s18 =	simm.s32 $0x3980;
	s19 =	simm.s32 $0x4180;
	s20 =	simm.s32 $0x4980  }
0x6: {  	s21 =	simm.s32 $0x5180;
	s22 =	simm.s32 $0x5980;
	s23 =	simm.s32 $0x6180  }
0x7: {  	s24 =	simm.s32 $0x6980;
	s25 =	simm.s32 $0x7180;
	s26 =	simm.s32 $0x7980  }
0x8: {  	s28 =	simm.s32 $0x1;
	s29 =	simm.s32 $0x2;
	s30 =	simm.s32 $0x0  }
0x9: {  	[smem:$0x7FF] =	sst s2;
	s3 =	sand.u32 $0x1, s3;
	s5 =	sshll.u32 s5, $0x5  }
0xa: {  	s4 =	ssub.s32 $0x2, s3;
	s3 =	sshll.u32 s3, $0x4;
	_ =	strace $0x8000004A  }
0xb: {  	s6 =	sshrl.u32 s4, $0x1;
	s7 =	sor.u32 s3, s5;
	s3 =	sadd.s32 $0x40200, s0  }
0xc: {  	v2 =	vlaneseq.u32;
	s5 =	sadd.s32 $0x40300, s0;
	s9 =	ssub.s32 s4, s6;
	s31 =	sshrl.u32 s7, $0x3  }
0xd: {  	vm0 =	vmmov $0xffff;
	v1 =	vshrl.u32 v2, $0x3;
	s8 =	sshll.u32 s7, $0x7;
	s6 =	sadd.s32 $0x40400, s0;
	s7 =	sadd.s32 $0x40500, s0  }
0xe: {  	v0 =	vand.u32 $0x7, v2;
	v2 =	vor.u32 $0x8, v2;
	v1 =	vmul.u32 $0x8, v1;
	s4 =	sadd.s32 s0, s31;
	s8 =	sadd.s32 s1, s8;
	s9 =	smax.u32 s9, $0x1  }
.LBB2_1:
0xf: {  	[tilespmem:s2], [sflag:$0x3] =	stream.linear.gather [hbm4b:s4+s2], $0x10, $0x38;
	[tilespmem:$0x8180] =	vst v63  }
0x10: {  	_ =	swait.ge [sflag:s10], $0x10  }
0x11: {  	[sflag:s10] =	ssyncset.done $0x0  }
0x12: {  	[sflag:s10] =	ssyncadd.s32 $0xFFFFFFF0  }
0x13: {  	v3 =	vld [tilespmem:$0x0];
	_ =	sdelay $0x4  }
0x14: {  	v4 =	vand.u32 $0x7FF, v3  }
0x15: {  	[tilespmem:$0x80] =	vst v4  }
0x16: {  	v4 =	vld [tilespmem:$0x80];
	_ =	sdelay $0x4  }
0x17: {  	v5 =	vshll.u32 v4, $0x3  }
0x18: {  	v4 =	vand.u32 $0x7, v4;
	v5 =	vand.u32 $0xFFFFFFC0, v5  }
0x19: {  	v4 =	vor.u32 v4, v5  }
0x1a: {  	v5 =	vperm.xlane v4, v0;
	_ =	sdelay $0x1  }
0x1b: {  	v5 =	vadd.s32 v1, v5;
	_ =	sdelay $0x2  }
0x1c: {  	v3 =	vshrl.u32 v3, $0xB  }
0x1d: {  	[tilespmem:$0x100] =	vst v3  }
0x1e: {  	[tilespmem:s11], [sflag:$0x1] =	stream.indirect_vreg.gather [hbm4b:s3+s2], $0x80, v5, vm0, $0xb8;
	[tilespmem:$0x8180] =	vst v63  }
0x1f: {  	s0 =	simm.s32 $0x980;
	v3 =	vperm.xlane v4, v2  }
0x20: {  	[tilespmem:s0], [sflag:$0x1] =	stream.indirect_vreg.gather [hbm4b:s5+s2], $0x80, v5, vm0, $0xb8;
	[tilespmem:$0x8180] =	vst v63  }
0x21: {  	s13 =	simm.s32 $0x1180;
	v3 =	vadd.s32 v1, v3  }
0x22: {  	[tilespmem:s13], [sflag:$0x1] =	stream.indirect_vreg.gather [hbm4b:s6+s2], $0x80, v5, vm0, $0xb8;
	[tilespmem:$0x8180] =	vst v63  }
0x23: {  	s14 =	simm.s32 $0x1980  }
0x24: {  	[tilespmem:s14], [sflag:$0x1] =	stream.indirect_vreg.gather [hbm4b:s7+s2], $0x80, v5, vm0, $0xb8;
	[tilespmem:$0x8180] =	vst v63  }
0x25: {  	s15 =	simm.s32 $0x2180  }
0x26: {  	[tilespmem:s15], [sflag:$0x1] =	stream.indirect_vreg.gather [hbm4b:s3+s2], $0x80, v3, vm0, $0xb8;
	[tilespmem:$0x8180] =	vst v63  }
0x27: {  	_ = 	snop  }
0x28: {  	[tilespmem:s16], [sflag:$0x1] =	stream.indirect_vreg.gather [hbm4b:s5+s2], $0x80, v3, vm0, $0xb8;
	[tilespmem:$0x8180] =	vst v63  }
0x29: {  	_ = 	snop  }
0x2a: {  	[tilespmem:s17], [sflag:$0x1] =	stream.indirect_vreg.gather [hbm4b:s6+s2], $0x80, v3, vm0, $0xb8;
	[tilespmem:$0x8180] =	vst v63  }
0x2b: {  	_ = 	snop  }
0x2c: {  	[tilespmem:s18], [sflag:$0x1] =	stream.indirect_vreg.gather [hbm4b:s7+s2], $0x80, v3, vm0, $0xb8;
	[tilespmem:$0x8180] =	vst v63  }
0x2d: {  	v3 =	vld [tilespmem:$0x100];
	_ =	sdelay $0x4  }
0x2e: {  	v63 =	vshll.u32 v3, $0x3  }
0x2f: {  	v3 =	vand.u32 $0x7, v3;
	v4 =	vand.u32 $0xFFFFFFC0, v63  }
0x30: {  	v3 =	vor.u32 v3, v4  }
0x31: {  	v4 =	vperm.xlane v3, v0;
	_ =	sdelay $0x1  }
0x32: {  	v4 =	vadd.s32 v1, v4;
	_ =	sdelay $0x4  }
0x33: {  	[tilespmem:s19], [sflag:$0x2] =	stream.indirect_vreg.gather [hbm4b:s3+s2], $0x80, v4, vm0, $0xb8;
	[tilespmem:$0x8180] =	vst v63  }
0x34: {  	v3 =	vperm.xlane v3, v2  }
0x35: {  	[tilespmem:s20], [sflag:$0x2] =	stream.indirect_vreg.gather [hbm4b:s5+s2], $0x80, v4, vm0, $0xb8;
	[tilespmem:$0x8180] =	vst v63  }
0x36: {  	v3 =	vadd.s32 v1, v3  }
0x37: {  	[tilespmem:s21], [sflag:$0x2] =	stream.indirect_vreg.gather [hbm4b:s6+s2], $0x80, v4, vm0, $0xb8;
	[tilespmem:$0x8180] =	vst v63  }
0x38: {  	_ = 	snop  }
0x39: {  	[tilespmem:s22], [sflag:$0x2] =	stream.indirect_vreg.gather [hbm4b:s7+s2], $0x80, v4, vm0, $0xb8;
	[tilespmem:$0x8180] =	vst v63  }
0x3a: {  	_ = 	snop  }
0x3b: {  	[tilespmem:s23], [sflag:$0x2] =	stream.indirect_vreg.gather [hbm4b:s3+s2], $0x80, v3, vm0, $0xb8;
	[tilespmem:$0x8180] =	vst v63  }
0x3c: {  	_ = 	snop  }
0x3d: {  	[tilespmem:s24], [sflag:$0x2] =	stream.indirect_vreg.gather [hbm4b:s5+s2], $0x80, v3, vm0, $0xb8;
	[tilespmem:$0x8180] =	vst v63  }
0x3e: {  	_ = 	snop  }
0x3f: {  	[tilespmem:s25], [sflag:$0x2] =	stream.indirect_vreg.gather [hbm4b:s6+s2], $0x80, v3, vm0, $0xb8;
	[tilespmem:$0x8180] =	vst v63  }
0x40: {  	_ = 	snop  }
0x41: {  	[tilespmem:s26], [sflag:$0x2] =	stream.indirect_vreg.gather [hbm4b:s7+s2], $0x80, v3, vm0, $0xb8;
	[tilespmem:$0x8180] =	vst v63  }
0x42: {  	_ =	swait.ge [sflag:s28], $0x4000  }
0x43: {  	[sflag:s28] =	ssyncset.done $0x0  }
0x44: {  	[sflag:s28] =	ssyncadd.s32 $0xFFFFC000  }
0x45: {  	_ =	swait.ge [sflag:s29], $0x4000  }
0x46: {  	s31 =	simm.s32 $0xFFFFC000;
	s1 =	simm.s32 $0x0;
	[sflag:s29] =	ssyncset.done $0x0  }
0x47: {  	s12 =	simm.s32 $0x0;
	s0 =	simm.s32 $0x0;
	[sflag:s29] =	ssyncadd.s32 $0xFFFFC000  }
.LBB2_2:
0x48: {  	s13 =	sadd.s32 $0x4000, s31  }
0x49: {  	s14 =	sand.u32 $0x380, s12;
	s13 =	sand.u32 $0x2000, s13  }
0x4a: {  	s13 =	sor.u32 s14, s13  }
0x4b: {  	v3 =	vld [tilespmem:s13+$0x180]  }
0x4c: {  	v4 =	vld [tilespmem:s13+$0x4180]  }
0x4d: {  	v5 =	vld [tilespmem:s13+$0x190]  }
0x4e: {  	v6 =	vld [tilespmem:s13+$0x4190]  }
0x4f: {  	v7 =	vld [tilespmem:s13+$0x1A0]  }
0x50: {  	v8 =	vld [tilespmem:s13+$0x41A0]  }
0x51: {  	v9 =	vld [tilespmem:s13+$0x1B0]  }
0x52: {  	v10 =	vld [tilespmem:s13+$0x41B0]  }
0x53: {  	v11 =	vld [tilespmem:s13+$0x1C0]  }
0x54: {  	v12 =	vld [tilespmem:s13+$0x41C0]  }
0x55: {  	v13 =	vld [tilespmem:s13+$0x1D0]  }
0x56: {  	v14 =	vld [tilespmem:s13+$0x41D0]  }
0x57: {  	v15 =	vld [tilespmem:s13+$0x1E0]  }
0x58: {  	v16 =	vld [tilespmem:s13+$0x41E0]  }
0x59: {  	v17 =	vld [tilespmem:s13+$0x1F0]  }
0x5a: {  	v18 =	vld [tilespmem:s13+$0x41F0]  }
0x5b: {  	v19 =	vld [tilespmem:s13+$0x580]  }
0x5c: {  	v20 =	vld [tilespmem:s13+$0x4580]  }
0x5d: {  	v21 =	vld [tilespmem:s13+$0x590]  }
0x5e: {  	v22 =	vld [tilespmem:s13+$0x4590]  }
0x5f: {  	v23 =	vld [tilespmem:s13+$0x5A0]  }
0x60: {  	v24 =	vld [tilespmem:s13+$0x45A0]  }
0x61: {  	v25 =	vld [tilespmem:s13+$0x5B0]  }
0x62: {  	v26 =	vld [tilespmem:s13+$0x45B0]  }
0x63: {  	v27 =	vld [tilespmem:s13+$0x5C0]  }
0x64: {  	v28 =	vld [tilespmem:s13+$0x45C0]  }
0x65: {  	v29 =	vld [tilespmem:s13+$0x5D0]  }
0x66: {  	v30 =	vld [tilespmem:s13+$0x45D0]  }
0x67: {  	v31 =	vld [tilespmem:s13+$0x5E0]  }
0x68: {  	v32 =	vld [tilespmem:s13+$0x45E0]  }
0x69: {  	v33 =	vld [tilespmem:s13+$0x5F0]  }
0x6a: {  	v34 =	vld [tilespmem:s13+$0x45F0]  }
0x6b: {  	v35 =	vld [tilespmem:s13+$0x980]  }
0x6c: {  	v36 =	vld [tilespmem:s13+$0x4980]  }
0x6d: {  	v37 =	vld [tilespmem:s13+$0x990]  }
0x6e: {  	v38 =	vld [tilespmem:s13+$0x4990]  }
0x6f: {  	v39 =	vld [tilespmem:s13+$0x9A0]  }
0x70: {  	v40 =	vld [tilespmem:s13+$0x49A0]  }
0x71: {  	v41 =	vld [tilespmem:s13+$0x9B0]  }
0x72: {  	v42 =	vld [tilespmem:s13+$0x49B0]  }
0x73: {  	v43 =	vld [tilespmem:s13+$0x9C0]  }
0x74: {  	v44 =	vld [tilespmem:s13+$0x49C0]  }
0x75: {  	v45 =	vld [tilespmem:s13+$0x9D0]  }
0x76: {  	v46 =	vld [tilespmem:s13+$0x49D0]  }
0x77: {  	v47 =	vld [tilespmem:s13+$0x9E0]  }
0x78: {  	v48 =	vld [tilespmem:s13+$0x49E0]  }
0x79: {  	v49 =	vld [tilespmem:s13+$0x9F0]  }
0x7a: {  	v50 =	vld [tilespmem:s13+$0x49F0]  }
0x7b: {  	v51 =	vld [tilespmem:s13+$0xD80]  }
0x7c: {  	v52 =	vld [tilespmem:s13+$0x4D80]  }
0x7d: {  	v53 =	vld [tilespmem:s13+$0xD90]  }
0x7e: {  	v54 =	vld [tilespmem:s13+$0x4D90]  }
0x7f: {  	v55 =	vld [tilespmem:s13+$0xDA0]  }
0x80: {  	v56 =	vld [tilespmem:s13+$0x4DA0]  }
0x81: {  	v57 =	vld [tilespmem:s13+$0xDB0]  }
0x82: {  	v58 =	vld [tilespmem:s13+$0x4DB0]  }
0x83: {  	v59 =	vld [tilespmem:s13+$0xDC0]  }
0x84: {  	v60 =	vld [tilespmem:s13+$0x4DC0]  }
0x85: {  	v61 =	vld [tilespmem:s13+$0xDD0]  }
0x86: {  	v62 =	vld [tilespmem:s13+$0x4DD0]  }
0x87: {  	v63 =	vld [tilespmem:s13+$0xDE0]  }
0x88: {  	v3 =	vadd.f32 v4, v3;
	v4 =	vld [tilespmem:s13+$0x4DE0]  }
0x89: {  	v5 =	vadd.f32 v6, v5;
	v6 =	vld [tilespmem:s13+$0xDF0]  }
0x8a: {  	v14 =	vadd.f32 v14, v13;
	v13 =	vld [tilespmem:s13+$0x51A0];
	[tilespmem:s13+$0x180] =	vst v3;
	v3 =	vadd.f32 v8, v7  }
0x8b: {  	v18 =	vadd.f32 v18, v17;
	v17 =	vld [tilespmem:s13+$0x51C0];
	[tilespmem:s13+$0x190] =	vst v5  }
0x8c: {  	v22 =	vadd.f32 v22, v21;
	v21 =	vld [tilespmem:s13+$0x51E0];
	[tilespmem:s13+$0x1A0] =	vst v3;
	v3 =	vadd.f32 v12, v11  }
0x8d: {  	v7 =	vld [tilespmem:s13+$0x4DF0];
	[tilespmem:s13+$0x1D0] =	vst v14  }
0x8e: {  	v8 =	vld [tilespmem:s13+$0x1180];
	[tilespmem:s13+$0x1C0] =	vst v3;
	v3 =	vadd.f32 v16, v15  }
0x8f: {  	v5 =	vadd.f32 v10, v9;
	v9 =	vld [tilespmem:s13+$0x5180];
	[tilespmem:s13+$0x1F0] =	vst v18  }
0x90: {  	v10 =	vld [tilespmem:s13+$0x1190];
	[tilespmem:s13+$0x1E0] =	vst v3;
	v3 =	vadd.f32 v20, v19  }
0x91: {  	v26 =	vadd.f32 v26, v25;
	v14 =	vld [tilespmem:s13+$0x11B0];
	[tilespmem:s13+$0x590] =	vst v22  }
0x92: {  	v18 =	vld [tilespmem:s13+$0x11D0];
	[tilespmem:s13+$0x580] =	vst v3;
	v3 =	vadd.f32 v24, v23  }
0x93: {  	v30 =	vadd.f32 v30, v29;
	[tilespmem:s13+$0x5B0] =	vst v26;
	v22 =	vld [tilespmem:s13+$0x11F0]  }
0x94: {  	v19 =	vld [tilespmem:s13+$0x51D0];
	[tilespmem:s13+$0x5A0] =	vst v3;
	v3 =	vadd.f32 v28, v27  }
0x95: {  	v34 =	vadd.f32 v34, v33;
	[tilespmem:s13+$0x5D0] =	vst v30;
	v11 =	vld [tilespmem:s13+$0x5190]  }
0x96: {  	v12 =	vld [tilespmem:s13+$0x11A0];
	[tilespmem:s13+$0x5C0] =	vst v3;
	v3 =	vadd.f32 v32, v31  }
0x97: {  	[tilespmem:s13+$0x5F0] =	vst v34;
	v15 =	vld [tilespmem:s13+$0x51B0]  }
0x98: {  	v16 =	vld [tilespmem:s13+$0x11C0];
	[tilespmem:s13+$0x5E0] =	vst v3;
	v3 =	vadd.f32 v36, v35  }
0x99: {  	[tilespmem:s13+$0x1B0] =	vst v5;
	v20 =	vld [tilespmem:s13+$0x11E0];
	v19 =	vadd.f32 v19, v18  }
0x9a: {  	v24 =	vld [tilespmem:s13+$0x1580];
	[tilespmem:s13+$0x980] =	vst v3;
	v3 =	vadd.f32 v40, v39  }
0x9b: {  	[tilespmem:s13+$0x11D0] =	vst v19;
	v36 =	vadd.f32 v38, v37;
	v37 =	vld [tilespmem:s13+$0x51F0]  }
0x9c: {  	v38 =	vadd.f32 v42, v41;
	v41 =	vld [tilespmem:s13+$0x1590];
	[tilespmem:s13+$0x9A0] =	vst v3;
	v3 =	vadd.f32 v44, v43  }
0x9d: {  	v42 =	vld [tilespmem:s13+$0x5590];
	[tilespmem:s13+$0x990] =	vst v36  }
0x9e: {  	v35 =	vld [tilespmem:s13+$0x1990];
	[tilespmem:s13+$0x9C0] =	vst v3;
	v3 =	vadd.f32 v48, v47  }
0x9f: {  	v39 =	vld [tilespmem:s13+$0x5580];
	[tilespmem:s13+$0x9B0] =	vst v38;
	v40 =	vadd.f32 v46, v45  }
0xa0: {  	v45 =	vld [tilespmem:s13+$0x55A0];
	[tilespmem:s13+$0x9E0] =	vst v3;
	v3 =	vadd.f32 v52, v51  }
0xa1: {  	v46 =	vadd.f32 v54, v53;
	v53 =	vld [tilespmem:s13+$0x15D0];
	[tilespmem:s13+$0x9D0] =	vst v40  }
0xa2: {  	v54 =	vld [tilespmem:s13+$0x55D0];
	[tilespmem:s13+$0xD80] =	vst v3;
	v3 =	vadd.f32 v56, v55  }
0xa3: {  	v36 =	vld [tilespmem:s13+$0x5990];
	v43 =	vadd.f32 v50, v49;
	[tilespmem:s13+$0xD90] =	vst v46  }
0xa4: {  	v38 =	vld [tilespmem:s13+$0x19A0];
	[tilespmem:s13+$0xDA0] =	vst v3;
	v3 =	vadd.f32 v60, v59  }
0xa5: {  	v44 =	vld [tilespmem:s13+$0x15A0];
	v49 =	vadd.f32 v58, v57;
	[tilespmem:s13+$0x9F0] =	vst v43  }
0xa6: {  	v50 =	vld [tilespmem:s13+$0x15C0];
	[tilespmem:s13+$0xDC0] =	vst v3;
	v3 =	vadd.f32 v4, v63  }
0xa7: {  	v57 =	vld [tilespmem:s13+$0x55E0];
	v58 =	vadd.f32 v11, v10;
	[tilespmem:s13+$0xDB0] =	vst v49  }
0xa8: {  	v46 =	vld [tilespmem:s13+$0x59D0];
	[tilespmem:s13+$0xDE0] =	vst v3;
	v3 =	vadd.f32 v9, v8  }
0xa9: {  	v37 =	vadd.f32 v37, v22;
	v40 =	vadd.f32 v42, v41;
	v41 =	vld [tilespmem:s13+$0x19B0];
	[tilespmem:s13+$0x1190] =	vst v58  }
0xaa: {  	v42 =	vld [tilespmem:s13+$0x59B0];
	[tilespmem:s13+$0x1180] =	vst v3;
	v3 =	vadd.f32 v13, v12  }
0xab: {  	v47 =	vld [tilespmem:s13+$0x15B0];
	[tilespmem:s13+$0x11F0] =	vst v37  }
0xac: {  	v48 =	vld [tilespmem:s13+$0x55B0];
	[tilespmem:s13+$0x11A0] =	vst v3;
	v3 =	vadd.f32 v17, v16  }
0xad: {  	v49 =	vld [tilespmem:s13+$0x59E0];
	[tilespmem:s13+$0x1590] =	vst v40;
	v52 =	vadd.f32 v62, v61  }
0xae: {  	v51 =	vld [tilespmem:s13+$0x55C0];
	[tilespmem:s13+$0x11C0] =	vst v3;
	v3 =	vadd.f32 v21, v20  }
0xaf: {  	v61 =	vadd.f32 v15, v14;
	v62 =	vld [tilespmem:s13+$0x1980];
	[tilespmem:s13+$0xDD0] =	vst v52  }
0xb0: {  	v56 =	vld [tilespmem:s13+$0x15E0];
	[tilespmem:s13+$0x11E0] =	vst v3;
	v3 =	vadd.f32 v39, v24  }
0xb1: {  	v55 =	vadd.f32 v7, v6;
	[tilespmem:s13+$0x11B0] =	vst v61;
	v52 =	vld [tilespmem:s13+$0x59F0]  }
0xb2: {  	v43 =	vadd.f32 v48, v47;
	v47 =	vld [tilespmem:s13+$0x19E0];
	[tilespmem:s13+$0x1580] =	vst v3;
	v3 =	vadd.f32 v45, v44  }
0xb3: {  	[tilespmem:s13+$0xDF0] =	vst v55;
	v63 =	vld [tilespmem:s13+$0x5980]  }
0xb4: {  	v59 =	vld [tilespmem:s13+$0x15F0];
	[tilespmem:s13+$0x15A0] =	vst v3;
	v3 =	vadd.f32 v51, v50  }
0xb5: {  	[tilespmem:s13+$0x15B0] =	vst v43;
	v4 =	vadd.f32 v54, v53;
	v39 =	vld [tilespmem:s13+$0x59A0]  }
0xb6: {  	v60 =	vld [tilespmem:s13+$0x55F0];
	[tilespmem:s13+$0x15C0] =	vst v3;
	v3 =	vadd.f32 v57, v56  }
0xb7: {  	v54 =	vadd.f32 v42, v41;
	[tilespmem:s13+$0x15D0] =	vst v4;
	v45 =	vld [tilespmem:s13+$0x19D0]  }
0xb8: {  	v53 =	vld [tilespmem:s13+$0x59C0];
	[tilespmem:s13+$0x15E0] =	vst v3;
	v3 =	vadd.f32 v63, v62  }
0xb9: {  	[tilespmem:s13+$0x19B0] =	vst v54;
	v55 =	vadd.f32 v49, v47;
	v50 =	vld [tilespmem:s13+$0x19F0]  }
0xba: {  	v44 =	vld [tilespmem:s13+$0x19C0];
	[tilespmem:s13+$0x1980] =	vst v3;
	v3 =	vadd.f32 v39, v38  }
0xbb: {  	v48 =	vadd.f32 v60, v59;
	[tilespmem:s13+$0x19E0] =	vst v55  }
0xbc: {  	[tilespmem:s13+$0x19A0] =	vst v3;
	v3 =	vadd.f32 v46, v45  }
0xbd: {  	s15 =	sand.u32 $0x7, s0;
	[tilespmem:s13+$0x15F0] =	vst v48;
	v51 =	vadd.f32 v36, v35  }
0xbe: {  	s14 =	sshll.u32 s15, $0x7;
	[tilespmem:s13+$0x19D0] =	vst v3;
	v3 =	vadd.f32 v52, v50  }
0xbf: {  	s14 =	sadd.s32 s14, s1;
	[tilespmem:s13+$0x1990] =	vst v51;
	v56 =	vadd.f32 v53, v44  }
0xc0: {  	s15 =	sor.u32 $0x1C00, s14;
	[tilespmem:s13+$0x19F0] =	vst v3  }
0xc1: {  	[tilespmem:s13+$0x19C0] =	vst v56;
	v3 =	vld [tilespmem:s15+$0x180]  }
0xc2: {  	v4 =	vld [tilespmem:s15+$0x4180];
	_ =	sdelay $0x4  }
0xc3: {  	v3 =	vadd.f32 v4, v3;
	_ =	sdelay $0x1  }
0xc4: {  	[tilespmem:s15+$0x180] =	vst v3;
	s15 =	sor.u32 $0x1C10, s14  }
0xc5: {  	v3 =	vld [tilespmem:s15+$0x180]  }
0xc6: {  	v57 =	vld [tilespmem:s15+$0x4180];
	_ =	sdelay $0x4  }
0xc7: {  	v3 =	vadd.f32 v57, v3;
	_ =	sdelay $0x1  }
0xc8: {  	[tilespmem:s15+$0x180] =	vst v3;
	s15 =	sor.u32 $0x1C20, s14  }
0xc9: {  	v3 =	vld [tilespmem:s15+$0x180]  }
0xca: {  	v58 =	vld [tilespmem:s15+$0x4180];
	_ =	sdelay $0x4  }
0xcb: {  	v3 =	vadd.f32 v58, v3;
	_ =	sdelay $0x1  }
0xcc: {  	[tilespmem:s15+$0x180] =	vst v3;
	s15 =	sor.u32 $0x1C30, s14  }
0xcd: {  	v3 =	vld [tilespmem:s15+$0x180]  }
0xce: {  	v59 =	vld [tilespmem:s15+$0x4180];
	_ =	sdelay $0x4  }
0xcf: {  	v3 =	vadd.f32 v59, v3;
	_ =	sdelay $0x1  }
0xd0: {  	[tilespmem:s15+$0x180] =	vst v3;
	s15 =	sor.u32 $0x1C40, s14  }
0xd1: {  	v3 =	vld [tilespmem:s15+$0x180]  }
0xd2: {  	v60 =	vld [tilespmem:s15+$0x4180];
	_ =	sdelay $0x4  }
0xd3: {  	v3 =	vadd.f32 v60, v3;
	_ =	sdelay $0x1  }
0xd4: {  	[tilespmem:s15+$0x180] =	vst v3;
	s15 =	sor.u32 $0x1C50, s14  }
0xd5: {  	v3 =	vld [tilespmem:s15+$0x180]  }
0xd6: {  	v61 =	vld [tilespmem:s15+$0x4180];
	_ =	sdelay $0x4  }
0xd7: {  	v3 =	vadd.f32 v61, v3;
	_ =	sdelay $0x1  }
0xd8: {  	[tilespmem:s15+$0x180] =	vst v3;
	s15 =	sor.u32 $0x1C60, s14  }
0xd9: {  	v3 =	vld [tilespmem:s15+$0x180]  }
0xda: {  	v62 =	vld [tilespmem:s15+$0x4180];
	_ =	sdelay $0x4  }
0xdb: {  	v3 =	vadd.f32 v62, v3;
	_ =	sdelay $0x1  }
0xdc: {  	[tilespmem:s15+$0x180] =	vst v3;
	s15 =	sor.u32 $0x1C70, s14  }
0xdd: {  	v3 =	vld [tilespmem:s15+$0x180]  }
0xde: {  	v63 =	vld [tilespmem:s15+$0x4180];
	_ =	sdelay $0x1  }
0xdf: {  	p0 =	sne.s32 s12, $0x780  }
.Ltmp0:
0xe0: {  	_ = 	snop;
	(pc) =	sbr.rel @p0 .LBB2_2-.Ltmp0, $4  }
0xe1: {  	_ = 	snop  }
0xe2: {  	v3 =	vadd.f32 v63, v3  }
0xe3: {  	s0 =	sadd.s32 $0x1, s0  }
0xe4: {  	s31 =	sadd.s32 $0x400, s31;
	s12 =	sadd.s32 $0x80, s12;
	s1 =	sadd.s32 $0x400, s1;
	[tilespmem:s15+$0x180] =	vst v3  }
0xe5: {  	s30 =	sadd.s32 $0x1, s30  }
0xe6: {  	p0 =	sne.s32 s30, s9  }
.Ltmp1:
0xe7: {  	_ = 	snop;
	(pc) =	sbr.rel @p0 .LBB2_1-.Ltmp1, $4  }
0xe8: {  	[hbm4b:s8+s2] =	stream.linear.scatter [tilespmem:s11], [sflag:$0x3], $0x4000, $0x38;
	[tilespmem:$0x8180] =	vst v63  }
0xe9: {  	_ =	swait.ge [sflag:s10], $0x4000  }
0xea: {  	[sflag:s10] =	ssyncset.done $0x0  }
0xeb: {  	[sflag:s10] =	ssyncadd.s32 $0xFFFFC000  }
0xec: {  	_ =	sfence.sel $0x180000  }
0xed: {  	[bflag:$0x0] =	sbarrier.arrive $0xFFFF  }
0xee: {  	_ =	strace $0x9000004A  }
0xef: {  	s0 =	stileid.u32;
	[bflag:$0x2] =	sbarrier.arrive $0xFFFF  }
0xf0: {  	p0 =	sne.s32 s0, $0x0;
	s0 =	rddreg [dreg:$0x2]  }
0xf1: {  	s0 =	sadd.s32 @!p0 $0x100000, s0  }
0xf2: {  	[sflag:s0] =	ssyncadd.tile.s32 @!p0 $0x1;
	_ =	shalt  }
.Lfunc_end2:
_tile_overlayer_lowered:
.L_overlay_start_2:
0xf3: {  	(tag) =	ssettag $0x2  }
0xf4: {  	s0 =	rddreg [dreg:$0x0];
	s2 =	stileid.u32  }
0xf5: {  	s1 =	rddreg [dreg:$0x1];
	p0 =	sne.s32 s2, $0x0  }
0xf6: {  	s3 =	rddreg [dreg:$0x2];
	[bflag:$0x3] =	sbarrier.arrive $0xFFFF;
	s2 =	simm.s32 @!p0 $0x1C03  }
0xf7: {  	[timem:s3], [sflag:s2] =	dma.local @!p0 [hbm:s0], s1  }
0xf8: {  	s0 =	simm.s32 @!p0 $0x3  }
0xf9: {  	_ =	swait.ge @!p0 [sflag:s0], s1  }
0xfa: {  	s1 =	ssub.s32 @!p0 $0x0, s1;
	[sflag:s0] =	ssyncset.done @!p0 $0x0  }
0xfb: {  	[sflag:s0] =	ssyncadd.s32 @!p0 s1  }
0xfc: {  	[bflag:$0x3] =	sbarrier.arrive $0xFFFF  }
0xfd: {  	_ =	shalt  }

</sc_bundles>
